<compile_context>
chip_gen: v7x
topology: tpu7x:2x2x1
jax: 0.10.2.dev20260603
libtpu: 0.0.44.dev20260713+nightly
codegen_flags: <defaults>
</compile_context>

<pallas_src>
import functools

import jax
import jax.numpy as jnp
from jax import lax
from jax.experimental import pallas as pl
from jax.experimental.pallas import tpu as pltpu
from jax.experimental.pallas import tpu_sc as plsc


@functools.lru_cache(maxsize=None)
def _make(B, T, V, D):
    info = plsc.get_sparse_core_info()
    NC, NS = info.num_cores, info.num_subcores
    NW = NC * NS
    assert B % (128 * NW) == 0 and T % 8 == 0 and D == 64
    n_t = T

    mesh = plsc.VectorSubcoreMesh(core_axis_name="c", subcore_axis_name="s")

    scratch = [
        pltpu.VMEM((8, 128), jnp.int32),
        pltpu.VMEM((128,), jnp.int32),
        pltpu.VMEM((128,), jnp.int32),
        pltpu.VMEM((128, 128), jnp.float32),
        pltpu.VMEM((128, 128), jnp.float32),
        pltpu.VMEM((64, 128), jnp.float32),
        pltpu.VMEM((64, 128), jnp.float32),
        pltpu.SemaphoreType.DMA,
        pltpu.SemaphoreType.DMA,
        pltpu.SemaphoreType.DMA,
        pltpu.SemaphoreType.DMA,
    ]

    @functools.partial(
        pl.kernel,
        mesh=mesh,
        out_type=jax.ShapeDtypeStruct((T, D, B), jnp.float32),
        scratch_types=scratch,
        compiler_params=pltpu.CompilerParams(needs_layout_passes=False),
    )
    def k(tok_hbm, table_hbm, out_hbm, tokv, pidx0, pidx1, gbuf0, gbuf1,
          tbuf0, tbuf1, sg0, sg1, so0, so1):
        pidx = (pidx0, pidx1)
        gbuf = (gbuf0, gbuf1)
        tbuf = (tbuf0, tbuf1)
        sg = (sg0, sg1)
        so = (so0, so1)
        c = lax.axis_index("s") * NC + lax.axis_index("c")
        col0 = c * 128
        iota16 = jax.lax.iota(jnp.int32, 16)

        def gather_desc(u, ib):
            return pltpu.make_async_copy(
                table_hbm.at[pidx[ib]], gbuf[ib], sg[ib])

        def write_desc(tp, ib):
            return pltpu.make_async_copy(
                tbuf[ib], out_hbm.at[tp, pl.ds(0, D), pl.ds(col0, 128)],
                so[ib])

        def transpose_and_write(tp, ib):
            tp8 = lax.rem(tp, 8)
            for g in range(8):
                tv = tokv[tp8, pl.ds(g * 16, 16)]
                parv = lax.shift_left(
                    lax.bitwise_and(tv, jnp.int32(1)), jnp.int32(6))
                rowv = iota16 + jnp.int32(g * 16)
                @plsc.parallel_loop(0, 16, 1, unroll=4)
                def _diag(j):
                    mj = lax.bitwise_and(iota16 + j, jnp.int32(15))
                    cj = parv + mj
                    for d0 in range(0, D, 16):
                        dj = mj + jnp.int32(d0)
                        vals = plsc.load_gather(
                            gbuf[ib], [rowv, cj + jnp.int32(d0)])
                        plsc.store_scatter(tbuf[ib], [dj, rowv], vals)
            write_desc(tp, ib).start()

        def stage_and_gather(t, u):
            @pl.when(lax.rem(t, 8) == 0)
            def _stage():
                pltpu.sync_copy(
                    tok_hbm.at[pl.ds((t // 8) * 8, 8), pl.ds(col0, 128)],
                    tokv)
            t8 = lax.rem(t, 8)
            for g in range(8):
                tv = tokv[t8, pl.ds(g * 16, 16)]
                pidx[u][pl.ds(g * 16, 16)] = lax.shift_right_logical(
                    tv, jnp.int32(1))
            gather_desc(u, u).start()

        def body(i, carry):
            for u in (0, 1):
                t = i * 2 + u
                bp = 1 - u

                @pl.when(t > 0)
                def _finish_prev():
                    gather_desc(t - 1, bp).wait()

                    @pl.when(t > 2)
                    def _drain_write():
                        write_desc(t - 3, bp).wait()
                    transpose_and_write(t - 1, bp)

                stage_and_gather(t, u)
            return carry

        lax.fori_loop(0, n_t // 2, body, 0)

        gather_desc(n_t - 1, 1).wait()
        write_desc(n_t - 3, 1).wait()
        transpose_and_write(n_t - 1, 1)
        write_desc(n_t - 2, 0).wait()
        write_desc(n_t - 1, 1).wait()

    return k


def kernel(tokens, embeddings):
    B, T = tokens.shape
    V, D = embeddings.shape
    tok_t = tokens.T
    emb128 = embeddings.reshape(V // 2, 2 * D)
    out_t = _make(B, T, V, D)(tok_t, emb128)
    return out_t.transpose(2, 0, 1)

# --- scband reference (transcript-rebuilt; emitter-appended) ---
"""Pipeline reference for scband-token-embedding-35682588295868 (READ-ONLY COPY).

The authoritative reference and input builder live on the scoring server;
editing this copy changes nothing except your own understanding.
"""

import jax, jax.numpy as jnp
import numpy as np

NUM_EMBEDDINGS = 1000000
EMBEDDING_DIM = 64


def setup_inputs(seed: int = 0) -> dict:
    key = jax.random.key(seed)
    k_tok, k_emb = jax.random.split(key)
    tokens = jax.random.randint(k_tok, (4096, 200), 0, NUM_EMBEDDINGS, dtype=jnp.int64 if jax.config.jax_enable_x64 else jnp.int32)
    embeddings = jax.random.normal(k_emb, (NUM_EMBEDDINGS, EMBEDDING_DIM), dtype=jnp.float32)
    return {"tokens": tokens, "embeddings": embeddings}


def reference(tokens, embeddings):
    # TokenEmbedding.forward: token_emb = self.embeddings(tokens); projection is None
    token_emb = jnp.take(embeddings, tokens, axis=0)  # [batch, num_tokens, embedding_dim]
    return token_emb

if __name__ == "__main__":
    import jax
    _d = setup_inputs()
    print(jax.jit(kernel)(*tuple(_d.values())))

</pallas_src>

<mosaic_0001>
#map = affine_map<(d0, d1) -> (0, 0)>
#map1 = affine_map<(d0, d1) -> (0, 0, 0)>
module attributes {stable_mosaic.version = 14 : i64} {
  func.func @k(%arg0: i32, %arg1: i32, %arg2: memref<200x4096xi32, #tpu.memory_space<hbm>>, %arg3: memref<500000x128xf32, #tpu.memory_space<hbm>>, %arg4: memref<200x64x4096xf32, #tpu.memory_space<hbm>>, %arg5: memref<8x128xi32, #tpu.memory_space<vmem>>, %arg6: memref<128xi32, #tpu.memory_space<vmem>>, %arg7: memref<128xi32, #tpu.memory_space<vmem>>, %arg8: memref<128x128xf32, #tpu.memory_space<vmem>>, %arg9: memref<128x128xf32, #tpu.memory_space<vmem>>, %arg10: memref<64x128xf32, #tpu.memory_space<vmem>>, %arg11: memref<64x128xf32, #tpu.memory_space<vmem>>, %arg12: memref<!tpu.dma_semaphore, #tpu.memory_space<semaphore_mem>>, %arg13: memref<!tpu.dma_semaphore, #tpu.memory_space<semaphore_mem>>, %arg14: memref<!tpu.dma_semaphore, #tpu.memory_space<semaphore_mem>>, %arg15: memref<!tpu.dma_semaphore, #tpu.memory_space<semaphore_mem>>) attributes {dimension_semantics = [#tpu.dimension_semantics<core_parallel>, #tpu.dimension_semantics<subcore_parallel>], iteration_bounds = array<i64: 2, 16>, scalar_prefetch = 0 : i64, scratch_operands = 11 : i64, tpu.core_type = #tpu.core_type<sc_vector_subcore>, window_params = [{transform_indices = #map}, {transform_indices = #map}, {transform_indices = #map1}]} {
    %mul3A = arith.constant 2 : i32
    %mul3A_0 = arith.muli %arg1, %mul3A : i32
    %add3A = arith.addi %mul3A_0, %arg0 : i32
    %mul3A_1 = arith.constant 128 : i32
    %mul3A_2 = arith.muli %add3A, %mul3A_1 : i32
    %iota3A = tpu.iota {dimensions = array<i32: 0>} : vector<16xi32>
    %scan3A = arith.constant 0 : i32
    %scan3A_3 = arith.constant 0 : i32
    %scan3A_4 = arith.constant 100 : i32
    %scan3A_5 = arith.addi %scan3A_3, %scan3A_4 : i32
    %scan3A_6 = arith.constant 1 : i32
    scf.for %scan3A_155 = %scan3A_3 to %scan3A_5 step %scan3A_6  : i32 {
      %mul3A_156 = arith.constant 2 : i32
      %mul3A_157 = arith.muli %scan3A_155, %mul3A_156 : i32
      %add3A_158 = arith.constant 0 : i32
      %add3A_159 = arith.addi %mul3A_157, %add3A_158 : i32
      %gt3A = arith.constant 0 : i32
      %gt3A_160 = arith.cmpi sgt, %add3A_159, %gt3A : i32
      %convert_element_type3A = arith.extui %gt3A_160 : i1 to i32
      %cond3A = arith.constant 0 : i32
      %cond3A_161 = arith.cmpi ne, %convert_element_type3A, %cond3A : i32
      scf.if %cond3A_161 {
        %sub3A = arith.constant 1 : i32
        %sub3A_320 = arith.subi %add3A_159, %sub3A : i32
        %dma_wait3A_321 = arith.constant 0 : i32
        %dma_wait3A_322 = arith.constant 0 : i32
        %dma_wait3A_323 = tpu.memref_slice %arg3[%dma_wait3A_321, %dma_wait3A_322] : memref<500000x128xf32, #tpu.memory_space<hbm>> -> memref<500000x128xf32, #tpu.memory_space<hbm>>
        tpu.wait_indirect_dma semaphore(%arg13 : memref<!tpu.dma_semaphore, #tpu.memory_space<semaphore_mem>>) src(%dma_wait3A_323 : memref<500000x128xf32, #tpu.memory_space<hbm>>) dst(%arg9 : memref<128x128xf32, #tpu.memory_space<vmem>>)
        %gt3A_324 = arith.constant 2 : i32
        %gt3A_325 = arith.cmpi sgt, %add3A_159, %gt3A_324 : i32
        %convert_element_type3A_326 = arith.extui %gt3A_325 : i1 to i32
        %cond3A_327 = arith.constant 0 : i32
        %cond3A_328 = arith.cmpi ne, %convert_element_type3A_326, %cond3A_327 : i32
        scf.if %cond3A_328 {
          %sub3A_459 = arith.constant 3 : i32
          %sub3A_460 = arith.subi %add3A_159, %sub3A_459 : i32
          %dma_wait3A_461 = arith.constant 0 : i32
          %dma_wait3A_462 = tpu.memref_slice %arg4[%sub3A_460, %dma_wait3A_461, %mul3A_2] : memref<200x64x4096xf32, #tpu.memory_space<hbm>> -> memref<1x64x128xf32, #tpu.memory_space<hbm>>
          %dma_wait3A_463 = tpu.memref_squeeze %dma_wait3A_462 : memref<1x64x128xf32, #tpu.memory_space<hbm>> -> memref<64x128xf32, #tpu.memory_space<hbm>>
          %dma_wait3A_464 = arith.constant 0 : i32
          %dma_wait3A_465 = tpu.memref_slice %arg4[%sub3A_460, %dma_wait3A_464, %mul3A_2] : memref<200x64x4096xf32, #tpu.memory_space<hbm>> -> memref<1x64x128xf32, #tpu.memory_space<hbm>>
          %dma_wait3A_466 = tpu.memref_squeeze %dma_wait3A_465 : memref<1x64x128xf32, #tpu.memory_space<hbm>> -> memref<64x128xf32, #tpu.memory_space<hbm>>
          tpu.wait_dma2 semaphore(%arg15 : memref<!tpu.dma_semaphore, #tpu.memory_space<semaphore_mem>>) src(%arg11 : memref<64x128xf32, #tpu.memory_space<vmem>>) dst(%dma_wait3A_466 : memref<64x128xf32, #tpu.memory_space<hbm>>)
        } else {
        }
        %sub3A_329 = arith.constant 1 : i32
        %sub3A_330 = arith.subi %add3A_159, %sub3A_329 : i32
        %rem3A_331 = arith.constant 8 : i32
        %rem3A_332 = arith.remsi %sub3A_330, %rem3A_331 : i32
        %get3A_333 = arith.index_cast %rem3A_332 : i32 to index
        %get3A_334 = arith.constant 0 : index
        %get3A_335 = tpu.vector_load %arg5[%get3A_333, %get3A_334] {strides = array<i32>} : memref<8x128xi32, #tpu.memory_space<vmem>>, vector<16xi32>,
        %and3A_336 = arith.constant 1 : i32
        %and3A_337 = vector.broadcast %and3A_336 : i32 to vector<16xi32>
        %and3A_338 = arith.andi %get3A_335, %and3A_337 : vector<16xi32>
        %shift_left3A_339 = arith.constant 6 : i32
        %shift_left3A_340 = vector.broadcast %shift_left3A_339 : i32 to vector<16xi32>
        %shift_left3A_341 = arith.shli %and3A_338, %shift_left3A_340 : vector<16xi32>
        %add3A_342 = arith.constant 0 : i32
        %add3A_343 = vector.broadcast %add3A_342 : i32 to vector<16xi32>
        %add3A_344 = arith.addi %iota3A, %add3A_343 : vector<16xi32>
        %parallel_loop3A_345 = arith.constant 0 : i32
        %parallel_loop3A_346 = arith.constant 16 : i32
        %parallel_loop3A_347 = arith.constant 1 : i32
        scf.for %parallel_loop3A_459 = %parallel_loop3A_345 to %parallel_loop3A_346 step %parallel_loop3A_347  : i32 {
          %parallel_loop3A_460 = vector.broadcast %parallel_loop3A_459 : i32 to vector<16xi32>
          %parallel_loop3A_461 = arith.addi %iota3A, %parallel_loop3A_460 : vector<16xi32>
          %parallel_loop3A_462 = arith.constant 15 : i32
          %parallel_loop3A_463 = vector.broadcast %parallel_loop3A_462 : i32 to vector<16xi32>
          %parallel_loop3A_464 = arith.andi %parallel_loop3A_461, %parallel_loop3A_463 : vector<16xi32>
          %parallel_loop3A_465 = arith.addi %shift_left3A_341, %parallel_loop3A_464 : vector<16xi32>
          %parallel_loop3A_466 = arith.constant 0 : i32
          %parallel_loop3A_467 = vector.broadcast %parallel_loop3A_466 : i32 to vector<16xi32>
          %parallel_loop3A_468 = arith.addi %parallel_loop3A_464, %parallel_loop3A_467 : vector<16xi32>
          %parallel_loop3A_469 = arith.constant 0 : i32
          %parallel_loop3A_470 = vector.broadcast %parallel_loop3A_469 : i32 to vector<16xi32>
          %parallel_loop3A_471 = arith.addi %parallel_loop3A_465, %parallel_loop3A_470 : vector<16xi32>
          %parallel_loop3A_472 = tpu.vector_load_idx %arg9[%add3A_344, %parallel_loop3A_471] : memref<128x128xf32, #tpu.memory_space<vmem>>[vector<16xi32>, vector<16xi32>], vector<16xf32>,
          tpu.vector_store_idx %arg11[%parallel_loop3A_468, %add3A_344], %parallel_loop3A_472 : memref<64x128xf32, #tpu.memory_space<vmem>>[vector<16xi32>, vector<16xi32>], vector<16xf32>,
          %parallel_loop3A_473 = arith.constant 16 : i32
          %parallel_loop3A_474 = vector.broadcast %parallel_loop3A_473 : i32 to vector<16xi32>
          %parallel_loop3A_475 = arith.addi %parallel_loop3A_464, %parallel_loop3A_474 : vector<16xi32>
          %parallel_loop3A_476 = arith.constant 16 : i32
          %parallel_loop3A_477 = vector.broadcast %parallel_loop3A_476 : i32 to vector<16xi32>
          %parallel_loop3A_478 = arith.addi %parallel_loop3A_465, %parallel_loop3A_477 : vector<16xi32>
          %parallel_loop3A_479 = tpu.vector_load_idx %arg9[%add3A_344, %parallel_loop3A_478] : memref<128x128xf32, #tpu.memory_space<vmem>>[vector<16xi32>, vector<16xi32>], vector<16xf32>,
          tpu.vector_store_idx %arg11[%parallel_loop3A_475, %add3A_344], %parallel_loop3A_479 : memref<64x128xf32, #tpu.memory_space<vmem>>[vector<16xi32>, vector<16xi32>], vector<16xf32>,
          %parallel_loop3A_480 = arith.constant 32 : i32
          %parallel_loop3A_481 = vector.broadcast %parallel_loop3A_480 : i32 to vector<16xi32>
          %parallel_loop3A_482 = arith.addi %parallel_loop3A_464, %parallel_loop3A_481 : vector<16xi32>
          %parallel_loop3A_483 = arith.constant 32 : i32
          %parallel_loop3A_484 = vector.broadcast %parallel_loop3A_483 : i32 to vector<16xi32>
          %parallel_loop3A_485 = arith.addi %parallel_loop3A_465, %parallel_loop3A_484 : vector<16xi32>
          %parallel_loop3A_486 = tpu.vector_load_idx %arg9[%add3A_344, %parallel_loop3A_485] : memref<128x128xf32, #tpu.memory_space<vmem>>[vector<16xi32>, vector<16xi32>], vector<16xf32>,
          tpu.vector_store_idx %arg11[%parallel_loop3A_482, %add3A_344], %parallel_loop3A_486 : memref<64x128xf32, #tpu.memory_space<vmem>>[vector<16xi32>, vector<16xi32>], vector<16xf32>,
          %parallel_loop3A_487 = arith.constant 48 : i32
          %parallel_loop3A_488 = vector.broadcast %parallel_loop3A_487 : i32 to vector<16xi32>
          %parallel_loop3A_489 = arith.addi %parallel_loop3A_464, %parallel_loop3A_488 : vector<16xi32>
          %parallel_loop3A_490 = arith.constant 48 : i32
          %parallel_loop3A_491 = vector.broadcast %parallel_loop3A_490 : i32 to vector<16xi32>
          %parallel_loop3A_492 = arith.addi %parallel_loop3A_465, %parallel_loop3A_491 : vector<16xi32>
          %parallel_loop3A_493 = tpu.vector_load_idx %arg9[%add3A_344, %parallel_loop3A_492] : memref<128x128xf32, #tpu.memory_space<vmem>>[vector<16xi32>, vector<16xi32>], vector<16xf32>,
          tpu.vector_store_idx %arg11[%parallel_loop3A_489, %add3A_344], %parallel_loop3A_493 : memref<64x128xf32, #tpu.memory_space<vmem>>[vector<16xi32>, vector<16xi32>], vector<16xf32>,
        } {sc.loop_unroll_factor = 4 : i64, sc.parallel_access}
        %get3A_348 = arith.index_cast %rem3A_332 : i32 to index
        %get3A_349 = arith.constant 16 : index
        %get3A_350 = tpu.vector_load %arg5[%get3A_348, %get3A_349] {strides = array<i32>} : memref<8x128xi32, #tpu.memory_space<vmem>>, vector<16xi32>,
        %and3A_351 = arith.constant 1 : i32
        %and3A_352 = vector.broadcast %and3A_351 : i32 to vector<16xi32>
        %and3A_353 = arith.andi %get3A_350, %and3A_352 : vector<16xi32>
        %shift_left3A_354 = arith.constant 6 : i32
        %shift_left3A_355 = vector.broadcast %shift_left3A_354 : i32 to vector<16xi32>
        %shift_left3A_356 = arith.shli %and3A_353, %shift_left3A_355 : vector<16xi32>
        %add3A_357 = arith.constant 16 : i32
        %add3A_358 = vector.broadcast %add3A_357 : i32 to vector<16xi32>
        %add3A_359 = arith.addi %iota3A, %add3A_358 : vector<16xi32>
        %parallel_loop3A_360 = arith.constant 0 : i32
        %parallel_loop3A_361 = arith.constant 16 : i32
        %parallel_loop3A_362 = arith.constant 1 : i32
        scf.for %parallel_loop3A_459 = %parallel_loop3A_360 to %parallel_loop3A_361 step %parallel_loop3A_362  : i32 {
          %parallel_loop3A_460 = vector.broadcast %parallel_loop3A_459 : i32 to vector<16xi32>
          %parallel_loop3A_461 = arith.addi %iota3A, %parallel_loop3A_460 : vector<16xi32>
          %parallel_loop3A_462 = arith.constant 15 : i32
          %parallel_loop3A_463 = vector.broadcast %parallel_loop3A_462 : i32 to vector<16xi32>
          %parallel_loop3A_464 = arith.andi %parallel_loop3A_461, %parallel_loop3A_463 : vector<16xi32>
          %parallel_loop3A_465 = arith.addi %shift_left3A_356, %parallel_loop3A_464 : vector<16xi32>
          %parallel_loop3A_466 = arith.constant 0 : i32
          %parallel_loop3A_467 = vector.broadcast %parallel_loop3A_466 : i32 to vector<16xi32>
          %parallel_loop3A_468 = arith.addi %parallel_loop3A_464, %parallel_loop3A_467 : vector<16xi32>
          %parallel_loop3A_469 = arith.constant 0 : i32
          %parallel_loop3A_470 = vector.broadcast %parallel_loop3A_469 : i32 to vector<16xi32>
          %parallel_loop3A_471 = arith.addi %parallel_loop3A_465, %parallel_loop3A_470 : vector<16xi32>
          %parallel_loop3A_472 = tpu.vector_load_idx %arg9[%add3A_359, %parallel_loop3A_471] : memref<128x128xf32, #tpu.memory_space<vmem>>[vector<16xi32>, vector<16xi32>], vector<16xf32>,
          tpu.vector_store_idx %arg11[%parallel_loop3A_468, %add3A_359], %parallel_loop3A_472 : memref<64x128xf32, #tpu.memory_space<vmem>>[vector<16xi32>, vector<16xi32>], vector<16xf32>,
          %parallel_loop3A_473 = arith.constant 16 : i32
          %parallel_loop3A_474 = vector.broadcast %parallel_loop3A_473 : i32 to vector<16xi32>
          %parallel_loop3A_475 = arith.addi %parallel_loop3A_464, %parallel_loop3A_474 : vector<16xi32>
          %parallel_loop3A_476 = arith.constant 16 : i32
          %parallel_loop3A_477 = vector.broadcast %parallel_loop3A_476 : i32 to vector<16xi32>
          %parallel_loop3A_478 = arith.addi %parallel_loop3A_465, %parallel_loop3A_477 : vector<16xi32>
          %parallel_loop3A_479 = tpu.vector_load_idx %arg9[%add3A_359, %parallel_loop3A_478] : memref<128x128xf32, #tpu.memory_space<vmem>>[vector<16xi32>, vector<16xi32>], vector<16xf32>,
          tpu.vector_store_idx %arg11[%parallel_loop3A_475, %add3A_359], %parallel_loop3A_479 : memref<64x128xf32, #tpu.memory_space<vmem>>[vector<16xi32>, vector<16xi32>], vector<16xf32>,
          %parallel_loop3A_480 = arith.constant 32 : i32
          %parallel_loop3A_481 = vector.broadcast %parallel_loop3A_480 : i32 to vector<16xi32>
          %parallel_loop3A_482 = arith.addi %parallel_loop3A_464, %parallel_loop3A_481 : vector<16xi32>
          %parallel_loop3A_483 = arith.constant 32 : i32
          %parallel_loop3A_484 = vector.broadcast %parallel_loop3A_483 : i32 to vector<16xi32>
          %parallel_loop3A_485 = arith.addi %parallel_loop3A_465, %parallel_loop3A_484 : vector<16xi32>
          %parallel_loop3A_486 = tpu.vector_load_idx %arg9[%add3A_359, %parallel_loop3A_485] : memref<128x128xf32, #tpu.memory_space<vmem>>[vector<16xi32>, vector<16xi32>], vector<16xf32>,
          tpu.vector_store_idx %arg11[%parallel_loop3A_482, %add3A_359], %parallel_loop3A_486 : memref<64x128xf32, #tpu.memory_space<vmem>>[vector<16xi32>, vector<16xi32>], vector<16xf32>,
          %parallel_loop3A_487 = arith.constant 48 : i32
          %parallel_loop3A_488 = vector.broadcast %parallel_loop3A_487 : i32 to vector<16xi32>
          %parallel_loop3A_489 = arith.addi %parallel_loop3A_464, %parallel_loop3A_488 : vector<16xi32>
          %parallel_loop3A_490 = arith.constant 48 : i32
          %parallel_loop3A_491 = vector.broadcast %parallel_loop3A_490 : i32 to vector<16xi32>
          %parallel_loop3A_492 = arith.addi %parallel_loop3A_465, %parallel_loop3A_491 : vector<16xi32>
          %parallel_loop3A_493 = tpu.vector_load_idx %arg9[%add3A_359, %parallel_loop3A_492] : memref<128x128xf32, #tpu.memory_space<vmem>>[vector<16xi32>, vector<16xi32>], vector<16xf32>,
          tpu.vector_store_idx %arg11[%parallel_loop3A_489, %add3A_359], %parallel_loop3A_493 : memref<64x128xf32, #tpu.memory_space<vmem>>[vector<16xi32>, vector<16xi32>], vector<16xf32>,
        } {sc.loop_unroll_factor = 4 : i64, sc.parallel_access}
        %get3A_363 = arith.index_cast %rem3A_332 : i32 to index
        %get3A_364 = arith.constant 32 : index
        %get3A_365 = tpu.vector_load %arg5[%get3A_363, %get3A_364] {strides = array<i32>} : memref<8x128xi32, #tpu.memory_space<vmem>>, vector<16xi32>,
        %and3A_366 = arith.constant 1 : i32
        %and3A_367 = vector.broadcast %and3A_366 : i32 to vector<16xi32>
        %and3A_368 = arith.andi %get3A_365, %and3A_367 : vector<16xi32>
        %shift_left3A_369 = arith.constant 6 : i32
        %shift_left3A_370 = vector.broadcast %shift_left3A_369 : i32 to vector<16xi32>
        %shift_left3A_371 = arith.shli %and3A_368, %shift_left3A_370 : vector<16xi32>
        %add3A_372 = arith.constant 32 : i32
        %add3A_373 = vector.broadcast %add3A_372 : i32 to vector<16xi32>
        %add3A_374 = arith.addi %iota3A, %add3A_373 : vector<16xi32>
        %parallel_loop3A_375 = arith.constant 0 : i32
        %parallel_loop3A_376 = arith.constant 16 : i32
        %parallel_loop3A_377 = arith.constant 1 : i32
        scf.for %parallel_loop3A_459 = %parallel_loop3A_375 to %parallel_loop3A_376 step %parallel_loop3A_377  : i32 {
          %parallel_loop3A_460 = vector.broadcast %parallel_loop3A_459 : i32 to vector<16xi32>
          %parallel_loop3A_461 = arith.addi %iota3A, %parallel_loop3A_460 : vector<16xi32>
          %parallel_loop3A_462 = arith.constant 15 : i32
          %parallel_loop3A_463 = vector.broadcast %parallel_loop3A_462 : i32 to vector<16xi32>
          %parallel_loop3A_464 = arith.andi %parallel_loop3A_461, %parallel_loop3A_463 : vector<16xi32>
          %parallel_loop3A_465 = arith.addi %shift_left3A_371, %parallel_loop3A_464 : vector<16xi32>
          %parallel_loop3A_466 = arith.constant 0 : i32
          %parallel_loop3A_467 = vector.broadcast %parallel_loop3A_466 : i32 to vector<16xi32>
          %parallel_loop3A_468 = arith.addi %parallel_loop3A_464, %parallel_loop3A_467 : vector<16xi32>
          %parallel_loop3A_469 = arith.constant 0 : i32
          %parallel_loop3A_470 = vector.broadcast %parallel_loop3A_469 : i32 to vector<16xi32>
          %parallel_loop3A_471 = arith.addi %parallel_loop3A_465, %parallel_loop3A_470 : vector<16xi32>
          %parallel_loop3A_472 = tpu.vector_load_idx %arg9[%add3A_374, %parallel_loop3A_471] : memref<128x128xf32, #tpu.memory_space<vmem>>[vector<16xi32>, vector<16xi32>], vector<16xf32>,
          tpu.vector_store_idx %arg11[%parallel_loop3A_468, %add3A_374], %parallel_loop3A_472 : memref<64x128xf32, #tpu.memory_space<vmem>>[vector<16xi32>, vector<16xi32>], vector<16xf32>,
          %parallel_loop3A_473 = arith.constant 16 : i32
          %parallel_loop3A_474 = vector.broadcast %parallel_loop3A_473 : i32 to vector<16xi32>
          %parallel_loop3A_475 = arith.addi %parallel_loop3A_464, %parallel_loop3A_474 : vector<16xi32>
          %parallel_loop3A_476 = arith.constant 16 : i32
          %parallel_loop3A_477 = vector.broadcast %parallel_loop3A_476 : i32 to vector<16xi32>
          %parallel_loop3A_478 = arith.addi %parallel_loop3A_465, %parallel_loop3A_477 : vector<16xi32>
          %parallel_loop3A_479 = tpu.vector_load_idx %arg9[%add3A_374, %parallel_loop3A_478] : memref<128x128xf32, #tpu.memory_space<vmem>>[vector<16xi32>, vector<16xi32>], vector<16xf32>,
          tpu.vector_store_idx %arg11[%parallel_loop3A_475, %add3A_374], %parallel_loop3A_479 : memref<64x128xf32, #tpu.memory_space<vmem>>[vector<16xi32>, vector<16xi32>], vector<16xf32>,
          %parallel_loop3A_480 = arith.constant 32 : i32
          %parallel_loop3A_481 = vector.broadcast %parallel_loop3A_480 : i32 to vector<16xi32>
          %parallel_loop3A_482 = arith.addi %parallel_loop3A_464, %parallel_loop3A_481 : vector<16xi32>
          %parallel_loop3A_483 = arith.constant 32 : i32
          %parallel_loop3A_484 = vector.broadcast %parallel_loop3A_483 : i32 to vector<16xi32>
          %parallel_loop3A_485 = arith.addi %parallel_loop3A_465, %parallel_loop3A_484 : vector<16xi32>
          %parallel_loop3A_486 = tpu.vector_load_idx %arg9[%add3A_374, %parallel_loop3A_485] : memref<128x128xf32, #tpu.memory_space<vmem>>[vector<16xi32>, vector<16xi32>], vector<16xf32>,
          tpu.vector_store_idx %arg11[%parallel_loop3A_482, %add3A_374], %parallel_loop3A_486 : memref<64x128xf32, #tpu.memory_space<vmem>>[vector<16xi32>, vector<16xi32>], vector<16xf32>,
          %parallel_loop3A_487 = arith.constant 48 : i32
          %parallel_loop3A_488 = vector.broadcast %parallel_loop3A_487 : i32 to vector<16xi32>
          %parallel_loop3A_489 = arith.addi %parallel_loop3A_464, %parallel_loop3A_488 : vector<16xi32>
          %parallel_loop3A_490 = arith.constant 48 : i32
          %parallel_loop3A_491 = vector.broadcast %parallel_loop3A_490 : i32 to vector<16xi32>
          %parallel_loop3A_492 = arith.addi %parallel_loop3A_465, %parallel_loop3A_491 : vector<16xi32>
          %parallel_loop3A_493 = tpu.vector_load_idx %arg9[%add3A_374, %parallel_loop3A_492] : memref<128x128xf32, #tpu.memory_space<vmem>>[vector<16xi32>, vector<16xi32>], vector<16xf32>,
          tpu.vector_store_idx %arg11[%parallel_loop3A_489, %add3A_374], %parallel_loop3A_493 : memref<64x128xf32, #tpu.memory_space<vmem>>[vector<16xi32>, vector<16xi32>], vector<16xf32>,
        } {sc.loop_unroll_factor = 4 : i64, sc.parallel_access}
        %get3A_378 = arith.index_cast %rem3A_332 : i32 to index
        %get3A_379 = arith.constant 48 : index
        %get3A_380 = tpu.vector_load %arg5[%get3A_378, %get3A_379] {strides = array<i32>} : memref<8x128xi32, #tpu.memory_space<vmem>>, vector<16xi32>,
        %and3A_381 = arith.constant 1 : i32
        %and3A_382 = vector.broadcast %and3A_381 : i32 to vector<16xi32>
        %and3A_383 = arith.andi %get3A_380, %and3A_382 : vector<16xi32>
        %shift_left3A_384 = arith.constant 6 : i32
        %shift_left3A_385 = vector.broadcast %shift_left3A_384 : i32 to vector<16xi32>
        %shift_left3A_386 = arith.shli %and3A_383, %shift_left3A_385 : vector<16xi32>
        %add3A_387 = arith.constant 48 : i32
        %add3A_388 = vector.broadcast %add3A_387 : i32 to vector<16xi32>
        %add3A_389 = arith.addi %iota3A, %add3A_388 : vector<16xi32>
        %parallel_loop3A_390 = arith.constant 0 : i32
        %parallel_loop3A_391 = arith.constant 16 : i32
        %parallel_loop3A_392 = arith.constant 1 : i32
        scf.for %parallel_loop3A_459 = %parallel_loop3A_390 to %parallel_loop3A_391 step %parallel_loop3A_392  : i32 {
          %parallel_loop3A_460 = vector.broadcast %parallel_loop3A_459 : i32 to vector<16xi32>
          %parallel_loop3A_461 = arith.addi %iota3A, %parallel_loop3A_460 : vector<16xi32>
          %parallel_loop3A_462 = arith.constant 15 : i32
          %parallel_loop3A_463 = vector.broadcast %parallel_loop3A_462 : i32 to vector<16xi32>
          %parallel_loop3A_464 = arith.andi %parallel_loop3A_461, %parallel_loop3A_463 : vector<16xi32>
          %parallel_loop3A_465 = arith.addi %shift_left3A_386, %parallel_loop3A_464 : vector<16xi32>
          %parallel_loop3A_466 = arith.constant 0 : i32
          %parallel_loop3A_467 = vector.broadcast %parallel_loop3A_466 : i32 to vector<16xi32>
          %parallel_loop3A_468 = arith.addi %parallel_loop3A_464, %parallel_loop3A_467 : vector<16xi32>
          %parallel_loop3A_469 = arith.constant 0 : i32
          %parallel_loop3A_470 = vector.broadcast %parallel_loop3A_469 : i32 to vector<16xi32>
          %parallel_loop3A_471 = arith.addi %parallel_loop3A_465, %parallel_loop3A_470 : vector<16xi32>
          %parallel_loop3A_472 = tpu.vector_load_idx %arg9[%add3A_389, %parallel_loop3A_471] : memref<128x128xf32, #tpu.memory_space<vmem>>[vector<16xi32>, vector<16xi32>], vector<16xf32>,
          tpu.vector_store_idx %arg11[%parallel_loop3A_468, %add3A_389], %parallel_loop3A_472 : memref<64x128xf32, #tpu.memory_space<vmem>>[vector<16xi32>, vector<16xi32>], vector<16xf32>,
          %parallel_loop3A_473 = arith.constant 16 : i32
          %parallel_loop3A_474 = vector.broadcast %parallel_loop3A_473 : i32 to vector<16xi32>
          %parallel_loop3A_475 = arith.addi %parallel_loop3A_464, %parallel_loop3A_474 : vector<16xi32>
          %parallel_loop3A_476 = arith.constant 16 : i32
          %parallel_loop3A_477 = vector.broadcast %parallel_loop3A_476 : i32 to vector<16xi32>
          %parallel_loop3A_478 = arith.addi %parallel_loop3A_465, %parallel_loop3A_477 : vector<16xi32>
          %parallel_loop3A_479 = tpu.vector_load_idx %arg9[%add3A_389, %parallel_loop3A_478] : memref<128x128xf32, #tpu.memory_space<vmem>>[vector<16xi32>, vector<16xi32>], vector<16xf32>,
          tpu.vector_store_idx %arg11[%parallel_loop3A_475, %add3A_389], %parallel_loop3A_479 : memref<64x128xf32, #tpu.memory_space<vmem>>[vector<16xi32>, vector<16xi32>], vector<16xf32>,
          %parallel_loop3A_480 = arith.constant 32 : i32
          %parallel_loop3A_481 = vector.broadcast %parallel_loop3A_480 : i32 to vector<16xi32>
          %parallel_loop3A_482 = arith.addi %parallel_loop3A_464, %parallel_loop3A_481 : vector<16xi32>
          %parallel_loop3A_483 = arith.constant 32 : i32
          %parallel_loop3A_484 = vector.broadcast %parallel_loop3A_483 : i32 to vector<16xi32>
          %parallel_loop3A_485 = arith.addi %parallel_loop3A_465, %parallel_loop3A_484 : vector<16xi32>
          %parallel_loop3A_486 = tpu.vector_load_idx %arg9[%add3A_389, %parallel_loop3A_485] : memref<128x128xf32, #tpu.memory_space<vmem>>[vector<16xi32>, vector<16xi32>], vector<16xf32>,
          tpu.vector_store_idx %arg11[%parallel_loop3A_482, %add3A_389], %parallel_loop3A_486 : memref<64x128xf32, #tpu.memory_space<vmem>>[vector<16xi32>, vector<16xi32>], vector<16xf32>,
          %parallel_loop3A_487 = arith.constant 48 : i32
          %parallel_loop3A_488 = vector.broadcast %parallel_loop3A_487 : i32 to vector<16xi32>
          %parallel_loop3A_489 = arith.addi %parallel_loop3A_464, %parallel_loop3A_488 : vector<16xi32>
          %parallel_loop3A_490 = arith.constant 48 : i32
          %parallel_loop3A_491 = vector.broadcast %parallel_loop3A_490 : i32 to vector<16xi32>
          %parallel_loop3A_492 = arith.addi %parallel_loop3A_465, %parallel_loop3A_491 : vector<16xi32>
          %parallel_loop3A_493 = tpu.vector_load_idx %arg9[%add3A_389, %parallel_loop3A_492] : memref<128x128xf32, #tpu.memory_space<vmem>>[vector<16xi32>, vector<16xi32>], vector<16xf32>,
          tpu.vector_store_idx %arg11[%parallel_loop3A_489, %add3A_389], %parallel_loop3A_493 : memref<64x128xf32, #tpu.memory_space<vmem>>[vector<16xi32>, vector<16xi32>], vector<16xf32>,
        } {sc.loop_unroll_factor = 4 : i64, sc.parallel_access}
        %get3A_393 = arith.index_cast %rem3A_332 : i32 to index
        %get3A_394 = arith.constant 64 : index
        %get3A_395 = tpu.vector_load %arg5[%get3A_393, %get3A_394] {strides = array<i32>} : memref<8x128xi32, #tpu.memory_space<vmem>>, vector<16xi32>,
        %and3A_396 = arith.constant 1 : i32
        %and3A_397 = vector.broadcast %and3A_396 : i32 to vector<16xi32>
        %and3A_398 = arith.andi %get3A_395, %and3A_397 : vector<16xi32>
        %shift_left3A_399 = arith.constant 6 : i32
        %shift_left3A_400 = vector.broadcast %shift_left3A_399 : i32 to vector<16xi32>
        %shift_left3A_401 = arith.shli %and3A_398, %shift_left3A_400 : vector<16xi32>
        %add3A_402 = arith.constant 64 : i32
        %add3A_403 = vector.broadcast %add3A_402 : i32 to vector<16xi32>
        %add3A_404 = arith.addi %iota3A, %add3A_403 : vector<16xi32>
        %parallel_loop3A_405 = arith.constant 0 : i32
        %parallel_loop3A_406 = arith.constant 16 : i32
        %parallel_loop3A_407 = arith.constant 1 : i32
        scf.for %parallel_loop3A_459 = %parallel_loop3A_405 to %parallel_loop3A_406 step %parallel_loop3A_407  : i32 {
          %parallel_loop3A_460 = vector.broadcast %parallel_loop3A_459 : i32 to vector<16xi32>
          %parallel_loop3A_461 = arith.addi %iota3A, %parallel_loop3A_460 : vector<16xi32>
          %parallel_loop3A_462 = arith.constant 15 : i32
          %parallel_loop3A_463 = vector.broadcast %parallel_loop3A_462 : i32 to vector<16xi32>
          %parallel_loop3A_464 = arith.andi %parallel_loop3A_461, %parallel_loop3A_463 : vector<16xi32>
          %parallel_loop3A_465 = arith.addi %shift_left3A_401, %parallel_loop3A_464 : vector<16xi32>
          %parallel_loop3A_466 = arith.constant 0 : i32
          %parallel_loop3A_467 = vector.broadcast %parallel_loop3A_466 : i32 to vector<16xi32>
          %parallel_loop3A_468 = arith.addi %parallel_loop3A_464, %parallel_loop3A_467 : vector<16xi32>
          %parallel_loop3A_469 = arith.constant 0 : i32
          %parallel_loop3A_470 = vector.broadcast %parallel_loop3A_469 : i32 to vector<16xi32>
          %parallel_loop3A_471 = arith.addi %parallel_loop3A_465, %parallel_loop3A_470 : vector<16xi32>
          %parallel_loop3A_472 = tpu.vector_load_idx %arg9[%add3A_404, %parallel_loop3A_471] : memref<128x128xf32, #tpu.memory_space<vmem>>[vector<16xi32>, vector<16xi32>], vector<16xf32>,
          tpu.vector_store_idx %arg11[%parallel_loop3A_468, %add3A_404], %parallel_loop3A_472 : memref<64x128xf32, #tpu.memory_space<vmem>>[vector<16xi32>, vector<16xi32>], vector<16xf32>,
          %parallel_loop3A_473 = arith.constant 16 : i32
          %parallel_loop3A_474 = vector.broadcast %parallel_loop3A_473 : i32 to vector<16xi32>
          %parallel_loop3A_475 = arith.addi %parallel_loop3A_464, %parallel_loop3A_474 : vector<16xi32>
          %parallel_loop3A_476 = arith.constant 16 : i32
          %parallel_loop3A_477 = vector.broadcast %parallel_loop3A_476 : i32 to vector<16xi32>
          %parallel_loop3A_478 = arith.addi %parallel_loop3A_465, %parallel_loop3A_477 : vector<16xi32>
          %parallel_loop3A_479 = tpu.vector_load_idx %arg9[%add3A_404, %parallel_loop3A_478] : memref<128x128xf32, #tpu.memory_space<vmem>>[vector<16xi32>, vector<16xi32>], vector<16xf32>,
          tpu.vector_store_idx %arg11[%parallel_loop3A_475, %add3A_404], %parallel_loop3A_479 : memref<64x128xf32, #tpu.memory_space<vmem>>[vector<16xi32>, vector<16xi32>], vector<16xf32>,
          %parallel_loop3A_480 = arith.constant 32 : i32
          %parallel_loop3A_481 = vector.broadcast %parallel_loop3A_480 : i32 to vector<16xi32>
          %parallel_loop3A_482 = arith.addi %parallel_loop3A_464, %parallel_loop3A_481 : vector<16xi32>
          %parallel_loop3A_483 = arith.constant 32 : i32
          %parallel_loop3A_484 = vector.broadcast %parallel_loop3A_483 : i32 to vector<16xi32>
          %parallel_loop3A_485 = arith.addi %parallel_loop3A_465, %parallel_loop3A_484 : vector<16xi32>
          %parallel_loop3A_486 = tpu.vector_load_idx %arg9[%add3A_404, %parallel_loop3A_485] : memref<128x128xf32, #tpu.memory_space<vmem>>[vector<16xi32>, vector<16xi32>], vector<16xf32>,
          tpu.vector_store_idx %arg11[%parallel_loop3A_482, %add3A_404], %parallel_loop3A_486 : memref<64x128xf32, #tpu.memory_space<vmem>>[vector<16xi32>, vector<16xi32>], vector<16xf32>,
          %parallel_loop3A_487 = arith.constant 48 : i32
          %parallel_loop3A_488 = vector.broadcast %parallel_loop3A_487 : i32 to vector<16xi32>
          %parallel_loop3A_489 = arith.addi %parallel_loop3A_464, %parallel_loop3A_488 : vector<16xi32>
          %parallel_loop3A_490 = arith.constant 48 : i32
          %parallel_loop3A_491 = vector.broadcast %parallel_loop3A_490 : i32 to vector<16xi32>
          %parallel_loop3A_492 = arith.addi %parallel_loop3A_465, %parallel_loop3A_491 : vector<16xi32>
          %parallel_loop3A_493 = tpu.vector_load_idx %arg9[%add3A_404, %parallel_loop3A_492] : memref<128x128xf32, #tpu.memory_space<vmem>>[vector<16xi32>, vector<16xi32>], vector<16xf32>,
          tpu.vector_store_idx %arg11[%parallel_loop3A_489, %add3A_404], %parallel_loop3A_493 : memref<64x128xf32, #tpu.memory_space<vmem>>[vector<16xi32>, vector<16xi32>], vector<16xf32>,
        } {sc.loop_unroll_factor = 4 : i64, sc.parallel_access}
        %get3A_408 = arith.index_cast %rem3A_332 : i32 to index
        %get3A_409 = arith.constant 80 : index
        %get3A_410 = tpu.vector_load %arg5[%get3A_408, %get3A_409] {strides = array<i32>} : memref<8x128xi32, #tpu.memory_space<vmem>>, vector<16xi32>,
        %and3A_411 = arith.constant 1 : i32
        %and3A_412 = vector.broadcast %and3A_411 : i32 to vector<16xi32>
        %and3A_413 = arith.andi %get3A_410, %and3A_412 : vector<16xi32>
        %shift_left3A_414 = arith.constant 6 : i32
        %shift_left3A_415 = vector.broadcast %shift_left3A_414 : i32 to vector<16xi32>
        %shift_left3A_416 = arith.shli %and3A_413, %shift_left3A_415 : vector<16xi32>
        %add3A_417 = arith.constant 80 : i32
        %add3A_418 = vector.broadcast %add3A_417 : i32 to vector<16xi32>
        %add3A_419 = arith.addi %iota3A, %add3A_418 : vector<16xi32>
        %parallel_loop3A_420 = arith.constant 0 : i32
        %parallel_loop3A_421 = arith.constant 16 : i32
        %parallel_loop3A_422 = arith.constant 1 : i32
        scf.for %parallel_loop3A_459 = %parallel_loop3A_420 to %parallel_loop3A_421 step %parallel_loop3A_422  : i32 {
          %parallel_loop3A_460 = vector.broadcast %parallel_loop3A_459 : i32 to vector<16xi32>
          %parallel_loop3A_461 = arith.addi %iota3A, %parallel_loop3A_460 : vector<16xi32>
          %parallel_loop3A_462 = arith.constant 15 : i32
          %parallel_loop3A_463 = vector.broadcast %parallel_loop3A_462 : i32 to vector<16xi32>
          %parallel_loop3A_464 = arith.andi %parallel_loop3A_461, %parallel_loop3A_463 : vector<16xi32>
          %parallel_loop3A_465 = arith.addi %shift_left3A_416, %parallel_loop3A_464 : vector<16xi32>
          %parallel_loop3A_466 = arith.constant 0 : i32
          %parallel_loop3A_467 = vector.broadcast %parallel_loop3A_466 : i32 to vector<16xi32>
          %parallel_loop3A_468 = arith.addi %parallel_loop3A_464, %parallel_loop3A_467 : vector<16xi32>
          %parallel_loop3A_469 = arith.constant 0 : i32
          %parallel_loop3A_470 = vector.broadcast %parallel_loop3A_469 : i32 to vector<16xi32>
          %parallel_loop3A_471 = arith.addi %parallel_loop3A_465, %parallel_loop3A_470 : vector<16xi32>
          %parallel_loop3A_472 = tpu.vector_load_idx %arg9[%add3A_419, %parallel_loop3A_471] : memref<128x128xf32, #tpu.memory_space<vmem>>[vector<16xi32>, vector<16xi32>], vector<16xf32>,
          tpu.vector_store_idx %arg11[%parallel_loop3A_468, %add3A_419], %parallel_loop3A_472 : memref<64x128xf32, #tpu.memory_space<vmem>>[vector<16xi32>, vector<16xi32>], vector<16xf32>,
          %parallel_loop3A_473 = arith.constant 16 : i32
          %parallel_loop3A_474 = vector.broadcast %parallel_loop3A_473 : i32 to vector<16xi32>
          %parallel_loop3A_475 = arith.addi %parallel_loop3A_464, %parallel_loop3A_474 : vector<16xi32>
          %parallel_loop3A_476 = arith.constant 16 : i32
          %parallel_loop3A_477 = vector.broadcast %parallel_loop3A_476 : i32 to vector<16xi32>
          %parallel_loop3A_478 = arith.addi %parallel_loop3A_465, %parallel_loop3A_477 : vector<16xi32>
          %parallel_loop3A_479 = tpu.vector_load_idx %arg9[%add3A_419, %parallel_loop3A_478] : memref<128x128xf32, #tpu.memory_space<vmem>>[vector<16xi32>, vector<16xi32>], vector<16xf32>,
          tpu.vector_store_idx %arg11[%parallel_loop3A_475, %add3A_419], %parallel_loop3A_479 : memref<64x128xf32, #tpu.memory_space<vmem>>[vector<16xi32>, vector<16xi32>], vector<16xf32>,
          %parallel_loop3A_480 = arith.constant 32 : i32
          %parallel_loop3A_481 = vector.broadcast %parallel_loop3A_480 : i32 to vector<16xi32>
          %parallel_loop3A_482 = arith.addi %parallel_loop3A_464, %parallel_loop3A_481 : vector<16xi32>
          %parallel_loop3A_483 = arith.constant 32 : i32
          %parallel_loop3A_484 = vector.broadcast %parallel_loop3A_483 : i32 to vector<16xi32>
          %parallel_loop3A_485 = arith.addi %parallel_loop3A_465, %parallel_loop3A_484 : vector<16xi32>
          %parallel_loop3A_486 = tpu.vector_load_idx %arg9[%add3A_419, %parallel_loop3A_485] : memref<128x128xf32, #tpu.memory_space<vmem>>[vector<16xi32>, vector<16xi32>], vector<16xf32>,
          tpu.vector_store_idx %arg11[%parallel_loop3A_482, %add3A_419], %parallel_loop3A_486 : memref<64x128xf32, #tpu.memory_space<vmem>>[vector<16xi32>, vector<16xi32>], vector<16xf32>,
          %parallel_loop3A_487 = arith.constant 48 : i32
          %parallel_loop3A_488 = vector.broadcast %parallel_loop3A_487 : i32 to vector<16xi32>
          %parallel_loop3A_489 = arith.addi %parallel_loop3A_464, %parallel_loop3A_488 : vector<16xi32>
          %parallel_loop3A_490 = arith.constant 48 : i32
          %parallel_loop3A_491 = vector.broadcast %parallel_loop3A_490 : i32 to vector<16xi32>
          %parallel_loop3A_492 = arith.addi %parallel_loop3A_465, %parallel_loop3A_491 : vector<16xi32>
          %parallel_loop3A_493 = tpu.vector_load_idx %arg9[%add3A_419, %parallel_loop3A_492] : memref<128x128xf32, #tpu.memory_space<vmem>>[vector<16xi32>, vector<16xi32>], vector<16xf32>,
          tpu.vector_store_idx %arg11[%parallel_loop3A_489, %add3A_419], %parallel_loop3A_493 : memref<64x128xf32, #tpu.memory_space<vmem>>[vector<16xi32>, vector<16xi32>], vector<16xf32>,
        } {sc.loop_unroll_factor = 4 : i64, sc.parallel_access}
        %get3A_423 = arith.index_cast %rem3A_332 : i32 to index
        %get3A_424 = arith.constant 96 : index
        %get3A_425 = tpu.vector_load %arg5[%get3A_423, %get3A_424] {strides = array<i32>} : memref<8x128xi32, #tpu.memory_space<vmem>>, vector<16xi32>,
        %and3A_426 = arith.constant 1 : i32
        %and3A_427 = vector.broadcast %and3A_426 : i32 to vector<16xi32>
        %and3A_428 = arith.andi %get3A_425, %and3A_427 : vector<16xi32>
        %shift_left3A_429 = arith.constant 6 : i32
        %shift_left3A_430 = vector.broadcast %shift_left3A_429 : i32 to vector<16xi32>
        %shift_left3A_431 = arith.shli %and3A_428, %shift_left3A_430 : vector<16xi32>
        %add3A_432 = arith.constant 96 : i32
        %add3A_433 = vector.broadcast %add3A_432 : i32 to vector<16xi32>
        %add3A_434 = arith.addi %iota3A, %add3A_433 : vector<16xi32>
        %parallel_loop3A_435 = arith.constant 0 : i32
        %parallel_loop3A_436 = arith.constant 16 : i32
        %parallel_loop3A_437 = arith.constant 1 : i32
        scf.for %parallel_loop3A_459 = %parallel_loop3A_435 to %parallel_loop3A_436 step %parallel_loop3A_437  : i32 {
          %parallel_loop3A_460 = vector.broadcast %parallel_loop3A_459 : i32 to vector<16xi32>
          %parallel_loop3A_461 = arith.addi %iota3A, %parallel_loop3A_460 : vector<16xi32>
          %parallel_loop3A_462 = arith.constant 15 : i32
          %parallel_loop3A_463 = vector.broadcast %parallel_loop3A_462 : i32 to vector<16xi32>
          %parallel_loop3A_464 = arith.andi %parallel_loop3A_461, %parallel_loop3A_463 : vector<16xi32>
          %parallel_loop3A_465 = arith.addi %shift_left3A_431, %parallel_loop3A_464 : vector<16xi32>
          %parallel_loop3A_466 = arith.constant 0 : i32
          %parallel_loop3A_467 = vector.broadcast %parallel_loop3A_466 : i32 to vector<16xi32>
          %parallel_loop3A_468 = arith.addi %parallel_loop3A_464, %parallel_loop3A_467 : vector<16xi32>
          %parallel_loop3A_469 = arith.constant 0 : i32
          %parallel_loop3A_470 = vector.broadcast %parallel_loop3A_469 : i32 to vector<16xi32>
          %parallel_loop3A_471 = arith.addi %parallel_loop3A_465, %parallel_loop3A_470 : vector<16xi32>
          %parallel_loop3A_472 = tpu.vector_load_idx %arg9[%add3A_434, %parallel_loop3A_471] : memref<128x128xf32, #tpu.memory_space<vmem>>[vector<16xi32>, vector<16xi32>], vector<16xf32>,
          tpu.vector_store_idx %arg11[%parallel_loop3A_468, %add3A_434], %parallel_loop3A_472 : memref<64x128xf32, #tpu.memory_space<vmem>>[vector<16xi32>, vector<16xi32>], vector<16xf32>,
          %parallel_loop3A_473 = arith.constant 16 : i32
          %parallel_loop3A_474 = vector.broadcast %parallel_loop3A_473 : i32 to vector<16xi32>
          %parallel_loop3A_475 = arith.addi %parallel_loop3A_464, %parallel_loop3A_474 : vector<16xi32>
          %parallel_loop3A_476 = arith.constant 16 : i32
          %parallel_loop3A_477 = vector.broadcast %parallel_loop3A_476 : i32 to vector<16xi32>
          %parallel_loop3A_478 = arith.addi %parallel_loop3A_465, %parallel_loop3A_477 : vector<16xi32>
          %parallel_loop3A_479 = tpu.vector_load_idx %arg9[%add3A_434, %parallel_loop3A_478] : memref<128x128xf32, #tpu.memory_space<vmem>>[vector<16xi32>, vector<16xi32>], vector<16xf32>,
          tpu.vector_store_idx %arg11[%parallel_loop3A_475, %add3A_434], %parallel_loop3A_479 : memref<64x128xf32, #tpu.memory_space<vmem>>[vector<16xi32>, vector<16xi32>], vector<16xf32>,
          %parallel_loop3A_480 = arith.constant 32 : i32
          %parallel_loop3A_481 = vector.broadcast %parallel_loop3A_480 : i32 to vector<16xi32>
          %parallel_loop3A_482 = arith.addi %parallel_loop3A_464, %parallel_loop3A_481 : vector<16xi32>
          %parallel_loop3A_483 = arith.constant 32 : i32
          %parallel_loop3A_484 = vector.broadcast %parallel_loop3A_483 : i32 to vector<16xi32>
          %parallel_loop3A_485 = arith.addi %parallel_loop3A_465, %parallel_loop3A_484 : vector<16xi32>
          %parallel_loop3A_486 = tpu.vector_load_idx %arg9[%add3A_434, %parallel_loop3A_485] : memref<128x128xf32, #tpu.memory_space<vmem>>[vector<16xi32>, vector<16xi32>], vector<16xf32>,
          tpu.vector_store_idx %arg11[%parallel_loop3A_482, %add3A_434], %parallel_loop3A_486 : memref<64x128xf32, #tpu.memory_space<vmem>>[vector<16xi32>, vector<16xi32>], vector<16xf32>,
          %parallel_loop3A_487 = arith.constant 48 : i32
          %parallel_loop3A_488 = vector.broadcast %parallel_loop3A_487 : i32 to vector<16xi32>
          %parallel_loop3A_489 = arith.addi %parallel_loop3A_464, %parallel_loop3A_488 : vector<16xi32>
          %parallel_loop3A_490 = arith.constant 48 : i32
          %parallel_loop3A_491 = vector.broadcast %parallel_loop3A_490 : i32 to vector<16xi32>
          %parallel_loop3A_492 = arith.addi %parallel_loop3A_465, %parallel_loop3A_491 : vector<16xi32>
          %parallel_loop3A_493 = tpu.vector_load_idx %arg9[%add3A_434, %parallel_loop3A_492] : memref<128x128xf32, #tpu.memory_space<vmem>>[vector<16xi32>, vector<16xi32>], vector<16xf32>,
          tpu.vector_store_idx %arg11[%parallel_loop3A_489, %add3A_434], %parallel_loop3A_493 : memref<64x128xf32, #tpu.memory_space<vmem>>[vector<16xi32>, vector<16xi32>], vector<16xf32>,
        } {sc.loop_unroll_factor = 4 : i64, sc.parallel_access}
        %get3A_438 = arith.index_cast %rem3A_332 : i32 to index
        %get3A_439 = arith.constant 112 : index
        %get3A_440 = tpu.vector_load %arg5[%get3A_438, %get3A_439] {strides = array<i32>} : memref<8x128xi32, #tpu.memory_space<vmem>>, vector<16xi32>,
        %and3A_441 = arith.constant 1 : i32
        %and3A_442 = vector.broadcast %and3A_441 : i32 to vector<16xi32>
        %and3A_443 = arith.andi %get3A_440, %and3A_442 : vector<16xi32>
        %shift_left3A_444 = arith.constant 6 : i32
        %shift_left3A_445 = vector.broadcast %shift_left3A_444 : i32 to vector<16xi32>
        %shift_left3A_446 = arith.shli %and3A_443, %shift_left3A_445 : vector<16xi32>
        %add3A_447 = arith.constant 112 : i32
        %add3A_448 = vector.broadcast %add3A_447 : i32 to vector<16xi32>
        %add3A_449 = arith.addi %iota3A, %add3A_448 : vector<16xi32>
        %parallel_loop3A_450 = arith.constant 0 : i32
        %parallel_loop3A_451 = arith.constant 16 : i32
        %parallel_loop3A_452 = arith.constant 1 : i32
        scf.for %parallel_loop3A_459 = %parallel_loop3A_450 to %parallel_loop3A_451 step %parallel_loop3A_452  : i32 {
          %parallel_loop3A_460 = vector.broadcast %parallel_loop3A_459 : i32 to vector<16xi32>
          %parallel_loop3A_461 = arith.addi %iota3A, %parallel_loop3A_460 : vector<16xi32>
          %parallel_loop3A_462 = arith.constant 15 : i32
          %parallel_loop3A_463 = vector.broadcast %parallel_loop3A_462 : i32 to vector<16xi32>
          %parallel_loop3A_464 = arith.andi %parallel_loop3A_461, %parallel_loop3A_463 : vector<16xi32>
          %parallel_loop3A_465 = arith.addi %shift_left3A_446, %parallel_loop3A_464 : vector<16xi32>
          %parallel_loop3A_466 = arith.constant 0 : i32
          %parallel_loop3A_467 = vector.broadcast %parallel_loop3A_466 : i32 to vector<16xi32>
          %parallel_loop3A_468 = arith.addi %parallel_loop3A_464, %parallel_loop3A_467 : vector<16xi32>
          %parallel_loop3A_469 = arith.constant 0 : i32
          %parallel_loop3A_470 = vector.broadcast %parallel_loop3A_469 : i32 to vector<16xi32>
          %parallel_loop3A_471 = arith.addi %parallel_loop3A_465, %parallel_loop3A_470 : vector<16xi32>
          %parallel_loop3A_472 = tpu.vector_load_idx %arg9[%add3A_449, %parallel_loop3A_471] : memref<128x128xf32, #tpu.memory_space<vmem>>[vector<16xi32>, vector<16xi32>], vector<16xf32>,
          tpu.vector_store_idx %arg11[%parallel_loop3A_468, %add3A_449], %parallel_loop3A_472 : memref<64x128xf32, #tpu.memory_space<vmem>>[vector<16xi32>, vector<16xi32>], vector<16xf32>,
          %parallel_loop3A_473 = arith.constant 16 : i32
          %parallel_loop3A_474 = vector.broadcast %parallel_loop3A_473 : i32 to vector<16xi32>
          %parallel_loop3A_475 = arith.addi %parallel_loop3A_464, %parallel_loop3A_474 : vector<16xi32>
          %parallel_loop3A_476 = arith.constant 16 : i32
          %parallel_loop3A_477 = vector.broadcast %parallel_loop3A_476 : i32 to vector<16xi32>
          %parallel_loop3A_478 = arith.addi %parallel_loop3A_465, %parallel_loop3A_477 : vector<16xi32>
          %parallel_loop3A_479 = tpu.vector_load_idx %arg9[%add3A_449, %parallel_loop3A_478] : memref<128x128xf32, #tpu.memory_space<vmem>>[vector<16xi32>, vector<16xi32>], vector<16xf32>,
          tpu.vector_store_idx %arg11[%parallel_loop3A_475, %add3A_449], %parallel_loop3A_479 : memref<64x128xf32, #tpu.memory_space<vmem>>[vector<16xi32>, vector<16xi32>], vector<16xf32>,
          %parallel_loop3A_480 = arith.constant 32 : i32
          %parallel_loop3A_481 = vector.broadcast %parallel_loop3A_480 : i32 to vector<16xi32>
          %parallel_loop3A_482 = arith.addi %parallel_loop3A_464, %parallel_loop3A_481 : vector<16xi32>
          %parallel_loop3A_483 = arith.constant 32 : i32
          %parallel_loop3A_484 = vector.broadcast %parallel_loop3A_483 : i32 to vector<16xi32>
          %parallel_loop3A_485 = arith.addi %parallel_loop3A_465, %parallel_loop3A_484 : vector<16xi32>
          %parallel_loop3A_486 = tpu.vector_load_idx %arg9[%add3A_449, %parallel_loop3A_485] : memref<128x128xf32, #tpu.memory_space<vmem>>[vector<16xi32>, vector<16xi32>], vector<16xf32>,
          tpu.vector_store_idx %arg11[%parallel_loop3A_482, %add3A_449], %parallel_loop3A_486 : memref<64x128xf32, #tpu.memory_space<vmem>>[vector<16xi32>, vector<16xi32>], vector<16xf32>,
          %parallel_loop3A_487 = arith.constant 48 : i32
          %parallel_loop3A_488 = vector.broadcast %parallel_loop3A_487 : i32 to vector<16xi32>
          %parallel_loop3A_489 = arith.addi %parallel_loop3A_464, %parallel_loop3A_488 : vector<16xi32>
          %parallel_loop3A_490 = arith.constant 48 : i32
          %parallel_loop3A_491 = vector.broadcast %parallel_loop3A_490 : i32 to vector<16xi32>
          %parallel_loop3A_492 = arith.addi %parallel_loop3A_465, %parallel_loop3A_491 : vector<16xi32>
          %parallel_loop3A_493 = tpu.vector_load_idx %arg9[%add3A_449, %parallel_loop3A_492] : memref<128x128xf32, #tpu.memory_space<vmem>>[vector<16xi32>, vector<16xi32>], vector<16xf32>,
          tpu.vector_store_idx %arg11[%parallel_loop3A_489, %add3A_449], %parallel_loop3A_493 : memref<64x128xf32, #tpu.memory_space<vmem>>[vector<16xi32>, vector<16xi32>], vector<16xf32>,
        } {sc.loop_unroll_factor = 4 : i64, sc.parallel_access}
        %dma_start3A_453 = arith.constant 0 : i32
        %dma_start3A_454 = tpu.memref_slice %arg4[%sub3A_330, %dma_start3A_453, %mul3A_2] : memref<200x64x4096xf32, #tpu.memory_space<hbm>> -> memref<1x64x128xf32, #tpu.memory_space<hbm>>
        %dma_start3A_455 = tpu.memref_squeeze %dma_start3A_454 : memref<1x64x128xf32, #tpu.memory_space<hbm>> -> memref<64x128xf32, #tpu.memory_space<hbm>>
        %dma_start3A_456 = arith.constant 0 : i32
        %dma_start3A_457 = tpu.memref_slice %arg4[%sub3A_330, %dma_start3A_456, %mul3A_2] : memref<200x64x4096xf32, #tpu.memory_space<hbm>> -> memref<1x64x128xf32, #tpu.memory_space<hbm>>
        %dma_start3A_458 = tpu.memref_squeeze %dma_start3A_457 : memref<1x64x128xf32, #tpu.memory_space<hbm>> -> memref<64x128xf32, #tpu.memory_space<hbm>>
        tpu.enqueue_dma source(%arg11 : memref<64x128xf32, #tpu.memory_space<vmem>>) target(%dma_start3A_458 : memref<64x128xf32, #tpu.memory_space<hbm>>) target_semaphore(%arg15 : memref<!tpu.dma_semaphore, #tpu.memory_space<semaphore_mem>>)
      } else {
      }
      %rem3A_162 = arith.constant 8 : i32
      %rem3A_163 = arith.remsi %add3A_159, %rem3A_162 : i32
      %eq3A = arith.constant 0 : i32
      %eq3A_164 = arith.cmpi eq, %rem3A_163, %eq3A : i32
      %convert_element_type3A_165 = arith.extui %eq3A_164 : i1 to i32
      %cond3A_166 = arith.constant 0 : i32
      %cond3A_167 = arith.cmpi ne, %convert_element_type3A_165, %cond3A_166 : i32
      scf.if %cond3A_167 {
        %jit3A = arith.constant 8 : i32
        %div3A = arith.divsi %add3A_159, %jit3A : i32
        %sign3A = arith.constant 0 : i32
        %sign3A_320 = arith.cmpi sgt, %add3A_159, %sign3A : i32
        %sign3A_321 = arith.extui %sign3A_320 : i1 to i32
        %sign3A_322 = arith.constant 0 : i32
        %sign3A_323 = arith.cmpi slt, %add3A_159, %sign3A_322 : i32
        %sign3A_324 = arith.extui %sign3A_323 : i1 to i32
        %sign3A_325 = arith.subi %sign3A_321, %sign3A_324 : i32
        %sign3A_326 = arith.constant 0 : i32
        %sign3A_327 = arith.cmpi sgt, %jit3A, %sign3A_326 : i32
        %sign3A_328 = arith.extui %sign3A_327 : i1 to i32
        %sign3A_329 = arith.constant 0 : i32
        %sign3A_330 = arith.cmpi slt, %jit3A, %sign3A_329 : i32
        %sign3A_331 = arith.extui %sign3A_330 : i1 to i32
        %sign3A_332 = arith.subi %sign3A_328, %sign3A_331 : i32
        %ne3A = arith.cmpi ne, %sign3A_325, %sign3A_332 : i32
        %rem3A_333 = arith.remsi %add3A_159, %jit3A : i32
        %ne3A_334 = arith.constant 0 : i32
        %ne3A_335 = arith.cmpi ne, %rem3A_333, %ne3A_334 : i32
        %and3A_336 = arith.andi %ne3A, %ne3A_335 : i1
        %sub3A = arith.constant 1 : i32
        %sub3A_337 = arith.subi %div3A, %sub3A : i32
        %select_n3A = arith.select %and3A_336, %sub3A_337, %div3A : i32
        %mul3A_338 = arith.constant 8 : i32
        %mul3A_339 = arith.muli %select_n3A, %mul3A_338 : i32
        "tpu.region"() ({
          %run_scoped3A = tpu.sem_alloc : memref<!tpu.dma_semaphore, #tpu.memory_space<semaphore_mem>>
          %dma_start3A_340 = tpu.memref_slice %arg2[%mul3A_339, %mul3A_2] : memref<200x4096xi32, #tpu.memory_space<hbm>> -> memref<8x128xi32, #tpu.memory_space<hbm>>
          %dma_start3A_341 = tpu.memref_slice %arg2[%mul3A_339, %mul3A_2] : memref<200x4096xi32, #tpu.memory_space<hbm>> -> memref<8x128xi32, #tpu.memory_space<hbm>>
          tpu.enqueue_dma source(%dma_start3A_341 : memref<8x128xi32, #tpu.memory_space<hbm>>) target(%arg5 : memref<8x128xi32, #tpu.memory_space<vmem>>) target_semaphore(%run_scoped3A : memref<!tpu.dma_semaphore, #tpu.memory_space<semaphore_mem>>)
          %dma_wait3A_342 = tpu.memref_slice %arg2[%mul3A_339, %mul3A_2] : memref<200x4096xi32, #tpu.memory_space<hbm>> -> memref<8x128xi32, #tpu.memory_space<hbm>>
          %dma_wait3A_343 = tpu.memref_slice %arg2[%mul3A_339, %mul3A_2] : memref<200x4096xi32, #tpu.memory_space<hbm>> -> memref<8x128xi32, #tpu.memory_space<hbm>>
          tpu.wait_dma2 semaphore(%run_scoped3A : memref<!tpu.dma_semaphore, #tpu.memory_space<semaphore_mem>>) src(%dma_wait3A_343 : memref<8x128xi32, #tpu.memory_space<hbm>>) dst(%arg5 : memref<8x128xi32, #tpu.memory_space<vmem>>)
          tpu.yield
        }) : () -> ()
      } else {
      }
      %rem3A_168 = arith.constant 8 : i32
      %rem3A_169 = arith.remsi %add3A_159, %rem3A_168 : i32
      %get3A_170 = arith.index_cast %rem3A_169 : i32 to index
      %get3A_171 = arith.constant 0 : index
      %get3A_172 = tpu.vector_load %arg5[%get3A_170, %get3A_171] {strides = array<i32>} : memref<8x128xi32, #tpu.memory_space<vmem>>, vector<16xi32>,
      %shift_right_logical3A = arith.constant 1 : i32
      %shift_right_logical3A_173 = vector.broadcast %shift_right_logical3A : i32 to vector<16xi32>
      %shift_right_logical3A_174 = arith.shrui %get3A_172, %shift_right_logical3A_173 : vector<16xi32>
      %swap3A = arith.constant 0 : index
      %swap3A_175 = tpu.vector_load %arg6[%swap3A] {strides = array<i32>} : memref<128xi32, #tpu.memory_space<vmem>>, vector<16xi32>,
      tpu.vector_store %arg6[%swap3A], %shift_right_logical3A_174 {strides = array<i32>} : memref<128xi32, #tpu.memory_space<vmem>>, vector<16xi32>,
      %get3A_176 = arith.index_cast %rem3A_169 : i32 to index
      %get3A_177 = arith.constant 16 : index
      %get3A_178 = tpu.vector_load %arg5[%get3A_176, %get3A_177] {strides = array<i32>} : memref<8x128xi32, #tpu.memory_space<vmem>>, vector<16xi32>,
      %shift_right_logical3A_179 = arith.constant 1 : i32
      %shift_right_logical3A_180 = vector.broadcast %shift_right_logical3A_179 : i32 to vector<16xi32>
      %shift_right_logical3A_181 = arith.shrui %get3A_178, %shift_right_logical3A_180 : vector<16xi32>
      %swap3A_182 = arith.constant 16 : index
      %swap3A_183 = tpu.vector_load %arg6[%swap3A_182] {strides = array<i32>} : memref<128xi32, #tpu.memory_space<vmem>>, vector<16xi32>,
      tpu.vector_store %arg6[%swap3A_182], %shift_right_logical3A_181 {strides = array<i32>} : memref<128xi32, #tpu.memory_space<vmem>>, vector<16xi32>,
      %get3A_184 = arith.index_cast %rem3A_169 : i32 to index
      %get3A_185 = arith.constant 32 : index
      %get3A_186 = tpu.vector_load %arg5[%get3A_184, %get3A_185] {strides = array<i32>} : memref<8x128xi32, #tpu.memory_space<vmem>>, vector<16xi32>,
      %shift_right_logical3A_187 = arith.constant 1 : i32
      %shift_right_logical3A_188 = vector.broadcast %shift_right_logical3A_187 : i32 to vector<16xi32>
      %shift_right_logical3A_189 = arith.shrui %get3A_186, %shift_right_logical3A_188 : vector<16xi32>
      %swap3A_190 = arith.constant 32 : index
      %swap3A_191 = tpu.vector_load %arg6[%swap3A_190] {strides = array<i32>} : memref<128xi32, #tpu.memory_space<vmem>>, vector<16xi32>,
      tpu.vector_store %arg6[%swap3A_190], %shift_right_logical3A_189 {strides = array<i32>} : memref<128xi32, #tpu.memory_space<vmem>>, vector<16xi32>,
      %get3A_192 = arith.index_cast %rem3A_169 : i32 to index
      %get3A_193 = arith.constant 48 : index
      %get3A_194 = tpu.vector_load %arg5[%get3A_192, %get3A_193] {strides = array<i32>} : memref<8x128xi32, #tpu.memory_space<vmem>>, vector<16xi32>,
      %shift_right_logical3A_195 = arith.constant 1 : i32
      %shift_right_logical3A_196 = vector.broadcast %shift_right_logical3A_195 : i32 to vector<16xi32>
      %shift_right_logical3A_197 = arith.shrui %get3A_194, %shift_right_logical3A_196 : vector<16xi32>
      %swap3A_198 = arith.constant 48 : index
      %swap3A_199 = tpu.vector_load %arg6[%swap3A_198] {strides = array<i32>} : memref<128xi32, #tpu.memory_space<vmem>>, vector<16xi32>,
      tpu.vector_store %arg6[%swap3A_198], %shift_right_logical3A_197 {strides = array<i32>} : memref<128xi32, #tpu.memory_space<vmem>>, vector<16xi32>,
      %get3A_200 = arith.index_cast %rem3A_169 : i32 to index
      %get3A_201 = arith.constant 64 : index
      %get3A_202 = tpu.vector_load %arg5[%get3A_200, %get3A_201] {strides = array<i32>} : memref<8x128xi32, #tpu.memory_space<vmem>>, vector<16xi32>,
      %shift_right_logical3A_203 = arith.constant 1 : i32
      %shift_right_logical3A_204 = vector.broadcast %shift_right_logical3A_203 : i32 to vector<16xi32>
      %shift_right_logical3A_205 = arith.shrui %get3A_202, %shift_right_logical3A_204 : vector<16xi32>
      %swap3A_206 = arith.constant 64 : index
      %swap3A_207 = tpu.vector_load %arg6[%swap3A_206] {strides = array<i32>} : memref<128xi32, #tpu.memory_space<vmem>>, vector<16xi32>,
      tpu.vector_store %arg6[%swap3A_206], %shift_right_logical3A_205 {strides = array<i32>} : memref<128xi32, #tpu.memory_space<vmem>>, vector<16xi32>,
      %get3A_208 = arith.index_cast %rem3A_169 : i32 to index
      %get3A_209 = arith.constant 80 : index
      %get3A_210 = tpu.vector_load %arg5[%get3A_208, %get3A_209] {strides = array<i32>} : memref<8x128xi32, #tpu.memory_space<vmem>>, vector<16xi32>,
      %shift_right_logical3A_211 = arith.constant 1 : i32
      %shift_right_logical3A_212 = vector.broadcast %shift_right_logical3A_211 : i32 to vector<16xi32>
      %shift_right_logical3A_213 = arith.shrui %get3A_210, %shift_right_logical3A_212 : vector<16xi32>
      %swap3A_214 = arith.constant 80 : index
      %swap3A_215 = tpu.vector_load %arg6[%swap3A_214] {strides = array<i32>} : memref<128xi32, #tpu.memory_space<vmem>>, vector<16xi32>,
      tpu.vector_store %arg6[%swap3A_214], %shift_right_logical3A_213 {strides = array<i32>} : memref<128xi32, #tpu.memory_space<vmem>>, vector<16xi32>,
      %get3A_216 = arith.index_cast %rem3A_169 : i32 to index
      %get3A_217 = arith.constant 96 : index
      %get3A_218 = tpu.vector_load %arg5[%get3A_216, %get3A_217] {strides = array<i32>} : memref<8x128xi32, #tpu.memory_space<vmem>>, vector<16xi32>,
      %shift_right_logical3A_219 = arith.constant 1 : i32
      %shift_right_logical3A_220 = vector.broadcast %shift_right_logical3A_219 : i32 to vector<16xi32>
      %shift_right_logical3A_221 = arith.shrui %get3A_218, %shift_right_logical3A_220 : vector<16xi32>
      %swap3A_222 = arith.constant 96 : index
      %swap3A_223 = tpu.vector_load %arg6[%swap3A_222] {strides = array<i32>} : memref<128xi32, #tpu.memory_space<vmem>>, vector<16xi32>,
      tpu.vector_store %arg6[%swap3A_222], %shift_right_logical3A_221 {strides = array<i32>} : memref<128xi32, #tpu.memory_space<vmem>>, vector<16xi32>,
      %get3A_224 = arith.index_cast %rem3A_169 : i32 to index
      %get3A_225 = arith.constant 112 : index
      %get3A_226 = tpu.vector_load %arg5[%get3A_224, %get3A_225] {strides = array<i32>} : memref<8x128xi32, #tpu.memory_space<vmem>>, vector<16xi32>,
      %shift_right_logical3A_227 = arith.constant 1 : i32
      %shift_right_logical3A_228 = vector.broadcast %shift_right_logical3A_227 : i32 to vector<16xi32>
      %shift_right_logical3A_229 = arith.shrui %get3A_226, %shift_right_logical3A_228 : vector<16xi32>
      %swap3A_230 = arith.constant 112 : index
      %swap3A_231 = tpu.vector_load %arg6[%swap3A_230] {strides = array<i32>} : memref<128xi32, #tpu.memory_space<vmem>>, vector<16xi32>,
      tpu.vector_store %arg6[%swap3A_230], %shift_right_logical3A_229 {strides = array<i32>} : memref<128xi32, #tpu.memory_space<vmem>>, vector<16xi32>,
      %dma_start3A_232 = arith.constant 0 : i32
      %dma_start3A_233 = arith.constant 0 : i32
      %dma_start3A_234 = tpu.memref_slice %arg3[%dma_start3A_232, %dma_start3A_233] : memref<500000x128xf32, #tpu.memory_space<hbm>> -> memref<500000x128xf32, #tpu.memory_space<hbm>>
      tpu.enqueue_indirect_dma source(%dma_start3A_234 : memref<500000x128xf32, #tpu.memory_space<hbm>>) target(%arg8 : memref<128x128xf32, #tpu.memory_space<vmem>>) offsets(%arg6 : memref<128xi32, #tpu.memory_space<vmem>>) semaphore(%arg12 : memref<!tpu.dma_semaphore, #tpu.memory_space<semaphore_mem>>)
      %mul3A_235 = arith.constant 2 : i32
      %mul3A_236 = arith.muli %scan3A_155, %mul3A_235 : i32
      %add3A_237 = arith.constant 1 : i32
      %add3A_238 = arith.addi %mul3A_236, %add3A_237 : i32
      %gt3A_239 = arith.constant 0 : i32
      %gt3A_240 = arith.cmpi sgt, %add3A_238, %gt3A_239 : i32
      %convert_element_type3A_241 = arith.extui %gt3A_240 : i1 to i32
      %cond3A_242 = arith.constant 0 : i32
      %cond3A_243 = arith.cmpi ne, %convert_element_type3A_241, %cond3A_242 : i32
      scf.if %cond3A_243 {
        %sub3A = arith.constant 1 : i32
        %sub3A_320 = arith.subi %add3A_238, %sub3A : i32
        %dma_wait3A_321 = arith.constant 0 : i32
        %dma_wait3A_322 = arith.constant 0 : i32
        %dma_wait3A_323 = tpu.memref_slice %arg3[%dma_wait3A_321, %dma_wait3A_322] : memref<500000x128xf32, #tpu.memory_space<hbm>> -> memref<500000x128xf32, #tpu.memory_space<hbm>>
        tpu.wait_indirect_dma semaphore(%arg12 : memref<!tpu.dma_semaphore, #tpu.memory_space<semaphore_mem>>) src(%dma_wait3A_323 : memref<500000x128xf32, #tpu.memory_space<hbm>>) dst(%arg8 : memref<128x128xf32, #tpu.memory_space<vmem>>)
        %gt3A_324 = arith.constant 2 : i32
        %gt3A_325 = arith.cmpi sgt, %add3A_238, %gt3A_324 : i32
        %convert_element_type3A_326 = arith.extui %gt3A_325 : i1 to i32
        %cond3A_327 = arith.constant 0 : i32
        %cond3A_328 = arith.cmpi ne, %convert_element_type3A_326, %cond3A_327 : i32
        scf.if %cond3A_328 {
          %sub3A_459 = arith.constant 3 : i32
          %sub3A_460 = arith.subi %add3A_238, %sub3A_459 : i32
          %dma_wait3A_461 = arith.constant 0 : i32
          %dma_wait3A_462 = tpu.memref_slice %arg4[%sub3A_460, %dma_wait3A_461, %mul3A_2] : memref<200x64x4096xf32, #tpu.memory_space<hbm>> -> memref<1x64x128xf32, #tpu.memory_space<hbm>>
          %dma_wait3A_463 = tpu.memref_squeeze %dma_wait3A_462 : memref<1x64x128xf32, #tpu.memory_space<hbm>> -> memref<64x128xf32, #tpu.memory_space<hbm>>
          %dma_wait3A_464 = arith.constant 0 : i32
          %dma_wait3A_465 = tpu.memref_slice %arg4[%sub3A_460, %dma_wait3A_464, %mul3A_2] : memref<200x64x4096xf32, #tpu.memory_space<hbm>> -> memref<1x64x128xf32, #tpu.memory_space<hbm>>
          %dma_wait3A_466 = tpu.memref_squeeze %dma_wait3A_465 : memref<1x64x128xf32, #tpu.memory_space<hbm>> -> memref<64x128xf32, #tpu.memory_space<hbm>>
          tpu.wait_dma2 semaphore(%arg14 : memref<!tpu.dma_semaphore, #tpu.memory_space<semaphore_mem>>) src(%arg10 : memref<64x128xf32, #tpu.memory_space<vmem>>) dst(%dma_wait3A_466 : memref<64x128xf32, #tpu.memory_space<hbm>>)
        } else {
        }
        %sub3A_329 = arith.constant 1 : i32
        %sub3A_330 = arith.subi %add3A_238, %sub3A_329 : i32
        %rem3A_331 = arith.constant 8 : i32
        %rem3A_332 = arith.remsi %sub3A_330, %rem3A_331 : i32
        %get3A_333 = arith.index_cast %rem3A_332 : i32 to index
        %get3A_334 = arith.constant 0 : index
        %get3A_335 = tpu.vector_load %arg5[%get3A_333, %get3A_334] {strides = array<i32>} : memref<8x128xi32, #tpu.memory_space<vmem>>, vector<16xi32>,
        %and3A_336 = arith.constant 1 : i32
        %and3A_337 = vector.broadcast %and3A_336 : i32 to vector<16xi32>
        %and3A_338 = arith.andi %get3A_335, %and3A_337 : vector<16xi32>
        %shift_left3A_339 = arith.constant 6 : i32
        %shift_left3A_340 = vector.broadcast %shift_left3A_339 : i32 to vector<16xi32>
        %shift_left3A_341 = arith.shli %and3A_338, %shift_left3A_340 : vector<16xi32>
        %add3A_342 = arith.constant 0 : i32
        %add3A_343 = vector.broadcast %add3A_342 : i32 to vector<16xi32>
        %add3A_344 = arith.addi %iota3A, %add3A_343 : vector<16xi32>
        %parallel_loop3A_345 = arith.constant 0 : i32
        %parallel_loop3A_346 = arith.constant 16 : i32
        %parallel_loop3A_347 = arith.constant 1 : i32
        scf.for %parallel_loop3A_459 = %parallel_loop3A_345 to %parallel_loop3A_346 step %parallel_loop3A_347  : i32 {
          %parallel_loop3A_460 = vector.broadcast %parallel_loop3A_459 : i32 to vector<16xi32>
          %parallel_loop3A_461 = arith.addi %iota3A, %parallel_loop3A_460 : vector<16xi32>
          %parallel_loop3A_462 = arith.constant 15 : i32
          %parallel_loop3A_463 = vector.broadcast %parallel_loop3A_462 : i32 to vector<16xi32>
          %parallel_loop3A_464 = arith.andi %parallel_loop3A_461, %parallel_loop3A_463 : vector<16xi32>
          %parallel_loop3A_465 = arith.addi %shift_left3A_341, %parallel_loop3A_464 : vector<16xi32>
          %parallel_loop3A_466 = arith.constant 0 : i32
          %parallel_loop3A_467 = vector.broadcast %parallel_loop3A_466 : i32 to vector<16xi32>
          %parallel_loop3A_468 = arith.addi %parallel_loop3A_464, %parallel_loop3A_467 : vector<16xi32>
          %parallel_loop3A_469 = arith.constant 0 : i32
          %parallel_loop3A_470 = vector.broadcast %parallel_loop3A_469 : i32 to vector<16xi32>
          %parallel_loop3A_471 = arith.addi %parallel_loop3A_465, %parallel_loop3A_470 : vector<16xi32>
          %parallel_loop3A_472 = tpu.vector_load_idx %arg8[%add3A_344, %parallel_loop3A_471] : memref<128x128xf32, #tpu.memory_space<vmem>>[vector<16xi32>, vector<16xi32>], vector<16xf32>,
          tpu.vector_store_idx %arg10[%parallel_loop3A_468, %add3A_344], %parallel_loop3A_472 : memref<64x128xf32, #tpu.memory_space<vmem>>[vector<16xi32>, vector<16xi32>], vector<16xf32>,
          %parallel_loop3A_473 = arith.constant 16 : i32
          %parallel_loop3A_474 = vector.broadcast %parallel_loop3A_473 : i32 to vector<16xi32>
          %parallel_loop3A_475 = arith.addi %parallel_loop3A_464, %parallel_loop3A_474 : vector<16xi32>
          %parallel_loop3A_476 = arith.constant 16 : i32
          %parallel_loop3A_477 = vector.broadcast %parallel_loop3A_476 : i32 to vector<16xi32>
          %parallel_loop3A_478 = arith.addi %parallel_loop3A_465, %parallel_loop3A_477 : vector<16xi32>
          %parallel_loop3A_479 = tpu.vector_load_idx %arg8[%add3A_344, %parallel_loop3A_478] : memref<128x128xf32, #tpu.memory_space<vmem>>[vector<16xi32>, vector<16xi32>], vector<16xf32>,
          tpu.vector_store_idx %arg10[%parallel_loop3A_475, %add3A_344], %parallel_loop3A_479 : memref<64x128xf32, #tpu.memory_space<vmem>>[vector<16xi32>, vector<16xi32>], vector<16xf32>,
          %parallel_loop3A_480 = arith.constant 32 : i32
          %parallel_loop3A_481 = vector.broadcast %parallel_loop3A_480 : i32 to vector<16xi32>
          %parallel_loop3A_482 = arith.addi %parallel_loop3A_464, %parallel_loop3A_481 : vector<16xi32>
          %parallel_loop3A_483 = arith.constant 32 : i32
          %parallel_loop3A_484 = vector.broadcast %parallel_loop3A_483 : i32 to vector<16xi32>
          %parallel_loop3A_485 = arith.addi %parallel_loop3A_465, %parallel_loop3A_484 : vector<16xi32>
          %parallel_loop3A_486 = tpu.vector_load_idx %arg8[%add3A_344, %parallel_loop3A_485] : memref<128x128xf32, #tpu.memory_space<vmem>>[vector<16xi32>, vector<16xi32>], vector<16xf32>,
          tpu.vector_store_idx %arg10[%parallel_loop3A_482, %add3A_344], %parallel_loop3A_486 : memref<64x128xf32, #tpu.memory_space<vmem>>[vector<16xi32>, vector<16xi32>], vector<16xf32>,
          %parallel_loop3A_487 = arith.constant 48 : i32
          %parallel_loop3A_488 = vector.broadcast %parallel_loop3A_487 : i32 to vector<16xi32>
          %parallel_loop3A_489 = arith.addi %parallel_loop3A_464, %parallel_loop3A_488 : vector<16xi32>
          %parallel_loop3A_490 = arith.constant 48 : i32
          %parallel_loop3A_491 = vector.broadcast %parallel_loop3A_490 : i32 to vector<16xi32>
          %parallel_loop3A_492 = arith.addi %parallel_loop3A_465, %parallel_loop3A_491 : vector<16xi32>
          %parallel_loop3A_493 = tpu.vector_load_idx %arg8[%add3A_344, %parallel_loop3A_492] : memref<128x128xf32, #tpu.memory_space<vmem>>[vector<16xi32>, vector<16xi32>], vector<16xf32>,
          tpu.vector_store_idx %arg10[%parallel_loop3A_489, %add3A_344], %parallel_loop3A_493 : memref<64x128xf32, #tpu.memory_space<vmem>>[vector<16xi32>, vector<16xi32>], vector<16xf32>,
        } {sc.loop_unroll_factor = 4 : i64, sc.parallel_access}
        %get3A_348 = arith.index_cast %rem3A_332 : i32 to index
        %get3A_349 = arith.constant 16 : index
        %get3A_350 = tpu.vector_load %arg5[%get3A_348, %get3A_349] {strides = array<i32>} : memref<8x128xi32, #tpu.memory_space<vmem>>, vector<16xi32>,
        %and3A_351 = arith.constant 1 : i32
        %and3A_352 = vector.broadcast %and3A_351 : i32 to vector<16xi32>
        %and3A_353 = arith.andi %get3A_350, %and3A_352 : vector<16xi32>
        %shift_left3A_354 = arith.constant 6 : i32
        %shift_left3A_355 = vector.broadcast %shift_left3A_354 : i32 to vector<16xi32>
        %shift_left3A_356 = arith.shli %and3A_353, %shift_left3A_355 : vector<16xi32>
        %add3A_357 = arith.constant 16 : i32
        %add3A_358 = vector.broadcast %add3A_357 : i32 to vector<16xi32>
        %add3A_359 = arith.addi %iota3A, %add3A_358 : vector<16xi32>
        %parallel_loop3A_360 = arith.constant 0 : i32
        %parallel_loop3A_361 = arith.constant 16 : i32
        %parallel_loop3A_362 = arith.constant 1 : i32
        scf.for %parallel_loop3A_459 = %parallel_loop3A_360 to %parallel_loop3A_361 step %parallel_loop3A_362  : i32 {
          %parallel_loop3A_460 = vector.broadcast %parallel_loop3A_459 : i32 to vector<16xi32>
          %parallel_loop3A_461 = arith.addi %iota3A, %parallel_loop3A_460 : vector<16xi32>
          %parallel_loop3A_462 = arith.constant 15 : i32
          %parallel_loop3A_463 = vector.broadcast %parallel_loop3A_462 : i32 to vector<16xi32>
          %parallel_loop3A_464 = arith.andi %parallel_loop3A_461, %parallel_loop3A_463 : vector<16xi32>
          %parallel_loop3A_465 = arith.addi %shift_left3A_356, %parallel_loop3A_464 : vector<16xi32>
          %parallel_loop3A_466 = arith.constant 0 : i32
          %parallel_loop3A_467 = vector.broadcast %parallel_loop3A_466 : i32 to vector<16xi32>
          %parallel_loop3A_468 = arith.addi %parallel_loop3A_464, %parallel_loop3A_467 : vector<16xi32>
          %parallel_loop3A_469 = arith.constant 0 : i32
          %parallel_loop3A_470 = vector.broadcast %parallel_loop3A_469 : i32 to vector<16xi32>
          %parallel_loop3A_471 = arith.addi %parallel_loop3A_465, %parallel_loop3A_470 : vector<16xi32>
          %parallel_loop3A_472 = tpu.vector_load_idx %arg8[%add3A_359, %parallel_loop3A_471] : memref<128x128xf32, #tpu.memory_space<vmem>>[vector<16xi32>, vector<16xi32>], vector<16xf32>,
          tpu.vector_store_idx %arg10[%parallel_loop3A_468, %add3A_359], %parallel_loop3A_472 : memref<64x128xf32, #tpu.memory_space<vmem>>[vector<16xi32>, vector<16xi32>], vector<16xf32>,
          %parallel_loop3A_473 = arith.constant 16 : i32
          %parallel_loop3A_474 = vector.broadcast %parallel_loop3A_473 : i32 to vector<16xi32>
          %parallel_loop3A_475 = arith.addi %parallel_loop3A_464, %parallel_loop3A_474 : vector<16xi32>
          %parallel_loop3A_476 = arith.constant 16 : i32
          %parallel_loop3A_477 = vector.broadcast %parallel_loop3A_476 : i32 to vector<16xi32>
          %parallel_loop3A_478 = arith.addi %parallel_loop3A_465, %parallel_loop3A_477 : vector<16xi32>
          %parallel_loop3A_479 = tpu.vector_load_idx %arg8[%add3A_359, %parallel_loop3A_478] : memref<128x128xf32, #tpu.memory_space<vmem>>[vector<16xi32>, vector<16xi32>], vector<16xf32>,
          tpu.vector_store_idx %arg10[%parallel_loop3A_475, %add3A_359], %parallel_loop3A_479 : memref<64x128xf32, #tpu.memory_space<vmem>>[vector<16xi32>, vector<16xi32>], vector<16xf32>,
          %parallel_loop3A_480 = arith.constant 32 : i32
          %parallel_loop3A_481 = vector.broadcast %parallel_loop3A_480 : i32 to vector<16xi32>
          %parallel_loop3A_482 = arith.addi %parallel_loop3A_464, %parallel_loop3A_481 : vector<16xi32>
          %parallel_loop3A_483 = arith.constant 32 : i32
          %parallel_loop3A_484 = vector.broadcast %parallel_loop3A_483 : i32 to vector<16xi32>
          %parallel_loop3A_485 = arith.addi %parallel_loop3A_465, %parallel_loop3A_484 : vector<16xi32>
          %parallel_loop3A_486 = tpu.vector_load_idx %arg8[%add3A_359, %parallel_loop3A_485] : memref<128x128xf32, #tpu.memory_space<vmem>>[vector<16xi32>, vector<16xi32>], vector<16xf32>,
          tpu.vector_store_idx %arg10[%parallel_loop3A_482, %add3A_359], %parallel_loop3A_486 : memref<64x128xf32, #tpu.memory_space<vmem>>[vector<16xi32>, vector<16xi32>], vector<16xf32>,
          %parallel_loop3A_487 = arith.constant 48 : i32
          %parallel_loop3A_488 = vector.broadcast %parallel_loop3A_487 : i32 to vector<16xi32>
          %parallel_loop3A_489 = arith.addi %parallel_loop3A_464, %parallel_loop3A_488 : vector<16xi32>
          %parallel_loop3A_490 = arith.constant 48 : i32
          %parallel_loop3A_491 = vector.broadcast %parallel_loop3A_490 : i32 to vector<16xi32>
          %parallel_loop3A_492 = arith.addi %parallel_loop3A_465, %parallel_loop3A_491 : vector<16xi32>
          %parallel_loop3A_493 = tpu.vector_load_idx %arg8[%add3A_359, %parallel_loop3A_492] : memref<128x128xf32, #tpu.memory_space<vmem>>[vector<16xi32>, vector<16xi32>], vector<16xf32>,
          tpu.vector_store_idx %arg10[%parallel_loop3A_489, %add3A_359], %parallel_loop3A_493 : memref<64x128xf32, #tpu.memory_space<vmem>>[vector<16xi32>, vector<16xi32>], vector<16xf32>,
        } {sc.loop_unroll_factor = 4 : i64, sc.parallel_access}
        %get3A_363 = arith.index_cast %rem3A_332 : i32 to index
        %get3A_364 = arith.constant 32 : index
        %get3A_365 = tpu.vector_load %arg5[%get3A_363, %get3A_364] {strides = array<i32>} : memref<8x128xi32, #tpu.memory_space<vmem>>, vector<16xi32>,
        %and3A_366 = arith.constant 1 : i32
        %and3A_367 = vector.broadcast %and3A_366 : i32 to vector<16xi32>
        %and3A_368 = arith.andi %get3A_365, %and3A_367 : vector<16xi32>
        %shift_left3A_369 = arith.constant 6 : i32
        %shift_left3A_370 = vector.broadcast %shift_left3A_369 : i32 to vector<16xi32>
        %shift_left3A_371 = arith.shli %and3A_368, %shift_left3A_370 : vector<16xi32>
        %add3A_372 = arith.constant 32 : i32
        %add3A_373 = vector.broadcast %add3A_372 : i32 to vector<16xi32>
        %add3A_374 = arith.addi %iota3A, %add3A_373 : vector<16xi32>
        %parallel_loop3A_375 = arith.constant 0 : i32
        %parallel_loop3A_376 = arith.constant 16 : i32
        %parallel_loop3A_377 = arith.constant 1 : i32
        scf.for %parallel_loop3A_459 = %parallel_loop3A_375 to %parallel_loop3A_376 step %parallel_loop3A_377  : i32 {
          %parallel_loop3A_460 = vector.broadcast %parallel_loop3A_459 : i32 to vector<16xi32>
          %parallel_loop3A_461 = arith.addi %iota3A, %parallel_loop3A_460 : vector<16xi32>
          %parallel_loop3A_462 = arith.constant 15 : i32
          %parallel_loop3A_463 = vector.broadcast %parallel_loop3A_462 : i32 to vector<16xi32>
          %parallel_loop3A_464 = arith.andi %parallel_loop3A_461, %parallel_loop3A_463 : vector<16xi32>
          %parallel_loop3A_465 = arith.addi %shift_left3A_371, %parallel_loop3A_464 : vector<16xi32>
          %parallel_loop3A_466 = arith.constant 0 : i32
          %parallel_loop3A_467 = vector.broadcast %parallel_loop3A_466 : i32 to vector<16xi32>
          %parallel_loop3A_468 = arith.addi %parallel_loop3A_464, %parallel_loop3A_467 : vector<16xi32>
          %parallel_loop3A_469 = arith.constant 0 : i32
          %parallel_loop3A_470 = vector.broadcast %parallel_loop3A_469 : i32 to vector<16xi32>
          %parallel_loop3A_471 = arith.addi %parallel_loop3A_465, %parallel_loop3A_470 : vector<16xi32>
          %parallel_loop3A_472 = tpu.vector_load_idx %arg8[%add3A_374, %parallel_loop3A_471] : memref<128x128xf32, #tpu.memory_space<vmem>>[vector<16xi32>, vector<16xi32>], vector<16xf32>,
          tpu.vector_store_idx %arg10[%parallel_loop3A_468, %add3A_374], %parallel_loop3A_472 : memref<64x128xf32, #tpu.memory_space<vmem>>[vector<16xi32>, vector<16xi32>], vector<16xf32>,
          %parallel_loop3A_473 = arith.constant 16 : i32
          %parallel_loop3A_474 = vector.broadcast %parallel_loop3A_473 : i32 to vector<16xi32>
          %parallel_loop3A_475 = arith.addi %parallel_loop3A_464, %parallel_loop3A_474 : vector<16xi32>
          %parallel_loop3A_476 = arith.constant 16 : i32
          %parallel_loop3A_477 = vector.broadcast %parallel_loop3A_476 : i32 to vector<16xi32>
          %parallel_loop3A_478 = arith.addi %parallel_loop3A_465, %parallel_loop3A_477 : vector<16xi32>
          %parallel_loop3A_479 = tpu.vector_load_idx %arg8[%add3A_374, %parallel_loop3A_478] : memref<128x128xf32, #tpu.memory_space<vmem>>[vector<16xi32>, vector<16xi32>], vector<16xf32>,
          tpu.vector_store_idx %arg10[%parallel_loop3A_475, %add3A_374], %parallel_loop3A_479 : memref<64x128xf32, #tpu.memory_space<vmem>>[vector<16xi32>, vector<16xi32>], vector<16xf32>,
          %parallel_loop3A_480 = arith.constant 32 : i32
          %parallel_loop3A_481 = vector.broadcast %parallel_loop3A_480 : i32 to vector<16xi32>
          %parallel_loop3A_482 = arith.addi %parallel_loop3A_464, %parallel_loop3A_481 : vector<16xi32>
          %parallel_loop3A_483 = arith.constant 32 : i32
          %parallel_loop3A_484 = vector.broadcast %parallel_loop3A_483 : i32 to vector<16xi32>
          %parallel_loop3A_485 = arith.addi %parallel_loop3A_465, %parallel_loop3A_484 : vector<16xi32>
          %parallel_loop3A_486 = tpu.vector_load_idx %arg8[%add3A_374, %parallel_loop3A_485] : memref<128x128xf32, #tpu.memory_space<vmem>>[vector<16xi32>, vector<16xi32>], vector<16xf32>,
          tpu.vector_store_idx %arg10[%parallel_loop3A_482, %add3A_374], %parallel_loop3A_486 : memref<64x128xf32, #tpu.memory_space<vmem>>[vector<16xi32>, vector<16xi32>], vector<16xf32>,
          %parallel_loop3A_487 = arith.constant 48 : i32
          %parallel_loop3A_488 = vector.broadcast %parallel_loop3A_487 : i32 to vector<16xi32>
          %parallel_loop3A_489 = arith.addi %parallel_loop3A_464, %parallel_loop3A_488 : vector<16xi32>
          %parallel_loop3A_490 = arith.constant 48 : i32
          %parallel_loop3A_491 = vector.broadcast %parallel_loop3A_490 : i32 to vector<16xi32>
          %parallel_loop3A_492 = arith.addi %parallel_loop3A_465, %parallel_loop3A_491 : vector<16xi32>
          %parallel_loop3A_493 = tpu.vector_load_idx %arg8[%add3A_374, %parallel_loop3A_492] : memref<128x128xf32, #tpu.memory_space<vmem>>[vector<16xi32>, vector<16xi32>], vector<16xf32>,
          tpu.vector_store_idx %arg10[%parallel_loop3A_489, %add3A_374], %parallel_loop3A_493 : memref<64x128xf32, #tpu.memory_space<vmem>>[vector<16xi32>, vector<16xi32>], vector<16xf32>,
        } {sc.loop_unroll_factor = 4 : i64, sc.parallel_access}
        %get3A_378 = arith.index_cast %rem3A_332 : i32 to index
        %get3A_379 = arith.constant 48 : index
        %get3A_380 = tpu.vector_load %arg5[%get3A_378, %get3A_379] {strides = array<i32>} : memref<8x128xi32, #tpu.memory_space<vmem>>, vector<16xi32>,
        %and3A_381 = arith.constant 1 : i32
        %and3A_382 = vector.broadcast %and3A_381 : i32 to vector<16xi32>
        %and3A_383 = arith.andi %get3A_380, %and3A_382 : vector<16xi32>
        %shift_left3A_384 = arith.constant 6 : i32
        %shift_left3A_385 = vector.broadcast %shift_left3A_384 : i32 to vector<16xi32>
        %shift_left3A_386 = arith.shli %and3A_383, %shift_left3A_385 : vector<16xi32>
        %add3A_387 = arith.constant 48 : i32
        %add3A_388 = vector.broadcast %add3A_387 : i32 to vector<16xi32>
        %add3A_389 = arith.addi %iota3A, %add3A_388 : vector<16xi32>
        %parallel_loop3A_390 = arith.constant 0 : i32
        %parallel_loop3A_391 = arith.constant 16 : i32
        %parallel_loop3A_392 = arith.constant 1 : i32
        scf.for %parallel_loop3A_459 = %parallel_loop3A_390 to %parallel_loop3A_391 step %parallel_loop3A_392  : i32 {
          %parallel_loop3A_460 = vector.broadcast %parallel_loop3A_459 : i32 to vector<16xi32>
          %parallel_loop3A_461 = arith.addi %iota3A, %parallel_loop3A_460 : vector<16xi32>
          %parallel_loop3A_462 = arith.constant 15 : i32
          %parallel_loop3A_463 = vector.broadcast %parallel_loop3A_462 : i32 to vector<16xi32>
          %parallel_loop3A_464 = arith.andi %parallel_loop3A_461, %parallel_loop3A_463 : vector<16xi32>
          %parallel_loop3A_465 = arith.addi %shift_left3A_386, %parallel_loop3A_464 : vector<16xi32>
          %parallel_loop3A_466 = arith.constant 0 : i32
          %parallel_loop3A_467 = vector.broadcast %parallel_loop3A_466 : i32 to vector<16xi32>
          %parallel_loop3A_468 = arith.addi %parallel_loop3A_464, %parallel_loop3A_467 : vector<16xi32>
          %parallel_loop3A_469 = arith.constant 0 : i32
          %parallel_loop3A_470 = vector.broadcast %parallel_loop3A_469 : i32 to vector<16xi32>
          %parallel_loop3A_471 = arith.addi %parallel_loop3A_465, %parallel_loop3A_470 : vector<16xi32>
          %parallel_loop3A_472 = tpu.vector_load_idx %arg8[%add3A_389, %parallel_loop3A_471] : memref<128x128xf32, #tpu.memory_space<vmem>>[vector<16xi32>, vector<16xi32>], vector<16xf32>,
          tpu.vector_store_idx %arg10[%parallel_loop3A_468, %add3A_389], %parallel_loop3A_472 : memref<64x128xf32, #tpu.memory_space<vmem>>[vector<16xi32>, vector<16xi32>], vector<16xf32>,
          %parallel_loop3A_473 = arith.constant 16 : i32
          %parallel_loop3A_474 = vector.broadcast %parallel_loop3A_473 : i32 to vector<16xi32>
          %parallel_loop3A_475 = arith.addi %parallel_loop3A_464, %parallel_loop3A_474 : vector<16xi32>
          %parallel_loop3A_476 = arith.constant 16 : i32
          %parallel_loop3A_477 = vector.broadcast %parallel_loop3A_476 : i32 to vector<16xi32>
          %parallel_loop3A_478 = arith.addi %parallel_loop3A_465, %parallel_loop3A_477 : vector<16xi32>
          %parallel_loop3A_479 = tpu.vector_load_idx %arg8[%add3A_389, %parallel_loop3A_478] : memref<128x128xf32, #tpu.memory_space<vmem>>[vector<16xi32>, vector<16xi32>], vector<16xf32>,
          tpu.vector_store_idx %arg10[%parallel_loop3A_475, %add3A_389], %parallel_loop3A_479 : memref<64x128xf32, #tpu.memory_space<vmem>>[vector<16xi32>, vector<16xi32>], vector<16xf32>,
          %parallel_loop3A_480 = arith.constant 32 : i32
          %parallel_loop3A_481 = vector.broadcast %parallel_loop3A_480 : i32 to vector<16xi32>
          %parallel_loop3A_482 = arith.addi %parallel_loop3A_464, %parallel_loop3A_481 : vector<16xi32>
          %parallel_loop3A_483 = arith.constant 32 : i32
          %parallel_loop3A_484 = vector.broadcast %parallel_loop3A_483 : i32 to vector<16xi32>
          %parallel_loop3A_485 = arith.addi %parallel_loop3A_465, %parallel_loop3A_484 : vector<16xi32>
          %parallel_loop3A_486 = tpu.vector_load_idx %arg8[%add3A_389, %parallel_loop3A_485] : memref<128x128xf32, #tpu.memory_space<vmem>>[vector<16xi32>, vector<16xi32>], vector<16xf32>,
          tpu.vector_store_idx %arg10[%parallel_loop3A_482, %add3A_389], %parallel_loop3A_486 : memref<64x128xf32, #tpu.memory_space<vmem>>[vector<16xi32>, vector<16xi32>], vector<16xf32>,
          %parallel_loop3A_487 = arith.constant 48 : i32
          %parallel_loop3A_488 = vector.broadcast %parallel_loop3A_487 : i32 to vector<16xi32>
          %parallel_loop3A_489 = arith.addi %parallel_loop3A_464, %parallel_loop3A_488 : vector<16xi32>
          %parallel_loop3A_490 = arith.constant 48 : i32
          %parallel_loop3A_491 = vector.broadcast %parallel_loop3A_490 : i32 to vector<16xi32>
          %parallel_loop3A_492 = arith.addi %parallel_loop3A_465, %parallel_loop3A_491 : vector<16xi32>
          %parallel_loop3A_493 = tpu.vector_load_idx %arg8[%add3A_389, %parallel_loop3A_492] : memref<128x128xf32, #tpu.memory_space<vmem>>[vector<16xi32>, vector<16xi32>], vector<16xf32>,
          tpu.vector_store_idx %arg10[%parallel_loop3A_489, %add3A_389], %parallel_loop3A_493 : memref<64x128xf32, #tpu.memory_space<vmem>>[vector<16xi32>, vector<16xi32>], vector<16xf32>,
        } {sc.loop_unroll_factor = 4 : i64, sc.parallel_access}
        %get3A_393 = arith.index_cast %rem3A_332 : i32 to index
        %get3A_394 = arith.constant 64 : index
        %get3A_395 = tpu.vector_load %arg5[%get3A_393, %get3A_394] {strides = array<i32>} : memref<8x128xi32, #tpu.memory_space<vmem>>, vector<16xi32>,
        %and3A_396 = arith.constant 1 : i32
        %and3A_397 = vector.broadcast %and3A_396 : i32 to vector<16xi32>
        %and3A_398 = arith.andi %get3A_395, %and3A_397 : vector<16xi32>
        %shift_left3A_399 = arith.constant 6 : i32
        %shift_left3A_400 = vector.broadcast %shift_left3A_399 : i32 to vector<16xi32>
        %shift_left3A_401 = arith.shli %and3A_398, %shift_left3A_400 : vector<16xi32>
        %add3A_402 = arith.constant 64 : i32
        %add3A_403 = vector.broadcast %add3A_402 : i32 to vector<16xi32>
        %add3A_404 = arith.addi %iota3A, %add3A_403 : vector<16xi32>
        %parallel_loop3A_405 = arith.constant 0 : i32
        %parallel_loop3A_406 = arith.constant 16 : i32
        %parallel_loop3A_407 = arith.constant 1 : i32
        scf.for %parallel_loop3A_459 = %parallel_loop3A_405 to %parallel_loop3A_406 step %parallel_loop3A_407  : i32 {
          %parallel_loop3A_460 = vector.broadcast %parallel_loop3A_459 : i32 to vector<16xi32>
          %parallel_loop3A_461 = arith.addi %iota3A, %parallel_loop3A_460 : vector<16xi32>
          %parallel_loop3A_462 = arith.constant 15 : i32
          %parallel_loop3A_463 = vector.broadcast %parallel_loop3A_462 : i32 to vector<16xi32>
          %parallel_loop3A_464 = arith.andi %parallel_loop3A_461, %parallel_loop3A_463 : vector<16xi32>
          %parallel_loop3A_465 = arith.addi %shift_left3A_401, %parallel_loop3A_464 : vector<16xi32>
          %parallel_loop3A_466 = arith.constant 0 : i32
          %parallel_loop3A_467 = vector.broadcast %parallel_loop3A_466 : i32 to vector<16xi32>
          %parallel_loop3A_468 = arith.addi %parallel_loop3A_464, %parallel_loop3A_467 : vector<16xi32>
          %parallel_loop3A_469 = arith.constant 0 : i32
          %parallel_loop3A_470 = vector.broadcast %parallel_loop3A_469 : i32 to vector<16xi32>
          %parallel_loop3A_471 = arith.addi %parallel_loop3A_465, %parallel_loop3A_470 : vector<16xi32>
          %parallel_loop3A_472 = tpu.vector_load_idx %arg8[%add3A_404, %parallel_loop3A_471] : memref<128x128xf32, #tpu.memory_space<vmem>>[vector<16xi32>, vector<16xi32>], vector<16xf32>,
          tpu.vector_store_idx %arg10[%parallel_loop3A_468, %add3A_404], %parallel_loop3A_472 : memref<64x128xf32, #tpu.memory_space<vmem>>[vector<16xi32>, vector<16xi32>], vector<16xf32>,
          %parallel_loop3A_473 = arith.constant 16 : i32
          %parallel_loop3A_474 = vector.broadcast %parallel_loop3A_473 : i32 to vector<16xi32>
          %parallel_loop3A_475 = arith.addi %parallel_loop3A_464, %parallel_loop3A_474 : vector<16xi32>
          %parallel_loop3A_476 = arith.constant 16 : i32
          %parallel_loop3A_477 = vector.broadcast %parallel_loop3A_476 : i32 to vector<16xi32>
          %parallel_loop3A_478 = arith.addi %parallel_loop3A_465, %parallel_loop3A_477 : vector<16xi32>
          %parallel_loop3A_479 = tpu.vector_load_idx %arg8[%add3A_404, %parallel_loop3A_478] : memref<128x128xf32, #tpu.memory_space<vmem>>[vector<16xi32>, vector<16xi32>], vector<16xf32>,
          tpu.vector_store_idx %arg10[%parallel_loop3A_475, %add3A_404], %parallel_loop3A_479 : memref<64x128xf32, #tpu.memory_space<vmem>>[vector<16xi32>, vector<16xi32>], vector<16xf32>,
          %parallel_loop3A_480 = arith.constant 32 : i32
          %parallel_loop3A_481 = vector.broadcast %parallel_loop3A_480 : i32 to vector<16xi32>
          %parallel_loop3A_482 = arith.addi %parallel_loop3A_464, %parallel_loop3A_481 : vector<16xi32>
          %parallel_loop3A_483 = arith.constant 32 : i32
          %parallel_loop3A_484 = vector.broadcast %parallel_loop3A_483 : i32 to vector<16xi32>
          %parallel_loop3A_485 = arith.addi %parallel_loop3A_465, %parallel_loop3A_484 : vector<16xi32>
          %parallel_loop3A_486 = tpu.vector_load_idx %arg8[%add3A_404, %parallel_loop3A_485] : memref<128x128xf32, #tpu.memory_space<vmem>>[vector<16xi32>, vector<16xi32>], vector<16xf32>,
          tpu.vector_store_idx %arg10[%parallel_loop3A_482, %add3A_404], %parallel_loop3A_486 : memref<64x128xf32, #tpu.memory_space<vmem>>[vector<16xi32>, vector<16xi32>], vector<16xf32>,
          %parallel_loop3A_487 = arith.constant 48 : i32
          %parallel_loop3A_488 = vector.broadcast %parallel_loop3A_487 : i32 to vector<16xi32>
          %parallel_loop3A_489 = arith.addi %parallel_loop3A_464, %parallel_loop3A_488 : vector<16xi32>
          %parallel_loop3A_490 = arith.constant 48 : i32
          %parallel_loop3A_491 = vector.broadcast %parallel_loop3A_490 : i32 to vector<16xi32>
          %parallel_loop3A_492 = arith.addi %parallel_loop3A_465, %parallel_loop3A_491 : vector<16xi32>
          %parallel_loop3A_493 = tpu.vector_load_idx %arg8[%add3A_404, %parallel_loop3A_492] : memref<128x128xf32, #tpu.memory_space<vmem>>[vector<16xi32>, vector<16xi32>], vector<16xf32>,
          tpu.vector_store_idx %arg10[%parallel_loop3A_489, %add3A_404], %parallel_loop3A_493 : memref<64x128xf32, #tpu.memory_space<vmem>>[vector<16xi32>, vector<16xi32>], vector<16xf32>,
        } {sc.loop_unroll_factor = 4 : i64, sc.parallel_access}
        %get3A_408 = arith.index_cast %rem3A_332 : i32 to index
        %get3A_409 = arith.constant 80 : index
        %get3A_410 = tpu.vector_load %arg5[%get3A_408, %get3A_409] {strides = array<i32>} : memref<8x128xi32, #tpu.memory_space<vmem>>, vector<16xi32>,
        %and3A_411 = arith.constant 1 : i32
        %and3A_412 = vector.broadcast %and3A_411 : i32 to vector<16xi32>
        %and3A_413 = arith.andi %get3A_410, %and3A_412 : vector<16xi32>
        %shift_left3A_414 = arith.constant 6 : i32
        %shift_left3A_415 = vector.broadcast %shift_left3A_414 : i32 to vector<16xi32>
        %shift_left3A_416 = arith.shli %and3A_413, %shift_left3A_415 : vector<16xi32>
        %add3A_417 = arith.constant 80 : i32
        %add3A_418 = vector.broadcast %add3A_417 : i32 to vector<16xi32>
        %add3A_419 = arith.addi %iota3A, %add3A_418 : vector<16xi32>
        %parallel_loop3A_420 = arith.constant 0 : i32
        %parallel_loop3A_421 = arith.constant 16 : i32
        %parallel_loop3A_422 = arith.constant 1 : i32
        scf.for %parallel_loop3A_459 = %parallel_loop3A_420 to %parallel_loop3A_421 step %parallel_loop3A_422  : i32 {
          %parallel_loop3A_460 = vector.broadcast %parallel_loop3A_459 : i32 to vector<16xi32>
          %parallel_loop3A_461 = arith.addi %iota3A, %parallel_loop3A_460 : vector<16xi32>
          %parallel_loop3A_462 = arith.constant 15 : i32
          %parallel_loop3A_463 = vector.broadcast %parallel_loop3A_462 : i32 to vector<16xi32>
          %parallel_loop3A_464 = arith.andi %parallel_loop3A_461, %parallel_loop3A_463 : vector<16xi32>
          %parallel_loop3A_465 = arith.addi %shift_left3A_416, %parallel_loop3A_464 : vector<16xi32>
          %parallel_loop3A_466 = arith.constant 0 : i32
          %parallel_loop3A_467 = vector.broadcast %parallel_loop3A_466 : i32 to vector<16xi32>
          %parallel_loop3A_468 = arith.addi %parallel_loop3A_464, %parallel_loop3A_467 : vector<16xi32>
          %parallel_loop3A_469 = arith.constant 0 : i32
          %parallel_loop3A_470 = vector.broadcast %parallel_loop3A_469 : i32 to vector<16xi32>
          %parallel_loop3A_471 = arith.addi %parallel_loop3A_465, %parallel_loop3A_470 : vector<16xi32>
          %parallel_loop3A_472 = tpu.vector_load_idx %arg8[%add3A_419, %parallel_loop3A_471] : memref<128x128xf32, #tpu.memory_space<vmem>>[vector<16xi32>, vector<16xi32>], vector<16xf32>,
          tpu.vector_store_idx %arg10[%parallel_loop3A_468, %add3A_419], %parallel_loop3A_472 : memref<64x128xf32, #tpu.memory_space<vmem>>[vector<16xi32>, vector<16xi32>], vector<16xf32>,
          %parallel_loop3A_473 = arith.constant 16 : i32
          %parallel_loop3A_474 = vector.broadcast %parallel_loop3A_473 : i32 to vector<16xi32>
          %parallel_loop3A_475 = arith.addi %parallel_loop3A_464, %parallel_loop3A_474 : vector<16xi32>
          %parallel_loop3A_476 = arith.constant 16 : i32
          %parallel_loop3A_477 = vector.broadcast %parallel_loop3A_476 : i32 to vector<16xi32>
          %parallel_loop3A_478 = arith.addi %parallel_loop3A_465, %parallel_loop3A_477 : vector<16xi32>
          %parallel_loop3A_479 = tpu.vector_load_idx %arg8[%add3A_419, %parallel_loop3A_478] : memref<128x128xf32, #tpu.memory_space<vmem>>[vector<16xi32>, vector<16xi32>], vector<16xf32>,
          tpu.vector_store_idx %arg10[%parallel_loop3A_475, %add3A_419], %parallel_loop3A_479 : memref<64x128xf32, #tpu.memory_space<vmem>>[vector<16xi32>, vector<16xi32>], vector<16xf32>,
          %parallel_loop3A_480 = arith.constant 32 : i32
          %parallel_loop3A_481 = vector.broadcast %parallel_loop3A_480 : i32 to vector<16xi32>
          %parallel_loop3A_482 = arith.addi %parallel_loop3A_464, %parallel_loop3A_481 : vector<16xi32>
          %parallel_loop3A_483 = arith.constant 32 : i32
          %parallel_loop3A_484 = vector.broadcast %parallel_loop3A_483 : i32 to vector<16xi32>
          %parallel_loop3A_485 = arith.addi %parallel_loop3A_465, %parallel_loop3A_484 : vector<16xi32>
          %parallel_loop3A_486 = tpu.vector_load_idx %arg8[%add3A_419, %parallel_loop3A_485] : memref<128x128xf32, #tpu.memory_space<vmem>>[vector<16xi32>, vector<16xi32>], vector<16xf32>,
          tpu.vector_store_idx %arg10[%parallel_loop3A_482, %add3A_419], %parallel_loop3A_486 : memref<64x128xf32, #tpu.memory_space<vmem>>[vector<16xi32>, vector<16xi32>], vector<16xf32>,
          %parallel_loop3A_487 = arith.constant 48 : i32
          %parallel_loop3A_488 = vector.broadcast %parallel_loop3A_487 : i32 to vector<16xi32>
          %parallel_loop3A_489 = arith.addi %parallel_loop3A_464, %parallel_loop3A_488 : vector<16xi32>
          %parallel_loop3A_490 = arith.constant 48 : i32
          %parallel_loop3A_491 = vector.broadcast %parallel_loop3A_490 : i32 to vector<16xi32>
          %parallel_loop3A_492 = arith.addi %parallel_loop3A_465, %parallel_loop3A_491 : vector<16xi32>
          %parallel_loop3A_493 = tpu.vector_load_idx %arg8[%add3A_419, %parallel_loop3A_492] : memref<128x128xf32, #tpu.memory_space<vmem>>[vector<16xi32>, vector<16xi32>], vector<16xf32>,
          tpu.vector_store_idx %arg10[%parallel_loop3A_489, %add3A_419], %parallel_loop3A_493 : memref<64x128xf32, #tpu.memory_space<vmem>>[vector<16xi32>, vector<16xi32>], vector<16xf32>,
        } {sc.loop_unroll_factor = 4 : i64, sc.parallel_access}
        %get3A_423 = arith.index_cast %rem3A_332 : i32 to index
        %get3A_424 = arith.constant 96 : index
        %get3A_425 = tpu.vector_load %arg5[%get3A_423, %get3A_424] {strides = array<i32>} : memref<8x128xi32, #tpu.memory_space<vmem>>, vector<16xi32>,
        %and3A_426 = arith.constant 1 : i32
        %and3A_427 = vector.broadcast %and3A_426 : i32 to vector<16xi32>
        %and3A_428 = arith.andi %get3A_425, %and3A_427 : vector<16xi32>
        %shift_left3A_429 = arith.constant 6 : i32
        %shift_left3A_430 = vector.broadcast %shift_left3A_429 : i32 to vector<16xi32>
        %shift_left3A_431 = arith.shli %and3A_428, %shift_left3A_430 : vector<16xi32>
        %add3A_432 = arith.constant 96 : i32
        %add3A_433 = vector.broadcast %add3A_432 : i32 to vector<16xi32>
        %add3A_434 = arith.addi %iota3A, %add3A_433 : vector<16xi32>
        %parallel_loop3A_435 = arith.constant 0 : i32
        %parallel_loop3A_436 = arith.constant 16 : i32
        %parallel_loop3A_437 = arith.constant 1 : i32
        scf.for %parallel_loop3A_459 = %parallel_loop3A_435 to %parallel_loop3A_436 step %parallel_loop3A_437  : i32 {
          %parallel_loop3A_460 = vector.broadcast %parallel_loop3A_459 : i32 to vector<16xi32>
          %parallel_loop3A_461 = arith.addi %iota3A, %parallel_loop3A_460 : vector<16xi32>
          %parallel_loop3A_462 = arith.constant 15 : i32
          %parallel_loop3A_463 = vector.broadcast %parallel_loop3A_462 : i32 to vector<16xi32>
          %parallel_loop3A_464 = arith.andi %parallel_loop3A_461, %parallel_loop3A_463 : vector<16xi32>
          %parallel_loop3A_465 = arith.addi %shift_left3A_431, %parallel_loop3A_464 : vector<16xi32>
          %parallel_loop3A_466 = arith.constant 0 : i32
          %parallel_loop3A_467 = vector.broadcast %parallel_loop3A_466 : i32 to vector<16xi32>
          %parallel_loop3A_468 = arith.addi %parallel_loop3A_464, %parallel_loop3A_467 : vector<16xi32>
          %parallel_loop3A_469 = arith.constant 0 : i32
          %parallel_loop3A_470 = vector.broadcast %parallel_loop3A_469 : i32 to vector<16xi32>
          %parallel_loop3A_471 = arith.addi %parallel_loop3A_465, %parallel_loop3A_470 : vector<16xi32>
          %parallel_loop3A_472 = tpu.vector_load_idx %arg8[%add3A_434, %parallel_loop3A_471] : memref<128x128xf32, #tpu.memory_space<vmem>>[vector<16xi32>, vector<16xi32>], vector<16xf32>,
          tpu.vector_store_idx %arg10[%parallel_loop3A_468, %add3A_434], %parallel_loop3A_472 : memref<64x128xf32, #tpu.memory_space<vmem>>[vector<16xi32>, vector<16xi32>], vector<16xf32>,
          %parallel_loop3A_473 = arith.constant 16 : i32
          %parallel_loop3A_474 = vector.broadcast %parallel_loop3A_473 : i32 to vector<16xi32>
          %parallel_loop3A_475 = arith.addi %parallel_loop3A_464, %parallel_loop3A_474 : vector<16xi32>
          %parallel_loop3A_476 = arith.constant 16 : i32
          %parallel_loop3A_477 = vector.broadcast %parallel_loop3A_476 : i32 to vector<16xi32>
          %parallel_loop3A_478 = arith.addi %parallel_loop3A_465, %parallel_loop3A_477 : vector<16xi32>
          %parallel_loop3A_479 = tpu.vector_load_idx %arg8[%add3A_434, %parallel_loop3A_478] : memref<128x128xf32, #tpu.memory_space<vmem>>[vector<16xi32>, vector<16xi32>], vector<16xf32>,
          tpu.vector_store_idx %arg10[%parallel_loop3A_475, %add3A_434], %parallel_loop3A_479 : memref<64x128xf32, #tpu.memory_space<vmem>>[vector<16xi32>, vector<16xi32>], vector<16xf32>,
          %parallel_loop3A_480 = arith.constant 32 : i32
          %parallel_loop3A_481 = vector.broadcast %parallel_loop3A_480 : i32 to vector<16xi32>
          %parallel_loop3A_482 = arith.addi %parallel_loop3A_464, %parallel_loop3A_481 : vector<16xi32>
          %parallel_loop3A_483 = arith.constant 32 : i32
          %parallel_loop3A_484 = vector.broadcast %parallel_loop3A_483 : i32 to vector<16xi32>
          %parallel_loop3A_485 = arith.addi %parallel_loop3A_465, %parallel_loop3A_484 : vector<16xi32>
          %parallel_loop3A_486 = tpu.vector_load_idx %arg8[%add3A_434, %parallel_loop3A_485] : memref<128x128xf32, #tpu.memory_space<vmem>>[vector<16xi32>, vector<16xi32>], vector<16xf32>,
          tpu.vector_store_idx %arg10[%parallel_loop3A_482, %add3A_434], %parallel_loop3A_486 : memref<64x128xf32, #tpu.memory_space<vmem>>[vector<16xi32>, vector<16xi32>], vector<16xf32>,
          %parallel_loop3A_487 = arith.constant 48 : i32
          %parallel_loop3A_488 = vector.broadcast %parallel_loop3A_487 : i32 to vector<16xi32>
          %parallel_loop3A_489 = arith.addi %parallel_loop3A_464, %parallel_loop3A_488 : vector<16xi32>
          %parallel_loop3A_490 = arith.constant 48 : i32
          %parallel_loop3A_491 = vector.broadcast %parallel_loop3A_490 : i32 to vector<16xi32>
          %parallel_loop3A_492 = arith.addi %parallel_loop3A_465, %parallel_loop3A_491 : vector<16xi32>
          %parallel_loop3A_493 = tpu.vector_load_idx %arg8[%add3A_434, %parallel_loop3A_492] : memref<128x128xf32, #tpu.memory_space<vmem>>[vector<16xi32>, vector<16xi32>], vector<16xf32>,
          tpu.vector_store_idx %arg10[%parallel_loop3A_489, %add3A_434], %parallel_loop3A_493 : memref<64x128xf32, #tpu.memory_space<vmem>>[vector<16xi32>, vector<16xi32>], vector<16xf32>,
        } {sc.loop_unroll_factor = 4 : i64, sc.parallel_access}
        %get3A_438 = arith.index_cast %rem3A_332 : i32 to index
        %get3A_439 = arith.constant 112 : index
        %get3A_440 = tpu.vector_load %arg5[%get3A_438, %get3A_439] {strides = array<i32>} : memref<8x128xi32, #tpu.memory_space<vmem>>, vector<16xi32>,
        %and3A_441 = arith.constant 1 : i32
        %and3A_442 = vector.broadcast %and3A_441 : i32 to vector<16xi32>
        %and3A_443 = arith.andi %get3A_440, %and3A_442 : vector<16xi32>
        %shift_left3A_444 = arith.constant 6 : i32
        %shift_left3A_445 = vector.broadcast %shift_left3A_444 : i32 to vector<16xi32>
        %shift_left3A_446 = arith.shli %and3A_443, %shift_left3A_445 : vector<16xi32>
        %add3A_447 = arith.constant 112 : i32
        %add3A_448 = vector.broadcast %add3A_447 : i32 to vector<16xi32>
        %add3A_449 = arith.addi %iota3A, %add3A_448 : vector<16xi32>
        %parallel_loop3A_450 = arith.constant 0 : i32
        %parallel_loop3A_451 = arith.constant 16 : i32
        %parallel_loop3A_452 = arith.constant 1 : i32
        scf.for %parallel_loop3A_459 = %parallel_loop3A_450 to %parallel_loop3A_451 step %parallel_loop3A_452  : i32 {
          %parallel_loop3A_460 = vector.broadcast %parallel_loop3A_459 : i32 to vector<16xi32>
          %parallel_loop3A_461 = arith.addi %iota3A, %parallel_loop3A_460 : vector<16xi32>
          %parallel_loop3A_462 = arith.constant 15 : i32
          %parallel_loop3A_463 = vector.broadcast %parallel_loop3A_462 : i32 to vector<16xi32>
          %parallel_loop3A_464 = arith.andi %parallel_loop3A_461, %parallel_loop3A_463 : vector<16xi32>
          %parallel_loop3A_465 = arith.addi %shift_left3A_446, %parallel_loop3A_464 : vector<16xi32>
          %parallel_loop3A_466 = arith.constant 0 : i32
          %parallel_loop3A_467 = vector.broadcast %parallel_loop3A_466 : i32 to vector<16xi32>
          %parallel_loop3A_468 = arith.addi %parallel_loop3A_464, %parallel_loop3A_467 : vector<16xi32>
          %parallel_loop3A_469 = arith.constant 0 : i32
          %parallel_loop3A_470 = vector.broadcast %parallel_loop3A_469 : i32 to vector<16xi32>
          %parallel_loop3A_471 = arith.addi %parallel_loop3A_465, %parallel_loop3A_470 : vector<16xi32>
          %parallel_loop3A_472 = tpu.vector_load_idx %arg8[%add3A_449, %parallel_loop3A_471] : memref<128x128xf32, #tpu.memory_space<vmem>>[vector<16xi32>, vector<16xi32>], vector<16xf32>,
          tpu.vector_store_idx %arg10[%parallel_loop3A_468, %add3A_449], %parallel_loop3A_472 : memref<64x128xf32, #tpu.memory_space<vmem>>[vector<16xi32>, vector<16xi32>], vector<16xf32>,
          %parallel_loop3A_473 = arith.constant 16 : i32
          %parallel_loop3A_474 = vector.broadcast %parallel_loop3A_473 : i32 to vector<16xi32>
          %parallel_loop3A_475 = arith.addi %parallel_loop3A_464, %parallel_loop3A_474 : vector<16xi32>
          %parallel_loop3A_476 = arith.constant 16 : i32
          %parallel_loop3A_477 = vector.broadcast %parallel_loop3A_476 : i32 to vector<16xi32>
          %parallel_loop3A_478 = arith.addi %parallel_loop3A_465, %parallel_loop3A_477 : vector<16xi32>
          %parallel_loop3A_479 = tpu.vector_load_idx %arg8[%add3A_449, %parallel_loop3A_478] : memref<128x128xf32, #tpu.memory_space<vmem>>[vector<16xi32>, vector<16xi32>], vector<16xf32>,
          tpu.vector_store_idx %arg10[%parallel_loop3A_475, %add3A_449], %parallel_loop3A_479 : memref<64x128xf32, #tpu.memory_space<vmem>>[vector<16xi32>, vector<16xi32>], vector<16xf32>,
          %parallel_loop3A_480 = arith.constant 32 : i32
          %parallel_loop3A_481 = vector.broadcast %parallel_loop3A_480 : i32 to vector<16xi32>
          %parallel_loop3A_482 = arith.addi %parallel_loop3A_464, %parallel_loop3A_481 : vector<16xi32>
          %parallel_loop3A_483 = arith.constant 32 : i32
          %parallel_loop3A_484 = vector.broadcast %parallel_loop3A_483 : i32 to vector<16xi32>
          %parallel_loop3A_485 = arith.addi %parallel_loop3A_465, %parallel_loop3A_484 : vector<16xi32>
          %parallel_loop3A_486 = tpu.vector_load_idx %arg8[%add3A_449, %parallel_loop3A_485] : memref<128x128xf32, #tpu.memory_space<vmem>>[vector<16xi32>, vector<16xi32>], vector<16xf32>,
          tpu.vector_store_idx %arg10[%parallel_loop3A_482, %add3A_449], %parallel_loop3A_486 : memref<64x128xf32, #tpu.memory_space<vmem>>[vector<16xi32>, vector<16xi32>], vector<16xf32>,
          %parallel_loop3A_487 = arith.constant 48 : i32
          %parallel_loop3A_488 = vector.broadcast %parallel_loop3A_487 : i32 to vector<16xi32>
          %parallel_loop3A_489 = arith.addi %parallel_loop3A_464, %parallel_loop3A_488 : vector<16xi32>
          %parallel_loop3A_490 = arith.constant 48 : i32
          %parallel_loop3A_491 = vector.broadcast %parallel_loop3A_490 : i32 to vector<16xi32>
          %parallel_loop3A_492 = arith.addi %parallel_loop3A_465, %parallel_loop3A_491 : vector<16xi32>
          %parallel_loop3A_493 = tpu.vector_load_idx %arg8[%add3A_449, %parallel_loop3A_492] : memref<128x128xf32, #tpu.memory_space<vmem>>[vector<16xi32>, vector<16xi32>], vector<16xf32>,
          tpu.vector_store_idx %arg10[%parallel_loop3A_489, %add3A_449], %parallel_loop3A_493 : memref<64x128xf32, #tpu.memory_space<vmem>>[vector<16xi32>, vector<16xi32>], vector<16xf32>,
        } {sc.loop_unroll_factor = 4 : i64, sc.parallel_access}
        %dma_start3A_453 = arith.constant 0 : i32
        %dma_start3A_454 = tpu.memref_slice %arg4[%sub3A_330, %dma_start3A_453, %mul3A_2] : memref<200x64x4096xf32, #tpu.memory_space<hbm>> -> memref<1x64x128xf32, #tpu.memory_space<hbm>>
        %dma_start3A_455 = tpu.memref_squeeze %dma_start3A_454 : memref<1x64x128xf32, #tpu.memory_space<hbm>> -> memref<64x128xf32, #tpu.memory_space<hbm>>
        %dma_start3A_456 = arith.constant 0 : i32
        %dma_start3A_457 = tpu.memref_slice %arg4[%sub3A_330, %dma_start3A_456, %mul3A_2] : memref<200x64x4096xf32, #tpu.memory_space<hbm>> -> memref<1x64x128xf32, #tpu.memory_space<hbm>>
        %dma_start3A_458 = tpu.memref_squeeze %dma_start3A_457 : memref<1x64x128xf32, #tpu.memory_space<hbm>> -> memref<64x128xf32, #tpu.memory_space<hbm>>
        tpu.enqueue_dma source(%arg10 : memref<64x128xf32, #tpu.memory_space<vmem>>) target(%dma_start3A_458 : memref<64x128xf32, #tpu.memory_space<hbm>>) target_semaphore(%arg14 : memref<!tpu.dma_semaphore, #tpu.memory_space<semaphore_mem>>)
      } else {
      }
      %rem3A_244 = arith.constant 8 : i32
      %rem3A_245 = arith.remsi %add3A_238, %rem3A_244 : i32
      %eq3A_246 = arith.constant 0 : i32
      %eq3A_247 = arith.cmpi eq, %rem3A_245, %eq3A_246 : i32
      %convert_element_type3A_248 = arith.extui %eq3A_247 : i1 to i32
      %cond3A_249 = arith.constant 0 : i32
      %cond3A_250 = arith.cmpi ne, %convert_element_type3A_248, %cond3A_249 : i32
      scf.if %cond3A_250 {
        %jit3A = arith.constant 8 : i32
        %div3A = arith.divsi %add3A_238, %jit3A : i32
        %sign3A = arith.constant 0 : i32
        %sign3A_320 = arith.cmpi sgt, %add3A_238, %sign3A : i32
        %sign3A_321 = arith.extui %sign3A_320 : i1 to i32
        %sign3A_322 = arith.constant 0 : i32
        %sign3A_323 = arith.cmpi slt, %add3A_238, %sign3A_322 : i32
        %sign3A_324 = arith.extui %sign3A_323 : i1 to i32
        %sign3A_325 = arith.subi %sign3A_321, %sign3A_324 : i32
        %sign3A_326 = arith.constant 0 : i32
        %sign3A_327 = arith.cmpi sgt, %jit3A, %sign3A_326 : i32
        %sign3A_328 = arith.extui %sign3A_327 : i1 to i32
        %sign3A_329 = arith.constant 0 : i32
        %sign3A_330 = arith.cmpi slt, %jit3A, %sign3A_329 : i32
        %sign3A_331 = arith.extui %sign3A_330 : i1 to i32
        %sign3A_332 = arith.subi %sign3A_328, %sign3A_331 : i32
        %ne3A = arith.cmpi ne, %sign3A_325, %sign3A_332 : i32
        %rem3A_333 = arith.remsi %add3A_238, %jit3A : i32
        %ne3A_334 = arith.constant 0 : i32
        %ne3A_335 = arith.cmpi ne, %rem3A_333, %ne3A_334 : i32
        %and3A_336 = arith.andi %ne3A, %ne3A_335 : i1
        %sub3A = arith.constant 1 : i32
        %sub3A_337 = arith.subi %div3A, %sub3A : i32
        %select_n3A = arith.select %and3A_336, %sub3A_337, %div3A : i32
        %mul3A_338 = arith.constant 8 : i32
        %mul3A_339 = arith.muli %select_n3A, %mul3A_338 : i32
        "tpu.region"() ({
          %run_scoped3A = tpu.sem_alloc : memref<!tpu.dma_semaphore, #tpu.memory_space<semaphore_mem>>
          %dma_start3A_340 = tpu.memref_slice %arg2[%mul3A_339, %mul3A_2] : memref<200x4096xi32, #tpu.memory_space<hbm>> -> memref<8x128xi32, #tpu.memory_space<hbm>>
          %dma_start3A_341 = tpu.memref_slice %arg2[%mul3A_339, %mul3A_2] : memref<200x4096xi32, #tpu.memory_space<hbm>> -> memref<8x128xi32, #tpu.memory_space<hbm>>
          tpu.enqueue_dma source(%dma_start3A_341 : memref<8x128xi32, #tpu.memory_space<hbm>>) target(%arg5 : memref<8x128xi32, #tpu.memory_space<vmem>>) target_semaphore(%run_scoped3A : memref<!tpu.dma_semaphore, #tpu.memory_space<semaphore_mem>>)
          %dma_wait3A_342 = tpu.memref_slice %arg2[%mul3A_339, %mul3A_2] : memref<200x4096xi32, #tpu.memory_space<hbm>> -> memref<8x128xi32, #tpu.memory_space<hbm>>
          %dma_wait3A_343 = tpu.memref_slice %arg2[%mul3A_339, %mul3A_2] : memref<200x4096xi32, #tpu.memory_space<hbm>> -> memref<8x128xi32, #tpu.memory_space<hbm>>
          tpu.wait_dma2 semaphore(%run_scoped3A : memref<!tpu.dma_semaphore, #tpu.memory_space<semaphore_mem>>) src(%dma_wait3A_343 : memref<8x128xi32, #tpu.memory_space<hbm>>) dst(%arg5 : memref<8x128xi32, #tpu.memory_space<vmem>>)
          tpu.yield
        }) : () -> ()
      } else {
      }
      %rem3A_251 = arith.constant 8 : i32
      %rem3A_252 = arith.remsi %add3A_238, %rem3A_251 : i32
      %get3A_253 = arith.index_cast %rem3A_252 : i32 to index
      %get3A_254 = arith.constant 0 : index
      %get3A_255 = tpu.vector_load %arg5[%get3A_253, %get3A_254] {strides = array<i32>} : memref<8x128xi32, #tpu.memory_space<vmem>>, vector<16xi32>,
      %shift_right_logical3A_256 = arith.constant 1 : i32
      %shift_right_logical3A_257 = vector.broadcast %shift_right_logical3A_256 : i32 to vector<16xi32>
      %shift_right_logical3A_258 = arith.shrui %get3A_255, %shift_right_logical3A_257 : vector<16xi32>
      %swap3A_259 = arith.constant 0 : index
      %swap3A_260 = tpu.vector_load %arg7[%swap3A_259] {strides = array<i32>} : memref<128xi32, #tpu.memory_space<vmem>>, vector<16xi32>,
      tpu.vector_store %arg7[%swap3A_259], %shift_right_logical3A_258 {strides = array<i32>} : memref<128xi32, #tpu.memory_space<vmem>>, vector<16xi32>,
      %get3A_261 = arith.index_cast %rem3A_252 : i32 to index
      %get3A_262 = arith.constant 16 : index
      %get3A_263 = tpu.vector_load %arg5[%get3A_261, %get3A_262] {strides = array<i32>} : memref<8x128xi32, #tpu.memory_space<vmem>>, vector<16xi32>,
      %shift_right_logical3A_264 = arith.constant 1 : i32
      %shift_right_logical3A_265 = vector.broadcast %shift_right_logical3A_264 : i32 to vector<16xi32>
      %shift_right_logical3A_266 = arith.shrui %get3A_263, %shift_right_logical3A_265 : vector<16xi32>
      %swap3A_267 = arith.constant 16 : index
      %swap3A_268 = tpu.vector_load %arg7[%swap3A_267] {strides = array<i32>} : memref<128xi32, #tpu.memory_space<vmem>>, vector<16xi32>,
      tpu.vector_store %arg7[%swap3A_267], %shift_right_logical3A_266 {strides = array<i32>} : memref<128xi32, #tpu.memory_space<vmem>>, vector<16xi32>,
      %get3A_269 = arith.index_cast %rem3A_252 : i32 to index
      %get3A_270 = arith.constant 32 : index
      %get3A_271 = tpu.vector_load %arg5[%get3A_269, %get3A_270] {strides = array<i32>} : memref<8x128xi32, #tpu.memory_space<vmem>>, vector<16xi32>,
      %shift_right_logical3A_272 = arith.constant 1 : i32
      %shift_right_logical3A_273 = vector.broadcast %shift_right_logical3A_272 : i32 to vector<16xi32>
      %shift_right_logical3A_274 = arith.shrui %get3A_271, %shift_right_logical3A_273 : vector<16xi32>
      %swap3A_275 = arith.constant 32 : index
      %swap3A_276 = tpu.vector_load %arg7[%swap3A_275] {strides = array<i32>} : memref<128xi32, #tpu.memory_space<vmem>>, vector<16xi32>,
      tpu.vector_store %arg7[%swap3A_275], %shift_right_logical3A_274 {strides = array<i32>} : memref<128xi32, #tpu.memory_space<vmem>>, vector<16xi32>,
      %get3A_277 = arith.index_cast %rem3A_252 : i32 to index
      %get3A_278 = arith.constant 48 : index
      %get3A_279 = tpu.vector_load %arg5[%get3A_277, %get3A_278] {strides = array<i32>} : memref<8x128xi32, #tpu.memory_space<vmem>>, vector<16xi32>,
      %shift_right_logical3A_280 = arith.constant 1 : i32
      %shift_right_logical3A_281 = vector.broadcast %shift_right_logical3A_280 : i32 to vector<16xi32>
      %shift_right_logical3A_282 = arith.shrui %get3A_279, %shift_right_logical3A_281 : vector<16xi32>
      %swap3A_283 = arith.constant 48 : index
      %swap3A_284 = tpu.vector_load %arg7[%swap3A_283] {strides = array<i32>} : memref<128xi32, #tpu.memory_space<vmem>>, vector<16xi32>,
      tpu.vector_store %arg7[%swap3A_283], %shift_right_logical3A_282 {strides = array<i32>} : memref<128xi32, #tpu.memory_space<vmem>>, vector<16xi32>,
      %get3A_285 = arith.index_cast %rem3A_252 : i32 to index
      %get3A_286 = arith.constant 64 : index
      %get3A_287 = tpu.vector_load %arg5[%get3A_285, %get3A_286] {strides = array<i32>} : memref<8x128xi32, #tpu.memory_space<vmem>>, vector<16xi32>,
      %shift_right_logical3A_288 = arith.constant 1 : i32
      %shift_right_logical3A_289 = vector.broadcast %shift_right_logical3A_288 : i32 to vector<16xi32>
      %shift_right_logical3A_290 = arith.shrui %get3A_287, %shift_right_logical3A_289 : vector<16xi32>
      %swap3A_291 = arith.constant 64 : index
      %swap3A_292 = tpu.vector_load %arg7[%swap3A_291] {strides = array<i32>} : memref<128xi32, #tpu.memory_space<vmem>>, vector<16xi32>,
      tpu.vector_store %arg7[%swap3A_291], %shift_right_logical3A_290 {strides = array<i32>} : memref<128xi32, #tpu.memory_space<vmem>>, vector<16xi32>,
      %get3A_293 = arith.index_cast %rem3A_252 : i32 to index
      %get3A_294 = arith.constant 80 : index
      %get3A_295 = tpu.vector_load %arg5[%get3A_293, %get3A_294] {strides = array<i32>} : memref<8x128xi32, #tpu.memory_space<vmem>>, vector<16xi32>,
      %shift_right_logical3A_296 = arith.constant 1 : i32
      %shift_right_logical3A_297 = vector.broadcast %shift_right_logical3A_296 : i32 to vector<16xi32>
      %shift_right_logical3A_298 = arith.shrui %get3A_295, %shift_right_logical3A_297 : vector<16xi32>
      %swap3A_299 = arith.constant 80 : index
      %swap3A_300 = tpu.vector_load %arg7[%swap3A_299] {strides = array<i32>} : memref<128xi32, #tpu.memory_space<vmem>>, vector<16xi32>,
      tpu.vector_store %arg7[%swap3A_299], %shift_right_logical3A_298 {strides = array<i32>} : memref<128xi32, #tpu.memory_space<vmem>>, vector<16xi32>,
      %get3A_301 = arith.index_cast %rem3A_252 : i32 to index
      %get3A_302 = arith.constant 96 : index
      %get3A_303 = tpu.vector_load %arg5[%get3A_301, %get3A_302] {strides = array<i32>} : memref<8x128xi32, #tpu.memory_space<vmem>>, vector<16xi32>,
      %shift_right_logical3A_304 = arith.constant 1 : i32
      %shift_right_logical3A_305 = vector.broadcast %shift_right_logical3A_304 : i32 to vector<16xi32>
      %shift_right_logical3A_306 = arith.shrui %get3A_303, %shift_right_logical3A_305 : vector<16xi32>
      %swap3A_307 = arith.constant 96 : index
      %swap3A_308 = tpu.vector_load %arg7[%swap3A_307] {strides = array<i32>} : memref<128xi32, #tpu.memory_space<vmem>>, vector<16xi32>,
      tpu.vector_store %arg7[%swap3A_307], %shift_right_logical3A_306 {strides = array<i32>} : memref<128xi32, #tpu.memory_space<vmem>>, vector<16xi32>,
      %get3A_309 = arith.index_cast %rem3A_252 : i32 to index
      %get3A_310 = arith.constant 112 : index
      %get3A_311 = tpu.vector_load %arg5[%get3A_309, %get3A_310] {strides = array<i32>} : memref<8x128xi32, #tpu.memory_space<vmem>>, vector<16xi32>,
      %shift_right_logical3A_312 = arith.constant 1 : i32
      %shift_right_logical3A_313 = vector.broadcast %shift_right_logical3A_312 : i32 to vector<16xi32>
      %shift_right_logical3A_314 = arith.shrui %get3A_311, %shift_right_logical3A_313 : vector<16xi32>
      %swap3A_315 = arith.constant 112 : index
      %swap3A_316 = tpu.vector_load %arg7[%swap3A_315] {strides = array<i32>} : memref<128xi32, #tpu.memory_space<vmem>>, vector<16xi32>,
      tpu.vector_store %arg7[%swap3A_315], %shift_right_logical3A_314 {strides = array<i32>} : memref<128xi32, #tpu.memory_space<vmem>>, vector<16xi32>,
      %dma_start3A_317 = arith.constant 0 : i32
      %dma_start3A_318 = arith.constant 0 : i32
      %dma_start3A_319 = tpu.memref_slice %arg3[%dma_start3A_317, %dma_start3A_318] : memref<500000x128xf32, #tpu.memory_space<hbm>> -> memref<500000x128xf32, #tpu.memory_space<hbm>>
      tpu.enqueue_indirect_dma source(%dma_start3A_319 : memref<500000x128xf32, #tpu.memory_space<hbm>>) target(%arg9 : memref<128x128xf32, #tpu.memory_space<vmem>>) offsets(%arg7 : memref<128xi32, #tpu.memory_space<vmem>>) semaphore(%arg13 : memref<!tpu.dma_semaphore, #tpu.memory_space<semaphore_mem>>)
    }
    %scan3A_7 = arith.constant 100 : i32
    %dma_wait3A = arith.constant 0 : i32
    %dma_wait3A_8 = arith.constant 0 : i32
    %dma_wait3A_9 = tpu.memref_slice %arg3[%dma_wait3A, %dma_wait3A_8] : memref<500000x128xf32, #tpu.memory_space<hbm>> -> memref<500000x128xf32, #tpu.memory_space<hbm>>
    tpu.wait_indirect_dma semaphore(%arg13 : memref<!tpu.dma_semaphore, #tpu.memory_space<semaphore_mem>>) src(%dma_wait3A_9 : memref<500000x128xf32, #tpu.memory_space<hbm>>) dst(%arg9 : memref<128x128xf32, #tpu.memory_space<vmem>>)
    %dma_wait3A_10 = arith.constant 197 : i32
    %dma_wait3A_11 = arith.constant 0 : i32
    %dma_wait3A_12 = tpu.memref_slice %arg4[%dma_wait3A_10, %dma_wait3A_11, %mul3A_2] : memref<200x64x4096xf32, #tpu.memory_space<hbm>> -> memref<1x64x128xf32, #tpu.memory_space<hbm>>
    %dma_wait3A_13 = tpu.memref_squeeze %dma_wait3A_12 : memref<1x64x128xf32, #tpu.memory_space<hbm>> -> memref<64x128xf32, #tpu.memory_space<hbm>>
    %dma_wait3A_14 = arith.constant 0 : i32
    %dma_wait3A_15 = tpu.memref_slice %arg4[%dma_wait3A_10, %dma_wait3A_14, %mul3A_2] : memref<200x64x4096xf32, #tpu.memory_space<hbm>> -> memref<1x64x128xf32, #tpu.memory_space<hbm>>
    %dma_wait3A_16 = tpu.memref_squeeze %dma_wait3A_15 : memref<1x64x128xf32, #tpu.memory_space<hbm>> -> memref<64x128xf32, #tpu.memory_space<hbm>>
    tpu.wait_dma2 semaphore(%arg15 : memref<!tpu.dma_semaphore, #tpu.memory_space<semaphore_mem>>) src(%arg11 : memref<64x128xf32, #tpu.memory_space<vmem>>) dst(%dma_wait3A_16 : memref<64x128xf32, #tpu.memory_space<hbm>>)
    %rem3A = arith.constant 199 : i32
    %rem3A_17 = arith.constant 8 : i32
    %rem3A_18 = arith.remsi %rem3A, %rem3A_17 : i32
    %get3A = arith.index_cast %rem3A_18 : i32 to index
    %get3A_19 = arith.constant 0 : index
    %get3A_20 = tpu.vector_load %arg5[%get3A, %get3A_19] {strides = array<i32>} : memref<8x128xi32, #tpu.memory_space<vmem>>, vector<16xi32>,
    %and3A = arith.constant 1 : i32
    %and3A_21 = vector.broadcast %and3A : i32 to vector<16xi32>
    %and3A_22 = arith.andi %get3A_20, %and3A_21 : vector<16xi32>
    %shift_left3A = arith.constant 6 : i32
    %shift_left3A_23 = vector.broadcast %shift_left3A : i32 to vector<16xi32>
    %shift_left3A_24 = arith.shli %and3A_22, %shift_left3A_23 : vector<16xi32>
    %add3A_25 = arith.constant 0 : i32
    %add3A_26 = vector.broadcast %add3A_25 : i32 to vector<16xi32>
    %add3A_27 = arith.addi %iota3A, %add3A_26 : vector<16xi32>
    %parallel_loop3A = arith.constant 0 : i32
    %parallel_loop3A_28 = arith.constant 16 : i32
    %parallel_loop3A_29 = arith.constant 1 : i32
    scf.for %parallel_loop3A_155 = %parallel_loop3A to %parallel_loop3A_28 step %parallel_loop3A_29  : i32 {
      %parallel_loop3A_156 = vector.broadcast %parallel_loop3A_155 : i32 to vector<16xi32>
      %parallel_loop3A_157 = arith.addi %iota3A, %parallel_loop3A_156 : vector<16xi32>
      %parallel_loop3A_158 = arith.constant 15 : i32
      %parallel_loop3A_159 = vector.broadcast %parallel_loop3A_158 : i32 to vector<16xi32>
      %parallel_loop3A_160 = arith.andi %parallel_loop3A_157, %parallel_loop3A_159 : vector<16xi32>
      %parallel_loop3A_161 = arith.addi %shift_left3A_24, %parallel_loop3A_160 : vector<16xi32>
      %parallel_loop3A_162 = arith.constant 0 : i32
      %parallel_loop3A_163 = vector.broadcast %parallel_loop3A_162 : i32 to vector<16xi32>
      %parallel_loop3A_164 = arith.addi %parallel_loop3A_160, %parallel_loop3A_163 : vector<16xi32>
      %parallel_loop3A_165 = arith.constant 0 : i32
      %parallel_loop3A_166 = vector.broadcast %parallel_loop3A_165 : i32 to vector<16xi32>
      %parallel_loop3A_167 = arith.addi %parallel_loop3A_161, %parallel_loop3A_166 : vector<16xi32>
      %parallel_loop3A_168 = tpu.vector_load_idx %arg9[%add3A_27, %parallel_loop3A_167] : memref<128x128xf32, #tpu.memory_space<vmem>>[vector<16xi32>, vector<16xi32>], vector<16xf32>,
      tpu.vector_store_idx %arg11[%parallel_loop3A_164, %add3A_27], %parallel_loop3A_168 : memref<64x128xf32, #tpu.memory_space<vmem>>[vector<16xi32>, vector<16xi32>], vector<16xf32>,
      %parallel_loop3A_169 = arith.constant 16 : i32
      %parallel_loop3A_170 = vector.broadcast %parallel_loop3A_169 : i32 to vector<16xi32>
      %parallel_loop3A_171 = arith.addi %parallel_loop3A_160, %parallel_loop3A_170 : vector<16xi32>
      %parallel_loop3A_172 = arith.constant 16 : i32
      %parallel_loop3A_173 = vector.broadcast %parallel_loop3A_172 : i32 to vector<16xi32>
      %parallel_loop3A_174 = arith.addi %parallel_loop3A_161, %parallel_loop3A_173 : vector<16xi32>
      %parallel_loop3A_175 = tpu.vector_load_idx %arg9[%add3A_27, %parallel_loop3A_174] : memref<128x128xf32, #tpu.memory_space<vmem>>[vector<16xi32>, vector<16xi32>], vector<16xf32>,
      tpu.vector_store_idx %arg11[%parallel_loop3A_171, %add3A_27], %parallel_loop3A_175 : memref<64x128xf32, #tpu.memory_space<vmem>>[vector<16xi32>, vector<16xi32>], vector<16xf32>,
      %parallel_loop3A_176 = arith.constant 32 : i32
      %parallel_loop3A_177 = vector.broadcast %parallel_loop3A_176 : i32 to vector<16xi32>
      %parallel_loop3A_178 = arith.addi %parallel_loop3A_160, %parallel_loop3A_177 : vector<16xi32>
      %parallel_loop3A_179 = arith.constant 32 : i32
      %parallel_loop3A_180 = vector.broadcast %parallel_loop3A_179 : i32 to vector<16xi32>
      %parallel_loop3A_181 = arith.addi %parallel_loop3A_161, %parallel_loop3A_180 : vector<16xi32>
      %parallel_loop3A_182 = tpu.vector_load_idx %arg9[%add3A_27, %parallel_loop3A_181] : memref<128x128xf32, #tpu.memory_space<vmem>>[vector<16xi32>, vector<16xi32>], vector<16xf32>,
      tpu.vector_store_idx %arg11[%parallel_loop3A_178, %add3A_27], %parallel_loop3A_182 : memref<64x128xf32, #tpu.memory_space<vmem>>[vector<16xi32>, vector<16xi32>], vector<16xf32>,
      %parallel_loop3A_183 = arith.constant 48 : i32
      %parallel_loop3A_184 = vector.broadcast %parallel_loop3A_183 : i32 to vector<16xi32>
      %parallel_loop3A_185 = arith.addi %parallel_loop3A_160, %parallel_loop3A_184 : vector<16xi32>
      %parallel_loop3A_186 = arith.constant 48 : i32
      %parallel_loop3A_187 = vector.broadcast %parallel_loop3A_186 : i32 to vector<16xi32>
      %parallel_loop3A_188 = arith.addi %parallel_loop3A_161, %parallel_loop3A_187 : vector<16xi32>
      %parallel_loop3A_189 = tpu.vector_load_idx %arg9[%add3A_27, %parallel_loop3A_188] : memref<128x128xf32, #tpu.memory_space<vmem>>[vector<16xi32>, vector<16xi32>], vector<16xf32>,
      tpu.vector_store_idx %arg11[%parallel_loop3A_185, %add3A_27], %parallel_loop3A_189 : memref<64x128xf32, #tpu.memory_space<vmem>>[vector<16xi32>, vector<16xi32>], vector<16xf32>,
    } {sc.loop_unroll_factor = 4 : i64, sc.parallel_access}
    %get3A_30 = arith.index_cast %rem3A_18 : i32 to index
    %get3A_31 = arith.constant 16 : index
    %get3A_32 = tpu.vector_load %arg5[%get3A_30, %get3A_31] {strides = array<i32>} : memref<8x128xi32, #tpu.memory_space<vmem>>, vector<16xi32>,
    %and3A_33 = arith.constant 1 : i32
    %and3A_34 = vector.broadcast %and3A_33 : i32 to vector<16xi32>
    %and3A_35 = arith.andi %get3A_32, %and3A_34 : vector<16xi32>
    %shift_left3A_36 = arith.constant 6 : i32
    %shift_left3A_37 = vector.broadcast %shift_left3A_36 : i32 to vector<16xi32>
    %shift_left3A_38 = arith.shli %and3A_35, %shift_left3A_37 : vector<16xi32>
    %add3A_39 = arith.constant 16 : i32
    %add3A_40 = vector.broadcast %add3A_39 : i32 to vector<16xi32>
    %add3A_41 = arith.addi %iota3A, %add3A_40 : vector<16xi32>
    %parallel_loop3A_42 = arith.constant 0 : i32
    %parallel_loop3A_43 = arith.constant 16 : i32
    %parallel_loop3A_44 = arith.constant 1 : i32
    scf.for %parallel_loop3A_155 = %parallel_loop3A_42 to %parallel_loop3A_43 step %parallel_loop3A_44  : i32 {
      %parallel_loop3A_156 = vector.broadcast %parallel_loop3A_155 : i32 to vector<16xi32>
      %parallel_loop3A_157 = arith.addi %iota3A, %parallel_loop3A_156 : vector<16xi32>
      %parallel_loop3A_158 = arith.constant 15 : i32
      %parallel_loop3A_159 = vector.broadcast %parallel_loop3A_158 : i32 to vector<16xi32>
      %parallel_loop3A_160 = arith.andi %parallel_loop3A_157, %parallel_loop3A_159 : vector<16xi32>
      %parallel_loop3A_161 = arith.addi %shift_left3A_38, %parallel_loop3A_160 : vector<16xi32>
      %parallel_loop3A_162 = arith.constant 0 : i32
      %parallel_loop3A_163 = vector.broadcast %parallel_loop3A_162 : i32 to vector<16xi32>
      %parallel_loop3A_164 = arith.addi %parallel_loop3A_160, %parallel_loop3A_163 : vector<16xi32>
      %parallel_loop3A_165 = arith.constant 0 : i32
      %parallel_loop3A_166 = vector.broadcast %parallel_loop3A_165 : i32 to vector<16xi32>
      %parallel_loop3A_167 = arith.addi %parallel_loop3A_161, %parallel_loop3A_166 : vector<16xi32>
      %parallel_loop3A_168 = tpu.vector_load_idx %arg9[%add3A_41, %parallel_loop3A_167] : memref<128x128xf32, #tpu.memory_space<vmem>>[vector<16xi32>, vector<16xi32>], vector<16xf32>,
      tpu.vector_store_idx %arg11[%parallel_loop3A_164, %add3A_41], %parallel_loop3A_168 : memref<64x128xf32, #tpu.memory_space<vmem>>[vector<16xi32>, vector<16xi32>], vector<16xf32>,
      %parallel_loop3A_169 = arith.constant 16 : i32
      %parallel_loop3A_170 = vector.broadcast %parallel_loop3A_169 : i32 to vector<16xi32>
      %parallel_loop3A_171 = arith.addi %parallel_loop3A_160, %parallel_loop3A_170 : vector<16xi32>
      %parallel_loop3A_172 = arith.constant 16 : i32
      %parallel_loop3A_173 = vector.broadcast %parallel_loop3A_172 : i32 to vector<16xi32>
      %parallel_loop3A_174 = arith.addi %parallel_loop3A_161, %parallel_loop3A_173 : vector<16xi32>
      %parallel_loop3A_175 = tpu.vector_load_idx %arg9[%add3A_41, %parallel_loop3A_174] : memref<128x128xf32, #tpu.memory_space<vmem>>[vector<16xi32>, vector<16xi32>], vector<16xf32>,
      tpu.vector_store_idx %arg11[%parallel_loop3A_171, %add3A_41], %parallel_loop3A_175 : memref<64x128xf32, #tpu.memory_space<vmem>>[vector<16xi32>, vector<16xi32>], vector<16xf32>,
      %parallel_loop3A_176 = arith.constant 32 : i32
      %parallel_loop3A_177 = vector.broadcast %parallel_loop3A_176 : i32 to vector<16xi32>
      %parallel_loop3A_178 = arith.addi %parallel_loop3A_160, %parallel_loop3A_177 : vector<16xi32>
      %parallel_loop3A_179 = arith.constant 32 : i32
      %parallel_loop3A_180 = vector.broadcast %parallel_loop3A_179 : i32 to vector<16xi32>
      %parallel_loop3A_181 = arith.addi %parallel_loop3A_161, %parallel_loop3A_180 : vector<16xi32>
      %parallel_loop3A_182 = tpu.vector_load_idx %arg9[%add3A_41, %parallel_loop3A_181] : memref<128x128xf32, #tpu.memory_space<vmem>>[vector<16xi32>, vector<16xi32>], vector<16xf32>,
      tpu.vector_store_idx %arg11[%parallel_loop3A_178, %add3A_41], %parallel_loop3A_182 : memref<64x128xf32, #tpu.memory_space<vmem>>[vector<16xi32>, vector<16xi32>], vector<16xf32>,
      %parallel_loop3A_183 = arith.constant 48 : i32
      %parallel_loop3A_184 = vector.broadcast %parallel_loop3A_183 : i32 to vector<16xi32>
      %parallel_loop3A_185 = arith.addi %parallel_loop3A_160, %parallel_loop3A_184 : vector<16xi32>
      %parallel_loop3A_186 = arith.constant 48 : i32
      %parallel_loop3A_187 = vector.broadcast %parallel_loop3A_186 : i32 to vector<16xi32>
      %parallel_loop3A_188 = arith.addi %parallel_loop3A_161, %parallel_loop3A_187 : vector<16xi32>
      %parallel_loop3A_189 = tpu.vector_load_idx %arg9[%add3A_41, %parallel_loop3A_188] : memref<128x128xf32, #tpu.memory_space<vmem>>[vector<16xi32>, vector<16xi32>], vector<16xf32>,
      tpu.vector_store_idx %arg11[%parallel_loop3A_185, %add3A_41], %parallel_loop3A_189 : memref<64x128xf32, #tpu.memory_space<vmem>>[vector<16xi32>, vector<16xi32>], vector<16xf32>,
    } {sc.loop_unroll_factor = 4 : i64, sc.parallel_access}
    %get3A_45 = arith.index_cast %rem3A_18 : i32 to index
    %get3A_46 = arith.constant 32 : index
    %get3A_47 = tpu.vector_load %arg5[%get3A_45, %get3A_46] {strides = array<i32>} : memref<8x128xi32, #tpu.memory_space<vmem>>, vector<16xi32>,
    %and3A_48 = arith.constant 1 : i32
    %and3A_49 = vector.broadcast %and3A_48 : i32 to vector<16xi32>
    %and3A_50 = arith.andi %get3A_47, %and3A_49 : vector<16xi32>
    %shift_left3A_51 = arith.constant 6 : i32
    %shift_left3A_52 = vector.broadcast %shift_left3A_51 : i32 to vector<16xi32>
    %shift_left3A_53 = arith.shli %and3A_50, %shift_left3A_52 : vector<16xi32>
    %add3A_54 = arith.constant 32 : i32
    %add3A_55 = vector.broadcast %add3A_54 : i32 to vector<16xi32>
    %add3A_56 = arith.addi %iota3A, %add3A_55 : vector<16xi32>
    %parallel_loop3A_57 = arith.constant 0 : i32
    %parallel_loop3A_58 = arith.constant 16 : i32
    %parallel_loop3A_59 = arith.constant 1 : i32
    scf.for %parallel_loop3A_155 = %parallel_loop3A_57 to %parallel_loop3A_58 step %parallel_loop3A_59  : i32 {
      %parallel_loop3A_156 = vector.broadcast %parallel_loop3A_155 : i32 to vector<16xi32>
      %parallel_loop3A_157 = arith.addi %iota3A, %parallel_loop3A_156 : vector<16xi32>
      %parallel_loop3A_158 = arith.constant 15 : i32
      %parallel_loop3A_159 = vector.broadcast %parallel_loop3A_158 : i32 to vector<16xi32>
      %parallel_loop3A_160 = arith.andi %parallel_loop3A_157, %parallel_loop3A_159 : vector<16xi32>
      %parallel_loop3A_161 = arith.addi %shift_left3A_53, %parallel_loop3A_160 : vector<16xi32>
      %parallel_loop3A_162 = arith.constant 0 : i32
      %parallel_loop3A_163 = vector.broadcast %parallel_loop3A_162 : i32 to vector<16xi32>
      %parallel_loop3A_164 = arith.addi %parallel_loop3A_160, %parallel_loop3A_163 : vector<16xi32>
      %parallel_loop3A_165 = arith.constant 0 : i32
      %parallel_loop3A_166 = vector.broadcast %parallel_loop3A_165 : i32 to vector<16xi32>
      %parallel_loop3A_167 = arith.addi %parallel_loop3A_161, %parallel_loop3A_166 : vector<16xi32>
      %parallel_loop3A_168 = tpu.vector_load_idx %arg9[%add3A_56, %parallel_loop3A_167] : memref<128x128xf32, #tpu.memory_space<vmem>>[vector<16xi32>, vector<16xi32>], vector<16xf32>,
      tpu.vector_store_idx %arg11[%parallel_loop3A_164, %add3A_56], %parallel_loop3A_168 : memref<64x128xf32, #tpu.memory_space<vmem>>[vector<16xi32>, vector<16xi32>], vector<16xf32>,
      %parallel_loop3A_169 = arith.constant 16 : i32
      %parallel_loop3A_170 = vector.broadcast %parallel_loop3A_169 : i32 to vector<16xi32>
      %parallel_loop3A_171 = arith.addi %parallel_loop3A_160, %parallel_loop3A_170 : vector<16xi32>
      %parallel_loop3A_172 = arith.constant 16 : i32
      %parallel_loop3A_173 = vector.broadcast %parallel_loop3A_172 : i32 to vector<16xi32>
      %parallel_loop3A_174 = arith.addi %parallel_loop3A_161, %parallel_loop3A_173 : vector<16xi32>
      %parallel_loop3A_175 = tpu.vector_load_idx %arg9[%add3A_56, %parallel_loop3A_174] : memref<128x128xf32, #tpu.memory_space<vmem>>[vector<16xi32>, vector<16xi32>], vector<16xf32>,
      tpu.vector_store_idx %arg11[%parallel_loop3A_171, %add3A_56], %parallel_loop3A_175 : memref<64x128xf32, #tpu.memory_space<vmem>>[vector<16xi32>, vector<16xi32>], vector<16xf32>,
      %parallel_loop3A_176 = arith.constant 32 : i32
      %parallel_loop3A_177 = vector.broadcast %parallel_loop3A_176 : i32 to vector<16xi32>
      %parallel_loop3A_178 = arith.addi %parallel_loop3A_160, %parallel_loop3A_177 : vector<16xi32>
      %parallel_loop3A_179 = arith.constant 32 : i32
      %parallel_loop3A_180 = vector.broadcast %parallel_loop3A_179 : i32 to vector<16xi32>
      %parallel_loop3A_181 = arith.addi %parallel_loop3A_161, %parallel_loop3A_180 : vector<16xi32>
      %parallel_loop3A_182 = tpu.vector_load_idx %arg9[%add3A_56, %parallel_loop3A_181] : memref<128x128xf32, #tpu.memory_space<vmem>>[vector<16xi32>, vector<16xi32>], vector<16xf32>,
      tpu.vector_store_idx %arg11[%parallel_loop3A_178, %add3A_56], %parallel_loop3A_182 : memref<64x128xf32, #tpu.memory_space<vmem>>[vector<16xi32>, vector<16xi32>], vector<16xf32>,
      %parallel_loop3A_183 = arith.constant 48 : i32
      %parallel_loop3A_184 = vector.broadcast %parallel_loop3A_183 : i32 to vector<16xi32>
      %parallel_loop3A_185 = arith.addi %parallel_loop3A_160, %parallel_loop3A_184 : vector<16xi32>
      %parallel_loop3A_186 = arith.constant 48 : i32
      %parallel_loop3A_187 = vector.broadcast %parallel_loop3A_186 : i32 to vector<16xi32>
      %parallel_loop3A_188 = arith.addi %parallel_loop3A_161, %parallel_loop3A_187 : vector<16xi32>
      %parallel_loop3A_189 = tpu.vector_load_idx %arg9[%add3A_56, %parallel_loop3A_188] : memref<128x128xf32, #tpu.memory_space<vmem>>[vector<16xi32>, vector<16xi32>], vector<16xf32>,
      tpu.vector_store_idx %arg11[%parallel_loop3A_185, %add3A_56], %parallel_loop3A_189 : memref<64x128xf32, #tpu.memory_space<vmem>>[vector<16xi32>, vector<16xi32>], vector<16xf32>,
    } {sc.loop_unroll_factor = 4 : i64, sc.parallel_access}
    %get3A_60 = arith.index_cast %rem3A_18 : i32 to index
    %get3A_61 = arith.constant 48 : index
    %get3A_62 = tpu.vector_load %arg5[%get3A_60, %get3A_61] {strides = array<i32>} : memref<8x128xi32, #tpu.memory_space<vmem>>, vector<16xi32>,
    %and3A_63 = arith.constant 1 : i32
    %and3A_64 = vector.broadcast %and3A_63 : i32 to vector<16xi32>
    %and3A_65 = arith.andi %get3A_62, %and3A_64 : vector<16xi32>
    %shift_left3A_66 = arith.constant 6 : i32
    %shift_left3A_67 = vector.broadcast %shift_left3A_66 : i32 to vector<16xi32>
    %shift_left3A_68 = arith.shli %and3A_65, %shift_left3A_67 : vector<16xi32>
    %add3A_69 = arith.constant 48 : i32
    %add3A_70 = vector.broadcast %add3A_69 : i32 to vector<16xi32>
    %add3A_71 = arith.addi %iota3A, %add3A_70 : vector<16xi32>
    %parallel_loop3A_72 = arith.constant 0 : i32
    %parallel_loop3A_73 = arith.constant 16 : i32
    %parallel_loop3A_74 = arith.constant 1 : i32
    scf.for %parallel_loop3A_155 = %parallel_loop3A_72 to %parallel_loop3A_73 step %parallel_loop3A_74  : i32 {
      %parallel_loop3A_156 = vector.broadcast %parallel_loop3A_155 : i32 to vector<16xi32>
      %parallel_loop3A_157 = arith.addi %iota3A, %parallel_loop3A_156 : vector<16xi32>
      %parallel_loop3A_158 = arith.constant 15 : i32
      %parallel_loop3A_159 = vector.broadcast %parallel_loop3A_158 : i32 to vector<16xi32>
      %parallel_loop3A_160 = arith.andi %parallel_loop3A_157, %parallel_loop3A_159 : vector<16xi32>
      %parallel_loop3A_161 = arith.addi %shift_left3A_68, %parallel_loop3A_160 : vector<16xi32>
      %parallel_loop3A_162 = arith.constant 0 : i32
      %parallel_loop3A_163 = vector.broadcast %parallel_loop3A_162 : i32 to vector<16xi32>
      %parallel_loop3A_164 = arith.addi %parallel_loop3A_160, %parallel_loop3A_163 : vector<16xi32>
      %parallel_loop3A_165 = arith.constant 0 : i32
      %parallel_loop3A_166 = vector.broadcast %parallel_loop3A_165 : i32 to vector<16xi32>
      %parallel_loop3A_167 = arith.addi %parallel_loop3A_161, %parallel_loop3A_166 : vector<16xi32>
      %parallel_loop3A_168 = tpu.vector_load_idx %arg9[%add3A_71, %parallel_loop3A_167] : memref<128x128xf32, #tpu.memory_space<vmem>>[vector<16xi32>, vector<16xi32>], vector<16xf32>,
      tpu.vector_store_idx %arg11[%parallel_loop3A_164, %add3A_71], %parallel_loop3A_168 : memref<64x128xf32, #tpu.memory_space<vmem>>[vector<16xi32>, vector<16xi32>], vector<16xf32>,
      %parallel_loop3A_169 = arith.constant 16 : i32
      %parallel_loop3A_170 = vector.broadcast %parallel_loop3A_169 : i32 to vector<16xi32>
      %parallel_loop3A_171 = arith.addi %parallel_loop3A_160, %parallel_loop3A_170 : vector<16xi32>
      %parallel_loop3A_172 = arith.constant 16 : i32
      %parallel_loop3A_173 = vector.broadcast %parallel_loop3A_172 : i32 to vector<16xi32>
      %parallel_loop3A_174 = arith.addi %parallel_loop3A_161, %parallel_loop3A_173 : vector<16xi32>
      %parallel_loop3A_175 = tpu.vector_load_idx %arg9[%add3A_71, %parallel_loop3A_174] : memref<128x128xf32, #tpu.memory_space<vmem>>[vector<16xi32>, vector<16xi32>], vector<16xf32>,
      tpu.vector_store_idx %arg11[%parallel_loop3A_171, %add3A_71], %parallel_loop3A_175 : memref<64x128xf32, #tpu.memory_space<vmem>>[vector<16xi32>, vector<16xi32>], vector<16xf32>,
      %parallel_loop3A_176 = arith.constant 32 : i32
      %parallel_loop3A_177 = vector.broadcast %parallel_loop3A_176 : i32 to vector<16xi32>
      %parallel_loop3A_178 = arith.addi %parallel_loop3A_160, %parallel_loop3A_177 : vector<16xi32>
      %parallel_loop3A_179 = arith.constant 32 : i32
      %parallel_loop3A_180 = vector.broadcast %parallel_loop3A_179 : i32 to vector<16xi32>
      %parallel_loop3A_181 = arith.addi %parallel_loop3A_161, %parallel_loop3A_180 : vector<16xi32>
      %parallel_loop3A_182 = tpu.vector_load_idx %arg9[%add3A_71, %parallel_loop3A_181] : memref<128x128xf32, #tpu.memory_space<vmem>>[vector<16xi32>, vector<16xi32>], vector<16xf32>,
      tpu.vector_store_idx %arg11[%parallel_loop3A_178, %add3A_71], %parallel_loop3A_182 : memref<64x128xf32, #tpu.memory_space<vmem>>[vector<16xi32>, vector<16xi32>], vector<16xf32>,
      %parallel_loop3A_183 = arith.constant 48 : i32
      %parallel_loop3A_184 = vector.broadcast %parallel_loop3A_183 : i32 to vector<16xi32>
      %parallel_loop3A_185 = arith.addi %parallel_loop3A_160, %parallel_loop3A_184 : vector<16xi32>
      %parallel_loop3A_186 = arith.constant 48 : i32
      %parallel_loop3A_187 = vector.broadcast %parallel_loop3A_186 : i32 to vector<16xi32>
      %parallel_loop3A_188 = arith.addi %parallel_loop3A_161, %parallel_loop3A_187 : vector<16xi32>
      %parallel_loop3A_189 = tpu.vector_load_idx %arg9[%add3A_71, %parallel_loop3A_188] : memref<128x128xf32, #tpu.memory_space<vmem>>[vector<16xi32>, vector<16xi32>], vector<16xf32>,
      tpu.vector_store_idx %arg11[%parallel_loop3A_185, %add3A_71], %parallel_loop3A_189 : memref<64x128xf32, #tpu.memory_space<vmem>>[vector<16xi32>, vector<16xi32>], vector<16xf32>,
    } {sc.loop_unroll_factor = 4 : i64, sc.parallel_access}
    %get3A_75 = arith.index_cast %rem3A_18 : i32 to index
    %get3A_76 = arith.constant 64 : index
    %get3A_77 = tpu.vector_load %arg5[%get3A_75, %get3A_76] {strides = array<i32>} : memref<8x128xi32, #tpu.memory_space<vmem>>, vector<16xi32>,
    %and3A_78 = arith.constant 1 : i32
    %and3A_79 = vector.broadcast %and3A_78 : i32 to vector<16xi32>
    %and3A_80 = arith.andi %get3A_77, %and3A_79 : vector<16xi32>
    %shift_left3A_81 = arith.constant 6 : i32
    %shift_left3A_82 = vector.broadcast %shift_left3A_81 : i32 to vector<16xi32>
    %shift_left3A_83 = arith.shli %and3A_80, %shift_left3A_82 : vector<16xi32>
    %add3A_84 = arith.constant 64 : i32
    %add3A_85 = vector.broadcast %add3A_84 : i32 to vector<16xi32>
    %add3A_86 = arith.addi %iota3A, %add3A_85 : vector<16xi32>
    %parallel_loop3A_87 = arith.constant 0 : i32
    %parallel_loop3A_88 = arith.constant 16 : i32
    %parallel_loop3A_89 = arith.constant 1 : i32
    scf.for %parallel_loop3A_155 = %parallel_loop3A_87 to %parallel_loop3A_88 step %parallel_loop3A_89  : i32 {
      %parallel_loop3A_156 = vector.broadcast %parallel_loop3A_155 : i32 to vector<16xi32>
      %parallel_loop3A_157 = arith.addi %iota3A, %parallel_loop3A_156 : vector<16xi32>
      %parallel_loop3A_158 = arith.constant 15 : i32
      %parallel_loop3A_159 = vector.broadcast %parallel_loop3A_158 : i32 to vector<16xi32>
      %parallel_loop3A_160 = arith.andi %parallel_loop3A_157, %parallel_loop3A_159 : vector<16xi32>
      %parallel_loop3A_161 = arith.addi %shift_left3A_83, %parallel_loop3A_160 : vector<16xi32>
      %parallel_loop3A_162 = arith.constant 0 : i32
      %parallel_loop3A_163 = vector.broadcast %parallel_loop3A_162 : i32 to vector<16xi32>
      %parallel_loop3A_164 = arith.addi %parallel_loop3A_160, %parallel_loop3A_163 : vector<16xi32>
      %parallel_loop3A_165 = arith.constant 0 : i32
      %parallel_loop3A_166 = vector.broadcast %parallel_loop3A_165 : i32 to vector<16xi32>
      %parallel_loop3A_167 = arith.addi %parallel_loop3A_161, %parallel_loop3A_166 : vector<16xi32>
      %parallel_loop3A_168 = tpu.vector_load_idx %arg9[%add3A_86, %parallel_loop3A_167] : memref<128x128xf32, #tpu.memory_space<vmem>>[vector<16xi32>, vector<16xi32>], vector<16xf32>,
      tpu.vector_store_idx %arg11[%parallel_loop3A_164, %add3A_86], %parallel_loop3A_168 : memref<64x128xf32, #tpu.memory_space<vmem>>[vector<16xi32>, vector<16xi32>], vector<16xf32>,
      %parallel_loop3A_169 = arith.constant 16 : i32
      %parallel_loop3A_170 = vector.broadcast %parallel_loop3A_169 : i32 to vector<16xi32>
      %parallel_loop3A_171 = arith.addi %parallel_loop3A_160, %parallel_loop3A_170 : vector<16xi32>
      %parallel_loop3A_172 = arith.constant 16 : i32
      %parallel_loop3A_173 = vector.broadcast %parallel_loop3A_172 : i32 to vector<16xi32>
      %parallel_loop3A_174 = arith.addi %parallel_loop3A_161, %parallel_loop3A_173 : vector<16xi32>
      %parallel_loop3A_175 = tpu.vector_load_idx %arg9[%add3A_86, %parallel_loop3A_174] : memref<128x128xf32, #tpu.memory_space<vmem>>[vector<16xi32>, vector<16xi32>], vector<16xf32>,
      tpu.vector_store_idx %arg11[%parallel_loop3A_171, %add3A_86], %parallel_loop3A_175 : memref<64x128xf32, #tpu.memory_space<vmem>>[vector<16xi32>, vector<16xi32>], vector<16xf32>,
      %parallel_loop3A_176 = arith.constant 32 : i32
      %parallel_loop3A_177 = vector.broadcast %parallel_loop3A_176 : i32 to vector<16xi32>
      %parallel_loop3A_178 = arith.addi %parallel_loop3A_160, %parallel_loop3A_177 : vector<16xi32>
      %parallel_loop3A_179 = arith.constant 32 : i32
      %parallel_loop3A_180 = vector.broadcast %parallel_loop3A_179 : i32 to vector<16xi32>
      %parallel_loop3A_181 = arith.addi %parallel_loop3A_161, %parallel_loop3A_180 : vector<16xi32>
      %parallel_loop3A_182 = tpu.vector_load_idx %arg9[%add3A_86, %parallel_loop3A_181] : memref<128x128xf32, #tpu.memory_space<vmem>>[vector<16xi32>, vector<16xi32>], vector<16xf32>,
      tpu.vector_store_idx %arg11[%parallel_loop3A_178, %add3A_86], %parallel_loop3A_182 : memref<64x128xf32, #tpu.memory_space<vmem>>[vector<16xi32>, vector<16xi32>], vector<16xf32>,
      %parallel_loop3A_183 = arith.constant 48 : i32
      %parallel_loop3A_184 = vector.broadcast %parallel_loop3A_183 : i32 to vector<16xi32>
      %parallel_loop3A_185 = arith.addi %parallel_loop3A_160, %parallel_loop3A_184 : vector<16xi32>
      %parallel_loop3A_186 = arith.constant 48 : i32
      %parallel_loop3A_187 = vector.broadcast %parallel_loop3A_186 : i32 to vector<16xi32>
      %parallel_loop3A_188 = arith.addi %parallel_loop3A_161, %parallel_loop3A_187 : vector<16xi32>
      %parallel_loop3A_189 = tpu.vector_load_idx %arg9[%add3A_86, %parallel_loop3A_188] : memref<128x128xf32, #tpu.memory_space<vmem>>[vector<16xi32>, vector<16xi32>], vector<16xf32>,
      tpu.vector_store_idx %arg11[%parallel_loop3A_185, %add3A_86], %parallel_loop3A_189 : memref<64x128xf32, #tpu.memory_space<vmem>>[vector<16xi32>, vector<16xi32>], vector<16xf32>,
    } {sc.loop_unroll_factor = 4 : i64, sc.parallel_access}
    %get3A_90 = arith.index_cast %rem3A_18 : i32 to index
    %get3A_91 = arith.constant 80 : index
    %get3A_92 = tpu.vector_load %arg5[%get3A_90, %get3A_91] {strides = array<i32>} : memref<8x128xi32, #tpu.memory_space<vmem>>, vector<16xi32>,
    %and3A_93 = arith.constant 1 : i32
    %and3A_94 = vector.broadcast %and3A_93 : i32 to vector<16xi32>
    %and3A_95 = arith.andi %get3A_92, %and3A_94 : vector<16xi32>
    %shift_left3A_96 = arith.constant 6 : i32
    %shift_left3A_97 = vector.broadcast %shift_left3A_96 : i32 to vector<16xi32>
    %shift_left3A_98 = arith.shli %and3A_95, %shift_left3A_97 : vector<16xi32>
    %add3A_99 = arith.constant 80 : i32
    %add3A_100 = vector.broadcast %add3A_99 : i32 to vector<16xi32>
    %add3A_101 = arith.addi %iota3A, %add3A_100 : vector<16xi32>
    %parallel_loop3A_102 = arith.constant 0 : i32
    %parallel_loop3A_103 = arith.constant 16 : i32
    %parallel_loop3A_104 = arith.constant 1 : i32
    scf.for %parallel_loop3A_155 = %parallel_loop3A_102 to %parallel_loop3A_103 step %parallel_loop3A_104  : i32 {
      %parallel_loop3A_156 = vector.broadcast %parallel_loop3A_155 : i32 to vector<16xi32>
      %parallel_loop3A_157 = arith.addi %iota3A, %parallel_loop3A_156 : vector<16xi32>
      %parallel_loop3A_158 = arith.constant 15 : i32
      %parallel_loop3A_159 = vector.broadcast %parallel_loop3A_158 : i32 to vector<16xi32>
      %parallel_loop3A_160 = arith.andi %parallel_loop3A_157, %parallel_loop3A_159 : vector<16xi32>
      %parallel_loop3A_161 = arith.addi %shift_left3A_98, %parallel_loop3A_160 : vector<16xi32>
      %parallel_loop3A_162 = arith.constant 0 : i32
      %parallel_loop3A_163 = vector.broadcast %parallel_loop3A_162 : i32 to vector<16xi32>
      %parallel_loop3A_164 = arith.addi %parallel_loop3A_160, %parallel_loop3A_163 : vector<16xi32>
      %parallel_loop3A_165 = arith.constant 0 : i32
      %parallel_loop3A_166 = vector.broadcast %parallel_loop3A_165 : i32 to vector<16xi32>
      %parallel_loop3A_167 = arith.addi %parallel_loop3A_161, %parallel_loop3A_166 : vector<16xi32>
      %parallel_loop3A_168 = tpu.vector_load_idx %arg9[%add3A_101, %parallel_loop3A_167] : memref<128x128xf32, #tpu.memory_space<vmem>>[vector<16xi32>, vector<16xi32>], vector<16xf32>,
      tpu.vector_store_idx %arg11[%parallel_loop3A_164, %add3A_101], %parallel_loop3A_168 : memref<64x128xf32, #tpu.memory_space<vmem>>[vector<16xi32>, vector<16xi32>], vector<16xf32>,
      %parallel_loop3A_169 = arith.constant 16 : i32
      %parallel_loop3A_170 = vector.broadcast %parallel_loop3A_169 : i32 to vector<16xi32>
      %parallel_loop3A_171 = arith.addi %parallel_loop3A_160, %parallel_loop3A_170 : vector<16xi32>
      %parallel_loop3A_172 = arith.constant 16 : i32
      %parallel_loop3A_173 = vector.broadcast %parallel_loop3A_172 : i32 to vector<16xi32>
      %parallel_loop3A_174 = arith.addi %parallel_loop3A_161, %parallel_loop3A_173 : vector<16xi32>
      %parallel_loop3A_175 = tpu.vector_load_idx %arg9[%add3A_101, %parallel_loop3A_174] : memref<128x128xf32, #tpu.memory_space<vmem>>[vector<16xi32>, vector<16xi32>], vector<16xf32>,
      tpu.vector_store_idx %arg11[%parallel_loop3A_171, %add3A_101], %parallel_loop3A_175 : memref<64x128xf32, #tpu.memory_space<vmem>>[vector<16xi32>, vector<16xi32>], vector<16xf32>,
      %parallel_loop3A_176 = arith.constant 32 : i32
      %parallel_loop3A_177 = vector.broadcast %parallel_loop3A_176 : i32 to vector<16xi32>
      %parallel_loop3A_178 = arith.addi %parallel_loop3A_160, %parallel_loop3A_177 : vector<16xi32>
      %parallel_loop3A_179 = arith.constant 32 : i32
      %parallel_loop3A_180 = vector.broadcast %parallel_loop3A_179 : i32 to vector<16xi32>
      %parallel_loop3A_181 = arith.addi %parallel_loop3A_161, %parallel_loop3A_180 : vector<16xi32>
      %parallel_loop3A_182 = tpu.vector_load_idx %arg9[%add3A_101, %parallel_loop3A_181] : memref<128x128xf32, #tpu.memory_space<vmem>>[vector<16xi32>, vector<16xi32>], vector<16xf32>,
      tpu.vector_store_idx %arg11[%parallel_loop3A_178, %add3A_101], %parallel_loop3A_182 : memref<64x128xf32, #tpu.memory_space<vmem>>[vector<16xi32>, vector<16xi32>], vector<16xf32>,
      %parallel_loop3A_183 = arith.constant 48 : i32
      %parallel_loop3A_184 = vector.broadcast %parallel_loop3A_183 : i32 to vector<16xi32>
      %parallel_loop3A_185 = arith.addi %parallel_loop3A_160, %parallel_loop3A_184 : vector<16xi32>
      %parallel_loop3A_186 = arith.constant 48 : i32
      %parallel_loop3A_187 = vector.broadcast %parallel_loop3A_186 : i32 to vector<16xi32>
      %parallel_loop3A_188 = arith.addi %parallel_loop3A_161, %parallel_loop3A_187 : vector<16xi32>
      %parallel_loop3A_189 = tpu.vector_load_idx %arg9[%add3A_101, %parallel_loop3A_188] : memref<128x128xf32, #tpu.memory_space<vmem>>[vector<16xi32>, vector<16xi32>], vector<16xf32>,
      tpu.vector_store_idx %arg11[%parallel_loop3A_185, %add3A_101], %parallel_loop3A_189 : memref<64x128xf32, #tpu.memory_space<vmem>>[vector<16xi32>, vector<16xi32>], vector<16xf32>,
    } {sc.loop_unroll_factor = 4 : i64, sc.parallel_access}
    %get3A_105 = arith.index_cast %rem3A_18 : i32 to index
    %get3A_106 = arith.constant 96 : index
    %get3A_107 = tpu.vector_load %arg5[%get3A_105, %get3A_106] {strides = array<i32>} : memref<8x128xi32, #tpu.memory_space<vmem>>, vector<16xi32>,
    %and3A_108 = arith.constant 1 : i32
    %and3A_109 = vector.broadcast %and3A_108 : i32 to vector<16xi32>
    %and3A_110 = arith.andi %get3A_107, %and3A_109 : vector<16xi32>
    %shift_left3A_111 = arith.constant 6 : i32
    %shift_left3A_112 = vector.broadcast %shift_left3A_111 : i32 to vector<16xi32>
    %shift_left3A_113 = arith.shli %and3A_110, %shift_left3A_112 : vector<16xi32>
    %add3A_114 = arith.constant 96 : i32
    %add3A_115 = vector.broadcast %add3A_114 : i32 to vector<16xi32>
    %add3A_116 = arith.addi %iota3A, %add3A_115 : vector<16xi32>
    %parallel_loop3A_117 = arith.constant 0 : i32
    %parallel_loop3A_118 = arith.constant 16 : i32
    %parallel_loop3A_119 = arith.constant 1 : i32
    scf.for %parallel_loop3A_155 = %parallel_loop3A_117 to %parallel_loop3A_118 step %parallel_loop3A_119  : i32 {
      %parallel_loop3A_156 = vector.broadcast %parallel_loop3A_155 : i32 to vector<16xi32>
      %parallel_loop3A_157 = arith.addi %iota3A, %parallel_loop3A_156 : vector<16xi32>
      %parallel_loop3A_158 = arith.constant 15 : i32
      %parallel_loop3A_159 = vector.broadcast %parallel_loop3A_158 : i32 to vector<16xi32>
      %parallel_loop3A_160 = arith.andi %parallel_loop3A_157, %parallel_loop3A_159 : vector<16xi32>
      %parallel_loop3A_161 = arith.addi %shift_left3A_113, %parallel_loop3A_160 : vector<16xi32>
      %parallel_loop3A_162 = arith.constant 0 : i32
      %parallel_loop3A_163 = vector.broadcast %parallel_loop3A_162 : i32 to vector<16xi32>
      %parallel_loop3A_164 = arith.addi %parallel_loop3A_160, %parallel_loop3A_163 : vector<16xi32>
      %parallel_loop3A_165 = arith.constant 0 : i32
      %parallel_loop3A_166 = vector.broadcast %parallel_loop3A_165 : i32 to vector<16xi32>
      %parallel_loop3A_167 = arith.addi %parallel_loop3A_161, %parallel_loop3A_166 : vector<16xi32>
      %parallel_loop3A_168 = tpu.vector_load_idx %arg9[%add3A_116, %parallel_loop3A_167] : memref<128x128xf32, #tpu.memory_space<vmem>>[vector<16xi32>, vector<16xi32>], vector<16xf32>,
      tpu.vector_store_idx %arg11[%parallel_loop3A_164, %add3A_116], %parallel_loop3A_168 : memref<64x128xf32, #tpu.memory_space<vmem>>[vector<16xi32>, vector<16xi32>], vector<16xf32>,
      %parallel_loop3A_169 = arith.constant 16 : i32
      %parallel_loop3A_170 = vector.broadcast %parallel_loop3A_169 : i32 to vector<16xi32>
      %parallel_loop3A_171 = arith.addi %parallel_loop3A_160, %parallel_loop3A_170 : vector<16xi32>
      %parallel_loop3A_172 = arith.constant 16 : i32
      %parallel_loop3A_173 = vector.broadcast %parallel_loop3A_172 : i32 to vector<16xi32>
      %parallel_loop3A_174 = arith.addi %parallel_loop3A_161, %parallel_loop3A_173 : vector<16xi32>
      %parallel_loop3A_175 = tpu.vector_load_idx %arg9[%add3A_116, %parallel_loop3A_174] : memref<128x128xf32, #tpu.memory_space<vmem>>[vector<16xi32>, vector<16xi32>], vector<16xf32>,
      tpu.vector_store_idx %arg11[%parallel_loop3A_171, %add3A_116], %parallel_loop3A_175 : memref<64x128xf32, #tpu.memory_space<vmem>>[vector<16xi32>, vector<16xi32>], vector<16xf32>,
      %parallel_loop3A_176 = arith.constant 32 : i32
      %parallel_loop3A_177 = vector.broadcast %parallel_loop3A_176 : i32 to vector<16xi32>
      %parallel_loop3A_178 = arith.addi %parallel_loop3A_160, %parallel_loop3A_177 : vector<16xi32>
      %parallel_loop3A_179 = arith.constant 32 : i32
      %parallel_loop3A_180 = vector.broadcast %parallel_loop3A_179 : i32 to vector<16xi32>
      %parallel_loop3A_181 = arith.addi %parallel_loop3A_161, %parallel_loop3A_180 : vector<16xi32>
      %parallel_loop3A_182 = tpu.vector_load_idx %arg9[%add3A_116, %parallel_loop3A_181] : memref<128x128xf32, #tpu.memory_space<vmem>>[vector<16xi32>, vector<16xi32>], vector<16xf32>,
      tpu.vector_store_idx %arg11[%parallel_loop3A_178, %add3A_116], %parallel_loop3A_182 : memref<64x128xf32, #tpu.memory_space<vmem>>[vector<16xi32>, vector<16xi32>], vector<16xf32>,
      %parallel_loop3A_183 = arith.constant 48 : i32
      %parallel_loop3A_184 = vector.broadcast %parallel_loop3A_183 : i32 to vector<16xi32>
      %parallel_loop3A_185 = arith.addi %parallel_loop3A_160, %parallel_loop3A_184 : vector<16xi32>
      %parallel_loop3A_186 = arith.constant 48 : i32
      %parallel_loop3A_187 = vector.broadcast %parallel_loop3A_186 : i32 to vector<16xi32>
      %parallel_loop3A_188 = arith.addi %parallel_loop3A_161, %parallel_loop3A_187 : vector<16xi32>
      %parallel_loop3A_189 = tpu.vector_load_idx %arg9[%add3A_116, %parallel_loop3A_188] : memref<128x128xf32, #tpu.memory_space<vmem>>[vector<16xi32>, vector<16xi32>], vector<16xf32>,
      tpu.vector_store_idx %arg11[%parallel_loop3A_185, %add3A_116], %parallel_loop3A_189 : memref<64x128xf32, #tpu.memory_space<vmem>>[vector<16xi32>, vector<16xi32>], vector<16xf32>,
    } {sc.loop_unroll_factor = 4 : i64, sc.parallel_access}
    %get3A_120 = arith.index_cast %rem3A_18 : i32 to index
    %get3A_121 = arith.constant 112 : index
    %get3A_122 = tpu.vector_load %arg5[%get3A_120, %get3A_121] {strides = array<i32>} : memref<8x128xi32, #tpu.memory_space<vmem>>, vector<16xi32>,
    %and3A_123 = arith.constant 1 : i32
    %and3A_124 = vector.broadcast %and3A_123 : i32 to vector<16xi32>
    %and3A_125 = arith.andi %get3A_122, %and3A_124 : vector<16xi32>
    %shift_left3A_126 = arith.constant 6 : i32
    %shift_left3A_127 = vector.broadcast %shift_left3A_126 : i32 to vector<16xi32>
    %shift_left3A_128 = arith.shli %and3A_125, %shift_left3A_127 : vector<16xi32>
    %add3A_129 = arith.constant 112 : i32
    %add3A_130 = vector.broadcast %add3A_129 : i32 to vector<16xi32>
    %add3A_131 = arith.addi %iota3A, %add3A_130 : vector<16xi32>
    %parallel_loop3A_132 = arith.constant 0 : i32
    %parallel_loop3A_133 = arith.constant 16 : i32
    %parallel_loop3A_134 = arith.constant 1 : i32
    scf.for %parallel_loop3A_155 = %parallel_loop3A_132 to %parallel_loop3A_133 step %parallel_loop3A_134  : i32 {
      %parallel_loop3A_156 = vector.broadcast %parallel_loop3A_155 : i32 to vector<16xi32>
      %parallel_loop3A_157 = arith.addi %iota3A, %parallel_loop3A_156 : vector<16xi32>
      %parallel_loop3A_158 = arith.constant 15 : i32
      %parallel_loop3A_159 = vector.broadcast %parallel_loop3A_158 : i32 to vector<16xi32>
      %parallel_loop3A_160 = arith.andi %parallel_loop3A_157, %parallel_loop3A_159 : vector<16xi32>
      %parallel_loop3A_161 = arith.addi %shift_left3A_128, %parallel_loop3A_160 : vector<16xi32>
      %parallel_loop3A_162 = arith.constant 0 : i32
      %parallel_loop3A_163 = vector.broadcast %parallel_loop3A_162 : i32 to vector<16xi32>
      %parallel_loop3A_164 = arith.addi %parallel_loop3A_160, %parallel_loop3A_163 : vector<16xi32>
      %parallel_loop3A_165 = arith.constant 0 : i32
      %parallel_loop3A_166 = vector.broadcast %parallel_loop3A_165 : i32 to vector<16xi32>
      %parallel_loop3A_167 = arith.addi %parallel_loop3A_161, %parallel_loop3A_166 : vector<16xi32>
      %parallel_loop3A_168 = tpu.vector_load_idx %arg9[%add3A_131, %parallel_loop3A_167] : memref<128x128xf32, #tpu.memory_space<vmem>>[vector<16xi32>, vector<16xi32>], vector<16xf32>,
      tpu.vector_store_idx %arg11[%parallel_loop3A_164, %add3A_131], %parallel_loop3A_168 : memref<64x128xf32, #tpu.memory_space<vmem>>[vector<16xi32>, vector<16xi32>], vector<16xf32>,
      %parallel_loop3A_169 = arith.constant 16 : i32
      %parallel_loop3A_170 = vector.broadcast %parallel_loop3A_169 : i32 to vector<16xi32>
      %parallel_loop3A_171 = arith.addi %parallel_loop3A_160, %parallel_loop3A_170 : vector<16xi32>
      %parallel_loop3A_172 = arith.constant 16 : i32
      %parallel_loop3A_173 = vector.broadcast %parallel_loop3A_172 : i32 to vector<16xi32>
      %parallel_loop3A_174 = arith.addi %parallel_loop3A_161, %parallel_loop3A_173 : vector<16xi32>
      %parallel_loop3A_175 = tpu.vector_load_idx %arg9[%add3A_131, %parallel_loop3A_174] : memref<128x128xf32, #tpu.memory_space<vmem>>[vector<16xi32>, vector<16xi32>], vector<16xf32>,
      tpu.vector_store_idx %arg11[%parallel_loop3A_171, %add3A_131], %parallel_loop3A_175 : memref<64x128xf32, #tpu.memory_space<vmem>>[vector<16xi32>, vector<16xi32>], vector<16xf32>,
      %parallel_loop3A_176 = arith.constant 32 : i32
      %parallel_loop3A_177 = vector.broadcast %parallel_loop3A_176 : i32 to vector<16xi32>
      %parallel_loop3A_178 = arith.addi %parallel_loop3A_160, %parallel_loop3A_177 : vector<16xi32>
      %parallel_loop3A_179 = arith.constant 32 : i32
      %parallel_loop3A_180 = vector.broadcast %parallel_loop3A_179 : i32 to vector<16xi32>
      %parallel_loop3A_181 = arith.addi %parallel_loop3A_161, %parallel_loop3A_180 : vector<16xi32>
      %parallel_loop3A_182 = tpu.vector_load_idx %arg9[%add3A_131, %parallel_loop3A_181] : memref<128x128xf32, #tpu.memory_space<vmem>>[vector<16xi32>, vector<16xi32>], vector<16xf32>,
      tpu.vector_store_idx %arg11[%parallel_loop3A_178, %add3A_131], %parallel_loop3A_182 : memref<64x128xf32, #tpu.memory_space<vmem>>[vector<16xi32>, vector<16xi32>], vector<16xf32>,
      %parallel_loop3A_183 = arith.constant 48 : i32
      %parallel_loop3A_184 = vector.broadcast %parallel_loop3A_183 : i32 to vector<16xi32>
      %parallel_loop3A_185 = arith.addi %parallel_loop3A_160, %parallel_loop3A_184 : vector<16xi32>
      %parallel_loop3A_186 = arith.constant 48 : i32
      %parallel_loop3A_187 = vector.broadcast %parallel_loop3A_186 : i32 to vector<16xi32>
      %parallel_loop3A_188 = arith.addi %parallel_loop3A_161, %parallel_loop3A_187 : vector<16xi32>
      %parallel_loop3A_189 = tpu.vector_load_idx %arg9[%add3A_131, %parallel_loop3A_188] : memref<128x128xf32, #tpu.memory_space<vmem>>[vector<16xi32>, vector<16xi32>], vector<16xf32>,
      tpu.vector_store_idx %arg11[%parallel_loop3A_185, %add3A_131], %parallel_loop3A_189 : memref<64x128xf32, #tpu.memory_space<vmem>>[vector<16xi32>, vector<16xi32>], vector<16xf32>,
    } {sc.loop_unroll_factor = 4 : i64, sc.parallel_access}
    %dma_start3A = arith.constant 199 : i32
    %dma_start3A_135 = arith.constant 0 : i32
    %dma_start3A_136 = tpu.memref_slice %arg4[%dma_start3A, %dma_start3A_135, %mul3A_2] : memref<200x64x4096xf32, #tpu.memory_space<hbm>> -> memref<1x64x128xf32, #tpu.memory_space<hbm>>
    %dma_start3A_137 = tpu.memref_squeeze %dma_start3A_136 : memref<1x64x128xf32, #tpu.memory_space<hbm>> -> memref<64x128xf32, #tpu.memory_space<hbm>>
    %dma_start3A_138 = arith.constant 0 : i32
    %dma_start3A_139 = tpu.memref_slice %arg4[%dma_start3A, %dma_start3A_138, %mul3A_2] : memref<200x64x4096xf32, #tpu.memory_space<hbm>> -> memref<1x64x128xf32, #tpu.memory_space<hbm>>
    %dma_start3A_140 = tpu.memref_squeeze %dma_start3A_139 : memref<1x64x128xf32, #tpu.memory_space<hbm>> -> memref<64x128xf32, #tpu.memory_space<hbm>>
    tpu.enqueue_dma source(%arg11 : memref<64x128xf32, #tpu.memory_space<vmem>>) target(%dma_start3A_140 : memref<64x128xf32, #tpu.memory_space<hbm>>) target_semaphore(%arg15 : memref<!tpu.dma_semaphore, #tpu.memory_space<semaphore_mem>>)
    %dma_wait3A_141 = arith.constant 198 : i32
    %dma_wait3A_142 = arith.constant 0 : i32
    %dma_wait3A_143 = tpu.memref_slice %arg4[%dma_wait3A_141, %dma_wait3A_142, %mul3A_2] : memref<200x64x4096xf32, #tpu.memory_space<hbm>> -> memref<1x64x128xf32, #tpu.memory_space<hbm>>
    %dma_wait3A_144 = tpu.memref_squeeze %dma_wait3A_143 : memref<1x64x128xf32, #tpu.memory_space<hbm>> -> memref<64x128xf32, #tpu.memory_space<hbm>>
    %dma_wait3A_145 = arith.constant 0 : i32
    %dma_wait3A_146 = tpu.memref_slice %arg4[%dma_wait3A_141, %dma_wait3A_145, %mul3A_2] : memref<200x64x4096xf32, #tpu.memory_space<hbm>> -> memref<1x64x128xf32, #tpu.memory_space<hbm>>
    %dma_wait3A_147 = tpu.memref_squeeze %dma_wait3A_146 : memref<1x64x128xf32, #tpu.memory_space<hbm>> -> memref<64x128xf32, #tpu.memory_space<hbm>>
    tpu.wait_dma2 semaphore(%arg14 : memref<!tpu.dma_semaphore, #tpu.memory_space<semaphore_mem>>) src(%arg10 : memref<64x128xf32, #tpu.memory_space<vmem>>) dst(%dma_wait3A_147 : memref<64x128xf32, #tpu.memory_space<hbm>>)
    %dma_wait3A_148 = arith.constant 199 : i32
    %dma_wait3A_149 = arith.constant 0 : i32
    %dma_wait3A_150 = tpu.memref_slice %arg4[%dma_wait3A_148, %dma_wait3A_149, %mul3A_2] : memref<200x64x4096xf32, #tpu.memory_space<hbm>> -> memref<1x64x128xf32, #tpu.memory_space<hbm>>
    %dma_wait3A_151 = tpu.memref_squeeze %dma_wait3A_150 : memref<1x64x128xf32, #tpu.memory_space<hbm>> -> memref<64x128xf32, #tpu.memory_space<hbm>>
    %dma_wait3A_152 = arith.constant 0 : i32
    %dma_wait3A_153 = tpu.memref_slice %arg4[%dma_wait3A_148, %dma_wait3A_152, %mul3A_2] : memref<200x64x4096xf32, #tpu.memory_space<hbm>> -> memref<1x64x128xf32, #tpu.memory_space<hbm>>
    %dma_wait3A_154 = tpu.memref_squeeze %dma_wait3A_153 : memref<1x64x128xf32, #tpu.memory_space<hbm>> -> memref<64x128xf32, #tpu.memory_space<hbm>>
    tpu.wait_dma2 semaphore(%arg15 : memref<!tpu.dma_semaphore, #tpu.memory_space<semaphore_mem>>) src(%arg11 : memref<64x128xf32, #tpu.memory_space<vmem>>) dst(%dma_wait3A_154 : memref<64x128xf32, #tpu.memory_space<hbm>>)
    return
  }
}

</mosaic_0001>

<sc_bundles>
// kernel: kernel.3.cloned.1.call-start
scs
__scs_entry_jumppad:
0x0: {  	(pc) =	sbr.rel $0x88, $3  }
0x1: {  	(tag) =	ssettag $0x0;
	lr =	simm.s32 $0x1  }
0x2: {  	[smem:$0x3F9F] =	sst lr;
	_ =	strace $0xD0000000  }
0x3: {  	_ = 	snop  }
0x4: {  	_ = 	snop  }
0x5: {  	_ = 	snop  }
0x6: {  	_ = 	snop  }
0x7: {  	_ = 	snop  }
__scs_overlays_trampoline_lowered:
0x8: {  	[smem:$0x3FAE] =	sst s0  }
0x9: {  	[smem:$0x3FAF] =	sst s1  }
0xa: {  	[smem:$0x3FB0] =	sst s2  }
0xb: {  	[smem:$0x3FB1] =	sst s3  }
0xc: {  	[smem:$0x3FB2] =	sst s4  }
0xd: {  	[smem:$0x3FB3] =	sst s5  }
0xe: {  	[smem:$0x3FB4] =	sst s6  }
0xf: {  	[smem:$0x3FB5] =	sst s7  }
0x10: {  	[smem:$0x3FB6] =	sst s8  }
0x11: {  	[smem:$0x3FB7] =	sst s9;
	s0 =	simm.s32 @!p0 $0x0  }
0x12: {  	s1 =	sld [smem:$0x3F9D];
	s0 =	simm.s32 @p0 $0x1  }
0x13: {  	[smem:$0x3FB8] =	sst s0;
	s0 =	simm.s32 @!p1 $0x0  }
0x14: {  	s2 =	sld [smem:$0x3F9C];
	s0 =	simm.s32 @p1 $0x1  }
0x15: {  	[smem:$0x3FB9] =	sst s0;
	s0 =	simm.s32 @!p2 $0x0  }
0x16: {  	s3 =	sld [smem:$0x3FDB];
	s0 =	simm.s32 @p2 $0x1  }
0x17: {  	s4 =	simm.s32 $0x1BF5;
	[smem:$0x3FBB] =	sst s0  }
0x18: {  	s0 =	sld [smem:$0x3F9E];
	_ =	swait.ge [sflag:s4], $0x0  }
0x19: {  	s7 =	sld [smem:$0x3F9F]  }
0x1a: {  	s8 =	sadd.s32 $0xFFFFE003, lr  }
0x1b: {  	s9 =	sadd.s32 $0xFFFFFEF7, lr;
	s5 =	simm.s32 $0xFFFFFFFF;
	p2 =	slt.u32 s8, $0xFFFFF086  }
0x1c: {  	p1 =	slt.u32 s9, $0xF7A;
	s5 =	simm.s32 @!p2 $0x0  }
0x1d: {  	s5 =	simm.s32 @p1 $0x1;
	p0 =	seq.s32 s7, s2  }
0x1e: {  	s7 =	smul.u32 @!p0 $0xF7A, s2;
	p2 =	seq.s32 @!p0 s5, $0x0  }
0x1f: {  	s9 =	smul.u32 $0xF7A, s1;
	s8 =	simm.s32 @!p0 $0x1BF5;
	p2 =	por !p2, p0  }
0x20: {  	[sflag:s8] =	ssyncset.s32 @!p0 $0xFFFFF086;
	s6 =	sadd.s32 @!p0 s3, s7;
	s7 =	simm.s32 @!p0 $0x108  }
0x21: {  	s3 =	sadd.s32 s3, s9;
	s6 =	sadd.s32 @!p0 $0x88, s6;
	s7 =	simm.s32 @p2 $0x1082  }
0x22: {  	[simem:s7], [sflag:s8] =	dma.local @!p0 [hbm:s6], $0xF7A  }
0x23: {  	s9 =	sor.u32 $0xD0000000, s2;
	s6 =	simm.s32 $0x108;
	_ =	swait.ge @!p0 [sflag:s8], $0x0  }
0x24: {  	s3 =	sadd.s32 $0x88, s3;
	s6 =	simm.s32 @!p1 $0x1082;
	[sflag:s4] =	ssyncset.s32 $0xFFFFF086  }
0x25: {  	[simem:s6], [sflag:s4] =	dma.local [hbm:s3], $0xF7A  }
0x26: {  	[smem:$0x3F9F] =	sst s1;
	(tag) =	ssettag s2;
	_ =	strace s9  }
0x27: {  	s1 =	sld [smem:$0x3FAF]  }
0x28: {  	s2 =	sld [smem:$0x3FB0]  }
0x29: {  	s4 =	sld [smem:$0x3FB2]  }
0x2a: {  	p0 =	seq.s32 s5, $0x0;
	s5 =	sld [smem:$0x3FB3]  }
0x2b: {  	s6 =	sld [smem:$0x3FB4]  }
0x2c: {  	s7 =	sld [smem:$0x3FB5]  }
0x2d: {  	s3 =	simm.s32 $0x108;
	s8 =	sld [smem:$0x3FB6]  }
0x2e: {  	s3 =	simm.s32 @!p0 $0x1082;
	s9 =	sld [smem:$0x3FB7]  }
0x2f: {  	lr =	sadd.s32 s0, s3;
	s0 =	sld [smem:$0x3FAE]  }
0x30: {  	s3 =	sld [smem:$0x3FB1]  }
0x31: {  	[smem:$0x3FBA] =	sst s10  }
0x32: {  	s10 =	sld [smem:$0x3FB8];
	_ =	sdelay $0x3  }
0x33: {  	p0 =	seq.s32 s10, $0x1;
	s10 =	sld [smem:$0x3FBA];
	_ =	sdelay $0x3  }
0x34: {  	[smem:$0x3FBA] =	sst s10  }
0x35: {  	s10 =	sld [smem:$0x3FB9];
	_ =	sdelay $0x3  }
0x36: {  	p1 =	seq.s32 s10, $0x1;
	s10 =	sld [smem:$0x3FBA];
	_ =	sdelay $0x3  }
0x37: {  	[smem:$0x3FBA] =	sst s10  }
0x38: {  	s10 =	sld [smem:$0x3FBB]  }
0x39: {  	_ = 	snop;
	(pc) =	sbr.ind lr, $3  }
0x3a: {  	_ = 	snop  }
0x3b: {  	_ = 	snop  }
0x3c: {  	p2 =	seq.s32 s10, $0x1;
	s10 =	sld [smem:$0x3FBA]  }
0x3d: {  	_ =	shalt  }
0x3e: {  	_ =	shalt  }
0x3f: {  	_ =	shalt  }
0x40: {  	_ =	shalt  }
0x41: {  	_ =	shalt  }
0x42: {  	_ =	shalt  }
0x43: {  	_ =	shalt  }
0x44: {  	_ =	shalt  }
0x45: {  	_ =	shalt  }
0x46: {  	_ =	shalt  }
0x47: {  	_ =	shalt  }
0x48: {  	_ =	shalt  }
0x49: {  	_ =	shalt  }
0x4a: {  	_ =	shalt  }
0x4b: {  	_ =	shalt  }
0x4c: {  	_ =	shalt  }
0x4d: {  	_ =	shalt  }
0x4e: {  	_ =	shalt  }
0x4f: {  	_ =	shalt  }
0x50: {  	_ =	shalt  }
0x51: {  	_ =	shalt  }
0x52: {  	_ =	shalt  }
0x53: {  	_ =	shalt  }
0x54: {  	_ =	shalt  }
0x55: {  	_ =	shalt  }
0x56: {  	_ =	shalt  }
0x57: {  	_ =	shalt  }
0x58: {  	_ =	shalt  }
0x59: {  	_ =	shalt  }
0x5a: {  	_ =	shalt  }
0x5b: {  	_ =	shalt  }
0x5c: {  	_ =	shalt  }
0x5d: {  	_ =	shalt  }
0x5e: {  	_ =	shalt  }
0x5f: {  	_ =	shalt  }
0x60: {  	_ =	shalt  }
0x61: {  	_ =	shalt  }
0x62: {  	_ =	shalt  }
0x63: {  	_ =	shalt  }
0x64: {  	_ =	shalt  }
0x65: {  	_ =	shalt  }
0x66: {  	_ =	shalt  }
0x67: {  	_ =	shalt  }
0x68: {  	_ =	shalt  }
0x69: {  	_ =	shalt  }
0x6a: {  	_ =	shalt  }
0x6b: {  	_ =	shalt  }
0x6c: {  	_ =	shalt  }
0x6d: {  	_ =	shalt  }
0x6e: {  	_ =	shalt  }
0x6f: {  	_ =	shalt  }
0x70: {  	_ =	shalt  }
0x71: {  	_ =	shalt  }
0x72: {  	_ =	shalt  }
0x73: {  	_ =	shalt  }
0x74: {  	_ =	shalt  }
0x75: {  	_ =	shalt  }
0x76: {  	_ =	shalt  }
0x77: {  	_ =	shalt  }
0x78: {  	_ =	shalt  }
0x79: {  	_ =	shalt  }
0x7a: {  	_ =	shalt  }
0x7b: {  	_ =	shalt  }
0x7c: {  	_ =	shalt  }
0x7d: {  	_ =	shalt  }
0x7e: {  	_ =	shalt  }
0x7f: {  	_ =	shalt  }
0x80: {  	_ =	shalt  }
0x81: {  	_ =	shalt  }
0x82: {  	_ =	shalt  }
0x83: {  	_ =	shalt  }
0x84: {  	_ =	shalt  }
0x85: {  	_ =	shalt  }
0x86: {  	_ =	shalt  }
0x87: {  	_ =	shalt  }
.Lfunc_end0:
.L_simem_size_0:
called_computation_lowered:
.L_overlay_start_0:
0x88: {  	s2 =	sld [smem:$0x3FD9]  }
0x89: {  	s3 =	sld [smem:$0x3FFE];
	_ =	sdelay $0x1  }
0x8a: {  	s1 =	srdreg.scid  }
0x8b: {  	s0 =	sand.u32 $0x1, s1  }
0x8c: {  	s17 =	sshll.u32 s0, $0xA;
	s2 =	sadd.s32 s3, s2  }
0x8d: {  	s2 =	sadd.s32 s2, s17  }
0x8e: {  	[smem:$0x3FC6] =	sst s2  }
0x8f: {  	_ = 	snop  }
0x90: {  	s2 =	sld [smem:$0x3FC9]  }
0x91: {  	s18 =	sld [smem:$0x3FD0];
	(tm) =	ssettm $0x1  }
0x92: {  	s4 =	sld [smem:$0x3FFB];
	_ =	sdelay $0x3  }
0x93: {  	_ =	strace s4  }
0x94: {  	s4 =	sld [smem:$0x3FFC];
	_ =	sdelay $0x3  }
0x95: {  	_ =	strace s4  }
0x96: {  	s4 =	sld [smem:$0x3FFD];
	_ =	sdelay $0x3  }
0x97: {  	_ =	strace s4  }
0x98: {  	_ =	strace $0x8FFFFFFF  }
0x99: {  	s19 =	sld [smem:$0x3FDB];
	_ =	sdelay $0x1  }
0x9a: {  	s5 =	simm.s32 $_scs_section_size  }
0x9b: {  	s6 =	simm.s32 $_size__tile_overlayer_lowered;
	s7 =	simm.s32 $_tile_overlayer_lowered  }
0x9c: {  	s22 =	simm.s32 $0x1BFF;
	s21 =	sshll.u32 s7, $0x1;
	s4 =	sadd.s32 s5, s19  }
0x9d: {  	s8 =	simm.s32 $0x0;
	s20 =	sshll.u32 s6, $0x1;
	s6 =	sadd.s32 s21, s4  }
0x9e: {  	[timem:s8], [sflag:s22] =	dma.local [hbm:s6], s20  }
0x9f: {  	_ =	swait.ge [sflag:s22], s20  }
0xa0: {  	s5 =	ssub.s32 $0x0, s20;
	[sflag:s22] =	ssyncset.done $0x0  }
0xa1: {  	[sflag:s22] =	ssyncadd.s32 s5;
	_ =	sdelay $0x1  }
0xa2: {  	s23 =	simm.s32 $0x1B8B  }
0xa3: {  	_ =	swait.ge [sflag:s23], $0x1  }
0xa4: {  	[sflag:s23] =	ssyncset.done $0x0  }
0xa5: {  	s25 =	simm.s32 $0x1B8E;
	s24 =	sld [smem:$0x3FFE];
	[sflag:s23] =	ssyncadd.s32 $0xFFFFFFFF  }
0xa6: {  	s26 =	simm.s32 $execute0_lowered;
	[smem:$0x3FD2] =	sst s25  }
0xa7: {  	s6 =	sshll.u32 s26, $0x1;
	_ =	strace $0x80000046;
	[dreg:$0x1] =	wrdreg $0xFFFFFFFF  }
0xa8: {  	s28 =	simm.s32 $_size_execute0_lowered;
	s4 =	sadd.s32 s4, s6;
	[dreg:$0x0] =	wrdreg $0x0  }
0xa9: {  	s6 =	sshll.u32 s28, $0x1;
	[dreg:$0x2] =	wrdreg s4  }
0xaa: {  	[dreg:$0x3] =	wrdreg s6  }
0xab: {  	[dreg:$0x4] =	wrdreg $0xC0  }
0xac: {  	_ =	task [dreg:s8], $0x5FFFF  }
0xad: {  	[dreg:$0x1] =	wrdreg $0xFFFFFFFF  }
0xae: {  	[dreg:$0x0] =	wrdreg $0x60  }
0xaf: {  	[dreg:$0x2] =	wrdreg s2  }
0xb0: {  	[dreg:$0x3] =	wrdreg s24  }
0xb1: {  	[dreg:$0x4] =	wrdreg s18  }
0xb2: {  	[dreg:$0x5] =	wrdreg $0x9  }
0xb3: {  	_ =	task.clear_ibuf [dreg:s8], $0x6FFFF;
	_ =	strace $0x90000046  }
0xb4: {  	s29 =	simm.s32 $0x9;
	_ =	strace $0x80000048  }
0xb5: {  	_ =	swait.ge [sflag:s29], $0x1  }
0xb6: {  	[sflag:s29] =	ssyncadd.s32 $0xFFFFFFFF  }
0xb7: {  	_ =	strace $0x90000048  }
0xb8: {  	_ =	sfence  }
0xb9: {  	s30 =	sld [smem:$0x0];
	_ =	sdelay $0x2  }
0xba: {  	s31 =	sshll.u32 s1, $0xD;
	s1 =	sshrl.u32 s1, $0x2  }
0xbb: {  	s3 =	sand.u32 $0x4000, s31;
	s1 =	sadd.s32 s1, s30  }
0xbc: {  	s0 =	sor.u32 s3, s0;
	s1 =	sshll.u32 s1, $0x11  }
0xbd: {  	s0 =	sor.u32 s1, s0  }
0xbe: {  	s0 =	sadd.s32 $0x8F2B, s0  }
0xbf: {  	[sflag:s0] =	ssyncadd.remote.s32 $0x1  }
0xc0: {  	_ =	sfence.sel $0xFFFF  }
0xc1: {  	[dreg:$0x0] =	wrdreg $0xFFFFFFFF;
	(pc) =	sbr.abs _section_cstart, $3  }
0xc2: {  	[dreg:$0x1] =	wrdreg $0xFFFFFFFF  }
0xc3: {  	_ =	task.clear_ibuf [dreg:s8], $0x2FFFF;
	_ =	strace $0x9FFFFFFF  }
0xc4: {  	(tm) =	ssettm $0x7FFFFFFF  }
0xc5: {  	_ =	shalt  }
tec
execute0_lowered:
.L_overlay_start_1:
0x0: {  	(tag) =	ssettag $0x1  }
0x1: {  	s5 =	rddreg [dreg:$0x0]  }
0x2: {  	s3 =	rddreg [dreg:$0x1]  }
0x3: {  	s4 =	rddreg [dreg:$0x2];
	s1 =	simm.s32 $0x0;
	v0 =	vlaneseq.u32  }
0x4: {  	[smem:$0x7FF] =	sst s1;
	v1 =	vmul.u32 $0x80, v0;
	v42 =	vor.u32 $0x1820, v0  }
0x5: {  	s0 =	rddreg [dreg:$0x3];
	_ =	strace $0x80000047;
	[tilespmem:$0x1FFF0] =	vst v42  }
0x6: {  	v2 =	vor.u32 $0x10, v1;
	[tilespmem:$0x1FFD0] =	vst v1  }
0x7: {  	[tilespmem:$0x1FE90] =	vst v2;
	v2 =	vor.u32 $0x800, v0  }
0x8: {  	[tilespmem:$0x1FEA0] =	vst v2;
	v2 =	vor.u32 $0x20, v1  }
0x9: {  	[tilespmem:$0x1FEB0] =	vst v2;
	v2 =	vor.u32 $0x1000, v0  }
0xa: {  	[tilespmem:$0x1FEC0] =	vst v2;
	v2 =	vor.u32 $0x30, v1  }
0xb: {  	[tilespmem:$0x1FED0] =	vst v2;
	v2 =	vor.u32 $0x1800, v0  }
0xc: {  	[tilespmem:$0x1FEE0] =	vst v2;
	v2 =	vor.u32 $0x800, v1  }
0xd: {  	[tilespmem:$0x1FEF0] =	vst v2;
	v2 =	vor.u32 $0x10, v0  }
0xe: {  	[tilespmem:$0x1FF00] =	vst v2;
	v2 =	vor.u32 $0x810, v1  }
0xf: {  	[tilespmem:$0x1FF10] =	vst v2;
	v2 =	vor.u32 $0x810, v0  }
0x10: {  	[tilespmem:$0x1FF20] =	vst v2;
	v2 =	vor.u32 $0x820, v1  }
0x11: {  	[tilespmem:$0x1FF30] =	vst v2;
	v2 =	vor.u32 $0x1010, v0  }
0x12: {  	[tilespmem:$0x1FF40] =	vst v2;
	v2 =	vor.u32 $0x830, v1  }
0x13: {  	s6 =	srdreg.scid;
	s2 =	stileid.u32;
	s10 =	simm.s32 $0x400;
	[tilespmem:$0x1FF50] =	vst v2;
	v2 =	vor.u32 $0x1810, v0  }
0x14: {  	s11 =	simm.s32 $0x500;
	s12 =	simm.s32 $0x1;
	s13 =	simm.s32 $0x8500;
	[tilespmem:$0x1FF60] =	vst v2;
	v2 =	vor.u32 $0x1000, v1  }
0x15: {  	s14 =	simm.s32 $0x8000;
	s15 =	simm.s32 $0x480;
	s16 =	simm.s32 $0x4500;
	[tilespmem:$0x1FF70] =	vst v2;
	v2 =	vor.u32 $0x20, v0  }
0x16: {  	s17 =	simm.s32 $0x2;
	s18 =	simm.s32 $0x4;
	s19 =	simm.s32 $0xA500;
	[tilespmem:$0x1FF80] =	vst v2;
	v2 =	vor.u32 $0x1010, v1  }
0x17: {  	s20 =	simm.s32 $0x3;
	s6 =	sand.u32 $0x1, s6;
	s8 =	sshll.u32 s2, $0x8;
	[tilespmem:$0x1FF90] =	vst v2;
	v2 =	vor.u32 $0x820, v0  }
0x18: {  	s3 =	sadd.s32 $0xF42800, s3;
	s7 =	ssub.s32 $0x2, s6;
	s6 =	sshll.u32 s6, $0x7;
	[tilespmem:$0x1FFA0] =	vst v2;
	v2 =	vor.u32 $0x1020, v1  }
0x19: {  	s9 =	sshrl.u32 s7, $0x1;
	s6 =	sor.u32 s6, s8;
	s8 =	simm.s32 $0x5;
	v1 =	vor.u32 $0x1030, v1;
	[tilespmem:$0x1FFB0] =	vst v2  }
0x1a: {  	s7 =	ssub.s32 s7, s9;
	s4 =	sadd.s32 s4, s6;
	s5 =	sadd.s32 s5, s6;
	v2 =	vor.u32 $0x1020, v0;
	[tilespmem:$0x1FFE0] =	vst v1  }
0x1b: {  	s9 =	simm.s32 $0x80;
	s6 =	sadd.s32 $0x638000, s4;
	s7 =	smax.u32 s7, $0x1;
	[tilespmem:$0x1FFC0] =	vst v2  }
.LBB2_1:
0x1c: {  	s21 =	simm.s32 $0x0  }
.LBB2_2:
0x1d: {  	v59 =	vld [tilespmem:$0x1FFD0]  }
0x1e: {  	v50 =	vld [tilespmem:$0x1FE90]  }
0x1f: {  	v51 =	vld [tilespmem:$0x1FEA0]  }
0x20: {  	v52 =	vld [tilespmem:$0x1FEB0]  }
0x21: {  	v53 =	vld [tilespmem:$0x1FEC0]  }
0x22: {  	v54 =	vld [tilespmem:$0x1FED0]  }
0x23: {  	v55 =	vld [tilespmem:$0x1FEE0]  }
0x24: {  	v56 =	vld [tilespmem:$0x1FEF0]  }
0x25: {  	p0 =	seq.s32 s21, $0x0;
	v57 =	vld [tilespmem:$0x1FF00]  }
.Ltmp0:
0x26: {  	v60 =	vld [tilespmem:$0x1FF20];
	(pc) =	sbr.rel @p0 .LBB2_20-.Ltmp0, $4  }
0x27: {  	v58 =	vld [tilespmem:$0x1FF10]  }
0x28: {  	v61 =	vld [tilespmem:$0x1FF30]  }
0x29: {  	v62 =	vld [tilespmem:$0x1FF40]  }
0x2a: {  	v63 =	vld [tilespmem:$0x1FF50]  }
0x2b: {  	_ =	swait.ge [sflag:s17], $0x4000  }
0x2c: {  	p1 =	seq.s32 s21, $0x1;
	[sflag:s17] =	ssyncset.done $0x0  }
0x2d: {  	s22 =	sshll.u32 s21, $0x1;
	s24 =	simm.s32 @!p1 $0x4;
	[sflag:s17] =	ssyncadd.s32 $0xFFFFC000  }
0x2e: {  	s23 =	sadd.s32 $0xFFFFFFFF, s22;
	_ =	swait.ge @!p1 [sflag:s24], $0x2000  }
0x2f: {  	s25 =	sshll.u32 s23, $0x7;
	[sflag:s24] =	ssyncset.done @!p1 $0x0  }
0x30: {  	[sflag:s24] =	ssyncadd.s32 @!p1 $0xFFFFE000;
	s24 =	sand.u32 $0x380, s25  }
0x31: {  	v1 =	vld [tilespmem:s24+$0x0];
	_ =	sdelay $0x3  }
0x32: {  	s31 =	simm.s32 $0x1  }
0x33: {  	s28 =	simm.s32 $0x3;
	v2 =	vadd.s32 s31, v0;
	v1 =	vshll.u32 v1, $0x6  }
0x34: {  	s26 =	simm.s32 $0x0;
	v6 =	vadd.s32 s28, v0;
	v25 =	vand.u32 $0x40, v1;
	v1 =	vand.u32 $0xF, v2  }
0x35: {  	v6 =	vand.u32 $0xF, v6;
	v2 =	vadd.s32 s26, v0;
	v3 =	vor.u32 v25, v1  }
0x36: {  	v5 =	vand.u32 $0xF, v2;
	v12 =	vor.u32 v25, v6;
	v4 =	vor.u32 v59, v3  }
0x37: {  	v9 =	vor.u32 v25, v5;
	v10 =	vor.u32 v59, v12  }
0x38: {  	s26 =	simm.s32 $0x2;
	v8 =	vor.u32 v59, v9  }
0x39: {  	v7 =	vadd.s32 s26, v0  }
0x3a: {  	v19 =	vshll.u32 v6, $0x7;
	v1 =	vshll.u32 v1, $0x7;
	v7 =	vand.u32 $0xF, v7  }
0x3b: {  	v14 =	vor.u32 v0, v19;
	v11 =	vor.u32 v0, v1;
	v15 =	vor.u32 v25, v7;
	v4 =	vld.idx.msk [tilespmem:v4+s16+$0x0], $0xffff  }
0x3c: {  	v17 =	vshll.u32 v5, $0x7;
	v16 =	vshll.u32 v7, $0x7;
	v7 =	vor.u32 v59, v15;
	v10 =	vld.idx.msk [tilespmem:v10+s16+$0x0], $0xffff  }
0x3d: {  	v2 =	vshll.u32 v2, $0x7;
	v13 =	vor.u32 v50, v3;
	v6 =	vld.idx.msk [tilespmem:v8+s16+$0x0], $0xffff;
	v8 =	vor.u32 v0, v17  }
0x3e: {  	v24 =	vor.u32 v55, v2;
	v21 =	vor.u32 v51, v2;
	v2 =	vor.u32 v50, v12  }
0x3f: {  	v18 =	vor.u32 v50, v9  }
0x40: {  	[tilespmem:v11+s19+$0x0] =	vst.idx.msk $0xffff, v4  }
0x41: {  	v30 =	vor.u32 v51, v19;
	v5 =	vor.u32 v0, v16;
	v11 =	vld.idx.msk [tilespmem:v7+s16+$0x0], $0xffff;
	[tilespmem:v14+s19+$0x0] =	vst.idx.msk $0xffff, v10  }
0x42: {  	s30 =	simm.s32 $0x5;
	v26 =	vor.u32 v50, v15;
	[tilespmem:v8+s19+$0x0] =	vst.idx.msk $0xffff, v6;
	v8 =	vor.u32 v51, v1;
	v31 =	vld.idx.msk [tilespmem:v13+s16+$0x0], $0xffff  }
0x43: {  	s29 =	simm.s32 $0x4;
	v23 =	vor.u32 v52, v12;
	v28 =	vor.u32 v52, v3;
	v4 =	vadd.s32 s30, v0;
	v33 =	vld.idx.msk [tilespmem:v2+s16+$0x0], $0xffff  }
0x44: {  	v29 =	vor.u32 v52, v9;
	v6 =	vadd.s32 s29, v0;
	v10 =	vld.idx.msk [tilespmem:v18+s16+$0x0], $0xffff;
	v18 =	vand.u32 $0xF, v4  }
0x45: {  	s28 =	simm.s32 $0x7;
	v22 =	vor.u32 v51, v16;
	v34 =	vand.u32 $0xF, v6;
	v2 =	vor.u32 v25, v18  }
0x46: {  	v13 =	vadd.s32 s28, v0;
	v27 =	vor.u32 v25, v34;
	v35 =	vor.u32 v59, v2;
	[tilespmem:v5+s19+$0x0] =	vst.idx.msk $0xffff, v11  }
0x47: {  	v32 =	vand.u32 $0xF, v13;
	v37 =	vor.u32 v59, v27;
	v36 =	vld.idx.msk [tilespmem:v26+s16+$0x0], $0xffff;
	[tilespmem:v8+s19+$0x0] =	vst.idx.msk $0xffff, v31  }
0x48: {  	v20 =	vor.u32 v52, v15;
	v11 =	vor.u32 v25, v32;
	[tilespmem:v30+s19+$0x0] =	vst.idx.msk $0xffff, v33;
	v38 =	vld.idx.msk [tilespmem:v28+s16+$0x0], $0xffff  }
0x49: {  	v40 =	vor.u32 v53, v1;
	v46 =	vor.u32 v59, v11;
	[tilespmem:v21+s19+$0x0] =	vst.idx.msk $0xffff, v10;
	v41 =	vld.idx.msk [tilespmem:v23+s16+$0x0], $0xffff  }
0x4a: {  	v47 =	vor.u32 v54, v3;
	v30 =	vor.u32 v53, v17;
	v39 =	vld.idx.msk [tilespmem:v29+s16+$0x0], $0xffff  }
0x4b: {  	v49 =	vor.u32 v53, v19;
	v48 =	vor.u32 v54, v9;
	v26 =	vshll.u32 v18, $0x7;
	v18 =	vld.idx.msk [tilespmem:v35+s16+$0x0], $0xffff  }
0x4c: {  	v9 =	vor.u32 v55, v19;
	v19 =	vld.idx.msk [tilespmem:v37+s16+$0x0], $0xffff;
	[tilespmem:v22+s19+$0x0] =	vst.idx.msk $0xffff, v36  }
0x4d: {  	v29 =	vld.idx.msk [tilespmem:v20+s16+$0x0], $0xffff  }
0x4e: {  	v20 =	vld.idx.msk [tilespmem:v46+s16+$0x0], $0xffff;
	[tilespmem:v40+s19+$0x0] =	vst.idx.msk $0xffff, v38  }
0x4f: {  	v3 =	vor.u32 v55, v16;
	[tilespmem:v30+s19+$0x0] =	vst.idx.msk $0xffff, v39;
	v30 =	vld.idx.msk [tilespmem:v47+s16+$0x0], $0xffff  }
0x50: {  	v17 =	vor.u32 v53, v16;
	v16 =	vor.u32 v55, v1;
	[tilespmem:v49+s19+$0x0] =	vst.idx.msk $0xffff, v41;
	v1 =	vld.idx.msk [tilespmem:v48+s16+$0x0], $0xffff  }
0x51: {  	s31 =	simm.s32 $0x6;
	v42 =	vld [tilespmem:$0x1FF60]  }
0x52: {  	v7 =	vadd.s32 s31, v0;
	v43 =	vld [tilespmem:$0x1FF70]  }
0x53: {  	v15 =	vor.u32 v54, v15;
	v4 =	vand.u32 $0xF, v7;
	v44 =	vld [tilespmem:$0x1FF80]  }
0x54: {  	v14 =	vshll.u32 v6, $0x7;
	v7 =	vor.u32 v25, v4;
	v21 =	vor.u32 v0, v26;
	v46 =	vld [tilespmem:$0x1FFA0]  }
0x55: {  	v4 =	vshll.u32 v4, $0x7;
	v6 =	vor.u32 v55, v14;
	v13 =	vor.u32 v59, v7;
	v45 =	vld [tilespmem:$0x1FF90]  }
0x56: {  	v5 =	vshll.u32 v32, $0x7;
	v10 =	vshll.u32 v34, $0x7;
	v28 =	vor.u32 v54, v12;
	v47 =	vld [tilespmem:$0x1FFB0]  }
0x57: {  	v32 =	vor.u32 v50, v2;
	v8 =	vor.u32 v0, v4;
	v31 =	vor.u32 v0, v10;
	v48 =	vld [tilespmem:$0x1FFC0]  }
0x58: {  	s25 =	simm.s32 $0x8;
	v23 =	vor.u32 v50, v27;
	v12 =	vor.u32 v52, v7;
	v22 =	vor.u32 v0, v5;
	v49 =	vld [tilespmem:$0x1FFE0]  }
.LBB2_4:
0x59: {  	v33 =	vor.u32 v51, v14;
	[tilespmem:v21+s19+$0x0] =	vst.idx.msk $0xffff, v18;
	v21 =	vor.u32 v51, v4  }
0x5a: {  	p1 =	slt.u32 s25, $0xC;
	v13 =	vld.idx.msk [tilespmem:v13+s16+$0x0], $0xffff;
	v34 =	vmovc v7;
	v35 =	vmovc v4;
	v36 =	vmov v27;
	v37 =	vmov v11;
	v38 =	vmov v26;
	s26 =	smov.u32 s25;
	s25 =	sadd.s32 $0x4, s25  }
0x5b: {  	v4 =	vor.u32 v50, v37;
	v18 =	vor.u32 v52, v37;
	[tilespmem:v17+s19+$0x0] =	vst.idx.msk $0xffff, v29;
	v11 =	vld.idx.msk [tilespmem:v28+s16+$0x0], $0xffff  }
0x5c: {  	v17 =	vor.u32 v52, v2;
	v14 =	vor.u32 v50, v34;
	[tilespmem:v31+s19+$0x0] =	vst.idx.msk $0xffff, v19;
	v15 =	vld.idx.msk [tilespmem:v15+s16+$0x0], $0xffff  }
0x5d: {  	v19 =	vor.u32 v52, v36;
	v28 =	vld.idx.msk [tilespmem:v32+s16+$0x0], $0xffff;
	[tilespmem:v22+s19+$0x0] =	vst.idx.msk $0xffff, v20;
	v20 =	vor.u32 v51, v5  }
0x5e: {  	s28 =	sadd.s32 $0x1, s26;
	s29 =	sadd.s32 $0x2, s26;
	v29 =	vor.u32 v51, v38;
	v22 =	vadd.s32 s26, v0;
	s26 =	sadd.s32 $0x3, s26;
	v23 =	vld.idx.msk [tilespmem:v23+s16+$0x0], $0xffff;
	[tilespmem:v16+s19+$0x0] =	vst.idx.msk $0xffff, v30;
	v16 =	vmov v5  }
0x5f: {  	v7 =	vadd.s32 s29, v0;
	v5 =	vadd.s32 s28, v0;
	v26 =	vadd.s32 s26, v0;
	[tilespmem:v24+s19+$0x0] =	vst.idx.msk $0xffff, v1;
	v24 =	vmovc v6  }
0x60: {  	v1 =	vand.u32 $0xF, v5;
	v5 =	vand.u32 $0xF, v7;
	v6 =	vand.u32 $0xF, v26;
	[tilespmem:v8+s19+$0x0] =	vst.idx.msk $0xffff, v13;
	v30 =	vld.idx.msk [tilespmem:v4+s16+$0x0], $0xffff  }
0x61: {  	v31 =	vor.u32 v25, v1;
	v7 =	vor.u32 v25, v5;
	v4 =	vshll.u32 v5, $0x7;
	[tilespmem:v9+s19+$0x0] =	vst.idx.msk $0xffff, v11  }
0x62: {  	v32 =	vand.u32 $0xF, v22;
	v9 =	vor.u32 v59, v31;
	v13 =	vor.u32 v59, v7;
	v39 =	vld.idx.msk [tilespmem:v14+s16+$0x0], $0xffff  }
0x63: {  	v27 =	vor.u32 v25, v32;
	v11 =	vor.u32 v25, v6;
	v14 =	vshll.u32 v22, $0x7;
	[tilespmem:v3+s19+$0x0] =	vst.idx.msk $0xffff, v15  }
0x64: {  	v26 =	vshll.u32 v1, $0x7;
	v5 =	vshll.u32 v6, $0x7;
	v15 =	vor.u32 v59, v27;
	[tilespmem:v29+s19+$0x0] =	vst.idx.msk $0xffff, v28  }
0x65: {  	v8 =	vor.u32 v0, v4;
	v1 =	vor.u32 v59, v11;
	[tilespmem:v33+s19+$0x0] =	vst.idx.msk $0xffff, v23;
	v22 =	vld.idx.msk [tilespmem:v17+s16+$0x0], $0xffff  }
0x66: {  	v6 =	vor.u32 v55, v14;
	v33 =	vor.u32 v53, v38;
	v23 =	vld.idx.msk [tilespmem:v19+s16+$0x0], $0xffff;
	[tilespmem:v20+s19+$0x0] =	vst.idx.msk $0xffff, v30  }
0x67: {  	v40 =	vor.u32 v54, v2;
	v3 =	vor.u32 v55, v35;
	v30 =	vor.u32 v53, v10;
	v41 =	vld.idx.msk [tilespmem:v18+s16+$0x0], $0xffff  }
0x68: {  	v36 =	vor.u32 v54, v36;
	v18 =	vld.idx.msk [tilespmem:v9+s16+$0x0], $0xffff;
	[tilespmem:v21+s19+$0x0] =	vst.idx.msk $0xffff, v39;
	v39 =	vor.u32 v53, v16  }
.Ltmp1:
0x69: {  	v17 =	vor.u32 v53, v35;
	v21 =	vor.u32 v0, v26;
	v9 =	vor.u32 v55, v16;
	v29 =	vld.idx.msk [tilespmem:v12+s16+$0x0], $0xffff;
	(pc) =	sbr.rel @p1 .LBB2_4-.Ltmp1, $4  }
0x6a: {  	v2 =	vmovc v31;
	v28 =	vor.u32 v54, v37;
	v10 =	vshll.u32 v32, $0x7;
	v19 =	vld.idx.msk [tilespmem:v15+s16+$0x0], $0xffff;
	v15 =	vor.u32 v54, v34  }
0x6b: {  	v31 =	vor.u32 v0, v10;
	v16 =	vor.u32 v55, v38;
	v20 =	vld.idx.msk [tilespmem:v1+s16+$0x0], $0xffff;
	[tilespmem:v33+s19+$0x0] =	vst.idx.msk $0xffff, v22  }
0x6c: {  	v32 =	vor.u32 v50, v2;
	v22 =	vor.u32 v0, v5;
	[tilespmem:v30+s19+$0x0] =	vst.idx.msk $0xffff, v23;
	v30 =	vld.idx.msk [tilespmem:v40+s16+$0x0], $0xffff  }
0x6d: {  	v12 =	vor.u32 v52, v7;
	v23 =	vor.u32 v50, v27;
	v1 =	vld.idx.msk [tilespmem:v36+s16+$0x0], $0xffff;
	[tilespmem:v39+s19+$0x0] =	vst.idx.msk $0xffff, v41  }
0x6e: {  	_ =	sdelay $0x3  }
0x6f: {  	v13 =	vld.idx.msk [tilespmem:v13+s16+$0x0], $0xffff;
	v25 =	vor.u32 v50, v11  }
0x70: {  	v33 =	vor.u32 v50, v7  }
0x71: {  	[tilespmem:v21+s19+$0x0] =	vst.idx.msk $0xffff, v18  }
0x72: {  	[tilespmem:v31+s19+$0x0] =	vst.idx.msk $0xffff, v19;
	v18 =	vld.idx.msk [tilespmem:v32+s16+$0x0], $0xffff;
	v19 =	vor.u32 v51, v26  }
0x73: {  	v14 =	vor.u32 v51, v14;
	v21 =	vor.u32 v52, v2;
	[tilespmem:v22+s19+$0x0] =	vst.idx.msk $0xffff, v20;
	v20 =	vld.idx.msk [tilespmem:v23+s16+$0x0], $0xffff  }
0x74: {  	v22 =	vor.u32 v52, v27;
	v23 =	vor.u32 v51, v5;
	[tilespmem:v8+s19+$0x0] =	vst.idx.msk $0xffff, v13;
	v8 =	vld.idx.msk [tilespmem:v25+s16+$0x0], $0xffff  }
0x75: {  	v13 =	vor.u32 v51, v4;
	v25 =	vor.u32 v52, v11;
	v31 =	vld.idx.msk [tilespmem:v33+s16+$0x0], $0xffff  }
0x76: {  	[tilespmem:v17+s19+$0x0] =	vst.idx.msk $0xffff, v29  }
0x77: {  	[tilespmem:v19+s19+$0x0] =	vst.idx.msk $0xffff, v18  }
0x78: {  	v17 =	vor.u32 v53, v26;
	[tilespmem:v14+s19+$0x0] =	vst.idx.msk $0xffff, v20;
	v14 =	vld.idx.msk [tilespmem:v21+s16+$0x0], $0xffff  }
0x79: {  	v2 =	vor.u32 v54, v2;
	v18 =	vld.idx.msk [tilespmem:v22+s16+$0x0], $0xffff;
	[tilespmem:v23+s19+$0x0] =	vst.idx.msk $0xffff, v8;
	v8 =	vor.u32 v53, v10  }
0x7a: {  	v19 =	vor.u32 v54, v27;
	v10 =	vld.idx.msk [tilespmem:v25+s16+$0x0], $0xffff;
	[tilespmem:v13+s19+$0x0] =	vst.idx.msk $0xffff, v31;
	v13 =	vor.u32 v53, v5  }
0x7b: {  	[tilespmem:v16+s19+$0x0] =	vst.idx.msk $0xffff, v30;
	v16 =	vor.u32 v53, v4;
	v11 =	vor.u32 v54, v11;
	v12 =	vld.idx.msk [tilespmem:v12+s16+$0x0], $0xffff  }
0x7c: {  	[tilespmem:v24+s19+$0x0] =	vst.idx.msk $0xffff, v1;
	v1 =	vor.u32 v54, v7;
	v7 =	vld.idx.msk [tilespmem:v15+s16+$0x0], $0xffff  }
0x7d: {  	v20 =	vld.idx.msk [tilespmem:v28+s16+$0x0], $0xffff;
	[tilespmem:v17+s19+$0x0] =	vst.idx.msk $0xffff, v14  }
0x7e: {  	v14 =	vor.u32 v55, v26;
	v2 =	vld.idx.msk [tilespmem:v2+s16+$0x0], $0xffff;
	[tilespmem:v8+s19+$0x0] =	vst.idx.msk $0xffff, v18  }
0x7f: {  	v8 =	vld.idx.msk [tilespmem:v19+s16+$0x0], $0xffff;
	[tilespmem:v13+s19+$0x0] =	vst.idx.msk $0xffff, v10  }
0x80: {  	v5 =	vor.u32 v55, v5;
	[tilespmem:v16+s19+$0x0] =	vst.idx.msk $0xffff, v12;
	v10 =	vld.idx.msk [tilespmem:v11+s16+$0x0], $0xffff  }
0x81: {  	v4 =	vor.u32 v55, v4;
	[tilespmem:v3+s19+$0x0] =	vst.idx.msk $0xffff, v7;
	v1 =	vld.idx.msk [tilespmem:v1+s16+$0x0], $0xffff  }
0x82: {  	[tilespmem:v9+s19+$0x0] =	vst.idx.msk $0xffff, v20  }
0x83: {  	[tilespmem:v14+s19+$0x0] =	vst.idx.msk $0xffff, v2  }
0x84: {  	[tilespmem:v6+s19+$0x0] =	vst.idx.msk $0xffff, v8  }
0x85: {  	[tilespmem:v5+s19+$0x0] =	vst.idx.msk $0xffff, v10  }
0x86: {  	[tilespmem:v4+s19+$0x0] =	vst.idx.msk $0xffff, v1  }
0x87: {  	v1 =	vld [tilespmem:s24+$0x10];
	_ =	sdelay $0x3  }
0x88: {  	s25 =	simm.s32 $0x1  }
0x89: {  	s28 =	simm.s32 $0x3;
	v2 =	vadd.s32 s25, v0;
	v1 =	vshll.u32 v1, $0x6  }
0x8a: {  	s26 =	simm.s32 $0x0;
	v6 =	vadd.s32 s28, v0;
	v25 =	vand.u32 $0x40, v1;
	v1 =	vand.u32 $0xF, v2  }
0x8b: {  	v6 =	vand.u32 $0xF, v6;
	v2 =	vadd.s32 s26, v0;
	v3 =	vor.u32 v25, v1  }
0x8c: {  	v5 =	vand.u32 $0xF, v2;
	v12 =	vor.u32 v25, v6;
	v4 =	vor.u32 v56, v3  }
0x8d: {  	s26 =	simm.s32 $0x2;
	v9 =	vor.u32 v25, v5;
	v10 =	vor.u32 v56, v12  }
0x8e: {  	v19 =	vshll.u32 v6, $0x7;
	v7 =	vadd.s32 s26, v0;
	v8 =	vor.u32 v56, v9  }
0x8f: {  	v14 =	vor.u32 v57, v19;
	v30 =	vor.u32 v60, v19;
	v7 =	vand.u32 $0xF, v7  }
0x90: {  	v1 =	vshll.u32 v1, $0x7;
	v2 =	vshll.u32 v2, $0x7;
	v15 =	vor.u32 v25, v7  }
0x91: {  	v11 =	vor.u32 v57, v1;
	v16 =	vshll.u32 v7, $0x7;
	v7 =	vor.u32 v56, v15;
	v4 =	vld.idx.msk [tilespmem:v4+s16+$0x0], $0xffff  }
0x92: {  	v17 =	vshll.u32 v5, $0x7;
	v24 =	vor.u32 v42, v2;
	v13 =	vor.u32 v58, v3;
	v10 =	vld.idx.msk [tilespmem:v10+s16+$0x0], $0xffff  }
0x93: {  	v21 =	vor.u32 v60, v2;
	v2 =	vor.u32 v58, v12;
	v6 =	vld.idx.msk [tilespmem:v8+s16+$0x0], $0xffff;
	v8 =	vor.u32 v57, v17  }
0x94: {  	v23 =	vor.u32 v61, v12;
	v28 =	vor.u32 v61, v3;
	v40 =	vor.u32 v62, v1  }
0x95: {  	v18 =	vor.u32 v58, v9;
	v29 =	vor.u32 v61, v9;
	v5 =	vor.u32 v57, v16  }
0x96: {  	v20 =	vor.u32 v61, v15;
	v22 =	vor.u32 v60, v16;
	[tilespmem:v11+s19+$0x0] =	vst.idx.msk $0xffff, v4;
	v11 =	vld.idx.msk [tilespmem:v7+s16+$0x0], $0xffff  }
0x97: {  	s30 =	simm.s32 $0x5;
	v26 =	vor.u32 v58, v15;
	v15 =	vor.u32 v63, v15;
	[tilespmem:v14+s19+$0x0] =	vst.idx.msk $0xffff, v10  }
0x98: {  	s29 =	simm.s32 $0x4;
	s31 =	simm.s32 $0x6;
	s28 =	simm.s32 $0x7;
	v4 =	vadd.s32 s30, v0;
	[tilespmem:v8+s19+$0x0] =	vst.idx.msk $0xffff, v6;
	v8 =	vor.u32 v60, v1;
	v31 =	vld.idx.msk [tilespmem:v13+s16+$0x0], $0xffff  }
0x99: {  	v7 =	vadd.s32 s31, v0;
	v6 =	vadd.s32 s29, v0;
	v13 =	vadd.s32 s28, v0;
	v33 =	vld.idx.msk [tilespmem:v2+s16+$0x0], $0xffff  }
0x9a: {  	v10 =	vld.idx.msk [tilespmem:v18+s16+$0x0], $0xffff;
	v18 =	vand.u32 $0xF, v4;
	v4 =	vand.u32 $0xF, v7;
	v41 =	vand.u32 $0xF, v13  }
0x9b: {  	v34 =	vand.u32 $0xF, v6;
	v14 =	vshll.u32 v6, $0x7;
	v2 =	vor.u32 v25, v18;
	[tilespmem:v5+s19+$0x0] =	vst.idx.msk $0xffff, v11  }
0x9c: {  	v7 =	vor.u32 v25, v4;
	v27 =	vor.u32 v25, v34;
	v35 =	vor.u32 v56, v2;
	v36 =	vld.idx.msk [tilespmem:v26+s16+$0x0], $0xffff  }
0x9d: {  	v4 =	vshll.u32 v4, $0x7;
	v6 =	vor.u32 v42, v14;
	v37 =	vor.u32 v56, v27;
	[tilespmem:v8+s19+$0x0] =	vst.idx.msk $0xffff, v31  }
0x9e: {  	v13 =	vor.u32 v56, v7;
	v11 =	vor.u32 v25, v41;
	[tilespmem:v30+s19+$0x0] =	vst.idx.msk $0xffff, v33;
	v38 =	vld.idx.msk [tilespmem:v28+s16+$0x0], $0xffff  }
0x9f: {  	v5 =	vshll.u32 v41, $0x7;
	v26 =	vshll.u32 v18, $0x7;
	v32 =	vor.u32 v56, v11;
	[tilespmem:v21+s19+$0x0] =	vst.idx.msk $0xffff, v10;
	v41 =	vld.idx.msk [tilespmem:v23+s16+$0x0], $0xffff  }
0xa0: {  	v8 =	vor.u32 v57, v4;
	v30 =	vor.u32 v62, v17;
	v33 =	vor.u32 v63, v3;
	v39 =	vld.idx.msk [tilespmem:v29+s16+$0x0], $0xffff  }
0xa1: {  	v18 =	vld.idx.msk [tilespmem:v35+s16+$0x0], $0xffff;
	v35 =	vor.u32 v63, v9;
	[tilespmem:v22+s19+$0x0] =	vst.idx.msk $0xffff, v36;
	v36 =	vor.u32 v62, v19  }
0xa2: {  	v3 =	vor.u32 v42, v16;
	v21 =	vor.u32 v57, v26;
	v9 =	vor.u32 v42, v19;
	v19 =	vld.idx.msk [tilespmem:v37+s16+$0x0], $0xffff  }
0xa3: {  	v17 =	vor.u32 v62, v16;
	v16 =	vor.u32 v42, v1;
	v10 =	vshll.u32 v34, $0x7;
	v29 =	vld.idx.msk [tilespmem:v20+s16+$0x0], $0xffff  }
0xa4: {  	v28 =	vor.u32 v63, v12;
	v23 =	vor.u32 v58, v27;
	v20 =	vld.idx.msk [tilespmem:v32+s16+$0x0], $0xffff;
	[tilespmem:v40+s19+$0x0] =	vst.idx.msk $0xffff, v38  }
0xa5: {  	v12 =	vor.u32 v61, v7;
	v31 =	vor.u32 v57, v10;
	[tilespmem:v30+s19+$0x0] =	vst.idx.msk $0xffff, v39;
	v30 =	vld.idx.msk [tilespmem:v33+s16+$0x0], $0xffff  }
0xa6: {  	s25 =	simm.s32 $0x8;
	v22 =	vor.u32 v57, v5;
	v32 =	vor.u32 v58, v2;
	v1 =	vld.idx.msk [tilespmem:v35+s16+$0x0], $0xffff;
	[tilespmem:v36+s19+$0x0] =	vst.idx.msk $0xffff, v41  }
.LBB2_6:
0xa7: {  	v33 =	vor.u32 v60, v14;
	[tilespmem:v21+s19+$0x0] =	vst.idx.msk $0xffff, v18;
	v21 =	vor.u32 v60, v4  }
0xa8: {  	p1 =	slt.u32 s25, $0xC;
	v13 =	vld.idx.msk [tilespmem:v13+s16+$0x0], $0xffff;
	v34 =	vmovc v7;
	v35 =	vmovc v4;
	v36 =	vmov v27;
	v37 =	vmov v11;
	v38 =	vmov v26;
	s26 =	smov.u32 s25;
	s25 =	sadd.s32 $0x4, s25  }
0xa9: {  	v4 =	vor.u32 v58, v37;
	v18 =	vor.u32 v61, v37;
	[tilespmem:v17+s19+$0x0] =	vst.idx.msk $0xffff, v29;
	v11 =	vld.idx.msk [tilespmem:v28+s16+$0x0], $0xffff  }
0xaa: {  	v17 =	vor.u32 v61, v2;
	v14 =	vor.u32 v58, v34;
	[tilespmem:v31+s19+$0x0] =	vst.idx.msk $0xffff, v19;
	v15 =	vld.idx.msk [tilespmem:v15+s16+$0x0], $0xffff  }
0xab: {  	v19 =	vor.u32 v61, v36;
	v28 =	vld.idx.msk [tilespmem:v32+s16+$0x0], $0xffff;
	[tilespmem:v22+s19+$0x0] =	vst.idx.msk $0xffff, v20;
	v20 =	vor.u32 v60, v5  }
0xac: {  	s28 =	sadd.s32 $0x1, s26;
	s29 =	sadd.s32 $0x2, s26;
	v29 =	vor.u32 v60, v38;
	v22 =	vadd.s32 s26, v0;
	s26 =	sadd.s32 $0x3, s26;
	v23 =	vld.idx.msk [tilespmem:v23+s16+$0x0], $0xffff;
	[tilespmem:v16+s19+$0x0] =	vst.idx.msk $0xffff, v30;
	v16 =	vmov v5  }
0xad: {  	v7 =	vadd.s32 s29, v0;
	v5 =	vadd.s32 s28, v0;
	v26 =	vadd.s32 s26, v0;
	[tilespmem:v24+s19+$0x0] =	vst.idx.msk $0xffff, v1;
	v24 =	vmovc v6  }
0xae: {  	v1 =	vand.u32 $0xF, v5;
	v5 =	vand.u32 $0xF, v7;
	v6 =	vand.u32 $0xF, v26;
	[tilespmem:v8+s19+$0x0] =	vst.idx.msk $0xffff, v13;
	v30 =	vld.idx.msk [tilespmem:v4+s16+$0x0], $0xffff  }
0xaf: {  	v31 =	vor.u32 v25, v1;
	v7 =	vor.u32 v25, v5;
	v4 =	vshll.u32 v5, $0x7;
	[tilespmem:v9+s19+$0x0] =	vst.idx.msk $0xffff, v11  }
0xb0: {  	v32 =	vand.u32 $0xF, v22;
	v9 =	vor.u32 v56, v31;
	v13 =	vor.u32 v56, v7;
	v39 =	vld.idx.msk [tilespmem:v14+s16+$0x0], $0xffff  }
0xb1: {  	v27 =	vor.u32 v25, v32;
	v11 =	vor.u32 v25, v6;
	v14 =	vshll.u32 v22, $0x7;
	[tilespmem:v3+s19+$0x0] =	vst.idx.msk $0xffff, v15  }
0xb2: {  	v26 =	vshll.u32 v1, $0x7;
	v5 =	vshll.u32 v6, $0x7;
	v15 =	vor.u32 v56, v27;
	[tilespmem:v29+s19+$0x0] =	vst.idx.msk $0xffff, v28  }
0xb3: {  	v8 =	vor.u32 v57, v4;
	v1 =	vor.u32 v56, v11;
	[tilespmem:v33+s19+$0x0] =	vst.idx.msk $0xffff, v23;
	v22 =	vld.idx.msk [tilespmem:v17+s16+$0x0], $0xffff  }
0xb4: {  	v6 =	vor.u32 v42, v14;
	v33 =	vor.u32 v62, v38;
	v23 =	vld.idx.msk [tilespmem:v19+s16+$0x0], $0xffff;
	[tilespmem:v20+s19+$0x0] =	vst.idx.msk $0xffff, v30  }
0xb5: {  	v40 =	vor.u32 v63, v2;
	v3 =	vor.u32 v42, v35;
	v30 =	vor.u32 v62, v10;
	v41 =	vld.idx.msk [tilespmem:v18+s16+$0x0], $0xffff  }
0xb6: {  	v36 =	vor.u32 v63, v36;
	v18 =	vld.idx.msk [tilespmem:v9+s16+$0x0], $0xffff;
	[tilespmem:v21+s19+$0x0] =	vst.idx.msk $0xffff, v39;
	v39 =	vor.u32 v62, v16  }
.Ltmp2:
0xb7: {  	v17 =	vor.u32 v62, v35;
	v21 =	vor.u32 v57, v26;
	v9 =	vor.u32 v42, v16;
	v29 =	vld.idx.msk [tilespmem:v12+s16+$0x0], $0xffff;
	(pc) =	sbr.rel @p1 .LBB2_6-.Ltmp2, $4  }
0xb8: {  	v2 =	vmovc v31;
	v28 =	vor.u32 v63, v37;
	v10 =	vshll.u32 v32, $0x7;
	v19 =	vld.idx.msk [tilespmem:v15+s16+$0x0], $0xffff;
	v15 =	vor.u32 v63, v34  }
0xb9: {  	v31 =	vor.u32 v57, v10;
	v16 =	vor.u32 v42, v38;
	v20 =	vld.idx.msk [tilespmem:v1+s16+$0x0], $0xffff;
	[tilespmem:v33+s19+$0x0] =	vst.idx.msk $0xffff, v22  }
0xba: {  	v32 =	vor.u32 v58, v2;
	v22 =	vor.u32 v57, v5;
	[tilespmem:v30+s19+$0x0] =	vst.idx.msk $0xffff, v23;
	v30 =	vld.idx.msk [tilespmem:v40+s16+$0x0], $0xffff  }
0xbb: {  	v12 =	vor.u32 v61, v7;
	v23 =	vor.u32 v58, v27;
	v1 =	vld.idx.msk [tilespmem:v36+s16+$0x0], $0xffff;
	[tilespmem:v39+s19+$0x0] =	vst.idx.msk $0xffff, v41  }
0xbc: {  	_ =	sdelay $0x3  }
0xbd: {  	v13 =	vld.idx.msk [tilespmem:v13+s16+$0x0], $0xffff;
	v25 =	vor.u32 v58, v11  }
0xbe: {  	v33 =	vor.u32 v58, v7  }
0xbf: {  	[tilespmem:v21+s19+$0x0] =	vst.idx.msk $0xffff, v18  }
0xc0: {  	[tilespmem:v31+s19+$0x0] =	vst.idx.msk $0xffff, v19;
	v18 =	vld.idx.msk [tilespmem:v32+s16+$0x0], $0xffff;
	v19 =	vor.u32 v60, v26  }
0xc1: {  	v14 =	vor.u32 v60, v14;
	v21 =	vor.u32 v61, v2;
	[tilespmem:v22+s19+$0x0] =	vst.idx.msk $0xffff, v20;
	v20 =	vld.idx.msk [tilespmem:v23+s16+$0x0], $0xffff  }
0xc2: {  	v22 =	vor.u32 v61, v27;
	v23 =	vor.u32 v60, v5;
	[tilespmem:v8+s19+$0x0] =	vst.idx.msk $0xffff, v13;
	v8 =	vld.idx.msk [tilespmem:v25+s16+$0x0], $0xffff  }
0xc3: {  	v13 =	vor.u32 v60, v4;
	v25 =	vor.u32 v61, v11;
	v31 =	vld.idx.msk [tilespmem:v33+s16+$0x0], $0xffff  }
0xc4: {  	[tilespmem:v17+s19+$0x0] =	vst.idx.msk $0xffff, v29  }
0xc5: {  	[tilespmem:v19+s19+$0x0] =	vst.idx.msk $0xffff, v18  }
0xc6: {  	v17 =	vor.u32 v62, v26;
	[tilespmem:v14+s19+$0x0] =	vst.idx.msk $0xffff, v20;
	v14 =	vld.idx.msk [tilespmem:v21+s16+$0x0], $0xffff  }
0xc7: {  	v2 =	vor.u32 v63, v2;
	v18 =	vld.idx.msk [tilespmem:v22+s16+$0x0], $0xffff;
	[tilespmem:v23+s19+$0x0] =	vst.idx.msk $0xffff, v8;
	v8 =	vor.u32 v62, v10  }
0xc8: {  	v19 =	vor.u32 v63, v27;
	v10 =	vld.idx.msk [tilespmem:v25+s16+$0x0], $0xffff;
	[tilespmem:v13+s19+$0x0] =	vst.idx.msk $0xffff, v31;
	v13 =	vor.u32 v62, v5  }
0xc9: {  	[tilespmem:v16+s19+$0x0] =	vst.idx.msk $0xffff, v30;
	v16 =	vor.u32 v62, v4;
	v11 =	vor.u32 v63, v11;
	v12 =	vld.idx.msk [tilespmem:v12+s16+$0x0], $0xffff  }
0xca: {  	[tilespmem:v24+s19+$0x0] =	vst.idx.msk $0xffff, v1;
	v1 =	vor.u32 v63, v7;
	v7 =	vld.idx.msk [tilespmem:v15+s16+$0x0], $0xffff  }
0xcb: {  	v20 =	vld.idx.msk [tilespmem:v28+s16+$0x0], $0xffff;
	[tilespmem:v17+s19+$0x0] =	vst.idx.msk $0xffff, v14  }
0xcc: {  	v14 =	vor.u32 v42, v26;
	v2 =	vld.idx.msk [tilespmem:v2+s16+$0x0], $0xffff;
	[tilespmem:v8+s19+$0x0] =	vst.idx.msk $0xffff, v18  }
0xcd: {  	v8 =	vld.idx.msk [tilespmem:v19+s16+$0x0], $0xffff;
	[tilespmem:v13+s19+$0x0] =	vst.idx.msk $0xffff, v10  }
0xce: {  	v5 =	vor.u32 v42, v5;
	[tilespmem:v16+s19+$0x0] =	vst.idx.msk $0xffff, v12;
	v10 =	vld.idx.msk [tilespmem:v11+s16+$0x0], $0xffff  }
0xcf: {  	v4 =	vor.u32 v42, v4;
	[tilespmem:v3+s19+$0x0] =	vst.idx.msk $0xffff, v7;
	v1 =	vld.idx.msk [tilespmem:v1+s16+$0x0], $0xffff  }
0xd0: {  	[tilespmem:v9+s19+$0x0] =	vst.idx.msk $0xffff, v20  }
0xd1: {  	[tilespmem:v14+s19+$0x0] =	vst.idx.msk $0xffff, v2  }
0xd2: {  	[tilespmem:v6+s19+$0x0] =	vst.idx.msk $0xffff, v8  }
0xd3: {  	[tilespmem:v5+s19+$0x0] =	vst.idx.msk $0xffff, v10  }
0xd4: {  	[tilespmem:v4+s19+$0x0] =	vst.idx.msk $0xffff, v1  }
0xd5: {  	v1 =	vld [tilespmem:s24+$0x20];
	_ =	sdelay $0x3  }
0xd6: {  	s25 =	simm.s32 $0x1  }
0xd7: {  	s28 =	simm.s32 $0x3;
	v2 =	vadd.s32 s25, v0;
	v1 =	vshll.u32 v1, $0x6  }
0xd8: {  	s26 =	simm.s32 $0x0;
	v6 =	vadd.s32 s28, v0;
	v25 =	vand.u32 $0x40, v1;
	v1 =	vand.u32 $0xF, v2  }
0xd9: {  	v6 =	vand.u32 $0xF, v6;
	v2 =	vadd.s32 s26, v0;
	v3 =	vor.u32 v25, v1  }
0xda: {  	v5 =	vand.u32 $0xF, v2;
	v12 =	vor.u32 v25, v6;
	v4 =	vor.u32 v43, v3  }
0xdb: {  	v42 =	vld [tilespmem:$0x1FFF0];
	s26 =	simm.s32 $0x2;
	v9 =	vor.u32 v25, v5;
	v10 =	vor.u32 v43, v12  }
0xdc: {  	v19 =	vshll.u32 v6, $0x7;
	v7 =	vadd.s32 s26, v0;
	v8 =	vor.u32 v43, v9  }
0xdd: {  	v14 =	vor.u32 v44, v19;
	v30 =	vor.u32 v46, v19;
	v7 =	vand.u32 $0xF, v7  }
0xde: {  	v1 =	vshll.u32 v1, $0x7;
	v2 =	vshll.u32 v2, $0x7;
	v15 =	vor.u32 v25, v7  }
0xdf: {  	v11 =	vor.u32 v44, v1;
	v16 =	vshll.u32 v7, $0x7;
	v7 =	vor.u32 v43, v15;
	v4 =	vld.idx.msk [tilespmem:v4+s16+$0x0], $0xffff  }
0xe0: {  	v17 =	vshll.u32 v5, $0x7;
	v24 =	vor.u32 v42, v2;
	v13 =	vor.u32 v45, v3;
	v10 =	vld.idx.msk [tilespmem:v10+s16+$0x0], $0xffff  }
0xe1: {  	v21 =	vor.u32 v46, v2;
	v2 =	vor.u32 v45, v12;
	v6 =	vld.idx.msk [tilespmem:v8+s16+$0x0], $0xffff;
	v8 =	vor.u32 v44, v17  }
0xe2: {  	v23 =	vor.u32 v47, v12;
	v28 =	vor.u32 v47, v3;
	v40 =	vor.u32 v48, v1  }
0xe3: {  	v18 =	vor.u32 v45, v9;
	v29 =	vor.u32 v47, v9;
	v5 =	vor.u32 v44, v16  }
0xe4: {  	v20 =	vor.u32 v47, v15;
	v22 =	vor.u32 v46, v16;
	[tilespmem:v11+s19+$0x0] =	vst.idx.msk $0xffff, v4;
	v11 =	vld.idx.msk [tilespmem:v7+s16+$0x0], $0xffff  }
0xe5: {  	s30 =	simm.s32 $0x5;
	v26 =	vor.u32 v45, v15;
	v15 =	vor.u32 v49, v15;
	[tilespmem:v14+s19+$0x0] =	vst.idx.msk $0xffff, v10  }
0xe6: {  	s29 =	simm.s32 $0x4;
	s31 =	simm.s32 $0x6;
	s28 =	simm.s32 $0x7;
	v4 =	vadd.s32 s30, v0;
	[tilespmem:v8+s19+$0x0] =	vst.idx.msk $0xffff, v6;
	v8 =	vor.u32 v46, v1;
	v31 =	vld.idx.msk [tilespmem:v13+s16+$0x0], $0xffff  }
0xe7: {  	v7 =	vadd.s32 s31, v0;
	v6 =	vadd.s32 s29, v0;
	v13 =	vadd.s32 s28, v0;
	v33 =	vld.idx.msk [tilespmem:v2+s16+$0x0], $0xffff  }
0xe8: {  	v10 =	vld.idx.msk [tilespmem:v18+s16+$0x0], $0xffff;
	v18 =	vand.u32 $0xF, v4;
	v4 =	vand.u32 $0xF, v7;
	v41 =	vand.u32 $0xF, v13  }
0xe9: {  	v34 =	vand.u32 $0xF, v6;
	v14 =	vshll.u32 v6, $0x7;
	v2 =	vor.u32 v25, v18;
	[tilespmem:v5+s19+$0x0] =	vst.idx.msk $0xffff, v11  }
0xea: {  	v7 =	vor.u32 v25, v4;
	v27 =	vor.u32 v25, v34;
	v35 =	vor.u32 v43, v2;
	v36 =	vld.idx.msk [tilespmem:v26+s16+$0x0], $0xffff  }
0xeb: {  	v4 =	vshll.u32 v4, $0x7;
	v6 =	vor.u32 v42, v14;
	v37 =	vor.u32 v43, v27;
	[tilespmem:v8+s19+$0x0] =	vst.idx.msk $0xffff, v31  }
0xec: {  	v13 =	vor.u32 v43, v7;
	v11 =	vor.u32 v25, v41;
	[tilespmem:v30+s19+$0x0] =	vst.idx.msk $0xffff, v33;
	v38 =	vld.idx.msk [tilespmem:v28+s16+$0x0], $0xffff  }
0xed: {  	v5 =	vshll.u32 v41, $0x7;
	v26 =	vshll.u32 v18, $0x7;
	v32 =	vor.u32 v43, v11;
	[tilespmem:v21+s19+$0x0] =	vst.idx.msk $0xffff, v10;
	v41 =	vld.idx.msk [tilespmem:v23+s16+$0x0], $0xffff  }
0xee: {  	v8 =	vor.u32 v44, v4;
	v30 =	vor.u32 v48, v17;
	v33 =	vor.u32 v49, v3;
	v39 =	vld.idx.msk [tilespmem:v29+s16+$0x0], $0xffff  }
0xef: {  	v18 =	vld.idx.msk [tilespmem:v35+s16+$0x0], $0xffff;
	v35 =	vor.u32 v49, v9;
	[tilespmem:v22+s19+$0x0] =	vst.idx.msk $0xffff, v36;
	v36 =	vor.u32 v48, v19  }
0xf0: {  	v3 =	vor.u32 v42, v16;
	v21 =	vor.u32 v44, v26;
	v9 =	vor.u32 v42, v19;
	v19 =	vld.idx.msk [tilespmem:v37+s16+$0x0], $0xffff  }
0xf1: {  	v17 =	vor.u32 v48, v16;
	v16 =	vor.u32 v42, v1;
	v10 =	vshll.u32 v34, $0x7;
	v29 =	vld.idx.msk [tilespmem:v20+s16+$0x0], $0xffff  }
0xf2: {  	v28 =	vor.u32 v49, v12;
	v23 =	vor.u32 v45, v27;
	v20 =	vld.idx.msk [tilespmem:v32+s16+$0x0], $0xffff;
	[tilespmem:v40+s19+$0x0] =	vst.idx.msk $0xffff, v38  }
0xf3: {  	v12 =	vor.u32 v47, v7;
	v31 =	vor.u32 v44, v10;
	[tilespmem:v30+s19+$0x0] =	vst.idx.msk $0xffff, v39;
	v30 =	vld.idx.msk [tilespmem:v33+s16+$0x0], $0xffff  }
0xf4: {  	s25 =	simm.s32 $0x8;
	v22 =	vor.u32 v44, v5;
	v32 =	vor.u32 v45, v2;
	v1 =	vld.idx.msk [tilespmem:v35+s16+$0x0], $0xffff;
	[tilespmem:v36+s19+$0x0] =	vst.idx.msk $0xffff, v41  }
.LBB2_8:
0xf5: {  	v33 =	vor.u32 v46, v14;
	[tilespmem:v21+s19+$0x0] =	vst.idx.msk $0xffff, v18;
	v21 =	vor.u32 v46, v4  }
0xf6: {  	p1 =	slt.u32 s25, $0xC;
	v13 =	vld.idx.msk [tilespmem:v13+s16+$0x0], $0xffff;
	v34 =	vmovc v7;
	v35 =	vmovc v4;
	v36 =	vmov v27;
	v37 =	vmov v11;
	v38 =	vmov v26;
	s26 =	smov.u32 s25;
	s25 =	sadd.s32 $0x4, s25  }
0xf7: {  	v4 =	vor.u32 v45, v37;
	v18 =	vor.u32 v47, v37;
	[tilespmem:v17+s19+$0x0] =	vst.idx.msk $0xffff, v29;
	v11 =	vld.idx.msk [tilespmem:v28+s16+$0x0], $0xffff  }
0xf8: {  	v17 =	vor.u32 v47, v2;
	v14 =	vor.u32 v45, v34;
	[tilespmem:v31+s19+$0x0] =	vst.idx.msk $0xffff, v19;
	v15 =	vld.idx.msk [tilespmem:v15+s16+$0x0], $0xffff  }
0xf9: {  	v19 =	vor.u32 v47, v36;
	v28 =	vld.idx.msk [tilespmem:v32+s16+$0x0], $0xffff;
	[tilespmem:v22+s19+$0x0] =	vst.idx.msk $0xffff, v20;
	v20 =	vor.u32 v46, v5  }
0xfa: {  	s28 =	sadd.s32 $0x1, s26;
	s29 =	sadd.s32 $0x2, s26;
	v29 =	vor.u32 v46, v38;
	v22 =	vadd.s32 s26, v0;
	s26 =	sadd.s32 $0x3, s26;
	v23 =	vld.idx.msk [tilespmem:v23+s16+$0x0], $0xffff;
	[tilespmem:v16+s19+$0x0] =	vst.idx.msk $0xffff, v30;
	v16 =	vmov v5  }
0xfb: {  	v7 =	vadd.s32 s29, v0;
	v5 =	vadd.s32 s28, v0;
	v26 =	vadd.s32 s26, v0;
	[tilespmem:v24+s19+$0x0] =	vst.idx.msk $0xffff, v1;
	v24 =	vmovc v6  }
0xfc: {  	v1 =	vand.u32 $0xF, v5;
	v5 =	vand.u32 $0xF, v7;
	v6 =	vand.u32 $0xF, v26;
	[tilespmem:v8+s19+$0x0] =	vst.idx.msk $0xffff, v13;
	v30 =	vld.idx.msk [tilespmem:v4+s16+$0x0], $0xffff  }
0xfd: {  	v31 =	vor.u32 v25, v1;
	v7 =	vor.u32 v25, v5;
	v4 =	vshll.u32 v5, $0x7;
	[tilespmem:v9+s19+$0x0] =	vst.idx.msk $0xffff, v11  }
0xfe: {  	v32 =	vand.u32 $0xF, v22;
	v9 =	vor.u32 v43, v31;
	v13 =	vor.u32 v43, v7;
	v39 =	vld.idx.msk [tilespmem:v14+s16+$0x0], $0xffff  }
0xff: {  	v27 =	vor.u32 v25, v32;
	v11 =	vor.u32 v25, v6;
	v14 =	vshll.u32 v22, $0x7;
	[tilespmem:v3+s19+$0x0] =	vst.idx.msk $0xffff, v15  }
0x100: {  	v26 =	vshll.u32 v1, $0x7;
	v5 =	vshll.u32 v6, $0x7;
	v15 =	vor.u32 v43, v27;
	[tilespmem:v29+s19+$0x0] =	vst.idx.msk $0xffff, v28  }
0x101: {  	v8 =	vor.u32 v44, v4;
	v1 =	vor.u32 v43, v11;
	[tilespmem:v33+s19+$0x0] =	vst.idx.msk $0xffff, v23;
	v22 =	vld.idx.msk [tilespmem:v17+s16+$0x0], $0xffff  }
0x102: {  	v6 =	vor.u32 v42, v14;
	v33 =	vor.u32 v48, v38;
	v23 =	vld.idx.msk [tilespmem:v19+s16+$0x0], $0xffff;
	[tilespmem:v20+s19+$0x0] =	vst.idx.msk $0xffff, v30  }
0x103: {  	v40 =	vor.u32 v49, v2;
	v3 =	vor.u32 v42, v35;
	v30 =	vor.u32 v48, v10;
	v41 =	vld.idx.msk [tilespmem:v18+s16+$0x0], $0xffff  }
0x104: {  	v36 =	vor.u32 v49, v36;
	v18 =	vld.idx.msk [tilespmem:v9+s16+$0x0], $0xffff;
	[tilespmem:v21+s19+$0x0] =	vst.idx.msk $0xffff, v39;
	v39 =	vor.u32 v48, v16  }
.Ltmp3:
0x105: {  	v17 =	vor.u32 v48, v35;
	v21 =	vor.u32 v44, v26;
	v9 =	vor.u32 v42, v16;
	v29 =	vld.idx.msk [tilespmem:v12+s16+$0x0], $0xffff;
	(pc) =	sbr.rel @p1 .LBB2_8-.Ltmp3, $4  }
0x106: {  	v2 =	vmovc v31;
	v28 =	vor.u32 v49, v37;
	v10 =	vshll.u32 v32, $0x7;
	v19 =	vld.idx.msk [tilespmem:v15+s16+$0x0], $0xffff;
	v15 =	vor.u32 v49, v34  }
0x107: {  	v31 =	vor.u32 v44, v10;
	v16 =	vor.u32 v42, v38;
	v20 =	vld.idx.msk [tilespmem:v1+s16+$0x0], $0xffff;
	[tilespmem:v33+s19+$0x0] =	vst.idx.msk $0xffff, v22  }
0x108: {  	v32 =	vor.u32 v45, v2;
	v22 =	vor.u32 v44, v5;
	[tilespmem:v30+s19+$0x0] =	vst.idx.msk $0xffff, v23;
	v30 =	vld.idx.msk [tilespmem:v40+s16+$0x0], $0xffff  }
0x109: {  	v12 =	vor.u32 v47, v7;
	v23 =	vor.u32 v45, v27;
	v1 =	vld.idx.msk [tilespmem:v36+s16+$0x0], $0xffff;
	[tilespmem:v39+s19+$0x0] =	vst.idx.msk $0xffff, v41  }
0x10a: {  	_ =	sdelay $0x3  }
0x10b: {  	v13 =	vld.idx.msk [tilespmem:v13+s16+$0x0], $0xffff;
	v25 =	vor.u32 v45, v11  }
0x10c: {  	v33 =	vor.u32 v45, v7  }
0x10d: {  	[tilespmem:v21+s19+$0x0] =	vst.idx.msk $0xffff, v18  }
0x10e: {  	[tilespmem:v31+s19+$0x0] =	vst.idx.msk $0xffff, v19;
	v18 =	vld.idx.msk [tilespmem:v32+s16+$0x0], $0xffff;
	v19 =	vor.u32 v46, v26  }
0x10f: {  	v14 =	vor.u32 v46, v14;
	v21 =	vor.u32 v47, v2;
	[tilespmem:v22+s19+$0x0] =	vst.idx.msk $0xffff, v20;
	v20 =	vld.idx.msk [tilespmem:v23+s16+$0x0], $0xffff  }
0x110: {  	v22 =	vor.u32 v47, v27;
	v23 =	vor.u32 v46, v5;
	[tilespmem:v8+s19+$0x0] =	vst.idx.msk $0xffff, v13;
	v8 =	vld.idx.msk [tilespmem:v25+s16+$0x0], $0xffff  }
0x111: {  	v13 =	vor.u32 v46, v4;
	v25 =	vor.u32 v47, v11;
	v31 =	vld.idx.msk [tilespmem:v33+s16+$0x0], $0xffff  }
0x112: {  	[tilespmem:v17+s19+$0x0] =	vst.idx.msk $0xffff, v29  }
0x113: {  	[tilespmem:v19+s19+$0x0] =	vst.idx.msk $0xffff, v18  }
0x114: {  	v17 =	vor.u32 v48, v26;
	[tilespmem:v14+s19+$0x0] =	vst.idx.msk $0xffff, v20;
	v14 =	vld.idx.msk [tilespmem:v21+s16+$0x0], $0xffff  }
0x115: {  	v2 =	vor.u32 v49, v2;
	v18 =	vld.idx.msk [tilespmem:v22+s16+$0x0], $0xffff;
	[tilespmem:v23+s19+$0x0] =	vst.idx.msk $0xffff, v8;
	v8 =	vor.u32 v48, v10  }
0x116: {  	v19 =	vor.u32 v49, v27;
	v10 =	vld.idx.msk [tilespmem:v25+s16+$0x0], $0xffff;
	[tilespmem:v13+s19+$0x0] =	vst.idx.msk $0xffff, v31;
	v13 =	vor.u32 v48, v5  }
0x117: {  	[tilespmem:v16+s19+$0x0] =	vst.idx.msk $0xffff, v30;
	v16 =	vor.u32 v48, v4;
	v11 =	vor.u32 v49, v11;
	v12 =	vld.idx.msk [tilespmem:v12+s16+$0x0], $0xffff  }
0x118: {  	[tilespmem:v24+s19+$0x0] =	vst.idx.msk $0xffff, v1;
	v1 =	vor.u32 v49, v7;
	v7 =	vld.idx.msk [tilespmem:v15+s16+$0x0], $0xffff  }
0x119: {  	v20 =	vld.idx.msk [tilespmem:v28+s16+$0x0], $0xffff;
	[tilespmem:v17+s19+$0x0] =	vst.idx.msk $0xffff, v14  }
0x11a: {  	v14 =	vor.u32 v42, v26;
	v2 =	vld.idx.msk [tilespmem:v2+s16+$0x0], $0xffff;
	[tilespmem:v8+s19+$0x0] =	vst.idx.msk $0xffff, v18  }
0x11b: {  	v8 =	vld.idx.msk [tilespmem:v19+s16+$0x0], $0xffff;
	[tilespmem:v13+s19+$0x0] =	vst.idx.msk $0xffff, v10  }
0x11c: {  	v5 =	vor.u32 v42, v5;
	[tilespmem:v16+s19+$0x0] =	vst.idx.msk $0xffff, v12;
	v10 =	vld.idx.msk [tilespmem:v11+s16+$0x0], $0xffff  }
0x11d: {  	v4 =	vor.u32 v42, v4;
	[tilespmem:v3+s19+$0x0] =	vst.idx.msk $0xffff, v7;
	v1 =	vld.idx.msk [tilespmem:v1+s16+$0x0], $0xffff  }
0x11e: {  	[tilespmem:v9+s19+$0x0] =	vst.idx.msk $0xffff, v20  }
0x11f: {  	[tilespmem:v14+s19+$0x0] =	vst.idx.msk $0xffff, v2  }
0x120: {  	[tilespmem:v6+s19+$0x0] =	vst.idx.msk $0xffff, v8  }
0x121: {  	[tilespmem:v5+s19+$0x0] =	vst.idx.msk $0xffff, v10  }
0x122: {  	[tilespmem:v4+s19+$0x0] =	vst.idx.msk $0xffff, v1  }
0x123: {  	v1 =	vld [tilespmem:s24+$0x30];
	_ =	sdelay $0x2  }
0x124: {  	v29 =	vor.u32 $0x1810, v59  }
0x125: {  	s25 =	simm.s32 $0x2;
	v35 =	vor.u32 $0x1820, v59;
	v30 =	vor.u32 $0x1830, v0;
	v33 =	vor.u32 $0x830, v0  }
0x126: {  	s26 =	simm.s32 $0x1;
	v28 =	vor.u32 $0x1800, v59;
	v2 =	vadd.s32 s25, v0;
	v1 =	vshll.u32 v1, $0x6  }
0x127: {  	s28 =	simm.s32 $0x3;
	v2 =	vand.u32 $0xF, v2;
	v27 =	vand.u32 $0x40, v1;
	v1 =	vadd.s32 s26, v0  }
0x128: {  	v7 =	vadd.s32 s28, v0;
	v1 =	vand.u32 $0xF, v1;
	v5 =	vor.u32 v27, v2  }
0x129: {  	v7 =	vand.u32 $0xF, v7;
	s26 =	simm.s32 $0x0;
	v6 =	vor.u32 v27, v1;
	v4 =	vor.u32 v28, v5  }
0x12a: {  	v31 =	vor.u32 $0x30, v0;
	v3 =	vadd.s32 s26, v0;
	v9 =	vor.u32 v28, v6  }
0x12b: {  	v36 =	vshll.u32 v7, $0x7;
	v10 =	vor.u32 v27, v7;
	v8 =	vand.u32 $0xF, v3  }
0x12c: {  	v26 =	vor.u32 $0x1030, v0;
	v13 =	vor.u32 v28, v10;
	v11 =	vor.u32 v27, v8  }
0x12d: {  	v23 =	vor.u32 v33, v36;
	v2 =	vshll.u32 v2, $0x7;
	v12 =	vor.u32 v28, v11  }
0x12e: {  	v1 =	vshll.u32 v1, $0x7;
	v14 =	vshll.u32 v8, $0x7;
	v8 =	vor.u32 v31, v2;
	v4 =	vld.idx.msk [tilespmem:v4+s16+$0x0], $0xffff  }
0x12f: {  	v16 =	vor.u32 v31, v36;
	v24 =	vshll.u32 v3, $0x7;
	v15 =	vor.u32 v31, v1;
	v9 =	vld.idx.msk [tilespmem:v9+s16+$0x0], $0xffff  }
0x130: {  	v3 =	vor.u32 v29, v5;
	v32 =	vor.u32 v30, v2;
	v21 =	vor.u32 v26, v2  }
0x131: {  	v18 =	vor.u32 v35, v10;
	v22 =	vor.u32 v35, v5;
	v34 =	vor.u32 v30, v1;
	v13 =	vld.idx.msk [tilespmem:v13+s16+$0x0], $0xffff  }
0x132: {  	v17 =	vor.u32 v29, v6;
	v19 =	vor.u32 v26, v1;
	v7 =	vor.u32 v31, v14;
	v12 =	vld.idx.msk [tilespmem:v12+s16+$0x0], $0xffff  }
0x133: {  	v2 =	vor.u32 v33, v2;
	[tilespmem:v8+s19+$0x0] =	vst.idx.msk $0xffff, v4;
	v4 =	vor.u32 v29, v11  }
0x134: {  	v25 =	vor.u32 $0x1830, v59;
	v20 =	vor.u32 v35, v6;
	[tilespmem:v15+s19+$0x0] =	vst.idx.msk $0xffff, v9;
	v9 =	vor.u32 v29, v10  }
0x135: {  	v1 =	vor.u32 v33, v1;
	v49 =	vor.u32 v25, v6;
	v48 =	vor.u32 v26, v14;
	v3 =	vld.idx.msk [tilespmem:v3+s16+$0x0], $0xffff  }
0x136: {  	s28 =	simm.s32 $0x7;
	v14 =	vor.u32 v25, v10;
	v8 =	vor.u32 v33, v24;
	[tilespmem:v16+s19+$0x0] =	vst.idx.msk $0xffff, v13  }
0x137: {  	s30 =	simm.s32 $0x5;
	s31 =	simm.s32 $0x6;
	v16 =	vadd.s32 s28, v0;
	v15 =	vor.u32 v35, v11;
	[tilespmem:v7+s19+$0x0] =	vst.idx.msk $0xffff, v12;
	v12 =	vld.idx.msk [tilespmem:v17+s16+$0x0], $0xffff  }
0x138: {  	s29 =	simm.s32 $0x4;
	v40 =	vand.u32 $0xF, v16;
	v7 =	vadd.s32 s30, v0;
	v13 =	vld.idx.msk [tilespmem:v4+s16+$0x0], $0xffff;
	v4 =	vadd.s32 s31, v0  }
0x139: {  	v17 =	vadd.s32 s29, v0;
	v38 =	vand.u32 $0xF, v7;
	v39 =	vld.idx.msk [tilespmem:v9+s16+$0x0], $0xffff;
	v4 =	vand.u32 $0xF, v4  }
0x13a: {  	v41 =	vand.u32 $0xF, v17;
	[tilespmem:v2+s19+$0x0] =	vst.idx.msk $0xffff, v3;
	v3 =	vor.u32 v27, v38;
	v37 =	vor.u32 v27, v4  }
0x13b: {  	v7 =	vshll.u32 v4, $0x7;
	v22 =	vld.idx.msk [tilespmem:v22+s16+$0x0], $0xffff;
	v4 =	vor.u32 v27, v41;
	v42 =	vor.u32 v28, v37  }
0x13c: {  	v2 =	vor.u32 v27, v40;
	[tilespmem:v1+s19+$0x0] =	vst.idx.msk $0xffff, v12;
	v1 =	vor.u32 v28, v4  }
0x13d: {  	v10 =	vshll.u32 v40, $0x7;
	v9 =	vshll.u32 v38, $0x7;
	v12 =	vor.u32 v28, v3;
	v43 =	vld.idx.msk [tilespmem:v20+s16+$0x0], $0xffff;
	[tilespmem:v8+s19+$0x0] =	vst.idx.msk $0xffff, v13  }
0x13e: {  	v16 =	vor.u32 v28, v2;
	v6 =	vor.u32 v30, v9;
	v44 =	vld.idx.msk [tilespmem:v15+s16+$0x0], $0xffff;
	[tilespmem:v23+s19+$0x0] =	vst.idx.msk $0xffff, v39  }
0x13f: {  	v20 =	vor.u32 v31, v9;
	v8 =	vshll.u32 v41, $0x7;
	v13 =	vshll.u32 v17, $0x7;
	v17 =	vld.idx.msk [tilespmem:v18+s16+$0x0], $0xffff  }
0x140: {  	v18 =	vor.u32 v25, v5;
	[tilespmem:v21+s19+$0x0] =	vst.idx.msk $0xffff, v22;
	v21 =	vor.u32 v26, v36;
	v23 =	vld.idx.msk [tilespmem:v42+s16+$0x0], $0xffff  }
0x141: {  	v15 =	vor.u32 v29, v37;
	v39 =	vor.u32 v31, v7;
	v38 =	vld.idx.msk [tilespmem:v1+s16+$0x0], $0xffff;
	v1 =	vor.u32 v25, v11  }
0x142: {  	v40 =	vor.u32 v31, v8;
	v41 =	vld.idx.msk [tilespmem:v12+s16+$0x0], $0xffff;
	v22 =	vor.u32 v31, v10;
	[tilespmem:v19+s19+$0x0] =	vst.idx.msk $0xffff, v43  }
0x143: {  	s25 =	simm.s32 $0x8;
	v12 =	vmov v30;
	v5 =	vmov v30;
	v11 =	vor.u32 v30, v7;
	v19 =	vld.idx.msk [tilespmem:v49+s16+$0x0], $0xffff;
	[tilespmem:v48+s19+$0x0] =	vst.idx.msk $0xffff, v44  }
.LBB2_10:
0x144: {  	p1 =	slt.u32 s25, $0xC;
	v16 =	vld.idx.msk [tilespmem:v16+s16+$0x0], $0xffff;
	v42 =	vor.u32 v12, v24;
	v24 =	vmov v13;
	s26 =	smov.u32 s25;
	s25 =	sadd.s32 $0x4, s25  }
0x145: {  	v13 =	vld.idx.msk [tilespmem:v18+s16+$0x0], $0xffff;
	[tilespmem:v21+s19+$0x0] =	vst.idx.msk $0xffff, v17;
	v17 =	vor.u32 v12, v36  }
0x146: {  	v43 =	vor.u32 v26, v9;
	v12 =	vor.u32 v29, v3;
	[tilespmem:v39+s19+$0x0] =	vst.idx.msk $0xffff, v23;
	v1 =	vld.idx.msk [tilespmem:v1+s16+$0x0], $0xffff  }
0x147: {  	v18 =	vor.u32 v29, v4;
	v21 =	vor.u32 v26, v7;
	[tilespmem:v40+s19+$0x0] =	vst.idx.msk $0xffff, v38;
	v14 =	vld.idx.msk [tilespmem:v14+s16+$0x0], $0xffff  }
0x148: {  	v23 =	vor.u32 v33, v24;
	[tilespmem:v20+s19+$0x0] =	vst.idx.msk $0xffff, v41;
	v20 =	vor.u32 v29, v2  }
0x149: {  	v39 =	vor.u32 v35, v2;
	v38 =	vor.u32 v35, v4;
	v15 =	vld.idx.msk [tilespmem:v15+s16+$0x0], $0xffff;
	[tilespmem:v34+s19+$0x0] =	vst.idx.msk $0xffff, v19  }
0x14a: {  	v40 =	vor.u32 v33, v7;
	v19 =	vor.u32 v35, v3;
	[tilespmem:v22+s19+$0x0] =	vst.idx.msk $0xffff, v16  }
0x14b: {  	v41 =	vor.u32 v33, v9;
	v9 =	vor.u32 v35, v37;
	v22 =	vld.idx.msk [tilespmem:v12+s16+$0x0], $0xffff;
	[tilespmem:v32+s19+$0x0] =	vst.idx.msk $0xffff, v13  }
0x14c: {  	v44 =	vor.u32 v33, v10;
	s28 =	sadd.s32 $0x1, s26;
	s29 =	sadd.s32 $0x2, s26;
	v13 =	vadd.s32 s26, v0;
	s26 =	sadd.s32 $0x3, s26;
	v18 =	vld.idx.msk [tilespmem:v18+s16+$0x0], $0xffff;
	[tilespmem:v42+s19+$0x0] =	vst.idx.msk $0xffff, v1  }
0x14d: {  	v7 =	vadd.s32 s29, v0;
	v12 =	vmovc v5;
	v5 =	vmovc v30;
	v1 =	vadd.s32 s28, v0;
	v16 =	vadd.s32 s26, v0;
	v20 =	vld.idx.msk [tilespmem:v20+s16+$0x0], $0xffff  }
0x14e: {  	v36 =	vmovc v10;
	v7 =	vand.u32 $0xF, v7;
	v34 =	vmovc v6;
	v1 =	vand.u32 $0xF, v1;
	v42 =	vand.u32 $0xF, v16;
	[tilespmem:v17+s19+$0x0] =	vst.idx.msk $0xffff, v14  }
0x14f: {  	v10 =	vor.u32 v27, v7;
	v7 =	vshll.u32 v7, $0x7;
	v32 =	vmovc v11;
	v6 =	vand.u32 $0xF, v13;
	[tilespmem:v40+s19+$0x0] =	vst.idx.msk $0xffff, v15  }
0x150: {  	v11 =	vor.u32 v27, v1;
	v45 =	vor.u32 v27, v42;
	v40 =	vor.u32 v28, v10;
	v46 =	vld.idx.msk [tilespmem:v9+s16+$0x0], $0xffff  }
0x151: {  	v47 =	vor.u32 v27, v6;
	v16 =	vor.u32 v28, v45;
	v9 =	vshll.u32 v1, $0x7;
	[tilespmem:v41+s19+$0x0] =	vst.idx.msk $0xffff, v22  }
0x152: {  	v1 =	vor.u32 v28, v47;
	v22 =	vor.u32 v28, v11;
	[tilespmem:v23+s19+$0x0] =	vst.idx.msk $0xffff, v18;
	v19 =	vld.idx.msk [tilespmem:v19+s16+$0x0], $0xffff  }
0x153: {  	v13 =	vshll.u32 v13, $0x7;
	v48 =	vshll.u32 v6, $0x7;
	v15 =	vor.u32 v29, v10;
	v49 =	vld.idx.msk [tilespmem:v38+s16+$0x0], $0xffff;
	[tilespmem:v44+s19+$0x0] =	vst.idx.msk $0xffff, v20  }
0x154: {  	v8 =	vor.u32 v26, v8;
	v6 =	vor.u32 v5, v9;
	v44 =	vor.u32 v25, v3;
	v17 =	vld.idx.msk [tilespmem:v39+s16+$0x0], $0xffff  }
.Ltmp4:
0x155: {  	v14 =	vor.u32 v25, v2;
	v18 =	vor.u32 v25, v37;
	v37 =	vmovc v10;
	v3 =	vmov v11;
	(pc) =	sbr.rel @p1 .LBB2_10-.Ltmp4, $4  }
0x156: {  	v20 =	vor.u32 v31, v9;
	v23 =	vld.idx.msk [tilespmem:v40+s16+$0x0], $0xffff;
	[tilespmem:v21+s19+$0x0] =	vst.idx.msk $0xffff, v46;
	v21 =	vor.u32 v26, v36  }
0x157: {  	v2 =	vmovc v45;
	v10 =	vshll.u32 v42, $0x7;
	v39 =	vor.u32 v31, v7;
	v38 =	vld.idx.msk [tilespmem:v1+s16+$0x0], $0xffff;
	v1 =	vor.u32 v25, v4  }
0x158: {  	v40 =	vor.u32 v31, v48;
	v41 =	vld.idx.msk [tilespmem:v22+s16+$0x0], $0xffff;
	v22 =	vor.u32 v31, v10;
	[tilespmem:v43+s19+$0x0] =	vst.idx.msk $0xffff, v19  }
0x159: {  	v11 =	vor.u32 v5, v7;
	v4 =	vmov v47;
	[tilespmem:v8+s19+$0x0] =	vst.idx.msk $0xffff, v49;
	v19 =	vld.idx.msk [tilespmem:v44+s16+$0x0], $0xffff;
	v8 =	vmov v48  }
0x15a: {  	_ =	sdelay $0x3  }
0x15b: {  	v27 =	vor.u32 v29, v3;
	v16 =	vld.idx.msk [tilespmem:v16+s16+$0x0], $0xffff  }
0x15c: {  	v28 =	vor.u32 v29, v4  }
0x15d: {  	v29 =	vor.u32 v29, v2;
	[tilespmem:v39+s19+$0x0] =	vst.idx.msk $0xffff, v23  }
0x15e: {  	[tilespmem:v40+s19+$0x0] =	vst.idx.msk $0xffff, v38  }
0x15f: {  	v30 =	vor.u32 v33, v7;
	v15 =	vld.idx.msk [tilespmem:v15+s16+$0x0], $0xffff;
	[tilespmem:v20+s19+$0x0] =	vst.idx.msk $0xffff, v41  }
0x160: {  	v23 =	vor.u32 v33, v9;
	v20 =	vld.idx.msk [tilespmem:v27+s16+$0x0], $0xffff;
	[tilespmem:v22+s19+$0x0] =	vst.idx.msk $0xffff, v16;
	v16 =	vor.u32 v35, v37  }
0x161: {  	v31 =	vor.u32 v33, v13;
	v27 =	vor.u32 v35, v3;
	v22 =	vld.idx.msk [tilespmem:v28+s16+$0x0], $0xffff  }
0x162: {  	v46 =	vor.u32 v33, v10;
	v28 =	vor.u32 v35, v4;
	v29 =	vld.idx.msk [tilespmem:v29+s16+$0x0], $0xffff  }
0x163: {  	[tilespmem:v21+s19+$0x0] =	vst.idx.msk $0xffff, v17;
	v17 =	vor.u32 v35, v2  }
0x164: {  	v18 =	vld.idx.msk [tilespmem:v18+s16+$0x0], $0xffff;
	[tilespmem:v30+s19+$0x0] =	vst.idx.msk $0xffff, v15  }
0x165: {  	v7 =	vor.u32 v26, v7;
	[tilespmem:v23+s19+$0x0] =	vst.idx.msk $0xffff, v20;
	v16 =	vld.idx.msk [tilespmem:v16+s16+$0x0], $0xffff  }
0x166: {  	v21 =	vor.u32 v25, v37;
	v9 =	vor.u32 v26, v9;
	[tilespmem:v31+s19+$0x0] =	vst.idx.msk $0xffff, v22;
	v15 =	vld.idx.msk [tilespmem:v27+s16+$0x0], $0xffff  }
0x167: {  	v8 =	vor.u32 v26, v8;
	v3 =	vor.u32 v25, v3;
	v20 =	vld.idx.msk [tilespmem:v28+s16+$0x0], $0xffff;
	[tilespmem:v46+s19+$0x0] =	vst.idx.msk $0xffff, v29  }
0x168: {  	[tilespmem:v34+s19+$0x0] =	vst.idx.msk $0xffff, v19;
	v19 =	vor.u32 v26, v10;
	v4 =	vor.u32 v25, v4;
	v17 =	vld.idx.msk [tilespmem:v17+s16+$0x0], $0xffff  }
0x169: {  	v1 =	vld.idx.msk [tilespmem:v1+s16+$0x0], $0xffff;
	v2 =	vor.u32 v25, v2;
	[tilespmem:v32+s19+$0x0] =	vst.idx.msk $0xffff, v18;
	v22 =	vor.u32 v12, v24  }
0x16a: {  	v14 =	vld.idx.msk [tilespmem:v14+s16+$0x0], $0xffff;
	v12 =	vor.u32 v12, v36;
	[tilespmem:v7+s19+$0x0] =	vst.idx.msk $0xffff, v16  }
0x16b: {  	[tilespmem:v9+s19+$0x0] =	vst.idx.msk $0xffff, v15;
	v7 =	vld.idx.msk [tilespmem:v21+s16+$0x0], $0xffff  }
0x16c: {  	[tilespmem:v8+s19+$0x0] =	vst.idx.msk $0xffff, v20;
	v3 =	vld.idx.msk [tilespmem:v3+s16+$0x0], $0xffff  }
0x16d: {  	v8 =	vor.u32 v5, v13;
	[tilespmem:v19+s19+$0x0] =	vst.idx.msk $0xffff, v17;
	v4 =	vld.idx.msk [tilespmem:v4+s16+$0x0], $0xffff  }
0x16e: {  	[tilespmem:v22+s19+$0x0] =	vst.idx.msk $0xffff, v1;
	v1 =	vor.u32 v5, v10;
	v2 =	vld.idx.msk [tilespmem:v2+s16+$0x0], $0xffff  }
0x16f: {  	[tilespmem:v12+s19+$0x0] =	vst.idx.msk $0xffff, v14  }
0x170: {  	[tilespmem:v11+s19+$0x0] =	vst.idx.msk $0xffff, v7  }
0x171: {  	[tilespmem:v6+s19+$0x0] =	vst.idx.msk $0xffff, v3  }
0x172: {  	[tilespmem:v8+s19+$0x0] =	vst.idx.msk $0xffff, v4  }
0x173: {  	[tilespmem:v1+s19+$0x0] =	vst.idx.msk $0xffff, v2  }
0x174: {  	v1 =	vld [tilespmem:s24+$0x40];
	_ =	sdelay $0x2  }
0x175: {  	v33 =	vor.u32 $0x840, v0  }
0x176: {  	s25 =	simm.s32 $0x2;
	v26 =	vor.u32 $0x1040, v0;
	v35 =	vor.u32 $0x2020, v59;
	v30 =	vor.u32 $0x1840, v0  }
0x177: {  	s26 =	simm.s32 $0x1;
	v31 =	vor.u32 $0x40, v0;
	v2 =	vadd.s32 s25, v0;
	v1 =	vshll.u32 v1, $0x6  }
0x178: {  	v2 =	vand.u32 $0xF, v2;
	v27 =	vand.u32 $0x40, v1;
	v1 =	vadd.s32 s26, v0  }
0x179: {  	s28 =	simm.s32 $0x3;
	v28 =	vor.u32 $0x2000, v59;
	v1 =	vand.u32 $0xF, v1;
	v5 =	vor.u32 v27, v2  }
0x17a: {  	v7 =	vadd.s32 s28, v0;
	s26 =	simm.s32 $0x0;
	v6 =	vor.u32 v27, v1;
	v4 =	vor.u32 v28, v5  }
0x17b: {  	v7 =	vand.u32 $0xF, v7;
	v3 =	vadd.s32 s26, v0;
	v9 =	vor.u32 v28, v6  }
0x17c: {  	v29 =	vor.u32 $0x2010, v59;
	v10 =	vor.u32 v27, v7;
	v8 =	vand.u32 $0xF, v3  }
0x17d: {  	v36 =	vshll.u32 v7, $0x7;
	v13 =	vor.u32 v28, v10;
	v11 =	vor.u32 v27, v8  }
0x17e: {  	v16 =	vor.u32 v31, v36;
	v2 =	vshll.u32 v2, $0x7;
	v12 =	vor.u32 v28, v11  }
0x17f: {  	v1 =	vshll.u32 v1, $0x7;
	v14 =	vshll.u32 v8, $0x7;
	v8 =	vor.u32 v31, v2;
	v4 =	vld.idx.msk [tilespmem:v4+s16+$0x0], $0xffff  }
0x180: {  	v23 =	vor.u32 v33, v36;
	v24 =	vshll.u32 v3, $0x7;
	v15 =	vor.u32 v31, v1;
	v9 =	vld.idx.msk [tilespmem:v9+s16+$0x0], $0xffff  }
0x181: {  	v3 =	vor.u32 v29, v5;
	v32 =	vor.u32 v30, v2;
	v21 =	vor.u32 v26, v2  }
0x182: {  	v18 =	vor.u32 v35, v10;
	v22 =	vor.u32 v35, v5;
	v34 =	vor.u32 v30, v1;
	v13 =	vld.idx.msk [tilespmem:v13+s16+$0x0], $0xffff  }
0x183: {  	v17 =	vor.u32 v29, v6;
	v19 =	vor.u32 v26, v1;
	v7 =	vor.u32 v31, v14;
	v12 =	vld.idx.msk [tilespmem:v12+s16+$0x0], $0xffff  }
0x184: {  	v2 =	vor.u32 v33, v2;
	[tilespmem:v8+s19+$0x0] =	vst.idx.msk $0xffff, v4;
	v4 =	vor.u32 v29, v11  }
0x185: {  	v25 =	vor.u32 $0x2030, v59;
	v20 =	vor.u32 v35, v6;
	[tilespmem:v15+s19+$0x0] =	vst.idx.msk $0xffff, v9;
	v9 =	vor.u32 v29, v10  }
0x186: {  	v1 =	vor.u32 v33, v1;
	v46 =	vor.u32 v25, v6;
	v45 =	vor.u32 v26, v14;
	v3 =	vld.idx.msk [tilespmem:v3+s16+$0x0], $0xffff  }
0x187: {  	s28 =	simm.s32 $0x7;
	v14 =	vor.u32 v25, v10;
	v8 =	vor.u32 v33, v24;
	[tilespmem:v16+s19+$0x0] =	vst.idx.msk $0xffff, v13  }
0x188: {  	s30 =	simm.s32 $0x5;
	s31 =	simm.s32 $0x6;
	v16 =	vadd.s32 s28, v0;
	v15 =	vor.u32 v35, v11;
	[tilespmem:v7+s19+$0x0] =	vst.idx.msk $0xffff, v12;
	v12 =	vld.idx.msk [tilespmem:v17+s16+$0x0], $0xffff  }
0x189: {  	s29 =	simm.s32 $0x4;
	v48 =	vand.u32 $0xF, v16;
	v7 =	vadd.s32 s30, v0;
	v13 =	vld.idx.msk [tilespmem:v4+s16+$0x0], $0xffff;
	v4 =	vadd.s32 s31, v0  }
0x18a: {  	v17 =	vadd.s32 s29, v0;
	v47 =	vand.u32 $0xF, v7;
	v39 =	vld.idx.msk [tilespmem:v9+s16+$0x0], $0xffff;
	v4 =	vand.u32 $0xF, v4  }
0x18b: {  	v49 =	vand.u32 $0xF, v17;
	[tilespmem:v2+s19+$0x0] =	vst.idx.msk $0xffff, v3;
	v3 =	vor.u32 v27, v47;
	v37 =	vor.u32 v27, v4  }
0x18c: {  	v7 =	vshll.u32 v4, $0x7;
	v22 =	vld.idx.msk [tilespmem:v22+s16+$0x0], $0xffff;
	v4 =	vor.u32 v27, v49;
	v42 =	vor.u32 v28, v37  }
0x18d: {  	v2 =	vor.u32 v27, v48;
	[tilespmem:v1+s19+$0x0] =	vst.idx.msk $0xffff, v12;
	v1 =	vor.u32 v28, v4  }
0x18e: {  	v10 =	vshll.u32 v48, $0x7;
	v9 =	vshll.u32 v47, $0x7;
	v12 =	vor.u32 v28, v3;
	v43 =	vld.idx.msk [tilespmem:v20+s16+$0x0], $0xffff;
	[tilespmem:v8+s19+$0x0] =	vst.idx.msk $0xffff, v13  }
0x18f: {  	v16 =	vor.u32 v28, v2;
	v6 =	vor.u32 v30, v9;
	v44 =	vld.idx.msk [tilespmem:v15+s16+$0x0], $0xffff;
	[tilespmem:v23+s19+$0x0] =	vst.idx.msk $0xffff, v39  }
0x190: {  	v20 =	vor.u32 v31, v9;
	v8 =	vshll.u32 v49, $0x7;
	v13 =	vshll.u32 v17, $0x7;
	v17 =	vld.idx.msk [tilespmem:v18+s16+$0x0], $0xffff  }
0x191: {  	v18 =	vor.u32 v25, v5;
	[tilespmem:v21+s19+$0x0] =	vst.idx.msk $0xffff, v22;
	v21 =	vor.u32 v26, v36;
	v23 =	vld.idx.msk [tilespmem:v42+s16+$0x0], $0xffff  }
0x192: {  	v15 =	vor.u32 v29, v37;
	v39 =	vor.u32 v31, v7;
	v38 =	vld.idx.msk [tilespmem:v1+s16+$0x0], $0xffff;
	v1 =	vor.u32 v25, v11  }
0x193: {  	v40 =	vor.u32 v31, v8;
	v41 =	vld.idx.msk [tilespmem:v12+s16+$0x0], $0xffff;
	v22 =	vor.u32 v31, v10;
	[tilespmem:v19+s19+$0x0] =	vst.idx.msk $0xffff, v43  }
0x194: {  	s25 =	simm.s32 $0x8;
	v12 =	vmov v30;
	v5 =	vmov v30;
	v11 =	vor.u32 v30, v7;
	v19 =	vld.idx.msk [tilespmem:v46+s16+$0x0], $0xffff;
	[tilespmem:v45+s19+$0x0] =	vst.idx.msk $0xffff, v44  }
.LBB2_12:
0x195: {  	p1 =	slt.u32 s25, $0xC;
	v16 =	vld.idx.msk [tilespmem:v16+s16+$0x0], $0xffff;
	v42 =	vor.u32 v12, v24;
	v24 =	vmov v13;
	s26 =	smov.u32 s25;
	s25 =	sadd.s32 $0x4, s25  }
0x196: {  	v13 =	vld.idx.msk [tilespmem:v18+s16+$0x0], $0xffff;
	[tilespmem:v21+s19+$0x0] =	vst.idx.msk $0xffff, v17;
	v17 =	vor.u32 v12, v36  }
0x197: {  	v43 =	vor.u32 v26, v9;
	v12 =	vor.u32 v29, v3;
	[tilespmem:v39+s19+$0x0] =	vst.idx.msk $0xffff, v23;
	v1 =	vld.idx.msk [tilespmem:v1+s16+$0x0], $0xffff  }
0x198: {  	v18 =	vor.u32 v29, v4;
	v21 =	vor.u32 v26, v7;
	[tilespmem:v40+s19+$0x0] =	vst.idx.msk $0xffff, v38;
	v14 =	vld.idx.msk [tilespmem:v14+s16+$0x0], $0xffff  }
0x199: {  	v23 =	vor.u32 v33, v24;
	[tilespmem:v20+s19+$0x0] =	vst.idx.msk $0xffff, v41;
	v20 =	vor.u32 v29, v2  }
0x19a: {  	v39 =	vor.u32 v35, v2;
	v38 =	vor.u32 v35, v4;
	v15 =	vld.idx.msk [tilespmem:v15+s16+$0x0], $0xffff;
	[tilespmem:v34+s19+$0x0] =	vst.idx.msk $0xffff, v19  }
0x19b: {  	v40 =	vor.u32 v33, v7;
	v19 =	vor.u32 v35, v3;
	[tilespmem:v22+s19+$0x0] =	vst.idx.msk $0xffff, v16  }
0x19c: {  	v41 =	vor.u32 v33, v9;
	v9 =	vor.u32 v35, v37;
	v22 =	vld.idx.msk [tilespmem:v12+s16+$0x0], $0xffff;
	[tilespmem:v32+s19+$0x0] =	vst.idx.msk $0xffff, v13  }
0x19d: {  	v44 =	vor.u32 v33, v10;
	s28 =	sadd.s32 $0x1, s26;
	s29 =	sadd.s32 $0x2, s26;
	v13 =	vadd.s32 s26, v0;
	s26 =	sadd.s32 $0x3, s26;
	v18 =	vld.idx.msk [tilespmem:v18+s16+$0x0], $0xffff;
	[tilespmem:v42+s19+$0x0] =	vst.idx.msk $0xffff, v1  }
0x19e: {  	v7 =	vadd.s32 s29, v0;
	v12 =	vmovc v5;
	v5 =	vmovc v30;
	v1 =	vadd.s32 s28, v0;
	v16 =	vadd.s32 s26, v0;
	v20 =	vld.idx.msk [tilespmem:v20+s16+$0x0], $0xffff  }
0x19f: {  	v36 =	vmovc v10;
	v7 =	vand.u32 $0xF, v7;
	v34 =	vmovc v6;
	v1 =	vand.u32 $0xF, v1;
	v42 =	vand.u32 $0xF, v16;
	[tilespmem:v17+s19+$0x0] =	vst.idx.msk $0xffff, v14  }
0x1a0: {  	v10 =	vor.u32 v27, v7;
	v7 =	vshll.u32 v7, $0x7;
	v32 =	vmovc v11;
	v6 =	vand.u32 $0xF, v13;
	[tilespmem:v40+s19+$0x0] =	vst.idx.msk $0xffff, v15  }
0x1a1: {  	v11 =	vor.u32 v27, v1;
	v45 =	vor.u32 v27, v42;
	v40 =	vor.u32 v28, v10;
	v46 =	vld.idx.msk [tilespmem:v9+s16+$0x0], $0xffff  }
0x1a2: {  	v47 =	vor.u32 v27, v6;
	v16 =	vor.u32 v28, v45;
	v9 =	vshll.u32 v1, $0x7;
	[tilespmem:v41+s19+$0x0] =	vst.idx.msk $0xffff, v22  }
0x1a3: {  	v1 =	vor.u32 v28, v47;
	v22 =	vor.u32 v28, v11;
	[tilespmem:v23+s19+$0x0] =	vst.idx.msk $0xffff, v18;
	v19 =	vld.idx.msk [tilespmem:v19+s16+$0x0], $0xffff  }
0x1a4: {  	v13 =	vshll.u32 v13, $0x7;
	v48 =	vshll.u32 v6, $0x7;
	v15 =	vor.u32 v29, v10;
	v49 =	vld.idx.msk [tilespmem:v38+s16+$0x0], $0xffff;
	[tilespmem:v44+s19+$0x0] =	vst.idx.msk $0xffff, v20  }
0x1a5: {  	v8 =	vor.u32 v26, v8;
	v6 =	vor.u32 v5, v9;
	v44 =	vor.u32 v25, v3;
	v17 =	vld.idx.msk [tilespmem:v39+s16+$0x0], $0xffff  }
.Ltmp5:
0x1a6: {  	v14 =	vor.u32 v25, v2;
	v18 =	vor.u32 v25, v37;
	v37 =	vmovc v10;
	v3 =	vmov v11;
	(pc) =	sbr.rel @p1 .LBB2_12-.Ltmp5, $4  }
0x1a7: {  	v20 =	vor.u32 v31, v9;
	v23 =	vld.idx.msk [tilespmem:v40+s16+$0x0], $0xffff;
	[tilespmem:v21+s19+$0x0] =	vst.idx.msk $0xffff, v46;
	v21 =	vor.u32 v26, v36  }
0x1a8: {  	v2 =	vmovc v45;
	v10 =	vshll.u32 v42, $0x7;
	v39 =	vor.u32 v31, v7;
	v38 =	vld.idx.msk [tilespmem:v1+s16+$0x0], $0xffff;
	v1 =	vor.u32 v25, v4  }
0x1a9: {  	v40 =	vor.u32 v31, v48;
	v41 =	vld.idx.msk [tilespmem:v22+s16+$0x0], $0xffff;
	v22 =	vor.u32 v31, v10;
	[tilespmem:v43+s19+$0x0] =	vst.idx.msk $0xffff, v19  }
0x1aa: {  	v11 =	vor.u32 v5, v7;
	v4 =	vmov v47;
	[tilespmem:v8+s19+$0x0] =	vst.idx.msk $0xffff, v49;
	v19 =	vld.idx.msk [tilespmem:v44+s16+$0x0], $0xffff;
	v8 =	vmov v48  }
0x1ab: {  	_ =	sdelay $0x3  }
0x1ac: {  	v27 =	vor.u32 v29, v3;
	v16 =	vld.idx.msk [tilespmem:v16+s16+$0x0], $0xffff  }
0x1ad: {  	v28 =	vor.u32 v29, v4  }
0x1ae: {  	v29 =	vor.u32 v29, v2;
	[tilespmem:v39+s19+$0x0] =	vst.idx.msk $0xffff, v23  }
0x1af: {  	[tilespmem:v40+s19+$0x0] =	vst.idx.msk $0xffff, v38  }
0x1b0: {  	v30 =	vor.u32 v33, v7;
	v15 =	vld.idx.msk [tilespmem:v15+s16+$0x0], $0xffff;
	[tilespmem:v20+s19+$0x0] =	vst.idx.msk $0xffff, v41  }
0x1b1: {  	v23 =	vor.u32 v33, v9;
	v20 =	vld.idx.msk [tilespmem:v27+s16+$0x0], $0xffff;
	[tilespmem:v22+s19+$0x0] =	vst.idx.msk $0xffff, v16;
	v16 =	vor.u32 v35, v37  }
0x1b2: {  	v31 =	vor.u32 v33, v13;
	v27 =	vor.u32 v35, v3;
	v22 =	vld.idx.msk [tilespmem:v28+s16+$0x0], $0xffff  }
0x1b3: {  	v46 =	vor.u32 v33, v10;
	v28 =	vor.u32 v35, v4;
	v29 =	vld.idx.msk [tilespmem:v29+s16+$0x0], $0xffff  }
0x1b4: {  	[tilespmem:v21+s19+$0x0] =	vst.idx.msk $0xffff, v17;
	v17 =	vor.u32 v35, v2  }
0x1b5: {  	v18 =	vld.idx.msk [tilespmem:v18+s16+$0x0], $0xffff;
	[tilespmem:v30+s19+$0x0] =	vst.idx.msk $0xffff, v15  }
0x1b6: {  	v7 =	vor.u32 v26, v7;
	[tilespmem:v23+s19+$0x0] =	vst.idx.msk $0xffff, v20;
	v16 =	vld.idx.msk [tilespmem:v16+s16+$0x0], $0xffff  }
0x1b7: {  	v21 =	vor.u32 v25, v37;
	v9 =	vor.u32 v26, v9;
	[tilespmem:v31+s19+$0x0] =	vst.idx.msk $0xffff, v22;
	v15 =	vld.idx.msk [tilespmem:v27+s16+$0x0], $0xffff  }
0x1b8: {  	v8 =	vor.u32 v26, v8;
	v3 =	vor.u32 v25, v3;
	v20 =	vld.idx.msk [tilespmem:v28+s16+$0x0], $0xffff;
	[tilespmem:v46+s19+$0x0] =	vst.idx.msk $0xffff, v29  }
0x1b9: {  	[tilespmem:v34+s19+$0x0] =	vst.idx.msk $0xffff, v19;
	v19 =	vor.u32 v26, v10;
	v4 =	vor.u32 v25, v4;
	v17 =	vld.idx.msk [tilespmem:v17+s16+$0x0], $0xffff  }
0x1ba: {  	v1 =	vld.idx.msk [tilespmem:v1+s16+$0x0], $0xffff;
	v2 =	vor.u32 v25, v2;
	[tilespmem:v32+s19+$0x0] =	vst.idx.msk $0xffff, v18;
	v22 =	vor.u32 v12, v24  }
0x1bb: {  	v14 =	vld.idx.msk [tilespmem:v14+s16+$0x0], $0xffff;
	v12 =	vor.u32 v12, v36;
	[tilespmem:v7+s19+$0x0] =	vst.idx.msk $0xffff, v16  }
0x1bc: {  	[tilespmem:v9+s19+$0x0] =	vst.idx.msk $0xffff, v15;
	v7 =	vld.idx.msk [tilespmem:v21+s16+$0x0], $0xffff  }
0x1bd: {  	[tilespmem:v8+s19+$0x0] =	vst.idx.msk $0xffff, v20;
	v3 =	vld.idx.msk [tilespmem:v3+s16+$0x0], $0xffff  }
0x1be: {  	v8 =	vor.u32 v5, v13;
	[tilespmem:v19+s19+$0x0] =	vst.idx.msk $0xffff, v17;
	v4 =	vld.idx.msk [tilespmem:v4+s16+$0x0], $0xffff  }
0x1bf: {  	[tilespmem:v22+s19+$0x0] =	vst.idx.msk $0xffff, v1;
	v1 =	vor.u32 v5, v10;
	v2 =	vld.idx.msk [tilespmem:v2+s16+$0x0], $0xffff  }
0x1c0: {  	[tilespmem:v12+s19+$0x0] =	vst.idx.msk $0xffff, v14  }
0x1c1: {  	[tilespmem:v11+s19+$0x0] =	vst.idx.msk $0xffff, v7  }
0x1c2: {  	[tilespmem:v6+s19+$0x0] =	vst.idx.msk $0xffff, v3  }
0x1c3: {  	[tilespmem:v8+s19+$0x0] =	vst.idx.msk $0xffff, v4  }
0x1c4: {  	[tilespmem:v1+s19+$0x0] =	vst.idx.msk $0xffff, v2  }
0x1c5: {  	v1 =	vld [tilespmem:s24+$0x50];
	_ =	sdelay $0x2  }
0x1c6: {  	v33 =	vor.u32 $0x850, v0  }
0x1c7: {  	s25 =	simm.s32 $0x2;
	v26 =	vor.u32 $0x1050, v0;
	v35 =	vor.u32 $0x2820, v59;
	v30 =	vor.u32 $0x1850, v0  }
0x1c8: {  	s26 =	simm.s32 $0x1;
	v31 =	vor.u32 $0x50, v0;
	v2 =	vadd.s32 s25, v0;
	v1 =	vshll.u32 v1, $0x6  }
0x1c9: {  	v2 =	vand.u32 $0xF, v2;
	v27 =	vand.u32 $0x40, v1;
	v1 =	vadd.s32 s26, v0  }
0x1ca: {  	s28 =	simm.s32 $0x3;
	v28 =	vor.u32 $0x2800, v59;
	v1 =	vand.u32 $0xF, v1;
	v5 =	vor.u32 v27, v2  }
0x1cb: {  	v7 =	vadd.s32 s28, v0;
	s26 =	simm.s32 $0x0;
	v6 =	vor.u32 v27, v1;
	v4 =	vor.u32 v28, v5  }
0x1cc: {  	v7 =	vand.u32 $0xF, v7;
	v3 =	vadd.s32 s26, v0;
	v9 =	vor.u32 v28, v6  }
0x1cd: {  	v29 =	vor.u32 $0x2810, v59;
	v10 =	vor.u32 v27, v7;
	v8 =	vand.u32 $0xF, v3  }
0x1ce: {  	v36 =	vshll.u32 v7, $0x7;
	v13 =	vor.u32 v28, v10;
	v11 =	vor.u32 v27, v8  }
0x1cf: {  	v16 =	vor.u32 v31, v36;
	v2 =	vshll.u32 v2, $0x7;
	v12 =	vor.u32 v28, v11  }
0x1d0: {  	v1 =	vshll.u32 v1, $0x7;
	v14 =	vshll.u32 v8, $0x7;
	v8 =	vor.u32 v31, v2;
	v4 =	vld.idx.msk [tilespmem:v4+s16+$0x0], $0xffff  }
0x1d1: {  	v23 =	vor.u32 v33, v36;
	v24 =	vshll.u32 v3, $0x7;
	v15 =	vor.u32 v31, v1;
	v9 =	vld.idx.msk [tilespmem:v9+s16+$0x0], $0xffff  }
0x1d2: {  	v3 =	vor.u32 v29, v5;
	v32 =	vor.u32 v30, v2;
	v21 =	vor.u32 v26, v2  }
0x1d3: {  	v18 =	vor.u32 v35, v10;
	v22 =	vor.u32 v35, v5;
	v34 =	vor.u32 v30, v1;
	v13 =	vld.idx.msk [tilespmem:v13+s16+$0x0], $0xffff  }
0x1d4: {  	v17 =	vor.u32 v29, v6;
	v19 =	vor.u32 v26, v1;
	v7 =	vor.u32 v31, v14;
	v12 =	vld.idx.msk [tilespmem:v12+s16+$0x0], $0xffff  }
0x1d5: {  	v2 =	vor.u32 v33, v2;
	[tilespmem:v8+s19+$0x0] =	vst.idx.msk $0xffff, v4;
	v4 =	vor.u32 v29, v11  }
0x1d6: {  	v25 =	vor.u32 $0x2830, v59;
	v20 =	vor.u32 v35, v6;
	[tilespmem:v15+s19+$0x0] =	vst.idx.msk $0xffff, v9;
	v9 =	vor.u32 v29, v10  }
0x1d7: {  	v1 =	vor.u32 v33, v1;
	v46 =	vor.u32 v25, v6;
	v45 =	vor.u32 v26, v14;
	v3 =	vld.idx.msk [tilespmem:v3+s16+$0x0], $0xffff  }
0x1d8: {  	s28 =	simm.s32 $0x7;
	v14 =	vor.u32 v25, v10;
	v8 =	vor.u32 v33, v24;
	[tilespmem:v16+s19+$0x0] =	vst.idx.msk $0xffff, v13  }
0x1d9: {  	s30 =	simm.s32 $0x5;
	s31 =	simm.s32 $0x6;
	v16 =	vadd.s32 s28, v0;
	v15 =	vor.u32 v35, v11;
	[tilespmem:v7+s19+$0x0] =	vst.idx.msk $0xffff, v12;
	v12 =	vld.idx.msk [tilespmem:v17+s16+$0x0], $0xffff  }
0x1da: {  	s29 =	simm.s32 $0x4;
	v48 =	vand.u32 $0xF, v16;
	v7 =	vadd.s32 s30, v0;
	v13 =	vld.idx.msk [tilespmem:v4+s16+$0x0], $0xffff;
	v4 =	vadd.s32 s31, v0  }
0x1db: {  	v17 =	vadd.s32 s29, v0;
	v47 =	vand.u32 $0xF, v7;
	v39 =	vld.idx.msk [tilespmem:v9+s16+$0x0], $0xffff;
	v4 =	vand.u32 $0xF, v4  }
0x1dc: {  	v49 =	vand.u32 $0xF, v17;
	[tilespmem:v2+s19+$0x0] =	vst.idx.msk $0xffff, v3;
	v3 =	vor.u32 v27, v47;
	v37 =	vor.u32 v27, v4  }
0x1dd: {  	v7 =	vshll.u32 v4, $0x7;
	v22 =	vld.idx.msk [tilespmem:v22+s16+$0x0], $0xffff;
	v4 =	vor.u32 v27, v49;
	v42 =	vor.u32 v28, v37  }
0x1de: {  	v2 =	vor.u32 v27, v48;
	[tilespmem:v1+s19+$0x0] =	vst.idx.msk $0xffff, v12;
	v1 =	vor.u32 v28, v4  }
0x1df: {  	v10 =	vshll.u32 v48, $0x7;
	v9 =	vshll.u32 v47, $0x7;
	v12 =	vor.u32 v28, v3;
	v43 =	vld.idx.msk [tilespmem:v20+s16+$0x0], $0xffff;
	[tilespmem:v8+s19+$0x0] =	vst.idx.msk $0xffff, v13  }
0x1e0: {  	v16 =	vor.u32 v28, v2;
	v6 =	vor.u32 v30, v9;
	v44 =	vld.idx.msk [tilespmem:v15+s16+$0x0], $0xffff;
	[tilespmem:v23+s19+$0x0] =	vst.idx.msk $0xffff, v39  }
0x1e1: {  	v20 =	vor.u32 v31, v9;
	v8 =	vshll.u32 v49, $0x7;
	v13 =	vshll.u32 v17, $0x7;
	v17 =	vld.idx.msk [tilespmem:v18+s16+$0x0], $0xffff  }
0x1e2: {  	v18 =	vor.u32 v25, v5;
	[tilespmem:v21+s19+$0x0] =	vst.idx.msk $0xffff, v22;
	v21 =	vor.u32 v26, v36;
	v23 =	vld.idx.msk [tilespmem:v42+s16+$0x0], $0xffff  }
0x1e3: {  	v15 =	vor.u32 v29, v37;
	v39 =	vor.u32 v31, v7;
	v38 =	vld.idx.msk [tilespmem:v1+s16+$0x0], $0xffff;
	v1 =	vor.u32 v25, v11  }
0x1e4: {  	v40 =	vor.u32 v31, v8;
	v41 =	vld.idx.msk [tilespmem:v12+s16+$0x0], $0xffff;
	v22 =	vor.u32 v31, v10;
	[tilespmem:v19+s19+$0x0] =	vst.idx.msk $0xffff, v43  }
0x1e5: {  	s25 =	simm.s32 $0x8;
	v12 =	vmov v30;
	v5 =	vmov v30;
	v11 =	vor.u32 v30, v7;
	v19 =	vld.idx.msk [tilespmem:v46+s16+$0x0], $0xffff;
	[tilespmem:v45+s19+$0x0] =	vst.idx.msk $0xffff, v44  }
.LBB2_14:
0x1e6: {  	p1 =	slt.u32 s25, $0xC;
	v16 =	vld.idx.msk [tilespmem:v16+s16+$0x0], $0xffff;
	v42 =	vor.u32 v12, v24;
	v24 =	vmov v13;
	s26 =	smov.u32 s25;
	s25 =	sadd.s32 $0x4, s25  }
0x1e7: {  	v13 =	vld.idx.msk [tilespmem:v18+s16+$0x0], $0xffff;
	[tilespmem:v21+s19+$0x0] =	vst.idx.msk $0xffff, v17;
	v17 =	vor.u32 v12, v36  }
0x1e8: {  	v43 =	vor.u32 v26, v9;
	v12 =	vor.u32 v29, v3;
	[tilespmem:v39+s19+$0x0] =	vst.idx.msk $0xffff, v23;
	v1 =	vld.idx.msk [tilespmem:v1+s16+$0x0], $0xffff  }
0x1e9: {  	v18 =	vor.u32 v29, v4;
	v21 =	vor.u32 v26, v7;
	[tilespmem:v40+s19+$0x0] =	vst.idx.msk $0xffff, v38;
	v14 =	vld.idx.msk [tilespmem:v14+s16+$0x0], $0xffff  }
0x1ea: {  	v23 =	vor.u32 v33, v24;
	[tilespmem:v20+s19+$0x0] =	vst.idx.msk $0xffff, v41;
	v20 =	vor.u32 v29, v2  }
0x1eb: {  	v39 =	vor.u32 v35, v2;
	v38 =	vor.u32 v35, v4;
	v15 =	vld.idx.msk [tilespmem:v15+s16+$0x0], $0xffff;
	[tilespmem:v34+s19+$0x0] =	vst.idx.msk $0xffff, v19  }
0x1ec: {  	v40 =	vor.u32 v33, v7;
	v19 =	vor.u32 v35, v3;
	[tilespmem:v22+s19+$0x0] =	vst.idx.msk $0xffff, v16  }
0x1ed: {  	v41 =	vor.u32 v33, v9;
	v9 =	vor.u32 v35, v37;
	v22 =	vld.idx.msk [tilespmem:v12+s16+$0x0], $0xffff;
	[tilespmem:v32+s19+$0x0] =	vst.idx.msk $0xffff, v13  }
0x1ee: {  	v44 =	vor.u32 v33, v10;
	s28 =	sadd.s32 $0x1, s26;
	s29 =	sadd.s32 $0x2, s26;
	v13 =	vadd.s32 s26, v0;
	s26 =	sadd.s32 $0x3, s26;
	v18 =	vld.idx.msk [tilespmem:v18+s16+$0x0], $0xffff;
	[tilespmem:v42+s19+$0x0] =	vst.idx.msk $0xffff, v1  }
0x1ef: {  	v7 =	vadd.s32 s29, v0;
	v12 =	vmovc v5;
	v5 =	vmovc v30;
	v1 =	vadd.s32 s28, v0;
	v16 =	vadd.s32 s26, v0;
	v20 =	vld.idx.msk [tilespmem:v20+s16+$0x0], $0xffff  }
0x1f0: {  	v36 =	vmovc v10;
	v7 =	vand.u32 $0xF, v7;
	v34 =	vmovc v6;
	v1 =	vand.u32 $0xF, v1;
	v42 =	vand.u32 $0xF, v16;
	[tilespmem:v17+s19+$0x0] =	vst.idx.msk $0xffff, v14  }
0x1f1: {  	v10 =	vor.u32 v27, v7;
	v7 =	vshll.u32 v7, $0x7;
	v32 =	vmovc v11;
	v6 =	vand.u32 $0xF, v13;
	[tilespmem:v40+s19+$0x0] =	vst.idx.msk $0xffff, v15  }
0x1f2: {  	v11 =	vor.u32 v27, v1;
	v45 =	vor.u32 v27, v42;
	v40 =	vor.u32 v28, v10;
	v46 =	vld.idx.msk [tilespmem:v9+s16+$0x0], $0xffff  }
0x1f3: {  	v47 =	vor.u32 v27, v6;
	v16 =	vor.u32 v28, v45;
	v9 =	vshll.u32 v1, $0x7;
	[tilespmem:v41+s19+$0x0] =	vst.idx.msk $0xffff, v22  }
0x1f4: {  	v1 =	vor.u32 v28, v47;
	v22 =	vor.u32 v28, v11;
	[tilespmem:v23+s19+$0x0] =	vst.idx.msk $0xffff, v18;
	v19 =	vld.idx.msk [tilespmem:v19+s16+$0x0], $0xffff  }
0x1f5: {  	v13 =	vshll.u32 v13, $0x7;
	v48 =	vshll.u32 v6, $0x7;
	v15 =	vor.u32 v29, v10;
	v49 =	vld.idx.msk [tilespmem:v38+s16+$0x0], $0xffff;
	[tilespmem:v44+s19+$0x0] =	vst.idx.msk $0xffff, v20  }
0x1f6: {  	v8 =	vor.u32 v26, v8;
	v6 =	vor.u32 v5, v9;
	v44 =	vor.u32 v25, v3;
	v17 =	vld.idx.msk [tilespmem:v39+s16+$0x0], $0xffff  }
.Ltmp6:
0x1f7: {  	v14 =	vor.u32 v25, v2;
	v18 =	vor.u32 v25, v37;
	v37 =	vmovc v10;
	v3 =	vmov v11;
	(pc) =	sbr.rel @p1 .LBB2_14-.Ltmp6, $4  }
0x1f8: {  	v20 =	vor.u32 v31, v9;
	v23 =	vld.idx.msk [tilespmem:v40+s16+$0x0], $0xffff;
	[tilespmem:v21+s19+$0x0] =	vst.idx.msk $0xffff, v46;
	v21 =	vor.u32 v26, v36  }
0x1f9: {  	v2 =	vmovc v45;
	v10 =	vshll.u32 v42, $0x7;
	v39 =	vor.u32 v31, v7;
	v38 =	vld.idx.msk [tilespmem:v1+s16+$0x0], $0xffff;
	v1 =	vor.u32 v25, v4  }
0x1fa: {  	v40 =	vor.u32 v31, v48;
	v41 =	vld.idx.msk [tilespmem:v22+s16+$0x0], $0xffff;
	v22 =	vor.u32 v31, v10;
	[tilespmem:v43+s19+$0x0] =	vst.idx.msk $0xffff, v19  }
0x1fb: {  	v11 =	vor.u32 v5, v7;
	v4 =	vmov v47;
	[tilespmem:v8+s19+$0x0] =	vst.idx.msk $0xffff, v49;
	v19 =	vld.idx.msk [tilespmem:v44+s16+$0x0], $0xffff;
	v8 =	vmov v48  }
0x1fc: {  	_ =	sdelay $0x3  }
0x1fd: {  	v27 =	vor.u32 v29, v3;
	v16 =	vld.idx.msk [tilespmem:v16+s16+$0x0], $0xffff  }
0x1fe: {  	v28 =	vor.u32 v29, v4  }
0x1ff: {  	v29 =	vor.u32 v29, v2;
	[tilespmem:v39+s19+$0x0] =	vst.idx.msk $0xffff, v23  }
0x200: {  	[tilespmem:v40+s19+$0x0] =	vst.idx.msk $0xffff, v38  }
0x201: {  	v30 =	vor.u32 v33, v7;
	v15 =	vld.idx.msk [tilespmem:v15+s16+$0x0], $0xffff;
	[tilespmem:v20+s19+$0x0] =	vst.idx.msk $0xffff, v41  }
0x202: {  	v23 =	vor.u32 v33, v9;
	v20 =	vld.idx.msk [tilespmem:v27+s16+$0x0], $0xffff;
	[tilespmem:v22+s19+$0x0] =	vst.idx.msk $0xffff, v16;
	v16 =	vor.u32 v35, v37  }
0x203: {  	v31 =	vor.u32 v33, v13;
	v27 =	vor.u32 v35, v3;
	v22 =	vld.idx.msk [tilespmem:v28+s16+$0x0], $0xffff  }
0x204: {  	v46 =	vor.u32 v33, v10;
	v28 =	vor.u32 v35, v4;
	v29 =	vld.idx.msk [tilespmem:v29+s16+$0x0], $0xffff  }
0x205: {  	[tilespmem:v21+s19+$0x0] =	vst.idx.msk $0xffff, v17;
	v17 =	vor.u32 v35, v2  }
0x206: {  	v18 =	vld.idx.msk [tilespmem:v18+s16+$0x0], $0xffff;
	[tilespmem:v30+s19+$0x0] =	vst.idx.msk $0xffff, v15  }
0x207: {  	v7 =	vor.u32 v26, v7;
	[tilespmem:v23+s19+$0x0] =	vst.idx.msk $0xffff, v20;
	v16 =	vld.idx.msk [tilespmem:v16+s16+$0x0], $0xffff  }
0x208: {  	v21 =	vor.u32 v25, v37;
	v9 =	vor.u32 v26, v9;
	[tilespmem:v31+s19+$0x0] =	vst.idx.msk $0xffff, v22;
	v15 =	vld.idx.msk [tilespmem:v27+s16+$0x0], $0xffff  }
0x209: {  	v8 =	vor.u32 v26, v8;
	v3 =	vor.u32 v25, v3;
	v20 =	vld.idx.msk [tilespmem:v28+s16+$0x0], $0xffff;
	[tilespmem:v46+s19+$0x0] =	vst.idx.msk $0xffff, v29  }
0x20a: {  	[tilespmem:v34+s19+$0x0] =	vst.idx.msk $0xffff, v19;
	v19 =	vor.u32 v26, v10;
	v4 =	vor.u32 v25, v4;
	v17 =	vld.idx.msk [tilespmem:v17+s16+$0x0], $0xffff  }
0x20b: {  	v1 =	vld.idx.msk [tilespmem:v1+s16+$0x0], $0xffff;
	v2 =	vor.u32 v25, v2;
	[tilespmem:v32+s19+$0x0] =	vst.idx.msk $0xffff, v18;
	v22 =	vor.u32 v12, v24  }
0x20c: {  	v14 =	vld.idx.msk [tilespmem:v14+s16+$0x0], $0xffff;
	v12 =	vor.u32 v12, v36;
	[tilespmem:v7+s19+$0x0] =	vst.idx.msk $0xffff, v16  }
0x20d: {  	[tilespmem:v9+s19+$0x0] =	vst.idx.msk $0xffff, v15;
	v7 =	vld.idx.msk [tilespmem:v21+s16+$0x0], $0xffff  }
0x20e: {  	[tilespmem:v8+s19+$0x0] =	vst.idx.msk $0xffff, v20;
	v3 =	vld.idx.msk [tilespmem:v3+s16+$0x0], $0xffff  }
0x20f: {  	v8 =	vor.u32 v5, v13;
	[tilespmem:v19+s19+$0x0] =	vst.idx.msk $0xffff, v17;
	v4 =	vld.idx.msk [tilespmem:v4+s16+$0x0], $0xffff  }
0x210: {  	[tilespmem:v22+s19+$0x0] =	vst.idx.msk $0xffff, v1;
	v1 =	vor.u32 v5, v10;
	v2 =	vld.idx.msk [tilespmem:v2+s16+$0x0], $0xffff  }
0x211: {  	[tilespmem:v12+s19+$0x0] =	vst.idx.msk $0xffff, v14  }
0x212: {  	[tilespmem:v11+s19+$0x0] =	vst.idx.msk $0xffff, v7  }
0x213: {  	[tilespmem:v6+s19+$0x0] =	vst.idx.msk $0xffff, v3  }
0x214: {  	[tilespmem:v8+s19+$0x0] =	vst.idx.msk $0xffff, v4  }
0x215: {  	[tilespmem:v1+s19+$0x0] =	vst.idx.msk $0xffff, v2  }
0x216: {  	v1 =	vld [tilespmem:s24+$0x60];
	_ =	sdelay $0x2  }
0x217: {  	v33 =	vor.u32 $0x860, v0  }
0x218: {  	s25 =	simm.s32 $0x2;
	v26 =	vor.u32 $0x1060, v0;
	v35 =	vor.u32 $0x3020, v59;
	v30 =	vor.u32 $0x1860, v0  }
0x219: {  	s26 =	simm.s32 $0x1;
	v31 =	vor.u32 $0x60, v0;
	v2 =	vadd.s32 s25, v0;
	v1 =	vshll.u32 v1, $0x6  }
0x21a: {  	v2 =	vand.u32 $0xF, v2;
	v27 =	vand.u32 $0x40, v1;
	v1 =	vadd.s32 s26, v0  }
0x21b: {  	s28 =	simm.s32 $0x3;
	v28 =	vor.u32 $0x3000, v59;
	v1 =	vand.u32 $0xF, v1;
	v5 =	vor.u32 v27, v2  }
0x21c: {  	v7 =	vadd.s32 s28, v0;
	s26 =	simm.s32 $0x0;
	v6 =	vor.u32 v27, v1;
	v4 =	vor.u32 v28, v5  }
0x21d: {  	v7 =	vand.u32 $0xF, v7;
	v3 =	vadd.s32 s26, v0;
	v9 =	vor.u32 v28, v6  }
0x21e: {  	v29 =	vor.u32 $0x3010, v59;
	v10 =	vor.u32 v27, v7;
	v8 =	vand.u32 $0xF, v3  }
0x21f: {  	v36 =	vshll.u32 v7, $0x7;
	v13 =	vor.u32 v28, v10;
	v11 =	vor.u32 v27, v8  }
0x220: {  	v16 =	vor.u32 v31, v36;
	v2 =	vshll.u32 v2, $0x7;
	v12 =	vor.u32 v28, v11  }
0x221: {  	v1 =	vshll.u32 v1, $0x7;
	v14 =	vshll.u32 v8, $0x7;
	v8 =	vor.u32 v31, v2;
	v4 =	vld.idx.msk [tilespmem:v4+s16+$0x0], $0xffff  }
0x222: {  	v23 =	vor.u32 v33, v36;
	v24 =	vshll.u32 v3, $0x7;
	v15 =	vor.u32 v31, v1;
	v9 =	vld.idx.msk [tilespmem:v9+s16+$0x0], $0xffff  }
0x223: {  	v3 =	vor.u32 v29, v5;
	v32 =	vor.u32 v30, v2;
	v21 =	vor.u32 v26, v2  }
0x224: {  	v18 =	vor.u32 v35, v10;
	v22 =	vor.u32 v35, v5;
	v34 =	vor.u32 v30, v1;
	v13 =	vld.idx.msk [tilespmem:v13+s16+$0x0], $0xffff  }
0x225: {  	v17 =	vor.u32 v29, v6;
	v19 =	vor.u32 v26, v1;
	v7 =	vor.u32 v31, v14;
	v12 =	vld.idx.msk [tilespmem:v12+s16+$0x0], $0xffff  }
0x226: {  	v2 =	vor.u32 v33, v2;
	[tilespmem:v8+s19+$0x0] =	vst.idx.msk $0xffff, v4;
	v4 =	vor.u32 v29, v11  }
0x227: {  	v25 =	vor.u32 $0x3030, v59;
	v20 =	vor.u32 v35, v6;
	[tilespmem:v15+s19+$0x0] =	vst.idx.msk $0xffff, v9;
	v9 =	vor.u32 v29, v10  }
0x228: {  	v1 =	vor.u32 v33, v1;
	v46 =	vor.u32 v25, v6;
	v45 =	vor.u32 v26, v14;
	v3 =	vld.idx.msk [tilespmem:v3+s16+$0x0], $0xffff  }
0x229: {  	s28 =	simm.s32 $0x7;
	v14 =	vor.u32 v25, v10;
	v8 =	vor.u32 v33, v24;
	[tilespmem:v16+s19+$0x0] =	vst.idx.msk $0xffff, v13  }
0x22a: {  	s30 =	simm.s32 $0x5;
	s31 =	simm.s32 $0x6;
	v16 =	vadd.s32 s28, v0;
	v15 =	vor.u32 v35, v11;
	[tilespmem:v7+s19+$0x0] =	vst.idx.msk $0xffff, v12;
	v12 =	vld.idx.msk [tilespmem:v17+s16+$0x0], $0xffff  }
0x22b: {  	s29 =	simm.s32 $0x4;
	v48 =	vand.u32 $0xF, v16;
	v7 =	vadd.s32 s30, v0;
	v13 =	vld.idx.msk [tilespmem:v4+s16+$0x0], $0xffff;
	v4 =	vadd.s32 s31, v0  }
0x22c: {  	v17 =	vadd.s32 s29, v0;
	v47 =	vand.u32 $0xF, v7;
	v39 =	vld.idx.msk [tilespmem:v9+s16+$0x0], $0xffff;
	v4 =	vand.u32 $0xF, v4  }
0x22d: {  	v49 =	vand.u32 $0xF, v17;
	[tilespmem:v2+s19+$0x0] =	vst.idx.msk $0xffff, v3;
	v3 =	vor.u32 v27, v47;
	v37 =	vor.u32 v27, v4  }
0x22e: {  	v7 =	vshll.u32 v4, $0x7;
	v22 =	vld.idx.msk [tilespmem:v22+s16+$0x0], $0xffff;
	v4 =	vor.u32 v27, v49;
	v42 =	vor.u32 v28, v37  }
0x22f: {  	v2 =	vor.u32 v27, v48;
	[tilespmem:v1+s19+$0x0] =	vst.idx.msk $0xffff, v12;
	v1 =	vor.u32 v28, v4  }
0x230: {  	v10 =	vshll.u32 v48, $0x7;
	v9 =	vshll.u32 v47, $0x7;
	v12 =	vor.u32 v28, v3;
	v43 =	vld.idx.msk [tilespmem:v20+s16+$0x0], $0xffff;
	[tilespmem:v8+s19+$0x0] =	vst.idx.msk $0xffff, v13  }
0x231: {  	v16 =	vor.u32 v28, v2;
	v6 =	vor.u32 v30, v9;
	v44 =	vld.idx.msk [tilespmem:v15+s16+$0x0], $0xffff;
	[tilespmem:v23+s19+$0x0] =	vst.idx.msk $0xffff, v39  }
0x232: {  	v20 =	vor.u32 v31, v9;
	v8 =	vshll.u32 v49, $0x7;
	v13 =	vshll.u32 v17, $0x7;
	v17 =	vld.idx.msk [tilespmem:v18+s16+$0x0], $0xffff  }
0x233: {  	v18 =	vor.u32 v25, v5;
	[tilespmem:v21+s19+$0x0] =	vst.idx.msk $0xffff, v22;
	v21 =	vor.u32 v26, v36;
	v23 =	vld.idx.msk [tilespmem:v42+s16+$0x0], $0xffff  }
0x234: {  	v15 =	vor.u32 v29, v37;
	v39 =	vor.u32 v31, v7;
	v38 =	vld.idx.msk [tilespmem:v1+s16+$0x0], $0xffff;
	v1 =	vor.u32 v25, v11  }
0x235: {  	v40 =	vor.u32 v31, v8;
	v41 =	vld.idx.msk [tilespmem:v12+s16+$0x0], $0xffff;
	v22 =	vor.u32 v31, v10;
	[tilespmem:v19+s19+$0x0] =	vst.idx.msk $0xffff, v43  }
0x236: {  	s25 =	simm.s32 $0x8;
	v12 =	vmov v30;
	v5 =	vmov v30;
	v11 =	vor.u32 v30, v7;
	v19 =	vld.idx.msk [tilespmem:v46+s16+$0x0], $0xffff;
	[tilespmem:v45+s19+$0x0] =	vst.idx.msk $0xffff, v44  }
.LBB2_16:
0x237: {  	p1 =	slt.u32 s25, $0xC;
	v16 =	vld.idx.msk [tilespmem:v16+s16+$0x0], $0xffff;
	v42 =	vor.u32 v12, v24;
	v24 =	vmov v13;
	s26 =	smov.u32 s25;
	s25 =	sadd.s32 $0x4, s25  }
0x238: {  	v13 =	vld.idx.msk [tilespmem:v18+s16+$0x0], $0xffff;
	[tilespmem:v21+s19+$0x0] =	vst.idx.msk $0xffff, v17;
	v17 =	vor.u32 v12, v36  }
0x239: {  	v43 =	vor.u32 v26, v9;
	v12 =	vor.u32 v29, v3;
	[tilespmem:v39+s19+$0x0] =	vst.idx.msk $0xffff, v23;
	v1 =	vld.idx.msk [tilespmem:v1+s16+$0x0], $0xffff  }
0x23a: {  	v18 =	vor.u32 v29, v4;
	v21 =	vor.u32 v26, v7;
	[tilespmem:v40+s19+$0x0] =	vst.idx.msk $0xffff, v38;
	v14 =	vld.idx.msk [tilespmem:v14+s16+$0x0], $0xffff  }
0x23b: {  	v23 =	vor.u32 v33, v24;
	[tilespmem:v20+s19+$0x0] =	vst.idx.msk $0xffff, v41;
	v20 =	vor.u32 v29, v2  }
0x23c: {  	v39 =	vor.u32 v35, v2;
	v38 =	vor.u32 v35, v4;
	v15 =	vld.idx.msk [tilespmem:v15+s16+$0x0], $0xffff;
	[tilespmem:v34+s19+$0x0] =	vst.idx.msk $0xffff, v19  }
0x23d: {  	v40 =	vor.u32 v33, v7;
	v19 =	vor.u32 v35, v3;
	[tilespmem:v22+s19+$0x0] =	vst.idx.msk $0xffff, v16  }
0x23e: {  	v41 =	vor.u32 v33, v9;
	v9 =	vor.u32 v35, v37;
	v22 =	vld.idx.msk [tilespmem:v12+s16+$0x0], $0xffff;
	[tilespmem:v32+s19+$0x0] =	vst.idx.msk $0xffff, v13  }
0x23f: {  	v44 =	vor.u32 v33, v10;
	s28 =	sadd.s32 $0x1, s26;
	s29 =	sadd.s32 $0x2, s26;
	v13 =	vadd.s32 s26, v0;
	s26 =	sadd.s32 $0x3, s26;
	v18 =	vld.idx.msk [tilespmem:v18+s16+$0x0], $0xffff;
	[tilespmem:v42+s19+$0x0] =	vst.idx.msk $0xffff, v1  }
0x240: {  	v7 =	vadd.s32 s29, v0;
	v12 =	vmovc v5;
	v5 =	vmovc v30;
	v1 =	vadd.s32 s28, v0;
	v16 =	vadd.s32 s26, v0;
	v20 =	vld.idx.msk [tilespmem:v20+s16+$0x0], $0xffff  }
0x241: {  	v36 =	vmovc v10;
	v7 =	vand.u32 $0xF, v7;
	v34 =	vmovc v6;
	v1 =	vand.u32 $0xF, v1;
	v42 =	vand.u32 $0xF, v16;
	[tilespmem:v17+s19+$0x0] =	vst.idx.msk $0xffff, v14  }
0x242: {  	v10 =	vor.u32 v27, v7;
	v7 =	vshll.u32 v7, $0x7;
	v32 =	vmovc v11;
	v6 =	vand.u32 $0xF, v13;
	[tilespmem:v40+s19+$0x0] =	vst.idx.msk $0xffff, v15  }
0x243: {  	v11 =	vor.u32 v27, v1;
	v45 =	vor.u32 v27, v42;
	v40 =	vor.u32 v28, v10;
	v46 =	vld.idx.msk [tilespmem:v9+s16+$0x0], $0xffff  }
0x244: {  	v47 =	vor.u32 v27, v6;
	v16 =	vor.u32 v28, v45;
	v9 =	vshll.u32 v1, $0x7;
	[tilespmem:v41+s19+$0x0] =	vst.idx.msk $0xffff, v22  }
0x245: {  	v1 =	vor.u32 v28, v47;
	v22 =	vor.u32 v28, v11;
	[tilespmem:v23+s19+$0x0] =	vst.idx.msk $0xffff, v18;
	v19 =	vld.idx.msk [tilespmem:v19+s16+$0x0], $0xffff  }
0x246: {  	v13 =	vshll.u32 v13, $0x7;
	v48 =	vshll.u32 v6, $0x7;
	v15 =	vor.u32 v29, v10;
	v49 =	vld.idx.msk [tilespmem:v38+s16+$0x0], $0xffff;
	[tilespmem:v44+s19+$0x0] =	vst.idx.msk $0xffff, v20  }
0x247: {  	v8 =	vor.u32 v26, v8;
	v6 =	vor.u32 v5, v9;
	v44 =	vor.u32 v25, v3;
	v17 =	vld.idx.msk [tilespmem:v39+s16+$0x0], $0xffff  }
.Ltmp7:
0x248: {  	v14 =	vor.u32 v25, v2;
	v18 =	vor.u32 v25, v37;
	v37 =	vmovc v10;
	v3 =	vmov v11;
	(pc) =	sbr.rel @p1 .LBB2_16-.Ltmp7, $4  }
0x249: {  	v20 =	vor.u32 v31, v9;
	v23 =	vld.idx.msk [tilespmem:v40+s16+$0x0], $0xffff;
	[tilespmem:v21+s19+$0x0] =	vst.idx.msk $0xffff, v46;
	v21 =	vor.u32 v26, v36  }
0x24a: {  	v2 =	vmovc v45;
	v10 =	vshll.u32 v42, $0x7;
	v39 =	vor.u32 v31, v7;
	v38 =	vld.idx.msk [tilespmem:v1+s16+$0x0], $0xffff;
	v1 =	vor.u32 v25, v4  }
0x24b: {  	v40 =	vor.u32 v31, v48;
	v41 =	vld.idx.msk [tilespmem:v22+s16+$0x0], $0xffff;
	v22 =	vor.u32 v31, v10;
	[tilespmem:v43+s19+$0x0] =	vst.idx.msk $0xffff, v19  }
0x24c: {  	v11 =	vor.u32 v5, v7;
	v4 =	vmov v47;
	[tilespmem:v8+s19+$0x0] =	vst.idx.msk $0xffff, v49;
	v19 =	vld.idx.msk [tilespmem:v44+s16+$0x0], $0xffff;
	v8 =	vmov v48  }
0x24d: {  	_ =	sdelay $0x3  }
0x24e: {  	v27 =	vor.u32 v29, v3;
	v16 =	vld.idx.msk [tilespmem:v16+s16+$0x0], $0xffff  }
0x24f: {  	v28 =	vor.u32 v29, v4  }
0x250: {  	v29 =	vor.u32 v29, v2;
	[tilespmem:v39+s19+$0x0] =	vst.idx.msk $0xffff, v23  }
0x251: {  	[tilespmem:v40+s19+$0x0] =	vst.idx.msk $0xffff, v38  }
0x252: {  	v30 =	vor.u32 v33, v7;
	v15 =	vld.idx.msk [tilespmem:v15+s16+$0x0], $0xffff;
	[tilespmem:v20+s19+$0x0] =	vst.idx.msk $0xffff, v41  }
0x253: {  	v23 =	vor.u32 v33, v9;
	v20 =	vld.idx.msk [tilespmem:v27+s16+$0x0], $0xffff;
	[tilespmem:v22+s19+$0x0] =	vst.idx.msk $0xffff, v16;
	v16 =	vor.u32 v35, v37  }
0x254: {  	v31 =	vor.u32 v33, v13;
	v27 =	vor.u32 v35, v3;
	v22 =	vld.idx.msk [tilespmem:v28+s16+$0x0], $0xffff  }
0x255: {  	v46 =	vor.u32 v33, v10;
	v28 =	vor.u32 v35, v4;
	v29 =	vld.idx.msk [tilespmem:v29+s16+$0x0], $0xffff  }
0x256: {  	[tilespmem:v21+s19+$0x0] =	vst.idx.msk $0xffff, v17;
	v17 =	vor.u32 v35, v2  }
0x257: {  	v18 =	vld.idx.msk [tilespmem:v18+s16+$0x0], $0xffff;
	[tilespmem:v30+s19+$0x0] =	vst.idx.msk $0xffff, v15  }
0x258: {  	v7 =	vor.u32 v26, v7;
	[tilespmem:v23+s19+$0x0] =	vst.idx.msk $0xffff, v20;
	v16 =	vld.idx.msk [tilespmem:v16+s16+$0x0], $0xffff  }
0x259: {  	v21 =	vor.u32 v25, v37;
	v9 =	vor.u32 v26, v9;
	[tilespmem:v31+s19+$0x0] =	vst.idx.msk $0xffff, v22;
	v15 =	vld.idx.msk [tilespmem:v27+s16+$0x0], $0xffff  }
0x25a: {  	v8 =	vor.u32 v26, v8;
	v3 =	vor.u32 v25, v3;
	v20 =	vld.idx.msk [tilespmem:v28+s16+$0x0], $0xffff;
	[tilespmem:v46+s19+$0x0] =	vst.idx.msk $0xffff, v29  }
0x25b: {  	[tilespmem:v34+s19+$0x0] =	vst.idx.msk $0xffff, v19;
	v19 =	vor.u32 v26, v10;
	v4 =	vor.u32 v25, v4;
	v17 =	vld.idx.msk [tilespmem:v17+s16+$0x0], $0xffff  }
0x25c: {  	v1 =	vld.idx.msk [tilespmem:v1+s16+$0x0], $0xffff;
	v2 =	vor.u32 v25, v2;
	[tilespmem:v32+s19+$0x0] =	vst.idx.msk $0xffff, v18;
	v22 =	vor.u32 v12, v24  }
0x25d: {  	v14 =	vld.idx.msk [tilespmem:v14+s16+$0x0], $0xffff;
	v12 =	vor.u32 v12, v36;
	[tilespmem:v7+s19+$0x0] =	vst.idx.msk $0xffff, v16  }
0x25e: {  	[tilespmem:v9+s19+$0x0] =	vst.idx.msk $0xffff, v15;
	v7 =	vld.idx.msk [tilespmem:v21+s16+$0x0], $0xffff  }
0x25f: {  	[tilespmem:v8+s19+$0x0] =	vst.idx.msk $0xffff, v20;
	v3 =	vld.idx.msk [tilespmem:v3+s16+$0x0], $0xffff  }
0x260: {  	v8 =	vor.u32 v5, v13;
	[tilespmem:v19+s19+$0x0] =	vst.idx.msk $0xffff, v17;
	v4 =	vld.idx.msk [tilespmem:v4+s16+$0x0], $0xffff  }
0x261: {  	[tilespmem:v22+s19+$0x0] =	vst.idx.msk $0xffff, v1;
	v1 =	vor.u32 v5, v10;
	v2 =	vld.idx.msk [tilespmem:v2+s16+$0x0], $0xffff  }
0x262: {  	[tilespmem:v12+s19+$0x0] =	vst.idx.msk $0xffff, v14  }
0x263: {  	[tilespmem:v11+s19+$0x0] =	vst.idx.msk $0xffff, v7  }
0x264: {  	[tilespmem:v6+s19+$0x0] =	vst.idx.msk $0xffff, v3  }
0x265: {  	[tilespmem:v8+s19+$0x0] =	vst.idx.msk $0xffff, v4  }
0x266: {  	[tilespmem:v1+s19+$0x0] =	vst.idx.msk $0xffff, v2  }
0x267: {  	v1 =	vld [tilespmem:s24+$0x70];
	_ =	sdelay $0x3  }
0x268: {  	s31 =	simm.s32 $0x2;
	v33 =	vor.u32 $0x870, v0;
	v26 =	vor.u32 $0x1070, v0;
	v35 =	vor.u32 $0x3820, v59  }
0x269: {  	s25 =	simm.s32 $0x1;
	v30 =	vor.u32 $0x1870, v0;
	v2 =	vadd.s32 s31, v0;
	v1 =	vshll.u32 v1, $0x6  }
0x26a: {  	v2 =	vand.u32 $0xF, v2;
	v27 =	vand.u32 $0x40, v1;
	v1 =	vadd.s32 s25, v0  }
0x26b: {  	s26 =	simm.s32 $0x0;
	v28 =	vor.u32 $0x3800, v59;
	v1 =	vand.u32 $0xF, v1;
	v5 =	vor.u32 v27, v2  }
0x26c: {  	s28 =	simm.s32 $0x3;
	v3 =	vadd.s32 s26, v0;
	v6 =	vor.u32 v27, v1;
	v4 =	vor.u32 v28, v5  }
0x26d: {  	v7 =	vadd.s32 s28, v0;
	v8 =	vand.u32 $0xF, v3;
	v9 =	vor.u32 v28, v6  }
0x26e: {  	v31 =	vor.u32 $0x70, v0;
	v7 =	vand.u32 $0xF, v7;
	v11 =	vor.u32 v27, v8  }
0x26f: {  	v29 =	vor.u32 $0x3810, v59;
	v10 =	vor.u32 v27, v7;
	v12 =	vor.u32 v28, v11  }
0x270: {  	v36 =	vshll.u32 v7, $0x7;
	v2 =	vshll.u32 v2, $0x7;
	v13 =	vor.u32 v28, v10  }
0x271: {  	v14 =	vshll.u32 v8, $0x7;
	v1 =	vshll.u32 v1, $0x7;
	v8 =	vor.u32 v31, v2;
	v4 =	vld.idx.msk [tilespmem:v4+s16+$0x0], $0xffff  }
0x272: {  	v24 =	vshll.u32 v3, $0x7;
	v16 =	vor.u32 v31, v36;
	v15 =	vor.u32 v31, v1;
	v9 =	vld.idx.msk [tilespmem:v9+s16+$0x0], $0xffff  }
0x273: {  	v23 =	vor.u32 v33, v36;
	v45 =	vor.u32 v26, v14;
	v3 =	vor.u32 v29, v5  }
0x274: {  	v7 =	vor.u32 v31, v14;
	v32 =	vor.u32 v30, v2;
	v21 =	vor.u32 v26, v2;
	v12 =	vld.idx.msk [tilespmem:v12+s16+$0x0], $0xffff  }
0x275: {  	v18 =	vor.u32 v35, v10;
	v2 =	vor.u32 v33, v2;
	v17 =	vor.u32 v29, v6;
	v13 =	vld.idx.msk [tilespmem:v13+s16+$0x0], $0xffff  }
0x276: {  	v25 =	vor.u32 $0x3830, v59;
	v22 =	vor.u32 v35, v5;
	[tilespmem:v8+s19+$0x0] =	vst.idx.msk $0xffff, v4;
	v4 =	vor.u32 v29, v11  }
0x277: {  	v14 =	vor.u32 v25, v10;
	[tilespmem:v15+s19+$0x0] =	vst.idx.msk $0xffff, v9;
	v9 =	vor.u32 v29, v10  }
0x278: {  	v34 =	vor.u32 v30, v1;
	v19 =	vor.u32 v26, v1;
	v20 =	vor.u32 v35, v6;
	v3 =	vld.idx.msk [tilespmem:v3+s16+$0x0], $0xffff  }
0x279: {  	s30 =	simm.s32 $0x5;
	s26 =	simm.s32 $0x7;
	v1 =	vor.u32 v33, v1;
	v46 =	vor.u32 v25, v6;
	[tilespmem:v7+s19+$0x0] =	vst.idx.msk $0xffff, v12  }
0x27a: {  	s31 =	simm.s32 $0x6;
	v8 =	vor.u32 v33, v24;
	v7 =	vadd.s32 s30, v0;
	[tilespmem:v16+s19+$0x0] =	vst.idx.msk $0xffff, v13;
	v16 =	vadd.s32 s26, v0;
	v12 =	vld.idx.msk [tilespmem:v17+s16+$0x0], $0xffff  }
0x27b: {  	s29 =	simm.s32 $0x4;
	v15 =	vor.u32 v35, v11;
	v47 =	vand.u32 $0xF, v7;
	v13 =	vld.idx.msk [tilespmem:v4+s16+$0x0], $0xffff;
	v4 =	vadd.s32 s31, v0  }
0x27c: {  	v48 =	vand.u32 $0xF, v16;
	v17 =	vadd.s32 s29, v0;
	v39 =	vld.idx.msk [tilespmem:v9+s16+$0x0], $0xffff;
	v4 =	vand.u32 $0xF, v4  }
0x27d: {  	v49 =	vand.u32 $0xF, v17;
	[tilespmem:v2+s19+$0x0] =	vst.idx.msk $0xffff, v3;
	v3 =	vor.u32 v27, v47;
	v37 =	vor.u32 v27, v4  }
0x27e: {  	v7 =	vshll.u32 v4, $0x7;
	v22 =	vld.idx.msk [tilespmem:v22+s16+$0x0], $0xffff;
	v4 =	vor.u32 v27, v49;
	v42 =	vor.u32 v28, v37  }
0x27f: {  	v2 =	vor.u32 v27, v48;
	[tilespmem:v1+s19+$0x0] =	vst.idx.msk $0xffff, v12;
	v1 =	vor.u32 v28, v4  }
0x280: {  	v10 =	vshll.u32 v48, $0x7;
	v9 =	vshll.u32 v47, $0x7;
	v12 =	vor.u32 v28, v3;
	v43 =	vld.idx.msk [tilespmem:v20+s16+$0x0], $0xffff;
	[tilespmem:v8+s19+$0x0] =	vst.idx.msk $0xffff, v13  }
0x281: {  	v16 =	vor.u32 v28, v2;
	v6 =	vor.u32 v30, v9;
	v44 =	vld.idx.msk [tilespmem:v15+s16+$0x0], $0xffff;
	[tilespmem:v23+s19+$0x0] =	vst.idx.msk $0xffff, v39  }
0x282: {  	v20 =	vor.u32 v31, v9;
	v8 =	vshll.u32 v49, $0x7;
	v13 =	vshll.u32 v17, $0x7;
	v17 =	vld.idx.msk [tilespmem:v18+s16+$0x0], $0xffff  }
0x283: {  	v18 =	vor.u32 v25, v5;
	[tilespmem:v21+s19+$0x0] =	vst.idx.msk $0xffff, v22;
	v21 =	vor.u32 v26, v36;
	v23 =	vld.idx.msk [tilespmem:v42+s16+$0x0], $0xffff  }
0x284: {  	v15 =	vor.u32 v29, v37;
	v39 =	vor.u32 v31, v7;
	v38 =	vld.idx.msk [tilespmem:v1+s16+$0x0], $0xffff;
	v1 =	vor.u32 v25, v11  }
0x285: {  	v40 =	vor.u32 v31, v8;
	v41 =	vld.idx.msk [tilespmem:v12+s16+$0x0], $0xffff;
	v22 =	vor.u32 v31, v10;
	[tilespmem:v19+s19+$0x0] =	vst.idx.msk $0xffff, v43  }
0x286: {  	s24 =	simm.s32 $0x8;
	v12 =	vmov v30;
	v5 =	vmov v30;
	v11 =	vor.u32 v30, v7;
	v19 =	vld.idx.msk [tilespmem:v46+s16+$0x0], $0xffff;
	[tilespmem:v45+s19+$0x0] =	vst.idx.msk $0xffff, v44  }
.LBB2_18:
0x287: {  	p1 =	slt.u32 s24, $0xC;
	v16 =	vld.idx.msk [tilespmem:v16+s16+$0x0], $0xffff;
	v42 =	vor.u32 v12, v24;
	v24 =	vmov v13;
	s25 =	smov.u32 s24;
	s24 =	sadd.s32 $0x4, s24  }
0x288: {  	v13 =	vld.idx.msk [tilespmem:v18+s16+$0x0], $0xffff;
	[tilespmem:v21+s19+$0x0] =	vst.idx.msk $0xffff, v17;
	v17 =	vor.u32 v12, v36  }
0x289: {  	v43 =	vor.u32 v26, v9;
	v12 =	vor.u32 v29, v3;
	[tilespmem:v39+s19+$0x0] =	vst.idx.msk $0xffff, v23;
	v1 =	vld.idx.msk [tilespmem:v1+s16+$0x0], $0xffff  }
0x28a: {  	v18 =	vor.u32 v29, v4;
	v21 =	vor.u32 v26, v7;
	[tilespmem:v40+s19+$0x0] =	vst.idx.msk $0xffff, v38;
	v14 =	vld.idx.msk [tilespmem:v14+s16+$0x0], $0xffff  }
0x28b: {  	v23 =	vor.u32 v33, v24;
	[tilespmem:v20+s19+$0x0] =	vst.idx.msk $0xffff, v41;
	v20 =	vor.u32 v29, v2  }
0x28c: {  	v39 =	vor.u32 v35, v2;
	v38 =	vor.u32 v35, v4;
	v15 =	vld.idx.msk [tilespmem:v15+s16+$0x0], $0xffff;
	[tilespmem:v34+s19+$0x0] =	vst.idx.msk $0xffff, v19  }
0x28d: {  	v40 =	vor.u32 v33, v7;
	v19 =	vor.u32 v35, v3;
	[tilespmem:v22+s19+$0x0] =	vst.idx.msk $0xffff, v16  }
0x28e: {  	v41 =	vor.u32 v33, v9;
	v9 =	vor.u32 v35, v37;
	v22 =	vld.idx.msk [tilespmem:v12+s16+$0x0], $0xffff;
	[tilespmem:v32+s19+$0x0] =	vst.idx.msk $0xffff, v13  }
0x28f: {  	v44 =	vor.u32 v33, v10;
	s26 =	sadd.s32 $0x1, s25;
	s28 =	sadd.s32 $0x2, s25;
	v13 =	vadd.s32 s25, v0;
	s25 =	sadd.s32 $0x3, s25;
	v18 =	vld.idx.msk [tilespmem:v18+s16+$0x0], $0xffff;
	[tilespmem:v42+s19+$0x0] =	vst.idx.msk $0xffff, v1  }
0x290: {  	v7 =	vadd.s32 s28, v0;
	v12 =	vmovc v5;
	v5 =	vmovc v30;
	v1 =	vadd.s32 s26, v0;
	v16 =	vadd.s32 s25, v0;
	v20 =	vld.idx.msk [tilespmem:v20+s16+$0x0], $0xffff  }
0x291: {  	v36 =	vmovc v10;
	v7 =	vand.u32 $0xF, v7;
	v34 =	vmovc v6;
	v1 =	vand.u32 $0xF, v1;
	v42 =	vand.u32 $0xF, v16;
	[tilespmem:v17+s19+$0x0] =	vst.idx.msk $0xffff, v14  }
0x292: {  	v10 =	vor.u32 v27, v7;
	v7 =	vshll.u32 v7, $0x7;
	v32 =	vmovc v11;
	v6 =	vand.u32 $0xF, v13;
	[tilespmem:v40+s19+$0x0] =	vst.idx.msk $0xffff, v15  }
0x293: {  	v11 =	vor.u32 v27, v1;
	v45 =	vor.u32 v27, v42;
	v40 =	vor.u32 v28, v10;
	v46 =	vld.idx.msk [tilespmem:v9+s16+$0x0], $0xffff  }
0x294: {  	v47 =	vor.u32 v27, v6;
	v16 =	vor.u32 v28, v45;
	v9 =	vshll.u32 v1, $0x7;
	[tilespmem:v41+s19+$0x0] =	vst.idx.msk $0xffff, v22  }
0x295: {  	v1 =	vor.u32 v28, v47;
	v22 =	vor.u32 v28, v11;
	[tilespmem:v23+s19+$0x0] =	vst.idx.msk $0xffff, v18;
	v19 =	vld.idx.msk [tilespmem:v19+s16+$0x0], $0xffff  }
0x296: {  	v13 =	vshll.u32 v13, $0x7;
	v48 =	vshll.u32 v6, $0x7;
	v15 =	vor.u32 v29, v10;
	v49 =	vld.idx.msk [tilespmem:v38+s16+$0x0], $0xffff;
	[tilespmem:v44+s19+$0x0] =	vst.idx.msk $0xffff, v20  }
0x297: {  	v8 =	vor.u32 v26, v8;
	v6 =	vor.u32 v5, v9;
	v44 =	vor.u32 v25, v3;
	v17 =	vld.idx.msk [tilespmem:v39+s16+$0x0], $0xffff  }
.Ltmp8:
0x298: {  	v14 =	vor.u32 v25, v2;
	v18 =	vor.u32 v25, v37;
	v37 =	vmovc v10;
	v3 =	vmov v11;
	(pc) =	sbr.rel @p1 .LBB2_18-.Ltmp8, $4  }
0x299: {  	v20 =	vor.u32 v31, v9;
	v23 =	vld.idx.msk [tilespmem:v40+s16+$0x0], $0xffff;
	[tilespmem:v21+s19+$0x0] =	vst.idx.msk $0xffff, v46;
	v21 =	vor.u32 v26, v36  }
0x29a: {  	v2 =	vmovc v45;
	v10 =	vshll.u32 v42, $0x7;
	v39 =	vor.u32 v31, v7;
	v38 =	vld.idx.msk [tilespmem:v1+s16+$0x0], $0xffff;
	v1 =	vor.u32 v25, v4  }
0x29b: {  	v40 =	vor.u32 v31, v48;
	v41 =	vld.idx.msk [tilespmem:v22+s16+$0x0], $0xffff;
	v22 =	vor.u32 v31, v10;
	[tilespmem:v43+s19+$0x0] =	vst.idx.msk $0xffff, v19  }
0x29c: {  	v11 =	vor.u32 v5, v7;
	v4 =	vmov v47;
	[tilespmem:v8+s19+$0x0] =	vst.idx.msk $0xffff, v49;
	v19 =	vld.idx.msk [tilespmem:v44+s16+$0x0], $0xffff;
	v8 =	vmov v48  }
0x29d: {  	_ =	sdelay $0x2  }
0x29e: {  	v27 =	vor.u32 v29, v3  }
0x29f: {  	v16 =	vld.idx.msk [tilespmem:v16+s16+$0x0], $0xffff;
	v28 =	vor.u32 v29, v4  }
0x2a0: {  	v44 =	vor.u32 v29, v2  }
0x2a1: {  	[tilespmem:v39+s19+$0x0] =	vst.idx.msk $0xffff, v23  }
0x2a2: {  	v30 =	vor.u32 v33, v7;
	v15 =	vld.idx.msk [tilespmem:v15+s16+$0x0], $0xffff;
	[tilespmem:v20+s19+$0x0] =	vst.idx.msk $0xffff, v41  }
0x2a3: {  	v45 =	vor.u32 v33, v9;
	v47 =	vor.u32 v35, v37;
	[tilespmem:v40+s19+$0x0] =	vst.idx.msk $0xffff, v38;
	v20 =	vld.idx.msk [tilespmem:v27+s16+$0x0], $0xffff  }
0x2a4: {  	v46 =	vor.u32 v35, v3;
	v31 =	vor.u32 v33, v13;
	[tilespmem:v22+s19+$0x0] =	vst.idx.msk $0xffff, v16;
	v48 =	vld.idx.msk [tilespmem:v28+s16+$0x0], $0xffff  }
0x2a5: {  	v49 =	vor.u32 v35, v4;
	v38 =	vor.u32 v33, v10;
	v29 =	vld.idx.msk [tilespmem:v44+s16+$0x0], $0xffff  }
0x2a6: {  	[tilespmem:v21+s19+$0x0] =	vst.idx.msk $0xffff, v17;
	v39 =	vor.u32 v35, v2  }
0x2a7: {  	v18 =	vld.idx.msk [tilespmem:v18+s16+$0x0], $0xffff;
	[tilespmem:v30+s19+$0x0] =	vst.idx.msk $0xffff, v15  }
0x2a8: {  	v42 =	vor.u32 v26, v7;
	v16 =	vld.idx.msk [tilespmem:v47+s16+$0x0], $0xffff;
	[tilespmem:v45+s19+$0x0] =	vst.idx.msk $0xffff, v20  }
0x2a9: {  	v40 =	vor.u32 v26, v9;
	v44 =	vor.u32 v25, v37;
	[tilespmem:v31+s19+$0x0] =	vst.idx.msk $0xffff, v48;
	v41 =	vld.idx.msk [tilespmem:v46+s16+$0x0], $0xffff  }
0x2aa: {  	v3 =	vor.u32 v25, v3;
	v8 =	vor.u32 v26, v8;
	v43 =	vld.idx.msk [tilespmem:v49+s16+$0x0], $0xffff;
	[tilespmem:v38+s19+$0x0] =	vst.idx.msk $0xffff, v29  }
0x2ab: {  	[tilespmem:v34+s19+$0x0] =	vst.idx.msk $0xffff, v19;
	v45 =	vor.u32 v26, v10;
	v46 =	vor.u32 v25, v4;
	v17 =	vld.idx.msk [tilespmem:v39+s16+$0x0], $0xffff  }
0x2ac: {  	v1 =	vld.idx.msk [tilespmem:v1+s16+$0x0], $0xffff;
	v2 =	vor.u32 v25, v2;
	[tilespmem:v32+s19+$0x0] =	vst.idx.msk $0xffff, v18;
	v47 =	vor.u32 v12, v24  }
0x2ad: {  	v14 =	vld.idx.msk [tilespmem:v14+s16+$0x0], $0xffff;
	v48 =	vor.u32 v12, v36;
	[tilespmem:v42+s19+$0x0] =	vst.idx.msk $0xffff, v16  }
0x2ae: {  	v7 =	vld.idx.msk [tilespmem:v44+s16+$0x0], $0xffff;
	[tilespmem:v40+s19+$0x0] =	vst.idx.msk $0xffff, v41  }
0x2af: {  	[tilespmem:v8+s19+$0x0] =	vst.idx.msk $0xffff, v43;
	v3 =	vld.idx.msk [tilespmem:v3+s16+$0x0], $0xffff  }
0x2b0: {  	v49 =	vor.u32 v5, v13;
	[tilespmem:v45+s19+$0x0] =	vst.idx.msk $0xffff, v17;
	v4 =	vld.idx.msk [tilespmem:v46+s16+$0x0], $0xffff  }
0x2b1: {  	s22 =	sand.u32 $0x6, s22;
	[tilespmem:v47+s19+$0x0] =	vst.idx.msk $0xffff, v1;
	v1 =	vor.u32 v5, v10;
	v2 =	vld.idx.msk [tilespmem:v2+s16+$0x0], $0xffff  }
0x2b2: {  	p1 =	sne.s32 s22, $0x0;
	[tilespmem:v48+s19+$0x0] =	vst.idx.msk $0xffff, v14  }
.Ltmp9:
0x2b3: {  	[tilespmem:v11+s19+$0x0] =	vst.idx.msk $0xffff, v7;
	(pc) =	sbr.rel @p1 .LBB2_21-.Ltmp9, $4  }
0x2b4: {  	s23 =	sshll.u32 s23, $0xF;
	[tilespmem:v6+s19+$0x0] =	vst.idx.msk $0xffff, v3  }
0x2b5: {  	s23 =	sand.u32 $0x1FFF8000, s23;
	[tilespmem:v49+s19+$0x0] =	vst.idx.msk $0xffff, v4  }
0x2b6: {  	s23 =	sadd.s32 s23, s4;
	[tilespmem:v1+s19+$0x0] =	vst.idx.msk $0xffff, v2  }
0x2b7: {  	[hbm4b:s23+s10] =	stream.strided.scatter [tilespmem:s19], [sflag:$0x4], $0x2000, s14, s10, $0x38;
	[tilespmem:$0xC500] =	vst v63  }
.LBB2_20:
0x2b8: {  	s22 =	sshll.u32 s21, $0xA  }
0x2b9: {  	s22 =	sand.u32 $0x1F000, s22  }
0x2ba: {  	s23 =	sadd.s32 s22, s5;
	s22 =	simm.s32 $0x0  }
0x2bb: {  	[tilespmem:s22], [sflag:$0x5] =	stream.linear.gather [hbm4b:s23+s22], $0x400, $0x38;
	[tilespmem:$0xC500] =	vst v63  }
0x2bc: {  	_ =	swait.ge [sflag:s8], $0x400  }
0x2bd: {  	[sflag:s8] =	ssyncset.done $0x0  }
0x2be: {  	[sflag:s8] =	ssyncadd.s32 $0xFFFFFC00  }
.LBB2_21:
0x2bf: {  	s22 =	sshll.u32 s22, $0x7  }
0x2c0: {  	v1 =	vld [tilespmem:s22+$0x0];
	_ =	sdelay $0x4  }
0x2c1: {  	v1 =	vshrl.u32 v1, $0x1  }
0x2c2: {  	[tilespmem:$0x400] =	vst v1  }
0x2c3: {  	v1 =	vld [tilespmem:s22+$0x10];
	_ =	sdelay $0x4  }
0x2c4: {  	v1 =	vshrl.u32 v1, $0x1  }
0x2c5: {  	[tilespmem:$0x410] =	vst v1  }
0x2c6: {  	v1 =	vld [tilespmem:s22+$0x20];
	_ =	sdelay $0x4  }
0x2c7: {  	v1 =	vshrl.u32 v1, $0x1  }
0x2c8: {  	[tilespmem:$0x420] =	vst v1  }
0x2c9: {  	v1 =	vld [tilespmem:s22+$0x30];
	_ =	sdelay $0x4  }
0x2ca: {  	v1 =	vshrl.u32 v1, $0x1  }
0x2cb: {  	[tilespmem:$0x430] =	vst v1  }
0x2cc: {  	v1 =	vld [tilespmem:s22+$0x40];
	_ =	sdelay $0x4  }
0x2cd: {  	v1 =	vshrl.u32 v1, $0x1  }
0x2ce: {  	[tilespmem:$0x440] =	vst v1  }
0x2cf: {  	v1 =	vld [tilespmem:s22+$0x50];
	_ =	sdelay $0x4  }
0x2d0: {  	v1 =	vshrl.u32 v1, $0x1  }
0x2d1: {  	[tilespmem:$0x450] =	vst v1  }
0x2d2: {  	v1 =	vld [tilespmem:s22+$0x60];
	_ =	sdelay $0x4  }
0x2d3: {  	v1 =	vshrl.u32 v1, $0x1  }
0x2d4: {  	[tilespmem:$0x460] =	vst v1  }
0x2d5: {  	v1 =	vld [tilespmem:s22+$0x70];
	_ =	sdelay $0x4  }
0x2d6: {  	v1 =	vshrl.u32 v1, $0x1  }
0x2d7: {  	[tilespmem:$0x470] =	vst v1  }
0x2d8: {  	[tilespmem:s11], [sflag:$0x1] =	stream.indirect.gather [hbm4b:s3+s9], $0x80, s10, s9, $0xb8;
	[tilespmem:$0xC500] =	vst v63  }
0x2d9: {  	_ =	swait.ge [sflag:s12], $0x4000  }
0x2da: {  	[sflag:s12] =	ssyncset.done $0x0  }
0x2db: {  	s23 =	simm.s32 @!p0 $0x3;
	[sflag:s12] =	ssyncadd.s32 $0xFFFFC000  }
0x2dc: {  	_ =	swait.ge @!p0 [sflag:s23], $0x2000  }
0x2dd: {  	[sflag:s23] =	ssyncset.done @!p0 $0x0  }
0x2de: {  	[sflag:s23] =	ssyncadd.s32 @!p0 $0xFFFFE000  }
0x2df: {  	v1 =	vld [tilespmem:s22+$0x0];
	_ =	sdelay $0x3  }
0x2e0: {  	s25 =	simm.s32 $0x1  }
0x2e1: {  	s28 =	simm.s32 $0x3;
	v2 =	vadd.s32 s25, v0;
	v1 =	vshll.u32 v1, $0x6  }
0x2e2: {  	s26 =	simm.s32 $0x0;
	v6 =	vadd.s32 s28, v0;
	v25 =	vand.u32 $0x40, v1;
	v1 =	vand.u32 $0xF, v2  }
0x2e3: {  	v6 =	vand.u32 $0xF, v6;
	v2 =	vadd.s32 s26, v0;
	v3 =	vor.u32 v25, v1  }
0x2e4: {  	v5 =	vand.u32 $0xF, v2;
	v12 =	vor.u32 v25, v6;
	v4 =	vor.u32 v59, v3  }
0x2e5: {  	s24 =	simm.s32 $0x2;
	v9 =	vor.u32 v25, v5;
	v10 =	vor.u32 v59, v12  }
0x2e6: {  	v7 =	vadd.s32 s24, v0;
	v8 =	vor.u32 v59, v9  }
0x2e7: {  	v7 =	vand.u32 $0xF, v7  }
0x2e8: {  	v16 =	vshll.u32 v7, $0x7;
	v1 =	vshll.u32 v1, $0x7  }
0x2e9: {  	v19 =	vshll.u32 v6, $0x7;
	v15 =	vor.u32 v25, v7;
	v11 =	vor.u32 v0, v1;
	v4 =	vld.idx.msk [tilespmem:v4+s11+$0x0], $0xffff  }
0x2ea: {  	v14 =	vor.u32 v0, v19;
	v7 =	vor.u32 v59, v15;
	v17 =	vshll.u32 v5, $0x7;
	v10 =	vld.idx.msk [tilespmem:v10+s11+$0x0], $0xffff  }
0x2eb: {  	v2 =	vshll.u32 v2, $0x7;
	v13 =	vor.u32 v50, v3;
	v6 =	vld.idx.msk [tilespmem:v8+s11+$0x0], $0xffff;
	v8 =	vor.u32 v0, v17  }
0x2ec: {  	v24 =	vor.u32 v55, v2;
	v21 =	vor.u32 v51, v2;
	v2 =	vor.u32 v50, v12  }
0x2ed: {  	v18 =	vor.u32 v50, v9  }
0x2ee: {  	[tilespmem:v11+s13+$0x0] =	vst.idx.msk $0xffff, v4  }
0x2ef: {  	v22 =	vor.u32 v51, v16;
	v5 =	vor.u32 v0, v16;
	v11 =	vld.idx.msk [tilespmem:v7+s11+$0x0], $0xffff;
	[tilespmem:v14+s13+$0x0] =	vst.idx.msk $0xffff, v10  }
0x2f0: {  	s30 =	simm.s32 $0x5;
	v26 =	vor.u32 v50, v15;
	[tilespmem:v8+s13+$0x0] =	vst.idx.msk $0xffff, v6;
	v8 =	vor.u32 v51, v1;
	v31 =	vld.idx.msk [tilespmem:v13+s11+$0x0], $0xffff  }
0x2f1: {  	s29 =	simm.s32 $0x4;
	v30 =	vor.u32 v51, v19;
	v28 =	vor.u32 v52, v3;
	v4 =	vadd.s32 s30, v0;
	v33 =	vld.idx.msk [tilespmem:v2+s11+$0x0], $0xffff  }
0x2f2: {  	v23 =	vor.u32 v52, v12;
	v6 =	vadd.s32 s29, v0;
	v10 =	vld.idx.msk [tilespmem:v18+s11+$0x0], $0xffff;
	v18 =	vand.u32 $0xF, v4  }
0x2f3: {  	s25 =	simm.s32 $0x7;
	v29 =	vor.u32 v52, v9;
	v34 =	vand.u32 $0xF, v6;
	v2 =	vor.u32 v25, v18  }
0x2f4: {  	v13 =	vadd.s32 s25, v0;
	v27 =	vor.u32 v25, v34;
	v35 =	vor.u32 v59, v2;
	[tilespmem:v5+s13+$0x0] =	vst.idx.msk $0xffff, v11  }
0x2f5: {  	v32 =	vand.u32 $0xF, v13;
	v37 =	vor.u32 v59, v27;
	v36 =	vld.idx.msk [tilespmem:v26+s11+$0x0], $0xffff;
	[tilespmem:v8+s13+$0x0] =	vst.idx.msk $0xffff, v31  }
0x2f6: {  	v20 =	vor.u32 v52, v15;
	v11 =	vor.u32 v25, v32;
	[tilespmem:v30+s13+$0x0] =	vst.idx.msk $0xffff, v33;
	v38 =	vld.idx.msk [tilespmem:v28+s11+$0x0], $0xffff  }
0x2f7: {  	v40 =	vor.u32 v53, v1;
	v46 =	vor.u32 v59, v11;
	[tilespmem:v21+s13+$0x0] =	vst.idx.msk $0xffff, v10;
	v41 =	vld.idx.msk [tilespmem:v23+s11+$0x0], $0xffff  }
0x2f8: {  	v47 =	vor.u32 v54, v3;
	v30 =	vor.u32 v53, v17;
	v39 =	vld.idx.msk [tilespmem:v29+s11+$0x0], $0xffff  }
0x2f9: {  	v49 =	vor.u32 v53, v19;
	v48 =	vor.u32 v54, v9;
	v26 =	vshll.u32 v18, $0x7;
	v18 =	vld.idx.msk [tilespmem:v35+s11+$0x0], $0xffff  }
0x2fa: {  	v9 =	vor.u32 v55, v19;
	v19 =	vld.idx.msk [tilespmem:v37+s11+$0x0], $0xffff;
	[tilespmem:v22+s13+$0x0] =	vst.idx.msk $0xffff, v36  }
0x2fb: {  	v29 =	vld.idx.msk [tilespmem:v20+s11+$0x0], $0xffff  }
0x2fc: {  	v20 =	vld.idx.msk [tilespmem:v46+s11+$0x0], $0xffff;
	[tilespmem:v40+s13+$0x0] =	vst.idx.msk $0xffff, v38  }
0x2fd: {  	v3 =	vor.u32 v55, v16;
	[tilespmem:v30+s13+$0x0] =	vst.idx.msk $0xffff, v39;
	v30 =	vld.idx.msk [tilespmem:v47+s11+$0x0], $0xffff  }
0x2fe: {  	v17 =	vor.u32 v53, v16;
	v16 =	vor.u32 v55, v1;
	[tilespmem:v49+s13+$0x0] =	vst.idx.msk $0xffff, v41;
	v1 =	vld.idx.msk [tilespmem:v48+s11+$0x0], $0xffff  }
0x2ff: {  	s31 =	simm.s32 $0x6;
	v42 =	vld [tilespmem:$0x1FF60]  }
0x300: {  	v7 =	vadd.s32 s31, v0;
	v43 =	vld [tilespmem:$0x1FF70]  }
0x301: {  	v15 =	vor.u32 v54, v15;
	v4 =	vand.u32 $0xF, v7;
	v44 =	vld [tilespmem:$0x1FF80]  }
0x302: {  	v14 =	vshll.u32 v6, $0x7;
	v7 =	vor.u32 v25, v4;
	v21 =	vor.u32 v0, v26;
	v46 =	vld [tilespmem:$0x1FFA0]  }
0x303: {  	v4 =	vshll.u32 v4, $0x7;
	v6 =	vor.u32 v55, v14;
	v13 =	vor.u32 v59, v7;
	v45 =	vld [tilespmem:$0x1FF90]  }
0x304: {  	v5 =	vshll.u32 v32, $0x7;
	v10 =	vshll.u32 v34, $0x7;
	v28 =	vor.u32 v54, v12;
	v47 =	vld [tilespmem:$0x1FFB0]  }
0x305: {  	v32 =	vor.u32 v50, v2;
	v8 =	vor.u32 v0, v4;
	v31 =	vor.u32 v0, v10;
	v48 =	vld [tilespmem:$0x1FFC0]  }
0x306: {  	s23 =	simm.s32 $0x8;
	v23 =	vor.u32 v50, v27;
	v12 =	vor.u32 v52, v7;
	v22 =	vor.u32 v0, v5;
	v49 =	vld [tilespmem:$0x1FFE0]  }
.LBB2_22:
0x307: {  	v33 =	vor.u32 v51, v14;
	[tilespmem:v21+s13+$0x0] =	vst.idx.msk $0xffff, v18;
	v21 =	vor.u32 v51, v4  }
0x308: {  	p0 =	slt.u32 s23, $0xC;
	v13 =	vld.idx.msk [tilespmem:v13+s11+$0x0], $0xffff;
	v34 =	vmovc v7;
	v35 =	vmovc v4;
	v36 =	vmov v27;
	v37 =	vmov v11;
	v38 =	vmov v26;
	s24 =	smov.u32 s23;
	s23 =	sadd.s32 $0x4, s23  }
0x309: {  	v4 =	vor.u32 v50, v37;
	v18 =	vor.u32 v52, v37;
	[tilespmem:v17+s13+$0x0] =	vst.idx.msk $0xffff, v29;
	v11 =	vld.idx.msk [tilespmem:v28+s11+$0x0], $0xffff  }
0x30a: {  	v17 =	vor.u32 v52, v2;
	v14 =	vor.u32 v50, v34;
	[tilespmem:v31+s13+$0x0] =	vst.idx.msk $0xffff, v19;
	v15 =	vld.idx.msk [tilespmem:v15+s11+$0x0], $0xffff  }
0x30b: {  	v19 =	vor.u32 v52, v36;
	v28 =	vld.idx.msk [tilespmem:v32+s11+$0x0], $0xffff;
	[tilespmem:v22+s13+$0x0] =	vst.idx.msk $0xffff, v20;
	v20 =	vor.u32 v51, v5  }
0x30c: {  	s25 =	sadd.s32 $0x1, s24;
	s26 =	sadd.s32 $0x2, s24;
	v29 =	vor.u32 v51, v38;
	v22 =	vadd.s32 s24, v0;
	s24 =	sadd.s32 $0x3, s24;
	v23 =	vld.idx.msk [tilespmem:v23+s11+$0x0], $0xffff;
	[tilespmem:v16+s13+$0x0] =	vst.idx.msk $0xffff, v30;
	v16 =	vmov v5  }
0x30d: {  	v7 =	vadd.s32 s26, v0;
	v5 =	vadd.s32 s25, v0;
	v26 =	vadd.s32 s24, v0;
	[tilespmem:v24+s13+$0x0] =	vst.idx.msk $0xffff, v1;
	v24 =	vmovc v6  }
0x30e: {  	v1 =	vand.u32 $0xF, v5;
	v5 =	vand.u32 $0xF, v7;
	v6 =	vand.u32 $0xF, v26;
	[tilespmem:v8+s13+$0x0] =	vst.idx.msk $0xffff, v13;
	v30 =	vld.idx.msk [tilespmem:v4+s11+$0x0], $0xffff  }
0x30f: {  	v31 =	vor.u32 v25, v1;
	v7 =	vor.u32 v25, v5;
	v4 =	vshll.u32 v5, $0x7;
	[tilespmem:v9+s13+$0x0] =	vst.idx.msk $0xffff, v11  }
0x310: {  	v32 =	vand.u32 $0xF, v22;
	v9 =	vor.u32 v59, v31;
	v13 =	vor.u32 v59, v7;
	v39 =	vld.idx.msk [tilespmem:v14+s11+$0x0], $0xffff  }
0x311: {  	v27 =	vor.u32 v25, v32;
	v11 =	vor.u32 v25, v6;
	v14 =	vshll.u32 v22, $0x7;
	[tilespmem:v3+s13+$0x0] =	vst.idx.msk $0xffff, v15  }
0x312: {  	v26 =	vshll.u32 v1, $0x7;
	v5 =	vshll.u32 v6, $0x7;
	v15 =	vor.u32 v59, v27;
	[tilespmem:v29+s13+$0x0] =	vst.idx.msk $0xffff, v28  }
0x313: {  	v8 =	vor.u32 v0, v4;
	v1 =	vor.u32 v59, v11;
	[tilespmem:v33+s13+$0x0] =	vst.idx.msk $0xffff, v23;
	v22 =	vld.idx.msk [tilespmem:v17+s11+$0x0], $0xffff  }
0x314: {  	v6 =	vor.u32 v55, v14;
	v33 =	vor.u32 v53, v38;
	v23 =	vld.idx.msk [tilespmem:v19+s11+$0x0], $0xffff;
	[tilespmem:v20+s13+$0x0] =	vst.idx.msk $0xffff, v30  }
0x315: {  	v40 =	vor.u32 v54, v2;
	v3 =	vor.u32 v55, v35;
	v30 =	vor.u32 v53, v10;
	v41 =	vld.idx.msk [tilespmem:v18+s11+$0x0], $0xffff  }
0x316: {  	v36 =	vor.u32 v54, v36;
	v18 =	vld.idx.msk [tilespmem:v9+s11+$0x0], $0xffff;
	[tilespmem:v21+s13+$0x0] =	vst.idx.msk $0xffff, v39;
	v39 =	vor.u32 v53, v16  }
.Ltmp10:
0x317: {  	v17 =	vor.u32 v53, v35;
	v21 =	vor.u32 v0, v26;
	v9 =	vor.u32 v55, v16;
	v29 =	vld.idx.msk [tilespmem:v12+s11+$0x0], $0xffff;
	(pc) =	sbr.rel @p0 .LBB2_22-.Ltmp10, $4  }
0x318: {  	v2 =	vmovc v31;
	v28 =	vor.u32 v54, v37;
	v10 =	vshll.u32 v32, $0x7;
	v19 =	vld.idx.msk [tilespmem:v15+s11+$0x0], $0xffff;
	v15 =	vor.u32 v54, v34  }
0x319: {  	v31 =	vor.u32 v0, v10;
	v16 =	vor.u32 v55, v38;
	v20 =	vld.idx.msk [tilespmem:v1+s11+$0x0], $0xffff;
	[tilespmem:v33+s13+$0x0] =	vst.idx.msk $0xffff, v22  }
0x31a: {  	v32 =	vor.u32 v50, v2;
	v22 =	vor.u32 v0, v5;
	[tilespmem:v30+s13+$0x0] =	vst.idx.msk $0xffff, v23;
	v30 =	vld.idx.msk [tilespmem:v40+s11+$0x0], $0xffff  }
0x31b: {  	v12 =	vor.u32 v52, v7;
	v23 =	vor.u32 v50, v27;
	v1 =	vld.idx.msk [tilespmem:v36+s11+$0x0], $0xffff;
	[tilespmem:v39+s13+$0x0] =	vst.idx.msk $0xffff, v41  }
0x31c: {  	_ =	sdelay $0x3  }
0x31d: {  	v13 =	vld.idx.msk [tilespmem:v13+s11+$0x0], $0xffff;
	v25 =	vor.u32 v50, v11  }
0x31e: {  	v33 =	vor.u32 v50, v7  }
0x31f: {  	[tilespmem:v21+s13+$0x0] =	vst.idx.msk $0xffff, v18  }
0x320: {  	[tilespmem:v31+s13+$0x0] =	vst.idx.msk $0xffff, v19;
	v18 =	vld.idx.msk [tilespmem:v32+s11+$0x0], $0xffff;
	v19 =	vor.u32 v51, v26  }
0x321: {  	v14 =	vor.u32 v51, v14;
	v21 =	vor.u32 v52, v2;
	[tilespmem:v22+s13+$0x0] =	vst.idx.msk $0xffff, v20;
	v20 =	vld.idx.msk [tilespmem:v23+s11+$0x0], $0xffff  }
0x322: {  	v22 =	vor.u32 v52, v27;
	v23 =	vor.u32 v51, v5;
	[tilespmem:v8+s13+$0x0] =	vst.idx.msk $0xffff, v13;
	v8 =	vld.idx.msk [tilespmem:v25+s11+$0x0], $0xffff  }
0x323: {  	v13 =	vor.u32 v51, v4;
	v25 =	vor.u32 v52, v11;
	v31 =	vld.idx.msk [tilespmem:v33+s11+$0x0], $0xffff  }
0x324: {  	[tilespmem:v17+s13+$0x0] =	vst.idx.msk $0xffff, v29  }
0x325: {  	[tilespmem:v19+s13+$0x0] =	vst.idx.msk $0xffff, v18  }
0x326: {  	v17 =	vor.u32 v53, v26;
	[tilespmem:v14+s13+$0x0] =	vst.idx.msk $0xffff, v20;
	v14 =	vld.idx.msk [tilespmem:v21+s11+$0x0], $0xffff  }
0x327: {  	v2 =	vor.u32 v54, v2;
	v18 =	vld.idx.msk [tilespmem:v22+s11+$0x0], $0xffff;
	[tilespmem:v23+s13+$0x0] =	vst.idx.msk $0xffff, v8;
	v8 =	vor.u32 v53, v10  }
0x328: {  	v19 =	vor.u32 v54, v27;
	v10 =	vld.idx.msk [tilespmem:v25+s11+$0x0], $0xffff;
	[tilespmem:v13+s13+$0x0] =	vst.idx.msk $0xffff, v31;
	v13 =	vor.u32 v53, v5  }
0x329: {  	[tilespmem:v16+s13+$0x0] =	vst.idx.msk $0xffff, v30;
	v16 =	vor.u32 v53, v4;
	v11 =	vor.u32 v54, v11;
	v12 =	vld.idx.msk [tilespmem:v12+s11+$0x0], $0xffff  }
0x32a: {  	[tilespmem:v24+s13+$0x0] =	vst.idx.msk $0xffff, v1;
	v1 =	vor.u32 v54, v7;
	v7 =	vld.idx.msk [tilespmem:v15+s11+$0x0], $0xffff  }
0x32b: {  	v20 =	vld.idx.msk [tilespmem:v28+s11+$0x0], $0xffff;
	[tilespmem:v17+s13+$0x0] =	vst.idx.msk $0xffff, v14  }
0x32c: {  	v14 =	vor.u32 v55, v26;
	v2 =	vld.idx.msk [tilespmem:v2+s11+$0x0], $0xffff;
	[tilespmem:v8+s13+$0x0] =	vst.idx.msk $0xffff, v18  }
0x32d: {  	v8 =	vld.idx.msk [tilespmem:v19+s11+$0x0], $0xffff;
	[tilespmem:v13+s13+$0x0] =	vst.idx.msk $0xffff, v10  }
0x32e: {  	v5 =	vor.u32 v55, v5;
	[tilespmem:v16+s13+$0x0] =	vst.idx.msk $0xffff, v12;
	v10 =	vld.idx.msk [tilespmem:v11+s11+$0x0], $0xffff  }
0x32f: {  	v4 =	vor.u32 v55, v4;
	[tilespmem:v3+s13+$0x0] =	vst.idx.msk $0xffff, v7;
	v1 =	vld.idx.msk [tilespmem:v1+s11+$0x0], $0xffff  }
0x330: {  	[tilespmem:v9+s13+$0x0] =	vst.idx.msk $0xffff, v20  }
0x331: {  	[tilespmem:v14+s13+$0x0] =	vst.idx.msk $0xffff, v2  }
0x332: {  	[tilespmem:v6+s13+$0x0] =	vst.idx.msk $0xffff, v8  }
0x333: {  	[tilespmem:v5+s13+$0x0] =	vst.idx.msk $0xffff, v10  }
0x334: {  	[tilespmem:v4+s13+$0x0] =	vst.idx.msk $0xffff, v1  }
0x335: {  	v1 =	vld [tilespmem:s22+$0x10];
	_ =	sdelay $0x3  }
0x336: {  	s23 =	simm.s32 $0x1;
	s24 =	simm.s32 $0x2  }
0x337: {  	s28 =	simm.s32 $0x3;
	v7 =	vadd.s32 s24, v0;
	v2 =	vadd.s32 s23, v0;
	v1 =	vshll.u32 v1, $0x6  }
0x338: {  	s26 =	simm.s32 $0x0;
	v6 =	vadd.s32 s28, v0;
	v25 =	vand.u32 $0x40, v1;
	v1 =	vand.u32 $0xF, v2  }
0x339: {  	v6 =	vand.u32 $0xF, v6;
	v2 =	vadd.s32 s26, v0;
	v3 =	vor.u32 v25, v1  }
0x33a: {  	v5 =	vand.u32 $0xF, v2;
	v12 =	vor.u32 v25, v6;
	v4 =	vor.u32 v56, v3  }
0x33b: {  	v7 =	vand.u32 $0xF, v7;
	v9 =	vor.u32 v25, v5;
	v10 =	vor.u32 v56, v12  }
0x33c: {  	v16 =	vshll.u32 v7, $0x7;
	v8 =	vor.u32 v56, v9  }
0x33d: {  	v22 =	vor.u32 v60, v16;
	v19 =	vshll.u32 v6, $0x7  }
0x33e: {  	v14 =	vor.u32 v57, v19;
	v30 =	vor.u32 v60, v19;
	v1 =	vshll.u32 v1, $0x7  }
0x33f: {  	v55 =	vor.u32 v62, v19;
	v15 =	vor.u32 v25, v7;
	v11 =	vor.u32 v57, v1;
	v4 =	vld.idx.msk [tilespmem:v4+s11+$0x0], $0xffff  }
0x340: {  	v2 =	vshll.u32 v2, $0x7;
	v7 =	vor.u32 v56, v15;
	v17 =	vshll.u32 v5, $0x7;
	v10 =	vld.idx.msk [tilespmem:v10+s11+$0x0], $0xffff  }
0x341: {  	v5 =	vor.u32 v57, v16;
	v13 =	vor.u32 v58, v3;
	v6 =	vld.idx.msk [tilespmem:v8+s11+$0x0], $0xffff;
	v8 =	vor.u32 v57, v17  }
0x342: {  	v24 =	vor.u32 v42, v2;
	v21 =	vor.u32 v60, v2;
	v2 =	vor.u32 v58, v12  }
0x343: {  	v20 =	vor.u32 v61, v15;
	v23 =	vor.u32 v61, v12;
	v18 =	vor.u32 v58, v9  }
0x344: {  	v28 =	vor.u32 v61, v3;
	v26 =	vor.u32 v58, v15;
	[tilespmem:v11+s13+$0x0] =	vst.idx.msk $0xffff, v4  }
0x345: {  	v40 =	vor.u32 v62, v1;
	v53 =	vor.u32 v63, v3;
	v11 =	vld.idx.msk [tilespmem:v7+s11+$0x0], $0xffff;
	[tilespmem:v14+s13+$0x0] =	vst.idx.msk $0xffff, v10  }
0x346: {  	s30 =	simm.s32 $0x5;
	v3 =	vor.u32 v42, v16;
	[tilespmem:v8+s13+$0x0] =	vst.idx.msk $0xffff, v6;
	v8 =	vor.u32 v60, v1;
	v31 =	vld.idx.msk [tilespmem:v13+s11+$0x0], $0xffff  }
0x347: {  	s29 =	simm.s32 $0x4;
	v15 =	vor.u32 v63, v15;
	v29 =	vor.u32 v61, v9;
	v4 =	vadd.s32 s30, v0;
	v51 =	vld.idx.msk [tilespmem:v2+s11+$0x0], $0xffff  }
0x348: {  	v54 =	vor.u32 v63, v9;
	v6 =	vadd.s32 s29, v0;
	v10 =	vld.idx.msk [tilespmem:v18+s11+$0x0], $0xffff;
	v18 =	vand.u32 $0xF, v4  }
0x349: {  	s25 =	simm.s32 $0x7;
	v9 =	vor.u32 v42, v19;
	v34 =	vand.u32 $0xF, v6;
	v2 =	vor.u32 v25, v18  }
0x34a: {  	v13 =	vadd.s32 s25, v0;
	v27 =	vor.u32 v25, v34;
	v35 =	vor.u32 v56, v2;
	[tilespmem:v5+s13+$0x0] =	vst.idx.msk $0xffff, v11  }
0x34b: {  	s31 =	simm.s32 $0x6;
	v50 =	vand.u32 $0xF, v13;
	v37 =	vor.u32 v56, v27;
	v36 =	vld.idx.msk [tilespmem:v26+s11+$0x0], $0xffff;
	[tilespmem:v8+s13+$0x0] =	vst.idx.msk $0xffff, v31  }
0x34c: {  	v7 =	vadd.s32 s31, v0;
	v11 =	vor.u32 v25, v50;
	[tilespmem:v30+s13+$0x0] =	vst.idx.msk $0xffff, v51;
	v38 =	vld.idx.msk [tilespmem:v28+s11+$0x0], $0xffff  }
0x34d: {  	v4 =	vand.u32 $0xF, v7;
	v14 =	vshll.u32 v6, $0x7;
	v52 =	vor.u32 v56, v11;
	[tilespmem:v21+s13+$0x0] =	vst.idx.msk $0xffff, v10;
	v41 =	vld.idx.msk [tilespmem:v23+s11+$0x0], $0xffff  }
0x34e: {  	v7 =	vor.u32 v25, v4;
	v4 =	vshll.u32 v4, $0x7;
	v30 =	vor.u32 v62, v17;
	v39 =	vld.idx.msk [tilespmem:v29+s11+$0x0], $0xffff  }
0x34f: {  	v6 =	vor.u32 v42, v14;
	v13 =	vor.u32 v56, v7;
	v26 =	vshll.u32 v18, $0x7;
	v18 =	vld.idx.msk [tilespmem:v35+s11+$0x0], $0xffff  }
0x350: {  	v32 =	vor.u32 v58, v2;
	v21 =	vor.u32 v57, v26;
	v19 =	vld.idx.msk [tilespmem:v37+s11+$0x0], $0xffff;
	[tilespmem:v22+s13+$0x0] =	vst.idx.msk $0xffff, v36  }
0x351: {  	v8 =	vor.u32 v57, v4;
	v17 =	vor.u32 v62, v16;
	v16 =	vor.u32 v42, v1;
	v29 =	vld.idx.msk [tilespmem:v20+s11+$0x0], $0xffff  }
0x352: {  	v5 =	vshll.u32 v50, $0x7;
	v10 =	vshll.u32 v34, $0x7;
	v28 =	vor.u32 v63, v12;
	v20 =	vld.idx.msk [tilespmem:v52+s11+$0x0], $0xffff;
	[tilespmem:v40+s13+$0x0] =	vst.idx.msk $0xffff, v38  }
0x353: {  	v23 =	vor.u32 v58, v27;
	v31 =	vor.u32 v57, v10;
	[tilespmem:v30+s13+$0x0] =	vst.idx.msk $0xffff, v39;
	v30 =	vld.idx.msk [tilespmem:v53+s11+$0x0], $0xffff  }
0x354: {  	s23 =	simm.s32 $0x8;
	v12 =	vor.u32 v61, v7;
	v22 =	vor.u32 v57, v5;
	[tilespmem:v55+s13+$0x0] =	vst.idx.msk $0xffff, v41;
	v1 =	vld.idx.msk [tilespmem:v54+s11+$0x0], $0xffff  }
.LBB2_24:
0x355: {  	v33 =	vor.u32 v60, v14;
	[tilespmem:v21+s13+$0x0] =	vst.idx.msk $0xffff, v18;
	v21 =	vor.u32 v60, v4  }
0x356: {  	p0 =	slt.u32 s23, $0xC;
	v13 =	vld.idx.msk [tilespmem:v13+s11+$0x0], $0xffff;
	v34 =	vmovc v7;
	v35 =	vmovc v4;
	v36 =	vmov v27;
	v37 =	vmov v11;
	v38 =	vmov v26;
	s24 =	smov.u32 s23;
	s23 =	sadd.s32 $0x4, s23  }
0x357: {  	v4 =	vor.u32 v58, v37;
	v18 =	vor.u32 v61, v37;
	[tilespmem:v17+s13+$0x0] =	vst.idx.msk $0xffff, v29;
	v11 =	vld.idx.msk [tilespmem:v28+s11+$0x0], $0xffff  }
0x358: {  	v17 =	vor.u32 v61, v2;
	v14 =	vor.u32 v58, v34;
	[tilespmem:v31+s13+$0x0] =	vst.idx.msk $0xffff, v19;
	v15 =	vld.idx.msk [tilespmem:v15+s11+$0x0], $0xffff  }
0x359: {  	v19 =	vor.u32 v61, v36;
	v28 =	vld.idx.msk [tilespmem:v32+s11+$0x0], $0xffff;
	[tilespmem:v22+s13+$0x0] =	vst.idx.msk $0xffff, v20;
	v20 =	vor.u32 v60, v5  }
0x35a: {  	s25 =	sadd.s32 $0x1, s24;
	s26 =	sadd.s32 $0x2, s24;
	v29 =	vor.u32 v60, v38;
	v22 =	vadd.s32 s24, v0;
	s24 =	sadd.s32 $0x3, s24;
	v23 =	vld.idx.msk [tilespmem:v23+s11+$0x0], $0xffff;
	[tilespmem:v16+s13+$0x0] =	vst.idx.msk $0xffff, v30;
	v16 =	vmov v5  }
0x35b: {  	v7 =	vadd.s32 s26, v0;
	v5 =	vadd.s32 s25, v0;
	v26 =	vadd.s32 s24, v0;
	[tilespmem:v24+s13+$0x0] =	vst.idx.msk $0xffff, v1;
	v24 =	vmovc v6  }
0x35c: {  	v1 =	vand.u32 $0xF, v5;
	v5 =	vand.u32 $0xF, v7;
	v6 =	vand.u32 $0xF, v26;
	[tilespmem:v8+s13+$0x0] =	vst.idx.msk $0xffff, v13;
	v30 =	vld.idx.msk [tilespmem:v4+s11+$0x0], $0xffff  }
0x35d: {  	v31 =	vor.u32 v25, v1;
	v7 =	vor.u32 v25, v5;
	v4 =	vshll.u32 v5, $0x7;
	[tilespmem:v9+s13+$0x0] =	vst.idx.msk $0xffff, v11  }
0x35e: {  	v32 =	vand.u32 $0xF, v22;
	v9 =	vor.u32 v56, v31;
	v13 =	vor.u32 v56, v7;
	v39 =	vld.idx.msk [tilespmem:v14+s11+$0x0], $0xffff  }
0x35f: {  	v27 =	vor.u32 v25, v32;
	v11 =	vor.u32 v25, v6;
	v14 =	vshll.u32 v22, $0x7;
	[tilespmem:v3+s13+$0x0] =	vst.idx.msk $0xffff, v15  }
0x360: {  	v26 =	vshll.u32 v1, $0x7;
	v5 =	vshll.u32 v6, $0x7;
	v15 =	vor.u32 v56, v27;
	[tilespmem:v29+s13+$0x0] =	vst.idx.msk $0xffff, v28  }
0x361: {  	v8 =	vor.u32 v57, v4;
	v1 =	vor.u32 v56, v11;
	[tilespmem:v33+s13+$0x0] =	vst.idx.msk $0xffff, v23;
	v22 =	vld.idx.msk [tilespmem:v17+s11+$0x0], $0xffff  }
0x362: {  	v6 =	vor.u32 v42, v14;
	v33 =	vor.u32 v62, v38;
	v23 =	vld.idx.msk [tilespmem:v19+s11+$0x0], $0xffff;
	[tilespmem:v20+s13+$0x0] =	vst.idx.msk $0xffff, v30  }
0x363: {  	v40 =	vor.u32 v63, v2;
	v3 =	vor.u32 v42, v35;
	v30 =	vor.u32 v62, v10;
	v41 =	vld.idx.msk [tilespmem:v18+s11+$0x0], $0xffff  }
0x364: {  	v36 =	vor.u32 v63, v36;
	v18 =	vld.idx.msk [tilespmem:v9+s11+$0x0], $0xffff;
	[tilespmem:v21+s13+$0x0] =	vst.idx.msk $0xffff, v39;
	v39 =	vor.u32 v62, v16  }
.Ltmp11:
0x365: {  	v17 =	vor.u32 v62, v35;
	v21 =	vor.u32 v57, v26;
	v9 =	vor.u32 v42, v16;
	v29 =	vld.idx.msk [tilespmem:v12+s11+$0x0], $0xffff;
	(pc) =	sbr.rel @p0 .LBB2_24-.Ltmp11, $4  }
0x366: {  	v2 =	vmovc v31;
	v28 =	vor.u32 v63, v37;
	v10 =	vshll.u32 v32, $0x7;
	v19 =	vld.idx.msk [tilespmem:v15+s11+$0x0], $0xffff;
	v15 =	vor.u32 v63, v34  }
0x367: {  	v31 =	vor.u32 v57, v10;
	v16 =	vor.u32 v42, v38;
	v20 =	vld.idx.msk [tilespmem:v1+s11+$0x0], $0xffff;
	[tilespmem:v33+s13+$0x0] =	vst.idx.msk $0xffff, v22  }
0x368: {  	v32 =	vor.u32 v58, v2;
	v22 =	vor.u32 v57, v5;
	[tilespmem:v30+s13+$0x0] =	vst.idx.msk $0xffff, v23;
	v30 =	vld.idx.msk [tilespmem:v40+s11+$0x0], $0xffff  }
0x369: {  	v12 =	vor.u32 v61, v7;
	v23 =	vor.u32 v58, v27;
	v1 =	vld.idx.msk [tilespmem:v36+s11+$0x0], $0xffff;
	[tilespmem:v39+s13+$0x0] =	vst.idx.msk $0xffff, v41  }
0x36a: {  	_ =	sdelay $0x3  }
0x36b: {  	v13 =	vld.idx.msk [tilespmem:v13+s11+$0x0], $0xffff;
	v25 =	vor.u32 v58, v11  }
0x36c: {  	v33 =	vor.u32 v58, v7  }
0x36d: {  	[tilespmem:v21+s13+$0x0] =	vst.idx.msk $0xffff, v18  }
0x36e: {  	[tilespmem:v31+s13+$0x0] =	vst.idx.msk $0xffff, v19;
	v18 =	vld.idx.msk [tilespmem:v32+s11+$0x0], $0xffff;
	v19 =	vor.u32 v60, v26  }
0x36f: {  	v14 =	vor.u32 v60, v14;
	v21 =	vor.u32 v61, v2;
	[tilespmem:v22+s13+$0x0] =	vst.idx.msk $0xffff, v20;
	v20 =	vld.idx.msk [tilespmem:v23+s11+$0x0], $0xffff  }
0x370: {  	v22 =	vor.u32 v61, v27;
	v23 =	vor.u32 v60, v5;
	[tilespmem:v8+s13+$0x0] =	vst.idx.msk $0xffff, v13;
	v8 =	vld.idx.msk [tilespmem:v25+s11+$0x0], $0xffff  }
0x371: {  	v13 =	vor.u32 v60, v4;
	v25 =	vor.u32 v61, v11;
	v31 =	vld.idx.msk [tilespmem:v33+s11+$0x0], $0xffff  }
0x372: {  	[tilespmem:v17+s13+$0x0] =	vst.idx.msk $0xffff, v29  }
0x373: {  	[tilespmem:v19+s13+$0x0] =	vst.idx.msk $0xffff, v18  }
0x374: {  	v17 =	vor.u32 v62, v26;
	[tilespmem:v14+s13+$0x0] =	vst.idx.msk $0xffff, v20;
	v14 =	vld.idx.msk [tilespmem:v21+s11+$0x0], $0xffff  }
0x375: {  	v2 =	vor.u32 v63, v2;
	v18 =	vld.idx.msk [tilespmem:v22+s11+$0x0], $0xffff;
	[tilespmem:v23+s13+$0x0] =	vst.idx.msk $0xffff, v8;
	v8 =	vor.u32 v62, v10  }
0x376: {  	v19 =	vor.u32 v63, v27;
	v10 =	vld.idx.msk [tilespmem:v25+s11+$0x0], $0xffff;
	[tilespmem:v13+s13+$0x0] =	vst.idx.msk $0xffff, v31;
	v13 =	vor.u32 v62, v5  }
0x377: {  	[tilespmem:v16+s13+$0x0] =	vst.idx.msk $0xffff, v30;
	v16 =	vor.u32 v62, v4;
	v11 =	vor.u32 v63, v11;
	v12 =	vld.idx.msk [tilespmem:v12+s11+$0x0], $0xffff  }
0x378: {  	[tilespmem:v24+s13+$0x0] =	vst.idx.msk $0xffff, v1;
	v1 =	vor.u32 v63, v7;
	v7 =	vld.idx.msk [tilespmem:v15+s11+$0x0], $0xffff  }
0x379: {  	v20 =	vld.idx.msk [tilespmem:v28+s11+$0x0], $0xffff;
	[tilespmem:v17+s13+$0x0] =	vst.idx.msk $0xffff, v14  }
0x37a: {  	v14 =	vor.u32 v42, v26;
	v2 =	vld.idx.msk [tilespmem:v2+s11+$0x0], $0xffff;
	[tilespmem:v8+s13+$0x0] =	vst.idx.msk $0xffff, v18  }
0x37b: {  	v8 =	vld.idx.msk [tilespmem:v19+s11+$0x0], $0xffff;
	[tilespmem:v13+s13+$0x0] =	vst.idx.msk $0xffff, v10  }
0x37c: {  	v5 =	vor.u32 v42, v5;
	[tilespmem:v16+s13+$0x0] =	vst.idx.msk $0xffff, v12;
	v10 =	vld.idx.msk [tilespmem:v11+s11+$0x0], $0xffff  }
0x37d: {  	v4 =	vor.u32 v42, v4;
	[tilespmem:v3+s13+$0x0] =	vst.idx.msk $0xffff, v7;
	v1 =	vld.idx.msk [tilespmem:v1+s11+$0x0], $0xffff  }
0x37e: {  	[tilespmem:v9+s13+$0x0] =	vst.idx.msk $0xffff, v20  }
0x37f: {  	[tilespmem:v14+s13+$0x0] =	vst.idx.msk $0xffff, v2  }
0x380: {  	[tilespmem:v6+s13+$0x0] =	vst.idx.msk $0xffff, v8  }
0x381: {  	[tilespmem:v5+s13+$0x0] =	vst.idx.msk $0xffff, v10  }
0x382: {  	[tilespmem:v4+s13+$0x0] =	vst.idx.msk $0xffff, v1  }
0x383: {  	v1 =	vld [tilespmem:s22+$0x20];
	_ =	sdelay $0x3  }
0x384: {  	s23 =	simm.s32 $0x1;
	s24 =	simm.s32 $0x2  }
0x385: {  	s28 =	simm.s32 $0x3;
	v7 =	vadd.s32 s24, v0;
	v2 =	vadd.s32 s23, v0;
	v1 =	vshll.u32 v1, $0x6  }
0x386: {  	s26 =	simm.s32 $0x0;
	v6 =	vadd.s32 s28, v0;
	v25 =	vand.u32 $0x40, v1;
	v1 =	vand.u32 $0xF, v2  }
0x387: {  	v6 =	vand.u32 $0xF, v6;
	v2 =	vadd.s32 s26, v0;
	v3 =	vor.u32 v25, v1  }
0x388: {  	v5 =	vand.u32 $0xF, v2;
	v12 =	vor.u32 v25, v6;
	v4 =	vor.u32 v43, v3  }
0x389: {  	v7 =	vand.u32 $0xF, v7;
	v9 =	vor.u32 v25, v5;
	v10 =	vor.u32 v43, v12  }
0x38a: {  	v16 =	vshll.u32 v7, $0x7;
	v8 =	vor.u32 v43, v9  }
0x38b: {  	v22 =	vor.u32 v46, v16;
	v19 =	vshll.u32 v6, $0x7;
	v42 =	vld [tilespmem:$0x1FFF0]  }
0x38c: {  	v14 =	vor.u32 v44, v19;
	v30 =	vor.u32 v46, v19;
	v1 =	vshll.u32 v1, $0x7  }
0x38d: {  	v63 =	vor.u32 v48, v19;
	v15 =	vor.u32 v25, v7;
	v11 =	vor.u32 v44, v1;
	v4 =	vld.idx.msk [tilespmem:v4+s11+$0x0], $0xffff  }
0x38e: {  	v2 =	vshll.u32 v2, $0x7;
	v7 =	vor.u32 v43, v15;
	v17 =	vshll.u32 v5, $0x7;
	v10 =	vld.idx.msk [tilespmem:v10+s11+$0x0], $0xffff  }
0x38f: {  	v5 =	vor.u32 v44, v16;
	v13 =	vor.u32 v45, v3;
	v6 =	vld.idx.msk [tilespmem:v8+s11+$0x0], $0xffff;
	v8 =	vor.u32 v44, v17  }
0x390: {  	v24 =	vor.u32 v42, v2;
	v21 =	vor.u32 v46, v2;
	v2 =	vor.u32 v45, v12  }
0x391: {  	v20 =	vor.u32 v47, v15;
	v23 =	vor.u32 v47, v12;
	v18 =	vor.u32 v45, v9  }
0x392: {  	v28 =	vor.u32 v47, v3;
	v26 =	vor.u32 v45, v15;
	[tilespmem:v11+s13+$0x0] =	vst.idx.msk $0xffff, v4  }
0x393: {  	v40 =	vor.u32 v48, v1;
	v61 =	vor.u32 v49, v3;
	v11 =	vld.idx.msk [tilespmem:v7+s11+$0x0], $0xffff;
	[tilespmem:v14+s13+$0x0] =	vst.idx.msk $0xffff, v10  }
0x394: {  	s30 =	simm.s32 $0x5;
	v3 =	vor.u32 v42, v16;
	[tilespmem:v8+s13+$0x0] =	vst.idx.msk $0xffff, v6;
	v8 =	vor.u32 v46, v1;
	v31 =	vld.idx.msk [tilespmem:v13+s11+$0x0], $0xffff  }
0x395: {  	s29 =	simm.s32 $0x4;
	v15 =	vor.u32 v49, v15;
	v29 =	vor.u32 v47, v9;
	v4 =	vadd.s32 s30, v0;
	v58 =	vld.idx.msk [tilespmem:v2+s11+$0x0], $0xffff  }
0x396: {  	v62 =	vor.u32 v49, v9;
	v6 =	vadd.s32 s29, v0;
	v10 =	vld.idx.msk [tilespmem:v18+s11+$0x0], $0xffff;
	v18 =	vand.u32 $0xF, v4  }
0x397: {  	s25 =	simm.s32 $0x7;
	v9 =	vor.u32 v42, v19;
	v34 =	vand.u32 $0xF, v6;
	v2 =	vor.u32 v25, v18  }
0x398: {  	v13 =	vadd.s32 s25, v0;
	v27 =	vor.u32 v25, v34;
	v35 =	vor.u32 v43, v2;
	[tilespmem:v5+s13+$0x0] =	vst.idx.msk $0xffff, v11  }
0x399: {  	s31 =	simm.s32 $0x6;
	v57 =	vand.u32 $0xF, v13;
	v37 =	vor.u32 v43, v27;
	v36 =	vld.idx.msk [tilespmem:v26+s11+$0x0], $0xffff;
	[tilespmem:v8+s13+$0x0] =	vst.idx.msk $0xffff, v31  }
0x39a: {  	v7 =	vadd.s32 s31, v0;
	v11 =	vor.u32 v25, v57;
	[tilespmem:v30+s13+$0x0] =	vst.idx.msk $0xffff, v58;
	v38 =	vld.idx.msk [tilespmem:v28+s11+$0x0], $0xffff  }
0x39b: {  	v4 =	vand.u32 $0xF, v7;
	v14 =	vshll.u32 v6, $0x7;
	v60 =	vor.u32 v43, v11;
	[tilespmem:v21+s13+$0x0] =	vst.idx.msk $0xffff, v10;
	v41 =	vld.idx.msk [tilespmem:v23+s11+$0x0], $0xffff  }
0x39c: {  	v7 =	vor.u32 v25, v4;
	v4 =	vshll.u32 v4, $0x7;
	v30 =	vor.u32 v48, v17;
	v39 =	vld.idx.msk [tilespmem:v29+s11+$0x0], $0xffff  }
0x39d: {  	v6 =	vor.u32 v42, v14;
	v13 =	vor.u32 v43, v7;
	v26 =	vshll.u32 v18, $0x7;
	v18 =	vld.idx.msk [tilespmem:v35+s11+$0x0], $0xffff  }
0x39e: {  	v32 =	vor.u32 v45, v2;
	v21 =	vor.u32 v44, v26;
	v19 =	vld.idx.msk [tilespmem:v37+s11+$0x0], $0xffff;
	[tilespmem:v22+s13+$0x0] =	vst.idx.msk $0xffff, v36  }
0x39f: {  	v8 =	vor.u32 v44, v4;
	v17 =	vor.u32 v48, v16;
	v16 =	vor.u32 v42, v1;
	v29 =	vld.idx.msk [tilespmem:v20+s11+$0x0], $0xffff  }
0x3a0: {  	v5 =	vshll.u32 v57, $0x7;
	v10 =	vshll.u32 v34, $0x7;
	v28 =	vor.u32 v49, v12;
	v20 =	vld.idx.msk [tilespmem:v60+s11+$0x0], $0xffff;
	[tilespmem:v40+s13+$0x0] =	vst.idx.msk $0xffff, v38  }
0x3a1: {  	v23 =	vor.u32 v45, v27;
	v31 =	vor.u32 v44, v10;
	[tilespmem:v30+s13+$0x0] =	vst.idx.msk $0xffff, v39;
	v30 =	vld.idx.msk [tilespmem:v61+s11+$0x0], $0xffff  }
0x3a2: {  	s23 =	simm.s32 $0x8;
	v12 =	vor.u32 v47, v7;
	v22 =	vor.u32 v44, v5;
	[tilespmem:v63+s13+$0x0] =	vst.idx.msk $0xffff, v41;
	v1 =	vld.idx.msk [tilespmem:v62+s11+$0x0], $0xffff  }
.LBB2_26:
0x3a3: {  	v33 =	vor.u32 v46, v14;
	[tilespmem:v21+s13+$0x0] =	vst.idx.msk $0xffff, v18;
	v21 =	vor.u32 v46, v4  }
0x3a4: {  	p0 =	slt.u32 s23, $0xC;
	v13 =	vld.idx.msk [tilespmem:v13+s11+$0x0], $0xffff;
	v34 =	vmovc v7;
	v35 =	vmovc v4;
	v36 =	vmov v27;
	v37 =	vmov v11;
	v38 =	vmov v26;
	s24 =	smov.u32 s23;
	s23 =	sadd.s32 $0x4, s23  }
0x3a5: {  	v4 =	vor.u32 v45, v37;
	v18 =	vor.u32 v47, v37;
	[tilespmem:v17+s13+$0x0] =	vst.idx.msk $0xffff, v29;
	v11 =	vld.idx.msk [tilespmem:v28+s11+$0x0], $0xffff  }
0x3a6: {  	v17 =	vor.u32 v47, v2;
	v14 =	vor.u32 v45, v34;
	[tilespmem:v31+s13+$0x0] =	vst.idx.msk $0xffff, v19;
	v15 =	vld.idx.msk [tilespmem:v15+s11+$0x0], $0xffff  }
0x3a7: {  	v19 =	vor.u32 v47, v36;
	v28 =	vld.idx.msk [tilespmem:v32+s11+$0x0], $0xffff;
	[tilespmem:v22+s13+$0x0] =	vst.idx.msk $0xffff, v20;
	v20 =	vor.u32 v46, v5  }
0x3a8: {  	s25 =	sadd.s32 $0x1, s24;
	s26 =	sadd.s32 $0x2, s24;
	v29 =	vor.u32 v46, v38;
	v22 =	vadd.s32 s24, v0;
	s24 =	sadd.s32 $0x3, s24;
	v23 =	vld.idx.msk [tilespmem:v23+s11+$0x0], $0xffff;
	[tilespmem:v16+s13+$0x0] =	vst.idx.msk $0xffff, v30;
	v16 =	vmov v5  }
0x3a9: {  	v7 =	vadd.s32 s26, v0;
	v5 =	vadd.s32 s25, v0;
	v26 =	vadd.s32 s24, v0;
	[tilespmem:v24+s13+$0x0] =	vst.idx.msk $0xffff, v1;
	v24 =	vmovc v6  }
0x3aa: {  	v1 =	vand.u32 $0xF, v5;
	v5 =	vand.u32 $0xF, v7;
	v6 =	vand.u32 $0xF, v26;
	[tilespmem:v8+s13+$0x0] =	vst.idx.msk $0xffff, v13;
	v30 =	vld.idx.msk [tilespmem:v4+s11+$0x0], $0xffff  }
0x3ab: {  	v31 =	vor.u32 v25, v1;
	v7 =	vor.u32 v25, v5;
	v4 =	vshll.u32 v5, $0x7;
	[tilespmem:v9+s13+$0x0] =	vst.idx.msk $0xffff, v11  }
0x3ac: {  	v32 =	vand.u32 $0xF, v22;
	v9 =	vor.u32 v43, v31;
	v13 =	vor.u32 v43, v7;
	v39 =	vld.idx.msk [tilespmem:v14+s11+$0x0], $0xffff  }
0x3ad: {  	v27 =	vor.u32 v25, v32;
	v11 =	vor.u32 v25, v6;
	v14 =	vshll.u32 v22, $0x7;
	[tilespmem:v3+s13+$0x0] =	vst.idx.msk $0xffff, v15  }
0x3ae: {  	v26 =	vshll.u32 v1, $0x7;
	v5 =	vshll.u32 v6, $0x7;
	v15 =	vor.u32 v43, v27;
	[tilespmem:v29+s13+$0x0] =	vst.idx.msk $0xffff, v28  }
0x3af: {  	v8 =	vor.u32 v44, v4;
	v1 =	vor.u32 v43, v11;
	[tilespmem:v33+s13+$0x0] =	vst.idx.msk $0xffff, v23;
	v22 =	vld.idx.msk [tilespmem:v17+s11+$0x0], $0xffff  }
0x3b0: {  	v6 =	vor.u32 v42, v14;
	v33 =	vor.u32 v48, v38;
	v23 =	vld.idx.msk [tilespmem:v19+s11+$0x0], $0xffff;
	[tilespmem:v20+s13+$0x0] =	vst.idx.msk $0xffff, v30  }
0x3b1: {  	v40 =	vor.u32 v49, v2;
	v3 =	vor.u32 v42, v35;
	v30 =	vor.u32 v48, v10;
	v41 =	vld.idx.msk [tilespmem:v18+s11+$0x0], $0xffff  }
0x3b2: {  	v36 =	vor.u32 v49, v36;
	v18 =	vld.idx.msk [tilespmem:v9+s11+$0x0], $0xffff;
	[tilespmem:v21+s13+$0x0] =	vst.idx.msk $0xffff, v39;
	v39 =	vor.u32 v48, v16  }
.Ltmp12:
0x3b3: {  	v17 =	vor.u32 v48, v35;
	v21 =	vor.u32 v44, v26;
	v9 =	vor.u32 v42, v16;
	v29 =	vld.idx.msk [tilespmem:v12+s11+$0x0], $0xffff;
	(pc) =	sbr.rel @p0 .LBB2_26-.Ltmp12, $4  }
0x3b4: {  	v2 =	vmovc v31;
	v28 =	vor.u32 v49, v37;
	v10 =	vshll.u32 v32, $0x7;
	v19 =	vld.idx.msk [tilespmem:v15+s11+$0x0], $0xffff;
	v15 =	vor.u32 v49, v34  }
0x3b5: {  	v31 =	vor.u32 v44, v10;
	v16 =	vor.u32 v42, v38;
	v20 =	vld.idx.msk [tilespmem:v1+s11+$0x0], $0xffff;
	[tilespmem:v33+s13+$0x0] =	vst.idx.msk $0xffff, v22  }
0x3b6: {  	v32 =	vor.u32 v45, v2;
	v22 =	vor.u32 v44, v5;
	[tilespmem:v30+s13+$0x0] =	vst.idx.msk $0xffff, v23;
	v30 =	vld.idx.msk [tilespmem:v40+s11+$0x0], $0xffff  }
0x3b7: {  	v12 =	vor.u32 v47, v7;
	v23 =	vor.u32 v45, v27;
	v1 =	vld.idx.msk [tilespmem:v36+s11+$0x0], $0xffff;
	[tilespmem:v39+s13+$0x0] =	vst.idx.msk $0xffff, v41  }
0x3b8: {  	_ =	sdelay $0x3  }
0x3b9: {  	v13 =	vld.idx.msk [tilespmem:v13+s11+$0x0], $0xffff;
	v25 =	vor.u32 v45, v11  }
0x3ba: {  	v33 =	vor.u32 v45, v7  }
0x3bb: {  	[tilespmem:v21+s13+$0x0] =	vst.idx.msk $0xffff, v18  }
0x3bc: {  	[tilespmem:v31+s13+$0x0] =	vst.idx.msk $0xffff, v19;
	v18 =	vld.idx.msk [tilespmem:v32+s11+$0x0], $0xffff;
	v19 =	vor.u32 v46, v26  }
0x3bd: {  	v14 =	vor.u32 v46, v14;
	v21 =	vor.u32 v47, v2;
	[tilespmem:v22+s13+$0x0] =	vst.idx.msk $0xffff, v20;
	v20 =	vld.idx.msk [tilespmem:v23+s11+$0x0], $0xffff  }
0x3be: {  	v22 =	vor.u32 v47, v27;
	v23 =	vor.u32 v46, v5;
	[tilespmem:v8+s13+$0x0] =	vst.idx.msk $0xffff, v13;
	v8 =	vld.idx.msk [tilespmem:v25+s11+$0x0], $0xffff  }
0x3bf: {  	v13 =	vor.u32 v46, v4;
	v25 =	vor.u32 v47, v11;
	v31 =	vld.idx.msk [tilespmem:v33+s11+$0x0], $0xffff  }
0x3c0: {  	[tilespmem:v17+s13+$0x0] =	vst.idx.msk $0xffff, v29  }
0x3c1: {  	[tilespmem:v19+s13+$0x0] =	vst.idx.msk $0xffff, v18  }
0x3c2: {  	v17 =	vor.u32 v48, v26;
	[tilespmem:v14+s13+$0x0] =	vst.idx.msk $0xffff, v20;
	v14 =	vld.idx.msk [tilespmem:v21+s11+$0x0], $0xffff  }
0x3c3: {  	v2 =	vor.u32 v49, v2;
	v18 =	vld.idx.msk [tilespmem:v22+s11+$0x0], $0xffff;
	[tilespmem:v23+s13+$0x0] =	vst.idx.msk $0xffff, v8;
	v8 =	vor.u32 v48, v10  }
0x3c4: {  	v19 =	vor.u32 v49, v27;
	v10 =	vld.idx.msk [tilespmem:v25+s11+$0x0], $0xffff;
	[tilespmem:v13+s13+$0x0] =	vst.idx.msk $0xffff, v31;
	v13 =	vor.u32 v48, v5  }
0x3c5: {  	[tilespmem:v16+s13+$0x0] =	vst.idx.msk $0xffff, v30;
	v16 =	vor.u32 v48, v4;
	v11 =	vor.u32 v49, v11;
	v12 =	vld.idx.msk [tilespmem:v12+s11+$0x0], $0xffff  }
0x3c6: {  	[tilespmem:v24+s13+$0x0] =	vst.idx.msk $0xffff, v1;
	v1 =	vor.u32 v49, v7;
	v7 =	vld.idx.msk [tilespmem:v15+s11+$0x0], $0xffff  }
0x3c7: {  	v20 =	vld.idx.msk [tilespmem:v28+s11+$0x0], $0xffff;
	[tilespmem:v17+s13+$0x0] =	vst.idx.msk $0xffff, v14  }
0x3c8: {  	v14 =	vor.u32 v42, v26;
	v2 =	vld.idx.msk [tilespmem:v2+s11+$0x0], $0xffff;
	[tilespmem:v8+s13+$0x0] =	vst.idx.msk $0xffff, v18  }
0x3c9: {  	v8 =	vld.idx.msk [tilespmem:v19+s11+$0x0], $0xffff;
	[tilespmem:v13+s13+$0x0] =	vst.idx.msk $0xffff, v10  }
0x3ca: {  	v5 =	vor.u32 v42, v5;
	[tilespmem:v16+s13+$0x0] =	vst.idx.msk $0xffff, v12;
	v10 =	vld.idx.msk [tilespmem:v11+s11+$0x0], $0xffff  }
0x3cb: {  	v4 =	vor.u32 v42, v4;
	[tilespmem:v3+s13+$0x0] =	vst.idx.msk $0xffff, v7;
	v1 =	vld.idx.msk [tilespmem:v1+s11+$0x0], $0xffff  }
0x3cc: {  	[tilespmem:v9+s13+$0x0] =	vst.idx.msk $0xffff, v20  }
0x3cd: {  	[tilespmem:v14+s13+$0x0] =	vst.idx.msk $0xffff, v2  }
0x3ce: {  	[tilespmem:v6+s13+$0x0] =	vst.idx.msk $0xffff, v8  }
0x3cf: {  	[tilespmem:v5+s13+$0x0] =	vst.idx.msk $0xffff, v10  }
0x3d0: {  	[tilespmem:v4+s13+$0x0] =	vst.idx.msk $0xffff, v1  }
0x3d1: {  	v1 =	vld [tilespmem:s22+$0x30];
	_ =	sdelay $0x3  }
0x3d2: {  	s23 =	simm.s32 $0x2;
	v45 =	vor.u32 $0x1800, v59;
	v35 =	vor.u32 $0x1830, v0  }
0x3d3: {  	s24 =	simm.s32 $0x1;
	v39 =	vor.u32 $0x1030, v0;
	v2 =	vadd.s32 s23, v0;
	v1 =	vshll.u32 v1, $0x6  }
0x3d4: {  	v2 =	vand.u32 $0xF, v2;
	v24 =	vand.u32 $0x40, v1;
	v1 =	vadd.s32 s24, v0  }
0x3d5: {  	v46 =	vor.u32 $0x1810, v59;
	v1 =	vand.u32 $0xF, v1;
	v5 =	vor.u32 v24, v2  }
0x3d6: {  	s26 =	simm.s32 $0x0;
	s28 =	simm.s32 $0x3;
	v47 =	vor.u32 $0x30, v0;
	v6 =	vor.u32 v24, v1;
	v4 =	vor.u32 v45, v5  }
0x3d7: {  	v3 =	vadd.s32 s26, v0;
	v7 =	vadd.s32 s28, v0;
	v9 =	vor.u32 v45, v6  }
0x3d8: {  	v49 =	vor.u32 $0x1820, v59;
	v7 =	vand.u32 $0xF, v7;
	v8 =	vand.u32 $0xF, v3  }
0x3d9: {  	v25 =	vshll.u32 v3, $0x7;
	v14 =	vshll.u32 v8, $0x7;
	v11 =	vor.u32 v24, v8  }
0x3da: {  	v10 =	vor.u32 v24, v7;
	v2 =	vshll.u32 v2, $0x7;
	v12 =	vor.u32 v45, v11  }
0x3db: {  	v13 =	vor.u32 v45, v10;
	v1 =	vshll.u32 v1, $0x7;
	v8 =	vor.u32 v47, v2;
	v4 =	vld.idx.msk [tilespmem:v4+s11+$0x0], $0xffff  }
0x3dc: {  	v32 =	vshll.u32 v7, $0x7;
	v48 =	vor.u32 $0x830, v0;
	v15 =	vor.u32 v47, v1;
	v9 =	vld.idx.msk [tilespmem:v9+s11+$0x0], $0xffff  }
0x3dd: {  	v23 =	vor.u32 v48, v32;
	v16 =	vor.u32 v47, v32;
	v3 =	vor.u32 v46, v5  }
0x3de: {  	v38 =	vor.u32 v39, v14;
	v7 =	vor.u32 v47, v14;
	v26 =	vor.u32 v35, v2  }
0x3df: {  	v21 =	vor.u32 v39, v2;
	v18 =	vor.u32 v49, v10;
	v17 =	vor.u32 v46, v6;
	v12 =	vld.idx.msk [tilespmem:v12+s11+$0x0], $0xffff  }
0x3e0: {  	v2 =	vor.u32 v48, v2;
	v13 =	vld.idx.msk [tilespmem:v13+s11+$0x0], $0xffff;
	[tilespmem:v8+s13+$0x0] =	vst.idx.msk $0xffff, v4;
	v4 =	vor.u32 v46, v11  }
0x3e1: {  	v37 =	vor.u32 $0x1830, v59;
	v22 =	vor.u32 v49, v5;
	[tilespmem:v15+s13+$0x0] =	vst.idx.msk $0xffff, v9;
	v9 =	vor.u32 v46, v10  }
0x3e2: {  	v14 =	vor.u32 v37, v10;
	v30 =	vor.u32 v35, v1;
	v19 =	vor.u32 v39, v1;
	v3 =	vld.idx.msk [tilespmem:v3+s11+$0x0], $0xffff  }
0x3e3: {  	s30 =	simm.s32 $0x5;
	v20 =	vor.u32 v49, v6;
	v1 =	vor.u32 v48, v1;
	v40 =	vor.u32 v37, v6  }
0x3e4: {  	s31 =	simm.s32 $0x6;
	s25 =	simm.s32 $0x7;
	v8 =	vor.u32 v48, v25;
	[tilespmem:v7+s13+$0x0] =	vst.idx.msk $0xffff, v12;
	v7 =	vadd.s32 s30, v0;
	v12 =	vld.idx.msk [tilespmem:v17+s11+$0x0], $0xffff  }
0x3e5: {  	s29 =	simm.s32 $0x4;
	[tilespmem:v16+s13+$0x0] =	vst.idx.msk $0xffff, v13;
	v16 =	vadd.s32 s25, v0;
	v15 =	vor.u32 v49, v11;
	v13 =	vld.idx.msk [tilespmem:v4+s11+$0x0], $0xffff;
	v4 =	vadd.s32 s31, v0  }
0x3e6: {  	v27 =	vand.u32 $0xF, v7;
	v17 =	vadd.s32 s29, v0;
	v28 =	vld.idx.msk [tilespmem:v9+s11+$0x0], $0xffff;
	v4 =	vand.u32 $0xF, v4  }
0x3e7: {  	v29 =	vand.u32 $0xF, v16;
	v31 =	vand.u32 $0xF, v17;
	[tilespmem:v2+s13+$0x0] =	vst.idx.msk $0xffff, v3;
	v33 =	vor.u32 v24, v4  }
0x3e8: {  	v7 =	vshll.u32 v4, $0x7;
	v22 =	vld.idx.msk [tilespmem:v22+s11+$0x0], $0xffff;
	v4 =	vor.u32 v24, v31;
	v34 =	vor.u32 v45, v33  }
0x3e9: {  	v10 =	vshll.u32 v29, $0x7;
	v3 =	vor.u32 v24, v27;
	[tilespmem:v1+s13+$0x0] =	vst.idx.msk $0xffff, v12;
	v1 =	vor.u32 v45, v4  }
0x3ea: {  	v2 =	vor.u32 v24, v29;
	v12 =	vor.u32 v45, v3;
	v36 =	vld.idx.msk [tilespmem:v20+s11+$0x0], $0xffff;
	[tilespmem:v8+s13+$0x0] =	vst.idx.msk $0xffff, v13  }
0x3eb: {  	v9 =	vshll.u32 v27, $0x7;
	v16 =	vor.u32 v45, v2;
	v8 =	vshll.u32 v31, $0x7;
	v31 =	vld.idx.msk [tilespmem:v15+s11+$0x0], $0xffff;
	[tilespmem:v23+s13+$0x0] =	vst.idx.msk $0xffff, v28  }
0x3ec: {  	v6 =	vor.u32 v35, v9;
	v20 =	vor.u32 v47, v9;
	v13 =	vshll.u32 v17, $0x7;
	v17 =	vld.idx.msk [tilespmem:v18+s11+$0x0], $0xffff  }
0x3ed: {  	v18 =	vor.u32 v37, v5;
	[tilespmem:v21+s13+$0x0] =	vst.idx.msk $0xffff, v22;
	v21 =	vor.u32 v39, v32;
	v23 =	vld.idx.msk [tilespmem:v34+s11+$0x0], $0xffff  }
0x3ee: {  	v15 =	vor.u32 v46, v33;
	v28 =	vor.u32 v47, v7;
	v27 =	vld.idx.msk [tilespmem:v1+s11+$0x0], $0xffff;
	v1 =	vor.u32 v37, v11  }
0x3ef: {  	v29 =	vor.u32 v47, v8;
	v22 =	vor.u32 v47, v10;
	v34 =	vld.idx.msk [tilespmem:v12+s11+$0x0], $0xffff;
	[tilespmem:v19+s13+$0x0] =	vst.idx.msk $0xffff, v36  }
0x3f0: {  	s23 =	simm.s32 $0x8;
	v5 =	vmov v35;
	v11 =	vor.u32 v35, v7;
	v12 =	vmov v35;
	v19 =	vld.idx.msk [tilespmem:v40+s11+$0x0], $0xffff;
	[tilespmem:v38+s13+$0x0] =	vst.idx.msk $0xffff, v31  }
.LBB2_28:
0x3f1: {  	p0 =	slt.u32 s23, $0xC;
	v16 =	vld.idx.msk [tilespmem:v16+s11+$0x0], $0xffff;
	v31 =	vor.u32 v12, v25;
	v25 =	vmov v13;
	s24 =	smov.u32 s23;
	s23 =	sadd.s32 $0x4, s23  }
0x3f2: {  	v13 =	vld.idx.msk [tilespmem:v18+s11+$0x0], $0xffff;
	[tilespmem:v21+s13+$0x0] =	vst.idx.msk $0xffff, v17;
	v17 =	vor.u32 v12, v32  }
0x3f3: {  	v36 =	vor.u32 v39, v9;
	v12 =	vor.u32 v46, v3;
	[tilespmem:v28+s13+$0x0] =	vst.idx.msk $0xffff, v23;
	v1 =	vld.idx.msk [tilespmem:v1+s11+$0x0], $0xffff  }
0x3f4: {  	v18 =	vor.u32 v46, v4;
	v21 =	vor.u32 v39, v7;
	[tilespmem:v29+s13+$0x0] =	vst.idx.msk $0xffff, v27;
	v14 =	vld.idx.msk [tilespmem:v14+s11+$0x0], $0xffff  }
0x3f5: {  	v23 =	vor.u32 v48, v25;
	[tilespmem:v20+s13+$0x0] =	vst.idx.msk $0xffff, v34;
	v20 =	vor.u32 v46, v2  }
0x3f6: {  	v28 =	vor.u32 v49, v2;
	v27 =	vor.u32 v49, v4;
	v15 =	vld.idx.msk [tilespmem:v15+s11+$0x0], $0xffff;
	[tilespmem:v30+s13+$0x0] =	vst.idx.msk $0xffff, v19  }
0x3f7: {  	v29 =	vor.u32 v48, v7;
	v19 =	vor.u32 v49, v3;
	[tilespmem:v22+s13+$0x0] =	vst.idx.msk $0xffff, v16  }
0x3f8: {  	v34 =	vor.u32 v48, v9;
	v9 =	vor.u32 v49, v33;
	v22 =	vld.idx.msk [tilespmem:v12+s11+$0x0], $0xffff;
	[tilespmem:v26+s13+$0x0] =	vst.idx.msk $0xffff, v13  }
0x3f9: {  	v38 =	vor.u32 v48, v10;
	s25 =	sadd.s32 $0x1, s24;
	s26 =	sadd.s32 $0x2, s24;
	v13 =	vadd.s32 s24, v0;
	s24 =	sadd.s32 $0x3, s24;
	v18 =	vld.idx.msk [tilespmem:v18+s11+$0x0], $0xffff;
	[tilespmem:v31+s13+$0x0] =	vst.idx.msk $0xffff, v1  }
0x3fa: {  	v7 =	vadd.s32 s26, v0;
	v12 =	vmovc v5;
	v5 =	vmovc v35;
	v1 =	vadd.s32 s25, v0;
	v16 =	vadd.s32 s24, v0;
	v20 =	vld.idx.msk [tilespmem:v20+s11+$0x0], $0xffff  }
0x3fb: {  	v32 =	vmovc v10;
	v7 =	vand.u32 $0xF, v7;
	v30 =	vmovc v6;
	v1 =	vand.u32 $0xF, v1;
	v31 =	vand.u32 $0xF, v16;
	[tilespmem:v17+s13+$0x0] =	vst.idx.msk $0xffff, v14  }
0x3fc: {  	v10 =	vor.u32 v24, v7;
	v7 =	vshll.u32 v7, $0x7;
	v26 =	vmovc v11;
	v6 =	vand.u32 $0xF, v13;
	[tilespmem:v29+s13+$0x0] =	vst.idx.msk $0xffff, v15  }
0x3fd: {  	v11 =	vor.u32 v24, v1;
	v40 =	vor.u32 v24, v31;
	v29 =	vor.u32 v45, v10;
	v41 =	vld.idx.msk [tilespmem:v9+s11+$0x0], $0xffff  }
0x3fe: {  	v42 =	vor.u32 v24, v6;
	v16 =	vor.u32 v45, v40;
	v9 =	vshll.u32 v1, $0x7;
	[tilespmem:v34+s13+$0x0] =	vst.idx.msk $0xffff, v22  }
0x3ff: {  	v1 =	vor.u32 v45, v42;
	v22 =	vor.u32 v45, v11;
	[tilespmem:v23+s13+$0x0] =	vst.idx.msk $0xffff, v18;
	v19 =	vld.idx.msk [tilespmem:v19+s11+$0x0], $0xffff  }
0x400: {  	v13 =	vshll.u32 v13, $0x7;
	v43 =	vshll.u32 v6, $0x7;
	v15 =	vor.u32 v46, v10;
	v44 =	vld.idx.msk [tilespmem:v27+s11+$0x0], $0xffff;
	[tilespmem:v38+s13+$0x0] =	vst.idx.msk $0xffff, v20  }
0x401: {  	v8 =	vor.u32 v39, v8;
	v6 =	vor.u32 v5, v9;
	v38 =	vor.u32 v37, v3;
	v17 =	vld.idx.msk [tilespmem:v28+s11+$0x0], $0xffff  }
.Ltmp13:
0x402: {  	v14 =	vor.u32 v37, v2;
	v18 =	vor.u32 v37, v33;
	v33 =	vmovc v10;
	v3 =	vmov v11;
	(pc) =	sbr.rel @p0 .LBB2_28-.Ltmp13, $4  }
0x403: {  	v20 =	vor.u32 v47, v9;
	v23 =	vld.idx.msk [tilespmem:v29+s11+$0x0], $0xffff;
	[tilespmem:v21+s13+$0x0] =	vst.idx.msk $0xffff, v41;
	v21 =	vor.u32 v39, v32  }
0x404: {  	v2 =	vmovc v40;
	v10 =	vshll.u32 v31, $0x7;
	v28 =	vor.u32 v47, v7;
	v27 =	vld.idx.msk [tilespmem:v1+s11+$0x0], $0xffff;
	v1 =	vor.u32 v37, v4  }
0x405: {  	v29 =	vor.u32 v47, v43;
	v34 =	vld.idx.msk [tilespmem:v22+s11+$0x0], $0xffff;
	v22 =	vor.u32 v47, v10;
	[tilespmem:v36+s13+$0x0] =	vst.idx.msk $0xffff, v19  }
0x406: {  	v11 =	vor.u32 v5, v7;
	v4 =	vmov v42;
	[tilespmem:v8+s13+$0x0] =	vst.idx.msk $0xffff, v44;
	v19 =	vld.idx.msk [tilespmem:v38+s11+$0x0], $0xffff;
	v8 =	vmov v43  }
0x407: {  	_ = 	snop  }
0x408: {  	[tilespmem:$0x1FE10] =	vst v47  }
0x409: {  	[tilespmem:$0x1FE20] =	vst v45  }
0x40a: {  	[tilespmem:$0x1FE30] =	vst v35;
	v24 =	vor.u32 v46, v3  }
0x40b: {  	v16 =	vld.idx.msk [tilespmem:v16+s11+$0x0], $0xffff  }
0x40c: {  	v31 =	vor.u32 v46, v4;
	[tilespmem:$0x1FE40] =	vst v46  }
0x40d: {  	[tilespmem:v28+s13+$0x0] =	vst.idx.msk $0xffff, v23  }
0x40e: {  	v36 =	vor.u32 v46, v2;
	[tilespmem:v20+s13+$0x0] =	vst.idx.msk $0xffff, v34  }
0x40f: {  	v23 =	vor.u32 v48, v9;
	[tilespmem:v29+s13+$0x0] =	vst.idx.msk $0xffff, v27;
	v20 =	vld.idx.msk [tilespmem:v24+s11+$0x0], $0xffff  }
0x410: {  	v27 =	vor.u32 v48, v7;
	v15 =	vld.idx.msk [tilespmem:v15+s11+$0x0], $0xffff;
	[tilespmem:v22+s13+$0x0] =	vst.idx.msk $0xffff, v16  }
0x411: {  	v24 =	vor.u32 v49, v3;
	v22 =	vld.idx.msk [tilespmem:v31+s11+$0x0], $0xffff;
	[tilespmem:$0x1FE50] =	vst v48  }
0x412: {  	v28 =	vor.u32 v48, v13;
	v16 =	vor.u32 v49, v33;
	[tilespmem:v21+s13+$0x0] =	vst.idx.msk $0xffff, v17  }
0x413: {  	v29 =	vor.u32 v49, v4;
	v31 =	vor.u32 v48, v10;
	v60 =	vld.idx.msk [tilespmem:v36+s11+$0x0], $0xffff;
	[tilespmem:$0x1FE60] =	vst v49  }
0x414: {  	v17 =	vor.u32 v49, v2;
	[tilespmem:v23+s13+$0x0] =	vst.idx.msk $0xffff, v20  }
0x415: {  	v18 =	vld.idx.msk [tilespmem:v18+s11+$0x0], $0xffff;
	[tilespmem:v27+s13+$0x0] =	vst.idx.msk $0xffff, v15  }
0x416: {  	[tilespmem:v30+s13+$0x0] =	vst.idx.msk $0xffff, v19;
	v15 =	vld.idx.msk [tilespmem:v24+s11+$0x0], $0xffff  }
0x417: {  	v9 =	vor.u32 v39, v9;
	v16 =	vld.idx.msk [tilespmem:v16+s11+$0x0], $0xffff;
	[tilespmem:v28+s13+$0x0] =	vst.idx.msk $0xffff, v22  }
0x418: {  	v7 =	vor.u32 v39, v7;
	v3 =	vor.u32 v37, v3;
	v20 =	vld.idx.msk [tilespmem:v29+s11+$0x0], $0xffff;
	[tilespmem:v31+s13+$0x0] =	vst.idx.msk $0xffff, v60  }
0x419: {  	v8 =	vor.u32 v39, v8;
	v21 =	vor.u32 v37, v33;
	v17 =	vld.idx.msk [tilespmem:v17+s11+$0x0], $0xffff;
	[tilespmem:$0x1FE70] =	vst v39  }
0x41a: {  	v4 =	vor.u32 v37, v4;
	v19 =	vor.u32 v39, v10;
	[tilespmem:v26+s13+$0x0] =	vst.idx.msk $0xffff, v18  }
0x41b: {  	v2 =	vor.u32 v37, v2;
	v22 =	vor.u32 v12, v25;
	v1 =	vld.idx.msk [tilespmem:v1+s11+$0x0], $0xffff;
	[tilespmem:$0x1FE80] =	vst v37  }
0x41c: {  	v12 =	vor.u32 v12, v32;
	v14 =	vld.idx.msk [tilespmem:v14+s11+$0x0], $0xffff;
	[tilespmem:v9+s13+$0x0] =	vst.idx.msk $0xffff, v15  }
0x41d: {  	[tilespmem:v7+s13+$0x0] =	vst.idx.msk $0xffff, v16;
	v3 =	vld.idx.msk [tilespmem:v3+s11+$0x0], $0xffff  }
0x41e: {  	[tilespmem:v8+s13+$0x0] =	vst.idx.msk $0xffff, v20;
	v7 =	vld.idx.msk [tilespmem:v21+s11+$0x0], $0xffff  }
0x41f: {  	v8 =	vor.u32 v5, v13;
	v4 =	vld.idx.msk [tilespmem:v4+s11+$0x0], $0xffff;
	[tilespmem:v19+s13+$0x0] =	vst.idx.msk $0xffff, v17  }
0x420: {  	[tilespmem:v22+s13+$0x0] =	vst.idx.msk $0xffff, v1;
	v1 =	vor.u32 v5, v10;
	v2 =	vld.idx.msk [tilespmem:v2+s11+$0x0], $0xffff  }
0x421: {  	[tilespmem:v12+s13+$0x0] =	vst.idx.msk $0xffff, v14  }
0x422: {  	[tilespmem:v6+s13+$0x0] =	vst.idx.msk $0xffff, v3  }
0x423: {  	[tilespmem:v11+s13+$0x0] =	vst.idx.msk $0xffff, v7  }
0x424: {  	[tilespmem:v8+s13+$0x0] =	vst.idx.msk $0xffff, v4  }
0x425: {  	[tilespmem:v1+s13+$0x0] =	vst.idx.msk $0xffff, v2  }
0x426: {  	v1 =	vld [tilespmem:s22+$0x40];
	_ =	sdelay $0x3  }
0x427: {  	s23 =	simm.s32 $0x2;
	v38 =	vor.u32 $0x2010, v59;
	v43 =	vor.u32 $0x40, v0  }
0x428: {  	s24 =	simm.s32 $0x1;
	v35 =	vor.u32 $0x1040, v0;
	v2 =	vadd.s32 s23, v0;
	v1 =	vshll.u32 v1, $0x6  }
0x429: {  	v2 =	vand.u32 $0xF, v2;
	v24 =	vand.u32 $0x40, v1;
	v1 =	vadd.s32 s24, v0  }
0x42a: {  	v37 =	vor.u32 $0x2000, v59;
	v1 =	vand.u32 $0xF, v1;
	v5 =	vor.u32 v24, v2  }
0x42b: {  	s26 =	simm.s32 $0x0;
	v44 =	vor.u32 $0x840, v0;
	v6 =	vor.u32 v24, v1;
	v4 =	vor.u32 v37, v5  }
0x42c: {  	s28 =	simm.s32 $0x3;
	v46 =	vor.u32 $0x2020, v59;
	v3 =	vadd.s32 s26, v0;
	v9 =	vor.u32 v37, v6  }
0x42d: {  	v33 =	vor.u32 $0x1840, v0;
	v7 =	vadd.s32 s28, v0;
	v8 =	vand.u32 $0xF, v3  }
0x42e: {  	v7 =	vand.u32 $0xF, v7;
	v14 =	vshll.u32 v8, $0x7;
	v11 =	vor.u32 v24, v8  }
0x42f: {  	v10 =	vor.u32 v24, v7;
	v2 =	vshll.u32 v2, $0x7;
	v12 =	vor.u32 v37, v11  }
0x430: {  	v13 =	vor.u32 v37, v10;
	v1 =	vshll.u32 v1, $0x7;
	v8 =	vor.u32 v43, v2;
	v4 =	vld.idx.msk [tilespmem:v4+s11+$0x0], $0xffff  }
0x431: {  	v26 =	vshll.u32 v3, $0x7;
	v36 =	vshll.u32 v7, $0x7;
	v15 =	vor.u32 v43, v1;
	v9 =	vld.idx.msk [tilespmem:v9+s11+$0x0], $0xffff  }
0x432: {  	v16 =	vor.u32 v43, v36;
	v23 =	vor.u32 v44, v36;
	v3 =	vor.u32 v38, v5  }
0x433: {  	v62 =	vor.u32 v35, v14;
	v7 =	vor.u32 v43, v14;
	v25 =	vor.u32 v33, v2  }
0x434: {  	v21 =	vor.u32 v35, v2;
	v18 =	vor.u32 v46, v10;
	v17 =	vor.u32 v38, v6;
	v12 =	vld.idx.msk [tilespmem:v12+s11+$0x0], $0xffff  }
0x435: {  	v2 =	vor.u32 v44, v2;
	v13 =	vld.idx.msk [tilespmem:v13+s11+$0x0], $0xffff;
	[tilespmem:v8+s13+$0x0] =	vst.idx.msk $0xffff, v4;
	v4 =	vor.u32 v38, v11  }
0x436: {  	v34 =	vor.u32 $0x2030, v59;
	v22 =	vor.u32 v46, v5;
	[tilespmem:v15+s13+$0x0] =	vst.idx.msk $0xffff, v9;
	v9 =	vor.u32 v38, v10  }
0x437: {  	v14 =	vor.u32 v34, v10;
	v30 =	vor.u32 v33, v1;
	v19 =	vor.u32 v35, v1;
	v3 =	vld.idx.msk [tilespmem:v3+s11+$0x0], $0xffff  }
0x438: {  	s30 =	simm.s32 $0x5;
	v20 =	vor.u32 v46, v6;
	v1 =	vor.u32 v44, v1;
	v63 =	vor.u32 v34, v6  }
0x439: {  	s31 =	simm.s32 $0x6;
	s25 =	simm.s32 $0x7;
	v8 =	vor.u32 v44, v26;
	[tilespmem:v7+s13+$0x0] =	vst.idx.msk $0xffff, v12;
	v7 =	vadd.s32 s30, v0;
	v12 =	vld.idx.msk [tilespmem:v17+s11+$0x0], $0xffff  }
0x43a: {  	s29 =	simm.s32 $0x4;
	[tilespmem:v16+s13+$0x0] =	vst.idx.msk $0xffff, v13;
	v16 =	vadd.s32 s25, v0;
	v15 =	vor.u32 v46, v11;
	v13 =	vld.idx.msk [tilespmem:v4+s11+$0x0], $0xffff;
	v4 =	vadd.s32 s31, v0  }
0x43b: {  	v27 =	vand.u32 $0xF, v7;
	v17 =	vadd.s32 s29, v0;
	v28 =	vld.idx.msk [tilespmem:v9+s11+$0x0], $0xffff;
	v4 =	vand.u32 $0xF, v4  }
0x43c: {  	v29 =	vand.u32 $0xF, v16;
	v31 =	vand.u32 $0xF, v17;
	[tilespmem:v2+s13+$0x0] =	vst.idx.msk $0xffff, v3;
	v40 =	vor.u32 v24, v4  }
0x43d: {  	v7 =	vshll.u32 v4, $0x7;
	v22 =	vld.idx.msk [tilespmem:v22+s11+$0x0], $0xffff;
	v4 =	vor.u32 v24, v31;
	v61 =	vor.u32 v37, v40  }
0x43e: {  	v10 =	vshll.u32 v29, $0x7;
	v3 =	vor.u32 v24, v27;
	[tilespmem:v1+s13+$0x0] =	vst.idx.msk $0xffff, v12;
	v1 =	vor.u32 v37, v4  }
0x43f: {  	v2 =	vor.u32 v24, v29;
	v12 =	vor.u32 v37, v3;
	v42 =	vld.idx.msk [tilespmem:v20+s11+$0x0], $0xffff;
	[tilespmem:v8+s13+$0x0] =	vst.idx.msk $0xffff, v13  }
0x440: {  	v9 =	vshll.u32 v27, $0x7;
	v16 =	vor.u32 v37, v2;
	v8 =	vshll.u32 v31, $0x7;
	v31 =	vld.idx.msk [tilespmem:v15+s11+$0x0], $0xffff;
	[tilespmem:v23+s13+$0x0] =	vst.idx.msk $0xffff, v28  }
0x441: {  	v6 =	vor.u32 v33, v9;
	v20 =	vor.u32 v43, v9;
	v13 =	vshll.u32 v17, $0x7;
	v17 =	vld.idx.msk [tilespmem:v18+s11+$0x0], $0xffff  }
0x442: {  	v18 =	vor.u32 v34, v5;
	[tilespmem:v21+s13+$0x0] =	vst.idx.msk $0xffff, v22;
	v21 =	vor.u32 v35, v36;
	v23 =	vld.idx.msk [tilespmem:v61+s11+$0x0], $0xffff  }
0x443: {  	v15 =	vor.u32 v38, v40;
	v28 =	vor.u32 v43, v7;
	v27 =	vld.idx.msk [tilespmem:v1+s11+$0x0], $0xffff;
	v1 =	vor.u32 v34, v11  }
0x444: {  	v29 =	vor.u32 v43, v8;
	v41 =	vld.idx.msk [tilespmem:v12+s11+$0x0], $0xffff;
	v22 =	vor.u32 v43, v10;
	[tilespmem:v19+s13+$0x0] =	vst.idx.msk $0xffff, v42  }
0x445: {  	s23 =	simm.s32 $0x8;
	v12 =	vmov v33;
	v5 =	vmov v33;
	v11 =	vor.u32 v33, v7;
	v19 =	vld.idx.msk [tilespmem:v63+s11+$0x0], $0xffff;
	[tilespmem:v62+s13+$0x0] =	vst.idx.msk $0xffff, v31  }
.LBB2_30:
0x446: {  	p0 =	slt.u32 s23, $0xC;
	v16 =	vld.idx.msk [tilespmem:v16+s11+$0x0], $0xffff;
	v31 =	vor.u32 v12, v26;
	v26 =	vmov v13;
	s24 =	smov.u32 s23;
	s23 =	sadd.s32 $0x4, s23  }
0x447: {  	v13 =	vld.idx.msk [tilespmem:v18+s11+$0x0], $0xffff;
	[tilespmem:v21+s13+$0x0] =	vst.idx.msk $0xffff, v17;
	v17 =	vor.u32 v12, v36  }
0x448: {  	v32 =	vor.u32 v35, v9;
	v12 =	vor.u32 v38, v3;
	[tilespmem:v28+s13+$0x0] =	vst.idx.msk $0xffff, v23;
	v1 =	vld.idx.msk [tilespmem:v1+s11+$0x0], $0xffff  }
0x449: {  	v18 =	vor.u32 v38, v4;
	v21 =	vor.u32 v35, v7;
	[tilespmem:v29+s13+$0x0] =	vst.idx.msk $0xffff, v27;
	v14 =	vld.idx.msk [tilespmem:v14+s11+$0x0], $0xffff  }
0x44a: {  	v23 =	vor.u32 v44, v26;
	[tilespmem:v20+s13+$0x0] =	vst.idx.msk $0xffff, v41;
	v20 =	vor.u32 v38, v2  }
0x44b: {  	v28 =	vor.u32 v46, v2;
	v27 =	vor.u32 v46, v4;
	v15 =	vld.idx.msk [tilespmem:v15+s11+$0x0], $0xffff;
	[tilespmem:v30+s13+$0x0] =	vst.idx.msk $0xffff, v19  }
0x44c: {  	v29 =	vor.u32 v44, v7;
	v19 =	vor.u32 v46, v3;
	[tilespmem:v22+s13+$0x0] =	vst.idx.msk $0xffff, v16  }
0x44d: {  	v41 =	vor.u32 v44, v9;
	v9 =	vor.u32 v46, v40;
	v22 =	vld.idx.msk [tilespmem:v12+s11+$0x0], $0xffff;
	[tilespmem:v25+s13+$0x0] =	vst.idx.msk $0xffff, v13  }
0x44e: {  	v42 =	vor.u32 v44, v10;
	s25 =	sadd.s32 $0x1, s24;
	s26 =	sadd.s32 $0x2, s24;
	v13 =	vadd.s32 s24, v0;
	s24 =	sadd.s32 $0x3, s24;
	v18 =	vld.idx.msk [tilespmem:v18+s11+$0x0], $0xffff;
	[tilespmem:v31+s13+$0x0] =	vst.idx.msk $0xffff, v1  }
0x44f: {  	v7 =	vadd.s32 s26, v0;
	v12 =	vmovc v5;
	v5 =	vmovc v33;
	v1 =	vadd.s32 s25, v0;
	v16 =	vadd.s32 s24, v0;
	v20 =	vld.idx.msk [tilespmem:v20+s11+$0x0], $0xffff  }
0x450: {  	v36 =	vmovc v10;
	v7 =	vand.u32 $0xF, v7;
	v30 =	vmovc v6;
	v1 =	vand.u32 $0xF, v1;
	v31 =	vand.u32 $0xF, v16;
	[tilespmem:v17+s13+$0x0] =	vst.idx.msk $0xffff, v14  }
0x451: {  	v10 =	vor.u32 v24, v7;
	v7 =	vshll.u32 v7, $0x7;
	v25 =	vmovc v11;
	v6 =	vand.u32 $0xF, v13;
	[tilespmem:v29+s13+$0x0] =	vst.idx.msk $0xffff, v15  }
0x452: {  	v11 =	vor.u32 v24, v1;
	v45 =	vor.u32 v24, v31;
	v29 =	vor.u32 v37, v10;
	v47 =	vld.idx.msk [tilespmem:v9+s11+$0x0], $0xffff  }
0x453: {  	v48 =	vor.u32 v24, v6;
	v16 =	vor.u32 v37, v45;
	v9 =	vshll.u32 v1, $0x7;
	[tilespmem:v41+s13+$0x0] =	vst.idx.msk $0xffff, v22  }
0x454: {  	v1 =	vor.u32 v37, v48;
	v22 =	vor.u32 v37, v11;
	[tilespmem:v23+s13+$0x0] =	vst.idx.msk $0xffff, v18;
	v19 =	vld.idx.msk [tilespmem:v19+s11+$0x0], $0xffff  }
0x455: {  	v13 =	vshll.u32 v13, $0x7;
	v49 =	vshll.u32 v6, $0x7;
	v15 =	vor.u32 v38, v10;
	v50 =	vld.idx.msk [tilespmem:v27+s11+$0x0], $0xffff;
	[tilespmem:v42+s13+$0x0] =	vst.idx.msk $0xffff, v20  }
0x456: {  	v8 =	vor.u32 v35, v8;
	v6 =	vor.u32 v5, v9;
	v42 =	vor.u32 v34, v3;
	v17 =	vld.idx.msk [tilespmem:v28+s11+$0x0], $0xffff  }
.Ltmp14:
0x457: {  	v14 =	vor.u32 v34, v2;
	v18 =	vor.u32 v34, v40;
	v40 =	vmovc v10;
	v3 =	vmov v11;
	(pc) =	sbr.rel @p0 .LBB2_30-.Ltmp14, $4  }
0x458: {  	v20 =	vor.u32 v43, v9;
	v23 =	vld.idx.msk [tilespmem:v29+s11+$0x0], $0xffff;
	[tilespmem:v21+s13+$0x0] =	vst.idx.msk $0xffff, v47;
	v21 =	vor.u32 v35, v36  }
0x459: {  	v2 =	vmovc v45;
	v10 =	vshll.u32 v31, $0x7;
	v28 =	vor.u32 v43, v7;
	v27 =	vld.idx.msk [tilespmem:v1+s11+$0x0], $0xffff;
	v1 =	vor.u32 v34, v4  }
0x45a: {  	v29 =	vor.u32 v43, v49;
	v41 =	vld.idx.msk [tilespmem:v22+s11+$0x0], $0xffff;
	v22 =	vor.u32 v43, v10;
	[tilespmem:v32+s13+$0x0] =	vst.idx.msk $0xffff, v19  }
0x45b: {  	v11 =	vor.u32 v5, v7;
	v4 =	vmov v48;
	[tilespmem:v8+s13+$0x0] =	vst.idx.msk $0xffff, v50;
	v19 =	vld.idx.msk [tilespmem:v42+s11+$0x0], $0xffff;
	v8 =	vmov v49  }
0x45c: {  	_ =	sdelay $0x1  }
0x45d: {  	v24 =	vor.u32 v38, v3  }
0x45e: {  	[tilespmem:$0x1FDF0] =	vst v33  }
0x45f: {  	v31 =	vor.u32 v38, v4;
	v16 =	vld.idx.msk [tilespmem:v16+s11+$0x0], $0xffff  }
0x460: {  	v32 =	vor.u32 v38, v2;
	[tilespmem:$0x1FE00] =	vst v38  }
0x461: {  	[tilespmem:v20+s13+$0x0] =	vst.idx.msk $0xffff, v41  }
0x462: {  	[tilespmem:v28+s13+$0x0] =	vst.idx.msk $0xffff, v23;
	v23 =	vor.u32 v44, v9;
	v20 =	vld.idx.msk [tilespmem:v24+s11+$0x0], $0xffff  }
0x463: {  	[tilespmem:v29+s13+$0x0] =	vst.idx.msk $0xffff, v27;
	v27 =	vor.u32 v44, v7;
	v15 =	vld.idx.msk [tilespmem:v15+s11+$0x0], $0xffff;
	v24 =	vor.u32 v46, v3  }
0x464: {  	v28 =	vor.u32 v44, v13;
	[tilespmem:v22+s13+$0x0] =	vst.idx.msk $0xffff, v16;
	v16 =	vor.u32 v46, v40;
	v22 =	vld.idx.msk [tilespmem:v31+s11+$0x0], $0xffff  }
0x465: {  	v29 =	vor.u32 v46, v4;
	v31 =	vor.u32 v44, v10;
	v32 =	vld.idx.msk [tilespmem:v32+s11+$0x0], $0xffff  }
0x466: {  	[tilespmem:v21+s13+$0x0] =	vst.idx.msk $0xffff, v17;
	v17 =	vor.u32 v46, v2  }
0x467: {  	v18 =	vld.idx.msk [tilespmem:v18+s11+$0x0], $0xffff;
	[tilespmem:v23+s13+$0x0] =	vst.idx.msk $0xffff, v20  }
0x468: {  	v9 =	vor.u32 v35, v9;
	[tilespmem:v27+s13+$0x0] =	vst.idx.msk $0xffff, v15;
	v15 =	vld.idx.msk [tilespmem:v24+s11+$0x0], $0xffff  }
0x469: {  	v7 =	vor.u32 v35, v7;
	v3 =	vor.u32 v34, v3;
	v16 =	vld.idx.msk [tilespmem:v16+s11+$0x0], $0xffff;
	[tilespmem:v28+s13+$0x0] =	vst.idx.msk $0xffff, v22  }
0x46a: {  	v8 =	vor.u32 v35, v8;
	v21 =	vor.u32 v34, v40;
	v20 =	vld.idx.msk [tilespmem:v29+s11+$0x0], $0xffff;
	[tilespmem:v31+s13+$0x0] =	vst.idx.msk $0xffff, v32  }
0x46b: {  	v4 =	vor.u32 v34, v4;
	[tilespmem:v30+s13+$0x0] =	vst.idx.msk $0xffff, v19;
	v19 =	vor.u32 v35, v10;
	v17 =	vld.idx.msk [tilespmem:v17+s11+$0x0], $0xffff  }
0x46c: {  	v1 =	vld.idx.msk [tilespmem:v1+s11+$0x0], $0xffff;
	v2 =	vor.u32 v34, v2;
	[tilespmem:v25+s13+$0x0] =	vst.idx.msk $0xffff, v18;
	v22 =	vor.u32 v12, v26  }
0x46d: {  	v14 =	vld.idx.msk [tilespmem:v14+s11+$0x0], $0xffff;
	v12 =	vor.u32 v12, v36;
	[tilespmem:v9+s13+$0x0] =	vst.idx.msk $0xffff, v15  }
0x46e: {  	[tilespmem:v7+s13+$0x0] =	vst.idx.msk $0xffff, v16;
	v3 =	vld.idx.msk [tilespmem:v3+s11+$0x0], $0xffff  }
0x46f: {  	[tilespmem:v8+s13+$0x0] =	vst.idx.msk $0xffff, v20;
	v7 =	vld.idx.msk [tilespmem:v21+s11+$0x0], $0xffff  }
0x470: {  	v8 =	vor.u32 v5, v13;
	[tilespmem:v19+s13+$0x0] =	vst.idx.msk $0xffff, v17;
	v4 =	vld.idx.msk [tilespmem:v4+s11+$0x0], $0xffff  }
0x471: {  	[tilespmem:v22+s13+$0x0] =	vst.idx.msk $0xffff, v1;
	v1 =	vor.u32 v5, v10;
	v2 =	vld.idx.msk [tilespmem:v2+s11+$0x0], $0xffff  }
0x472: {  	[tilespmem:v12+s13+$0x0] =	vst.idx.msk $0xffff, v14  }
0x473: {  	[tilespmem:v6+s13+$0x0] =	vst.idx.msk $0xffff, v3  }
0x474: {  	[tilespmem:v11+s13+$0x0] =	vst.idx.msk $0xffff, v7  }
0x475: {  	[tilespmem:v8+s13+$0x0] =	vst.idx.msk $0xffff, v4  }
0x476: {  	[tilespmem:v1+s13+$0x0] =	vst.idx.msk $0xffff, v2  }
0x477: {  	v1 =	vld [tilespmem:s22+$0x50];
	_ =	sdelay $0x3  }
0x478: {  	s23 =	simm.s32 $0x2;
	v42 =	vor.u32 $0x2800, v59;
	v33 =	vor.u32 $0x1850, v0  }
0x479: {  	s24 =	simm.s32 $0x1;
	v45 =	vor.u32 $0x2810, v59;
	v2 =	vadd.s32 s23, v0;
	v1 =	vshll.u32 v1, $0x6  }
0x47a: {  	v2 =	vand.u32 $0xF, v2;
	v24 =	vand.u32 $0x40, v1;
	v1 =	vadd.s32 s24, v0  }
0x47b: {  	v50 =	vor.u32 $0x50, v0;
	v1 =	vand.u32 $0xF, v1;
	v5 =	vor.u32 v24, v2  }
0x47c: {  	s26 =	simm.s32 $0x0;
	v39 =	vor.u32 $0x1050, v0;
	v6 =	vor.u32 v24, v1;
	v4 =	vor.u32 v42, v5  }
0x47d: {  	s28 =	simm.s32 $0x3;
	v51 =	vor.u32 $0x850, v0;
	v3 =	vadd.s32 s26, v0;
	v9 =	vor.u32 v42, v6  }
0x47e: {  	v53 =	vor.u32 $0x2820, v59;
	v7 =	vadd.s32 s28, v0;
	v8 =	vand.u32 $0xF, v3  }
0x47f: {  	v7 =	vand.u32 $0xF, v7;
	v14 =	vshll.u32 v8, $0x7;
	v11 =	vor.u32 v24, v8  }
0x480: {  	v10 =	vor.u32 v24, v7;
	v2 =	vshll.u32 v2, $0x7;
	v12 =	vor.u32 v42, v11  }
0x481: {  	v13 =	vor.u32 v42, v10;
	v1 =	vshll.u32 v1, $0x7;
	v8 =	vor.u32 v50, v2;
	v4 =	vld.idx.msk [tilespmem:v4+s11+$0x0], $0xffff  }
0x482: {  	v30 =	vshll.u32 v3, $0x7;
	v36 =	vshll.u32 v7, $0x7;
	v15 =	vor.u32 v50, v1;
	v9 =	vld.idx.msk [tilespmem:v9+s11+$0x0], $0xffff  }
0x483: {  	v16 =	vor.u32 v50, v36;
	v23 =	vor.u32 v51, v36;
	v3 =	vor.u32 v45, v5  }
0x484: {  	v52 =	vor.u32 v39, v14;
	v7 =	vor.u32 v50, v14;
	v25 =	vor.u32 v33, v2  }
0x485: {  	v21 =	vor.u32 v39, v2;
	v18 =	vor.u32 v53, v10;
	v17 =	vor.u32 v45, v6;
	v12 =	vld.idx.msk [tilespmem:v12+s11+$0x0], $0xffff  }
0x486: {  	v2 =	vor.u32 v51, v2;
	v13 =	vld.idx.msk [tilespmem:v13+s11+$0x0], $0xffff;
	[tilespmem:v8+s13+$0x0] =	vst.idx.msk $0xffff, v4;
	v4 =	vor.u32 v45, v11  }
0x487: {  	v38 =	vor.u32 $0x2830, v59;
	v22 =	vor.u32 v53, v5;
	[tilespmem:v15+s13+$0x0] =	vst.idx.msk $0xffff, v9;
	v9 =	vor.u32 v45, v10  }
0x488: {  	v14 =	vor.u32 v38, v10;
	v26 =	vor.u32 v33, v1;
	v19 =	vor.u32 v39, v1;
	v3 =	vld.idx.msk [tilespmem:v3+s11+$0x0], $0xffff  }
0x489: {  	s30 =	simm.s32 $0x5;
	v20 =	vor.u32 v53, v6;
	v1 =	vor.u32 v51, v1;
	v54 =	vor.u32 v38, v6  }
0x48a: {  	s31 =	simm.s32 $0x6;
	s25 =	simm.s32 $0x7;
	v8 =	vor.u32 v51, v30;
	[tilespmem:v7+s13+$0x0] =	vst.idx.msk $0xffff, v12;
	v7 =	vadd.s32 s30, v0;
	v12 =	vld.idx.msk [tilespmem:v17+s11+$0x0], $0xffff  }
0x48b: {  	s29 =	simm.s32 $0x4;
	[tilespmem:v16+s13+$0x0] =	vst.idx.msk $0xffff, v13;
	v16 =	vadd.s32 s25, v0;
	v15 =	vor.u32 v53, v11;
	v13 =	vld.idx.msk [tilespmem:v4+s11+$0x0], $0xffff;
	v4 =	vadd.s32 s31, v0  }
0x48c: {  	v27 =	vand.u32 $0xF, v7;
	v17 =	vadd.s32 s29, v0;
	v28 =	vld.idx.msk [tilespmem:v9+s11+$0x0], $0xffff;
	v4 =	vand.u32 $0xF, v4  }
0x48d: {  	v29 =	vand.u32 $0xF, v16;
	v31 =	vand.u32 $0xF, v17;
	[tilespmem:v2+s13+$0x0] =	vst.idx.msk $0xffff, v3;
	v47 =	vor.u32 v24, v4  }
0x48e: {  	v7 =	vshll.u32 v4, $0x7;
	v22 =	vld.idx.msk [tilespmem:v22+s11+$0x0], $0xffff;
	v4 =	vor.u32 v24, v31;
	v63 =	vor.u32 v42, v47  }
0x48f: {  	v10 =	vshll.u32 v29, $0x7;
	v3 =	vor.u32 v24, v27;
	[tilespmem:v1+s13+$0x0] =	vst.idx.msk $0xffff, v12;
	v1 =	vor.u32 v42, v4  }
0x490: {  	v2 =	vor.u32 v24, v29;
	v12 =	vor.u32 v42, v3;
	v49 =	vld.idx.msk [tilespmem:v20+s11+$0x0], $0xffff;
	[tilespmem:v8+s13+$0x0] =	vst.idx.msk $0xffff, v13  }
0x491: {  	v9 =	vshll.u32 v27, $0x7;
	v16 =	vor.u32 v42, v2;
	v8 =	vshll.u32 v31, $0x7;
	v31 =	vld.idx.msk [tilespmem:v15+s11+$0x0], $0xffff;
	[tilespmem:v23+s13+$0x0] =	vst.idx.msk $0xffff, v28  }
0x492: {  	v6 =	vor.u32 v33, v9;
	v20 =	vor.u32 v50, v9;
	v13 =	vshll.u32 v17, $0x7;
	v17 =	vld.idx.msk [tilespmem:v18+s11+$0x0], $0xffff  }
0x493: {  	v18 =	vor.u32 v38, v5;
	[tilespmem:v21+s13+$0x0] =	vst.idx.msk $0xffff, v22;
	v21 =	vor.u32 v39, v36;
	v23 =	vld.idx.msk [tilespmem:v63+s11+$0x0], $0xffff  }
0x494: {  	v15 =	vor.u32 v45, v47;
	v28 =	vor.u32 v50, v7;
	v27 =	vld.idx.msk [tilespmem:v1+s11+$0x0], $0xffff;
	v1 =	vor.u32 v38, v11  }
0x495: {  	v29 =	vor.u32 v50, v8;
	v48 =	vld.idx.msk [tilespmem:v12+s11+$0x0], $0xffff;
	v22 =	vor.u32 v50, v10;
	[tilespmem:v19+s13+$0x0] =	vst.idx.msk $0xffff, v49  }
0x496: {  	s23 =	simm.s32 $0x8;
	v12 =	vmov v33;
	v5 =	vmov v33;
	v11 =	vor.u32 v33, v7;
	v19 =	vld.idx.msk [tilespmem:v54+s11+$0x0], $0xffff;
	[tilespmem:v52+s13+$0x0] =	vst.idx.msk $0xffff, v31  }
.LBB2_32:
0x497: {  	p0 =	slt.u32 s23, $0xC;
	v16 =	vld.idx.msk [tilespmem:v16+s11+$0x0], $0xffff;
	v31 =	vor.u32 v12, v30;
	v30 =	vmov v13;
	s24 =	smov.u32 s23;
	s23 =	sadd.s32 $0x4, s23  }
0x498: {  	v13 =	vld.idx.msk [tilespmem:v18+s11+$0x0], $0xffff;
	[tilespmem:v21+s13+$0x0] =	vst.idx.msk $0xffff, v17;
	v17 =	vor.u32 v12, v36  }
0x499: {  	v32 =	vor.u32 v39, v9;
	v12 =	vor.u32 v45, v3;
	[tilespmem:v28+s13+$0x0] =	vst.idx.msk $0xffff, v23;
	v1 =	vld.idx.msk [tilespmem:v1+s11+$0x0], $0xffff  }
0x49a: {  	v18 =	vor.u32 v45, v4;
	v21 =	vor.u32 v39, v7;
	[tilespmem:v29+s13+$0x0] =	vst.idx.msk $0xffff, v27;
	v14 =	vld.idx.msk [tilespmem:v14+s11+$0x0], $0xffff  }
0x49b: {  	v23 =	vor.u32 v51, v30;
	[tilespmem:v20+s13+$0x0] =	vst.idx.msk $0xffff, v48;
	v20 =	vor.u32 v45, v2  }
0x49c: {  	v28 =	vor.u32 v53, v2;
	v27 =	vor.u32 v53, v4;
	v15 =	vld.idx.msk [tilespmem:v15+s11+$0x0], $0xffff;
	[tilespmem:v26+s13+$0x0] =	vst.idx.msk $0xffff, v19  }
0x49d: {  	v29 =	vor.u32 v51, v7;
	v19 =	vor.u32 v53, v3;
	[tilespmem:v22+s13+$0x0] =	vst.idx.msk $0xffff, v16  }
0x49e: {  	v48 =	vor.u32 v51, v9;
	v9 =	vor.u32 v53, v47;
	v22 =	vld.idx.msk [tilespmem:v12+s11+$0x0], $0xffff;
	[tilespmem:v25+s13+$0x0] =	vst.idx.msk $0xffff, v13  }
0x49f: {  	v49 =	vor.u32 v51, v10;
	s25 =	sadd.s32 $0x1, s24;
	s26 =	sadd.s32 $0x2, s24;
	v13 =	vadd.s32 s24, v0;
	s24 =	sadd.s32 $0x3, s24;
	v18 =	vld.idx.msk [tilespmem:v18+s11+$0x0], $0xffff;
	[tilespmem:v31+s13+$0x0] =	vst.idx.msk $0xffff, v1  }
0x4a0: {  	v7 =	vadd.s32 s26, v0;
	v12 =	vmovc v5;
	v5 =	vmovc v33;
	v1 =	vadd.s32 s25, v0;
	v16 =	vadd.s32 s24, v0;
	v20 =	vld.idx.msk [tilespmem:v20+s11+$0x0], $0xffff  }
0x4a1: {  	v36 =	vmovc v10;
	v7 =	vand.u32 $0xF, v7;
	v26 =	vmovc v6;
	v1 =	vand.u32 $0xF, v1;
	v31 =	vand.u32 $0xF, v16;
	[tilespmem:v17+s13+$0x0] =	vst.idx.msk $0xffff, v14  }
0x4a2: {  	v10 =	vor.u32 v24, v7;
	v7 =	vshll.u32 v7, $0x7;
	v25 =	vmovc v11;
	v6 =	vand.u32 $0xF, v13;
	[tilespmem:v29+s13+$0x0] =	vst.idx.msk $0xffff, v15  }
0x4a3: {  	v11 =	vor.u32 v24, v1;
	v52 =	vor.u32 v24, v31;
	v29 =	vor.u32 v42, v10;
	v54 =	vld.idx.msk [tilespmem:v9+s11+$0x0], $0xffff  }
0x4a4: {  	v55 =	vor.u32 v24, v6;
	v16 =	vor.u32 v42, v52;
	v9 =	vshll.u32 v1, $0x7;
	[tilespmem:v48+s13+$0x0] =	vst.idx.msk $0xffff, v22  }
0x4a5: {  	v1 =	vor.u32 v42, v55;
	v22 =	vor.u32 v42, v11;
	[tilespmem:v23+s13+$0x0] =	vst.idx.msk $0xffff, v18;
	v19 =	vld.idx.msk [tilespmem:v19+s11+$0x0], $0xffff  }
0x4a6: {  	v13 =	vshll.u32 v13, $0x7;
	v56 =	vshll.u32 v6, $0x7;
	v15 =	vor.u32 v45, v10;
	v57 =	vld.idx.msk [tilespmem:v27+s11+$0x0], $0xffff;
	[tilespmem:v49+s13+$0x0] =	vst.idx.msk $0xffff, v20  }
0x4a7: {  	v8 =	vor.u32 v39, v8;
	v6 =	vor.u32 v5, v9;
	v49 =	vor.u32 v38, v3;
	v17 =	vld.idx.msk [tilespmem:v28+s11+$0x0], $0xffff  }
.Ltmp15:
0x4a8: {  	v14 =	vor.u32 v38, v2;
	v18 =	vor.u32 v38, v47;
	v47 =	vmovc v10;
	v3 =	vmov v11;
	(pc) =	sbr.rel @p0 .LBB2_32-.Ltmp15, $4  }
0x4a9: {  	v20 =	vor.u32 v50, v9;
	v23 =	vld.idx.msk [tilespmem:v29+s11+$0x0], $0xffff;
	[tilespmem:v21+s13+$0x0] =	vst.idx.msk $0xffff, v54;
	v21 =	vor.u32 v39, v36  }
0x4aa: {  	v2 =	vmovc v52;
	v10 =	vshll.u32 v31, $0x7;
	v28 =	vor.u32 v50, v7;
	v27 =	vld.idx.msk [tilespmem:v1+s11+$0x0], $0xffff;
	v1 =	vor.u32 v38, v4  }
0x4ab: {  	v29 =	vor.u32 v50, v56;
	v48 =	vld.idx.msk [tilespmem:v22+s11+$0x0], $0xffff;
	v22 =	vor.u32 v50, v10;
	[tilespmem:v32+s13+$0x0] =	vst.idx.msk $0xffff, v19  }
0x4ac: {  	v11 =	vor.u32 v5, v7;
	v4 =	vmov v55;
	[tilespmem:v8+s13+$0x0] =	vst.idx.msk $0xffff, v57;
	v19 =	vld.idx.msk [tilespmem:v49+s11+$0x0], $0xffff;
	v8 =	vmov v56  }
0x4ad: {  	[tilespmem:$0x1FD90] =	vst v37  }
0x4ae: {  	[tilespmem:$0x1FDA0] =	vst v35  }
0x4af: {  	[tilespmem:$0x1FDB0] =	vst v34;
	v24 =	vor.u32 v45, v3  }
0x4b0: {  	[tilespmem:$0x1FDC0] =	vst v33  }
0x4b1: {  	v31 =	vor.u32 v45, v4;
	v16 =	vld.idx.msk [tilespmem:v16+s11+$0x0], $0xffff  }
0x4b2: {  	v32 =	vor.u32 v45, v2  }
0x4b3: {  	[tilespmem:v20+s13+$0x0] =	vst.idx.msk $0xffff, v48  }
0x4b4: {  	[tilespmem:v28+s13+$0x0] =	vst.idx.msk $0xffff, v23;
	v23 =	vor.u32 v51, v9;
	v20 =	vld.idx.msk [tilespmem:v24+s11+$0x0], $0xffff  }
0x4b5: {  	[tilespmem:v29+s13+$0x0] =	vst.idx.msk $0xffff, v27;
	v15 =	vld.idx.msk [tilespmem:v15+s11+$0x0], $0xffff;
	v27 =	vor.u32 v51, v7;
	v24 =	vor.u32 v53, v3  }
0x4b6: {  	v28 =	vor.u32 v51, v13;
	[tilespmem:v22+s13+$0x0] =	vst.idx.msk $0xffff, v16;
	v16 =	vor.u32 v53, v47;
	v22 =	vld.idx.msk [tilespmem:v31+s11+$0x0], $0xffff  }
0x4b7: {  	[tilespmem:v21+s13+$0x0] =	vst.idx.msk $0xffff, v17;
	v29 =	vor.u32 v53, v4;
	v31 =	vor.u32 v51, v10;
	v32 =	vld.idx.msk [tilespmem:v32+s11+$0x0], $0xffff  }
0x4b8: {  	v17 =	vor.u32 v53, v2;
	[tilespmem:v26+s13+$0x0] =	vst.idx.msk $0xffff, v19  }
0x4b9: {  	v18 =	vld.idx.msk [tilespmem:v18+s11+$0x0], $0xffff;
	[tilespmem:v23+s13+$0x0] =	vst.idx.msk $0xffff, v20  }
0x4ba: {  	[tilespmem:v27+s13+$0x0] =	vst.idx.msk $0xffff, v15;
	v15 =	vld.idx.msk [tilespmem:v24+s11+$0x0], $0xffff  }
0x4bb: {  	v9 =	vor.u32 v39, v9;
	v16 =	vld.idx.msk [tilespmem:v16+s11+$0x0], $0xffff;
	[tilespmem:v28+s13+$0x0] =	vst.idx.msk $0xffff, v22  }
0x4bc: {  	v7 =	vor.u32 v39, v7;
	v3 =	vor.u32 v38, v3;
	v20 =	vld.idx.msk [tilespmem:v29+s11+$0x0], $0xffff;
	[tilespmem:v31+s13+$0x0] =	vst.idx.msk $0xffff, v32  }
0x4bd: {  	v8 =	vor.u32 v39, v8;
	v21 =	vor.u32 v38, v47;
	v17 =	vld.idx.msk [tilespmem:v17+s11+$0x0], $0xffff;
	[tilespmem:$0x1FDD0] =	vst v39  }
0x4be: {  	v4 =	vor.u32 v38, v4;
	v19 =	vor.u32 v39, v10;
	[tilespmem:v25+s13+$0x0] =	vst.idx.msk $0xffff, v18  }
0x4bf: {  	v2 =	vor.u32 v38, v2;
	v22 =	vor.u32 v12, v30;
	v1 =	vld.idx.msk [tilespmem:v1+s11+$0x0], $0xffff;
	[tilespmem:$0x1FDE0] =	vst v38  }
0x4c0: {  	v12 =	vor.u32 v12, v36;
	v14 =	vld.idx.msk [tilespmem:v14+s11+$0x0], $0xffff;
	[tilespmem:v9+s13+$0x0] =	vst.idx.msk $0xffff, v15  }
0x4c1: {  	[tilespmem:v7+s13+$0x0] =	vst.idx.msk $0xffff, v16;
	v3 =	vld.idx.msk [tilespmem:v3+s11+$0x0], $0xffff  }
0x4c2: {  	[tilespmem:v8+s13+$0x0] =	vst.idx.msk $0xffff, v20;
	v7 =	vld.idx.msk [tilespmem:v21+s11+$0x0], $0xffff  }
0x4c3: {  	v8 =	vor.u32 v5, v13;
	[tilespmem:v19+s13+$0x0] =	vst.idx.msk $0xffff, v17;
	v4 =	vld.idx.msk [tilespmem:v4+s11+$0x0], $0xffff  }
0x4c4: {  	[tilespmem:v22+s13+$0x0] =	vst.idx.msk $0xffff, v1;
	v1 =	vor.u32 v5, v10;
	v2 =	vld.idx.msk [tilespmem:v2+s11+$0x0], $0xffff  }
0x4c5: {  	[tilespmem:v12+s13+$0x0] =	vst.idx.msk $0xffff, v14  }
0x4c6: {  	[tilespmem:v6+s13+$0x0] =	vst.idx.msk $0xffff, v3  }
0x4c7: {  	[tilespmem:v11+s13+$0x0] =	vst.idx.msk $0xffff, v7  }
0x4c8: {  	[tilespmem:v8+s13+$0x0] =	vst.idx.msk $0xffff, v4  }
0x4c9: {  	[tilespmem:v1+s13+$0x0] =	vst.idx.msk $0xffff, v2  }
0x4ca: {  	v1 =	vld [tilespmem:s22+$0x60];
	_ =	sdelay $0x3  }
0x4cb: {  	s23 =	simm.s32 $0x2;
	v49 =	vor.u32 $0x3000, v59;
	v34 =	vor.u32 $0x1860, v0  }
0x4cc: {  	s24 =	simm.s32 $0x1;
	v52 =	vor.u32 $0x3010, v59;
	v2 =	vadd.s32 s23, v0;
	v1 =	vshll.u32 v1, $0x6  }
0x4cd: {  	v2 =	vand.u32 $0xF, v2;
	v24 =	vand.u32 $0x40, v1;
	v1 =	vadd.s32 s24, v0  }
0x4ce: {  	v57 =	vor.u32 $0x60, v0;
	v1 =	vand.u32 $0xF, v1;
	v5 =	vor.u32 v24, v2  }
0x4cf: {  	s26 =	simm.s32 $0x0;
	v58 =	vor.u32 $0x860, v0;
	v6 =	vor.u32 v24, v1;
	v4 =	vor.u32 v49, v5  }
0x4d0: {  	s28 =	simm.s32 $0x3;
	v60 =	vor.u32 $0x3020, v59;
	v3 =	vadd.s32 s26, v0;
	v9 =	vor.u32 v49, v6  }
0x4d1: {  	v48 =	vor.u32 $0x1060, v0;
	v7 =	vadd.s32 s28, v0;
	v8 =	vand.u32 $0xF, v3  }
0x4d2: {  	v7 =	vand.u32 $0xF, v7;
	v14 =	vshll.u32 v8, $0x7;
	v11 =	vor.u32 v24, v8  }
0x4d3: {  	v10 =	vor.u32 v24, v7;
	v2 =	vshll.u32 v2, $0x7;
	v12 =	vor.u32 v49, v11  }
0x4d4: {  	v13 =	vor.u32 v49, v10;
	v1 =	vshll.u32 v1, $0x7;
	v8 =	vor.u32 v57, v2;
	v4 =	vld.idx.msk [tilespmem:v4+s11+$0x0], $0xffff  }
0x4d5: {  	v36 =	vshll.u32 v3, $0x7;
	v30 =	vshll.u32 v7, $0x7;
	v15 =	vor.u32 v57, v1;
	v9 =	vld.idx.msk [tilespmem:v9+s11+$0x0], $0xffff  }
0x4d6: {  	v16 =	vor.u32 v57, v30;
	v23 =	vor.u32 v58, v30;
	v3 =	vor.u32 v52, v5  }
0x4d7: {  	v41 =	vor.u32 v48, v14;
	v7 =	vor.u32 v57, v14;
	v25 =	vor.u32 v34, v2  }
0x4d8: {  	v21 =	vor.u32 v48, v2;
	v18 =	vor.u32 v60, v10;
	v17 =	vor.u32 v52, v6;
	v12 =	vld.idx.msk [tilespmem:v12+s11+$0x0], $0xffff  }
0x4d9: {  	v2 =	vor.u32 v58, v2;
	v13 =	vld.idx.msk [tilespmem:v13+s11+$0x0], $0xffff;
	[tilespmem:v8+s13+$0x0] =	vst.idx.msk $0xffff, v4;
	v4 =	vor.u32 v52, v11  }
0x4da: {  	v47 =	vor.u32 $0x3030, v59;
	v22 =	vor.u32 v60, v5;
	[tilespmem:v15+s13+$0x0] =	vst.idx.msk $0xffff, v9;
	v9 =	vor.u32 v52, v10  }
0x4db: {  	v14 =	vor.u32 v47, v10;
	v26 =	vor.u32 v34, v1;
	v19 =	vor.u32 v48, v1;
	v3 =	vld.idx.msk [tilespmem:v3+s11+$0x0], $0xffff  }
0x4dc: {  	s30 =	simm.s32 $0x5;
	v20 =	vor.u32 v60, v6;
	v1 =	vor.u32 v58, v1;
	v61 =	vor.u32 v47, v6  }
0x4dd: {  	s31 =	simm.s32 $0x6;
	s25 =	simm.s32 $0x7;
	v8 =	vor.u32 v58, v36;
	[tilespmem:v7+s13+$0x0] =	vst.idx.msk $0xffff, v12;
	v7 =	vadd.s32 s30, v0;
	v12 =	vld.idx.msk [tilespmem:v17+s11+$0x0], $0xffff  }
0x4de: {  	s29 =	simm.s32 $0x4;
	[tilespmem:v16+s13+$0x0] =	vst.idx.msk $0xffff, v13;
	v16 =	vadd.s32 s25, v0;
	v15 =	vor.u32 v60, v11;
	v13 =	vld.idx.msk [tilespmem:v4+s11+$0x0], $0xffff;
	v4 =	vadd.s32 s31, v0  }
0x4df: {  	v27 =	vand.u32 $0xF, v7;
	v17 =	vadd.s32 s29, v0;
	v28 =	vld.idx.msk [tilespmem:v9+s11+$0x0], $0xffff;
	v4 =	vand.u32 $0xF, v4  }
0x4e0: {  	v29 =	vand.u32 $0xF, v16;
	v31 =	vand.u32 $0xF, v17;
	[tilespmem:v2+s13+$0x0] =	vst.idx.msk $0xffff, v3;
	v54 =	vor.u32 v24, v4  }
0x4e1: {  	v7 =	vshll.u32 v4, $0x7;
	v22 =	vld.idx.msk [tilespmem:v22+s11+$0x0], $0xffff;
	v4 =	vor.u32 v24, v31;
	v40 =	vor.u32 v49, v54  }
0x4e2: {  	v10 =	vshll.u32 v29, $0x7;
	v3 =	vor.u32 v24, v27;
	[tilespmem:v1+s13+$0x0] =	vst.idx.msk $0xffff, v12;
	v1 =	vor.u32 v49, v4  }
0x4e3: {  	v2 =	vor.u32 v24, v29;
	v12 =	vor.u32 v49, v3;
	v56 =	vld.idx.msk [tilespmem:v20+s11+$0x0], $0xffff;
	[tilespmem:v8+s13+$0x0] =	vst.idx.msk $0xffff, v13  }
0x4e4: {  	v9 =	vshll.u32 v27, $0x7;
	v16 =	vor.u32 v49, v2;
	v8 =	vshll.u32 v31, $0x7;
	v31 =	vld.idx.msk [tilespmem:v15+s11+$0x0], $0xffff;
	[tilespmem:v23+s13+$0x0] =	vst.idx.msk $0xffff, v28  }
0x4e5: {  	v6 =	vor.u32 v34, v9;
	v20 =	vor.u32 v57, v9;
	v13 =	vshll.u32 v17, $0x7;
	v17 =	vld.idx.msk [tilespmem:v18+s11+$0x0], $0xffff  }
0x4e6: {  	v18 =	vor.u32 v47, v5;
	[tilespmem:v21+s13+$0x0] =	vst.idx.msk $0xffff, v22;
	v21 =	vor.u32 v48, v30;
	v23 =	vld.idx.msk [tilespmem:v40+s11+$0x0], $0xffff  }
0x4e7: {  	v15 =	vor.u32 v52, v54;
	v28 =	vor.u32 v57, v7;
	v27 =	vld.idx.msk [tilespmem:v1+s11+$0x0], $0xffff;
	v1 =	vor.u32 v47, v11  }
0x4e8: {  	v29 =	vor.u32 v57, v8;
	v55 =	vld.idx.msk [tilespmem:v12+s11+$0x0], $0xffff;
	v22 =	vor.u32 v57, v10;
	[tilespmem:v19+s13+$0x0] =	vst.idx.msk $0xffff, v56  }
0x4e9: {  	s23 =	simm.s32 $0x8;
	v12 =	vmov v34;
	v5 =	vmov v34;
	v11 =	vor.u32 v34, v7;
	v19 =	vld.idx.msk [tilespmem:v61+s11+$0x0], $0xffff;
	[tilespmem:v41+s13+$0x0] =	vst.idx.msk $0xffff, v31  }
.LBB2_34:
0x4ea: {  	p0 =	slt.u32 s23, $0xC;
	v16 =	vld.idx.msk [tilespmem:v16+s11+$0x0], $0xffff;
	v31 =	vor.u32 v12, v36;
	v36 =	vmov v13;
	s24 =	smov.u32 s23;
	s23 =	sadd.s32 $0x4, s23  }
0x4eb: {  	v13 =	vld.idx.msk [tilespmem:v18+s11+$0x0], $0xffff;
	[tilespmem:v21+s13+$0x0] =	vst.idx.msk $0xffff, v17;
	v17 =	vor.u32 v12, v30  }
0x4ec: {  	v32 =	vor.u32 v48, v9;
	v12 =	vor.u32 v52, v3;
	[tilespmem:v28+s13+$0x0] =	vst.idx.msk $0xffff, v23;
	v1 =	vld.idx.msk [tilespmem:v1+s11+$0x0], $0xffff  }
0x4ed: {  	v18 =	vor.u32 v52, v4;
	v21 =	vor.u32 v48, v7;
	[tilespmem:v29+s13+$0x0] =	vst.idx.msk $0xffff, v27;
	v14 =	vld.idx.msk [tilespmem:v14+s11+$0x0], $0xffff  }
0x4ee: {  	v23 =	vor.u32 v58, v36;
	[tilespmem:v20+s13+$0x0] =	vst.idx.msk $0xffff, v55;
	v20 =	vor.u32 v52, v2  }
0x4ef: {  	v28 =	vor.u32 v60, v2;
	v27 =	vor.u32 v60, v4;
	v15 =	vld.idx.msk [tilespmem:v15+s11+$0x0], $0xffff;
	[tilespmem:v26+s13+$0x0] =	vst.idx.msk $0xffff, v19  }
0x4f0: {  	v29 =	vor.u32 v58, v7;
	v19 =	vor.u32 v60, v3;
	[tilespmem:v22+s13+$0x0] =	vst.idx.msk $0xffff, v16  }
0x4f1: {  	v55 =	vor.u32 v58, v9;
	v9 =	vor.u32 v60, v54;
	v22 =	vld.idx.msk [tilespmem:v12+s11+$0x0], $0xffff;
	[tilespmem:v25+s13+$0x0] =	vst.idx.msk $0xffff, v13  }
0x4f2: {  	v56 =	vor.u32 v58, v10;
	s25 =	sadd.s32 $0x1, s24;
	s26 =	sadd.s32 $0x2, s24;
	v13 =	vadd.s32 s24, v0;
	s24 =	sadd.s32 $0x3, s24;
	v18 =	vld.idx.msk [tilespmem:v18+s11+$0x0], $0xffff;
	[tilespmem:v31+s13+$0x0] =	vst.idx.msk $0xffff, v1  }
0x4f3: {  	v7 =	vadd.s32 s26, v0;
	v12 =	vmovc v5;
	v5 =	vmovc v34;
	v1 =	vadd.s32 s25, v0;
	v16 =	vadd.s32 s24, v0;
	v20 =	vld.idx.msk [tilespmem:v20+s11+$0x0], $0xffff  }
0x4f4: {  	v30 =	vmovc v10;
	v7 =	vand.u32 $0xF, v7;
	v26 =	vmovc v6;
	v1 =	vand.u32 $0xF, v1;
	v31 =	vand.u32 $0xF, v16;
	[tilespmem:v17+s13+$0x0] =	vst.idx.msk $0xffff, v14  }
0x4f5: {  	v10 =	vor.u32 v24, v7;
	v7 =	vshll.u32 v7, $0x7;
	v25 =	vmovc v11;
	v6 =	vand.u32 $0xF, v13;
	[tilespmem:v29+s13+$0x0] =	vst.idx.msk $0xffff, v15  }
0x4f6: {  	v11 =	vor.u32 v24, v1;
	v59 =	vor.u32 v24, v31;
	v29 =	vor.u32 v49, v10;
	v61 =	vld.idx.msk [tilespmem:v9+s11+$0x0], $0xffff  }
0x4f7: {  	v62 =	vor.u32 v24, v6;
	v16 =	vor.u32 v49, v59;
	v9 =	vshll.u32 v1, $0x7;
	[tilespmem:v55+s13+$0x0] =	vst.idx.msk $0xffff, v22  }
0x4f8: {  	v1 =	vor.u32 v49, v62;
	v22 =	vor.u32 v49, v11;
	[tilespmem:v23+s13+$0x0] =	vst.idx.msk $0xffff, v18;
	v19 =	vld.idx.msk [tilespmem:v19+s11+$0x0], $0xffff  }
0x4f9: {  	v13 =	vshll.u32 v13, $0x7;
	v63 =	vshll.u32 v6, $0x7;
	v15 =	vor.u32 v52, v10;
	v33 =	vld.idx.msk [tilespmem:v27+s11+$0x0], $0xffff;
	[tilespmem:v56+s13+$0x0] =	vst.idx.msk $0xffff, v20  }
0x4fa: {  	v8 =	vor.u32 v48, v8;
	v6 =	vor.u32 v5, v9;
	v56 =	vor.u32 v47, v3;
	v17 =	vld.idx.msk [tilespmem:v28+s11+$0x0], $0xffff  }
.Ltmp16:
0x4fb: {  	v14 =	vor.u32 v47, v2;
	v18 =	vor.u32 v47, v54;
	v54 =	vmovc v10;
	v3 =	vmov v11;
	(pc) =	sbr.rel @p0 .LBB2_34-.Ltmp16, $4  }
0x4fc: {  	v20 =	vor.u32 v57, v9;
	v23 =	vld.idx.msk [tilespmem:v29+s11+$0x0], $0xffff;
	[tilespmem:v21+s13+$0x0] =	vst.idx.msk $0xffff, v61;
	v21 =	vor.u32 v48, v30  }
0x4fd: {  	v2 =	vmovc v59;
	v10 =	vshll.u32 v31, $0x7;
	v28 =	vor.u32 v57, v7;
	v27 =	vld.idx.msk [tilespmem:v1+s11+$0x0], $0xffff;
	v1 =	vor.u32 v47, v4  }
0x4fe: {  	v29 =	vor.u32 v57, v63;
	v55 =	vld.idx.msk [tilespmem:v22+s11+$0x0], $0xffff;
	v22 =	vor.u32 v57, v10;
	[tilespmem:v32+s13+$0x0] =	vst.idx.msk $0xffff, v19  }
0x4ff: {  	v11 =	vor.u32 v5, v7;
	v4 =	vmov v62;
	[tilespmem:v8+s13+$0x0] =	vst.idx.msk $0xffff, v33;
	v19 =	vld.idx.msk [tilespmem:v56+s11+$0x0], $0xffff;
	v8 =	vmov v63  }
0x500: {  	_ =	sdelay $0x1  }
0x501: {  	v24 =	vor.u32 v52, v3  }
0x502: {  	[tilespmem:$0x1FD80] =	vst v34  }
0x503: {  	v31 =	vor.u32 v52, v4;
	v16 =	vld.idx.msk [tilespmem:v16+s11+$0x0], $0xffff  }
0x504: {  	v32 =	vor.u32 v52, v2  }
0x505: {  	[tilespmem:v20+s13+$0x0] =	vst.idx.msk $0xffff, v55  }
0x506: {  	[tilespmem:v28+s13+$0x0] =	vst.idx.msk $0xffff, v23;
	v23 =	vor.u32 v58, v9;
	v20 =	vld.idx.msk [tilespmem:v24+s11+$0x0], $0xffff  }
0x507: {  	[tilespmem:v29+s13+$0x0] =	vst.idx.msk $0xffff, v27;
	v15 =	vld.idx.msk [tilespmem:v15+s11+$0x0], $0xffff;
	v27 =	vor.u32 v58, v7;
	v24 =	vor.u32 v60, v3  }
0x508: {  	v28 =	vor.u32 v58, v13;
	[tilespmem:v22+s13+$0x0] =	vst.idx.msk $0xffff, v16;
	v16 =	vor.u32 v60, v54;
	v22 =	vld.idx.msk [tilespmem:v31+s11+$0x0], $0xffff  }
0x509: {  	v29 =	vor.u32 v60, v4;
	v31 =	vor.u32 v58, v10;
	v32 =	vld.idx.msk [tilespmem:v32+s11+$0x0], $0xffff  }
0x50a: {  	[tilespmem:v21+s13+$0x0] =	vst.idx.msk $0xffff, v17;
	v17 =	vor.u32 v60, v2  }
0x50b: {  	v18 =	vld.idx.msk [tilespmem:v18+s11+$0x0], $0xffff;
	[tilespmem:v23+s13+$0x0] =	vst.idx.msk $0xffff, v20  }
0x50c: {  	v9 =	vor.u32 v48, v9;
	[tilespmem:v27+s13+$0x0] =	vst.idx.msk $0xffff, v15;
	v15 =	vld.idx.msk [tilespmem:v24+s11+$0x0], $0xffff  }
0x50d: {  	v7 =	vor.u32 v48, v7;
	v3 =	vor.u32 v47, v3;
	v16 =	vld.idx.msk [tilespmem:v16+s11+$0x0], $0xffff;
	[tilespmem:v28+s13+$0x0] =	vst.idx.msk $0xffff, v22  }
0x50e: {  	v8 =	vor.u32 v48, v8;
	v21 =	vor.u32 v47, v54;
	v20 =	vld.idx.msk [tilespmem:v29+s11+$0x0], $0xffff;
	[tilespmem:v31+s13+$0x0] =	vst.idx.msk $0xffff, v32  }
0x50f: {  	v4 =	vor.u32 v47, v4;
	[tilespmem:v26+s13+$0x0] =	vst.idx.msk $0xffff, v19;
	v19 =	vor.u32 v48, v10;
	v17 =	vld.idx.msk [tilespmem:v17+s11+$0x0], $0xffff  }
0x510: {  	v1 =	vld.idx.msk [tilespmem:v1+s11+$0x0], $0xffff;
	v2 =	vor.u32 v47, v2;
	[tilespmem:v25+s13+$0x0] =	vst.idx.msk $0xffff, v18;
	v22 =	vor.u32 v12, v36  }
0x511: {  	v14 =	vld.idx.msk [tilespmem:v14+s11+$0x0], $0xffff;
	v12 =	vor.u32 v12, v30;
	[tilespmem:v9+s13+$0x0] =	vst.idx.msk $0xffff, v15  }
0x512: {  	[tilespmem:v7+s13+$0x0] =	vst.idx.msk $0xffff, v16;
	v3 =	vld.idx.msk [tilespmem:v3+s11+$0x0], $0xffff  }
0x513: {  	[tilespmem:v8+s13+$0x0] =	vst.idx.msk $0xffff, v20;
	v7 =	vld.idx.msk [tilespmem:v21+s11+$0x0], $0xffff  }
0x514: {  	v8 =	vor.u32 v5, v13;
	[tilespmem:v19+s13+$0x0] =	vst.idx.msk $0xffff, v17;
	v4 =	vld.idx.msk [tilespmem:v4+s11+$0x0], $0xffff  }
0x515: {  	[tilespmem:v22+s13+$0x0] =	vst.idx.msk $0xffff, v1;
	v1 =	vor.u32 v5, v10;
	v2 =	vld.idx.msk [tilespmem:v2+s11+$0x0], $0xffff  }
0x516: {  	[tilespmem:v12+s13+$0x0] =	vst.idx.msk $0xffff, v14  }
0x517: {  	[tilespmem:v6+s13+$0x0] =	vst.idx.msk $0xffff, v3  }
0x518: {  	[tilespmem:v11+s13+$0x0] =	vst.idx.msk $0xffff, v7  }
0x519: {  	[tilespmem:v8+s13+$0x0] =	vst.idx.msk $0xffff, v4  }
0x51a: {  	[tilespmem:v1+s13+$0x0] =	vst.idx.msk $0xffff, v2  }
0x51b: {  	v1 =	vld [tilespmem:s22+$0x70];
	_ =	sdelay $0x1  }
0x51c: {  	v6 =	vld [tilespmem:$0x1FFD0];
	_ =	sdelay $0x1  }
0x51d: {  	s25 =	simm.s32 $0x2;
	v41 =	vor.u32 $0x1870, v0;
	v61 =	vor.u32 $0x70, v0  }
0x51e: {  	v62 =	vor.u32 $0x870, v0;
	v2 =	vadd.s32 s25, v0;
	v1 =	vshll.u32 v1, $0x6  }
0x51f: {  	s23 =	simm.s32 $0x1;
	v55 =	vor.u32 $0x1070, v0;
	v2 =	vand.u32 $0xF, v2;
	v25 =	vand.u32 $0x40, v1  }
0x520: {  	s29 =	simm.s32 $0x4;
	v56 =	vor.u32 $0x3800, v6;
	v1 =	vadd.s32 s23, v0;
	v19 =	vor.u32 v25, v2  }
0x521: {  	s26 =	simm.s32 $0x0;
	s28 =	simm.s32 $0x3;
	v27 =	vadd.s32 s29, v0;
	v1 =	vand.u32 $0xF, v1;
	v4 =	vor.u32 v56, v19  }
0x522: {  	v5 =	vadd.s32 s28, v0;
	v3 =	vadd.s32 s26, v0;
	v7 =	vor.u32 v25, v1  }
0x523: {  	v5 =	vand.u32 $0xF, v5;
	v8 =	vand.u32 $0xF, v3;
	v9 =	vor.u32 v56, v7  }
0x524: {  	v29 =	vand.u32 $0xF, v27;
	v36 =	vshll.u32 v5, $0x7;
	v12 =	vor.u32 v25, v8  }
0x525: {  	v11 =	vor.u32 v25, v5;
	v2 =	vshll.u32 v2, $0x7;
	v10 =	vor.u32 v56, v12  }
0x526: {  	v15 =	vshll.u32 v8, $0x7;
	v13 =	vor.u32 v56, v11;
	v8 =	vor.u32 v61, v2;
	v4 =	vld.idx.msk [tilespmem:v4+s11+$0x0], $0xffff  }
0x527: {  	v16 =	vor.u32 v61, v36;
	v59 =	vor.u32 $0x3810, v6;
	v1 =	vshll.u32 v1, $0x7  }
0x528: {  	v24 =	vshll.u32 v3, $0x7;
	v3 =	vor.u32 v59, v19;
	v14 =	vor.u32 v61, v1;
	v9 =	vld.idx.msk [tilespmem:v9+s11+$0x0], $0xffff  }
0x529: {  	v28 =	vor.u32 v62, v36;
	v18 =	vor.u32 v62, v24;
	v17 =	vor.u32 v59, v7  }
0x52a: {  	v54 =	vor.u32 $0x3830, v6;
	v63 =	vor.u32 $0x3820, v6;
	v5 =	vor.u32 v61, v15;
	v10 =	vld.idx.msk [tilespmem:v10+s11+$0x0], $0xffff  }
0x52b: {  	v26 =	vor.u32 v41, v2;
	v13 =	vld.idx.msk [tilespmem:v13+s11+$0x0], $0xffff;
	[tilespmem:v8+s13+$0x0] =	vst.idx.msk $0xffff, v4;
	v4 =	vor.u32 v59, v12  }
0x52c: {  	v22 =	vor.u32 v55, v2;
	v6 =	vor.u32 v63, v12;
	v8 =	vor.u32 v59, v11  }
0x52d: {  	v30 =	vor.u32 v41, v1;
	[tilespmem:v14+s13+$0x0] =	vst.idx.msk $0xffff, v9;
	v3 =	vld.idx.msk [tilespmem:v3+s11+$0x0], $0xffff;
	v9 =	vor.u32 v62, v2  }
0x52e: {  	s24 =	simm.s32 $0x7;
	v39 =	vor.u32 v55, v1;
	v23 =	vor.u32 v62, v1;
	v1 =	vor.u32 v63, v19;
	v17 =	vld.idx.msk [tilespmem:v17+s11+$0x0], $0xffff  }
0x52f: {  	s30 =	simm.s32 $0x5;
	s31 =	simm.s32 $0x6;
	v21 =	vor.u32 v63, v11;
	v19 =	vor.u32 v54, v19;
	[tilespmem:v5+s13+$0x0] =	vst.idx.msk $0xffff, v10;
	v5 =	vadd.s32 s24, v0  }
0x530: {  	[tilespmem:v16+s13+$0x0] =	vst.idx.msk $0xffff, v13;
	v14 =	vor.u32 v63, v7;
	v2 =	vadd.s32 s30, v0;
	v13 =	vld.idx.msk [tilespmem:v4+s11+$0x0], $0xffff;
	v4 =	vadd.s32 s31, v0  }
0x531: {  	v31 =	vand.u32 $0xF, v5;
	v5 =	vor.u32 v25, v29;
	v16 =	vld.idx.msk [tilespmem:v8+s11+$0x0], $0xffff;
	v4 =	vand.u32 $0xF, v4  }
0x532: {  	v10 =	vand.u32 $0xF, v2;
	[tilespmem:v9+s13+$0x0] =	vst.idx.msk $0xffff, v3;
	v3 =	vor.u32 v25, v31;
	v2 =	vor.u32 v25, v4  }
0x533: {  	v9 =	vshll.u32 v29, $0x7;
	v8 =	vshll.u32 v4, $0x7;
	v33 =	vld.idx.msk [tilespmem:v1+s11+$0x0], $0xffff;
	[tilespmem:v23+s13+$0x0] =	vst.idx.msk $0xffff, v17;
	v17 =	vor.u32 v56, v5  }
0x534: {  	v4 =	vor.u32 v25, v10;
	v1 =	vor.u32 v56, v3;
	v40 =	vor.u32 v56, v2  }
0x535: {  	v10 =	vshll.u32 v10, $0x7;
	v23 =	vor.u32 v56, v4;
	v20 =	vld.idx.msk [tilespmem:v14+s11+$0x0], $0xffff;
	v14 =	vshll.u32 v27, $0x7;
	[tilespmem:v18+s13+$0x0] =	vst.idx.msk $0xffff, v13  }
0x536: {  	[tilespmem:v28+s13+$0x0] =	vst.idx.msk $0xffff, v16;
	v13 =	vor.u32 v54, v7;
	v35 =	vld.idx.msk [tilespmem:v6+s11+$0x0], $0xffff;
	v6 =	vor.u32 v55, v15  }
0x537: {  	v29 =	vor.u32 v61, v8;
	v16 =	vor.u32 v59, v2;
	v7 =	vor.u32 v41, v10;
	v18 =	vld.idx.msk [tilespmem:v21+s11+$0x0], $0xffff  }
0x538: {  	v15 =	vor.u32 v54, v11;
	[tilespmem:v22+s13+$0x0] =	vst.idx.msk $0xffff, v33;
	v22 =	vor.u32 v55, v36;
	v28 =	vld.idx.msk [tilespmem:v17+s11+$0x0], $0xffff  }
0x539: {  	v21 =	vor.u32 v61, v10;
	v11 =	vshll.u32 v31, $0x7;
	v17 =	vor.u32 v54, v12;
	v27 =	vld.idx.msk [tilespmem:v40+s11+$0x0], $0xffff  }
0x53a: {  	v31 =	vor.u32 v61, v9;
	v12 =	vor.u32 v41, v8;
	v32 =	vld.idx.msk [tilespmem:v23+s11+$0x0], $0xffff;
	[tilespmem:v39+s13+$0x0] =	vst.idx.msk $0xffff, v20  }
0x53b: {  	s22 =	simm.s32 $0x8;
	v23 =	vor.u32 v61, v11;
	v20 =	vld.idx.msk [tilespmem:v13+s11+$0x0], $0xffff;
	v13 =	vmov v41;
	[tilespmem:v6+s13+$0x0] =	vst.idx.msk $0xffff, v35;
	v6 =	vmov v41  }
.LBB2_36:
0x53c: {  	p0 =	slt.u32 s22, $0xC;
	v1 =	vld.idx.msk [tilespmem:v1+s11+$0x0], $0xffff;
	v33 =	vor.u32 v13, v24;
	v24 =	vmov v14;
	s23 =	smov.u32 s22;
	s22 =	sadd.s32 $0x4, s22  }
0x53d: {  	v14 =	vld.idx.msk [tilespmem:v19+s11+$0x0], $0xffff;
	[tilespmem:v22+s13+$0x0] =	vst.idx.msk $0xffff, v18;
	v18 =	vor.u32 v13, v36  }
0x53e: {  	v34 =	vor.u32 v55, v10;
	v13 =	vor.u32 v59, v4;
	[tilespmem:v29+s13+$0x0] =	vst.idx.msk $0xffff, v27;
	v17 =	vld.idx.msk [tilespmem:v17+s11+$0x0], $0xffff  }
0x53f: {  	v19 =	vor.u32 v59, v5;
	v22 =	vor.u32 v55, v8;
	[tilespmem:v31+s13+$0x0] =	vst.idx.msk $0xffff, v28;
	v15 =	vld.idx.msk [tilespmem:v15+s11+$0x0], $0xffff  }
0x540: {  	v27 =	vor.u32 v62, v24;
	[tilespmem:v21+s13+$0x0] =	vst.idx.msk $0xffff, v32;
	v21 =	vor.u32 v59, v3  }
0x541: {  	v29 =	vor.u32 v63, v3;
	v28 =	vor.u32 v63, v5;
	v16 =	vld.idx.msk [tilespmem:v16+s11+$0x0], $0xffff;
	[tilespmem:v30+s13+$0x0] =	vst.idx.msk $0xffff, v20  }
0x542: {  	v31 =	vor.u32 v62, v8;
	v20 =	vor.u32 v63, v4;
	[tilespmem:v23+s13+$0x0] =	vst.idx.msk $0xffff, v1  }
0x543: {  	v32 =	vor.u32 v62, v10;
	v1 =	vor.u32 v63, v2;
	v23 =	vld.idx.msk [tilespmem:v13+s11+$0x0], $0xffff;
	[tilespmem:v26+s13+$0x0] =	vst.idx.msk $0xffff, v14  }
0x544: {  	v35 =	vor.u32 v62, v11;
	s24 =	sadd.s32 $0x1, s23;
	s25 =	sadd.s32 $0x2, s23;
	v14 =	vadd.s32 s23, v0;
	s23 =	sadd.s32 $0x3, s23;
	v19 =	vld.idx.msk [tilespmem:v19+s11+$0x0], $0xffff;
	[tilespmem:v33+s13+$0x0] =	vst.idx.msk $0xffff, v17  }
0x545: {  	v8 =	vadd.s32 s24, v0;
	v10 =	vadd.s32 s25, v0;
	v13 =	vmovc v6;
	v6 =	vmovc v41;
	v17 =	vadd.s32 s23, v0;
	v21 =	vld.idx.msk [tilespmem:v21+s11+$0x0], $0xffff  }
0x546: {  	v36 =	vmovc v11;
	v30 =	vmovc v7;
	v33 =	vand.u32 $0xF, v8;
	v8 =	vand.u32 $0xF, v10;
	v17 =	vand.u32 $0xF, v17;
	[tilespmem:v18+s13+$0x0] =	vst.idx.msk $0xffff, v15  }
0x547: {  	v26 =	vmovc v12;
	v7 =	vand.u32 $0xF, v14;
	v11 =	vor.u32 v25, v8;
	v8 =	vshll.u32 v8, $0x7;
	[tilespmem:v31+s13+$0x0] =	vst.idx.msk $0xffff, v16  }
0x548: {  	v12 =	vor.u32 v25, v33;
	v37 =	vor.u32 v25, v17;
	v31 =	vor.u32 v56, v11;
	v38 =	vld.idx.msk [tilespmem:v1+s11+$0x0], $0xffff  }
0x549: {  	v39 =	vor.u32 v25, v7;
	v10 =	vshll.u32 v33, $0x7;
	v1 =	vor.u32 v56, v37;
	[tilespmem:v32+s13+$0x0] =	vst.idx.msk $0xffff, v23  }
0x54a: {  	v23 =	vor.u32 v56, v39;
	v32 =	vor.u32 v56, v12;
	[tilespmem:v27+s13+$0x0] =	vst.idx.msk $0xffff, v19;
	v20 =	vld.idx.msk [tilespmem:v20+s11+$0x0], $0xffff  }
0x54b: {  	v14 =	vshll.u32 v14, $0x7;
	v33 =	vshll.u32 v7, $0x7;
	v16 =	vor.u32 v59, v11;
	v40 =	vld.idx.msk [tilespmem:v28+s11+$0x0], $0xffff;
	[tilespmem:v35+s13+$0x0] =	vst.idx.msk $0xffff, v21  }
0x54c: {  	v9 =	vor.u32 v55, v9;
	v7 =	vor.u32 v6, v10;
	v35 =	vor.u32 v54, v4;
	v18 =	vld.idx.msk [tilespmem:v29+s11+$0x0], $0xffff  }
.Ltmp17:
0x54d: {  	v15 =	vor.u32 v54, v3;
	v19 =	vor.u32 v54, v2;
	v2 =	vmovc v11;
	v4 =	vmov v12;
	(pc) =	sbr.rel @p0 .LBB2_36-.Ltmp17, $4  }
0x54e: {  	v21 =	vor.u32 v61, v10;
	v27 =	vld.idx.msk [tilespmem:v31+s11+$0x0], $0xffff;
	[tilespmem:v22+s13+$0x0] =	vst.idx.msk $0xffff, v38;
	v22 =	vor.u32 v55, v36  }
0x54f: {  	v3 =	vmovc v37;
	v11 =	vshll.u32 v17, $0x7;
	v17 =	vor.u32 v54, v5;
	v29 =	vor.u32 v61, v8;
	v28 =	vld.idx.msk [tilespmem:v23+s11+$0x0], $0xffff  }
0x550: {  	v31 =	vor.u32 v61, v33;
	v23 =	vor.u32 v61, v11;
	v32 =	vld.idx.msk [tilespmem:v32+s11+$0x0], $0xffff;
	[tilespmem:v34+s13+$0x0] =	vst.idx.msk $0xffff, v20  }
0x551: {  	v5 =	vmov v39;
	v12 =	vor.u32 v6, v8;
	[tilespmem:v9+s13+$0x0] =	vst.idx.msk $0xffff, v40;
	v20 =	vld.idx.msk [tilespmem:v35+s11+$0x0], $0xffff;
	v9 =	vmov v33  }
0x552: {  	_ =	sdelay $0x1  }
0x553: {  	v25 =	vor.u32 v59, v4  }
0x554: {  	[tilespmem:$0x1FD70] =	vst v41  }
0x555: {  	v33 =	vor.u32 v59, v5;
	v1 =	vld.idx.msk [tilespmem:v1+s11+$0x0], $0xffff  }
0x556: {  	v34 =	vor.u32 v59, v3  }
0x557: {  	[tilespmem:v21+s13+$0x0] =	vst.idx.msk $0xffff, v32  }
0x558: {  	[tilespmem:v29+s13+$0x0] =	vst.idx.msk $0xffff, v27;
	v21 =	vld.idx.msk [tilespmem:v25+s11+$0x0], $0xffff;
	v25 =	vor.u32 v62, v10  }
0x559: {  	v27 =	vor.u32 v63, v4;
	[tilespmem:v31+s13+$0x0] =	vst.idx.msk $0xffff, v28;
	v16 =	vld.idx.msk [tilespmem:v16+s11+$0x0], $0xffff;
	v28 =	vor.u32 v62, v8  }
0x55a: {  	v29 =	vor.u32 v62, v14;
	v37 =	vld.idx.msk [tilespmem:v33+s11+$0x0], $0xffff;
	[tilespmem:v23+s13+$0x0] =	vst.idx.msk $0xffff, v1;
	v1 =	vor.u32 v63, v2  }
0x55b: {  	v38 =	vor.u32 v63, v5;
	v39 =	vor.u32 v62, v11;
	v40 =	vld.idx.msk [tilespmem:v34+s11+$0x0], $0xffff  }
0x55c: {  	v41 =	vor.u32 v63, v3;
	[tilespmem:v22+s13+$0x0] =	vst.idx.msk $0xffff, v18  }
0x55d: {  	v19 =	vld.idx.msk [tilespmem:v19+s11+$0x0], $0xffff;
	[tilespmem:v25+s13+$0x0] =	vst.idx.msk $0xffff, v21  }
0x55e: {  	[tilespmem:v28+s13+$0x0] =	vst.idx.msk $0xffff, v16;
	v25 =	vor.u32 v55, v10;
	v27 =	vld.idx.msk [tilespmem:v27+s11+$0x0], $0xffff  }
0x55f: {  	v28 =	vor.u32 v55, v8;
	[tilespmem:v29+s13+$0x0] =	vst.idx.msk $0xffff, v37;
	v29 =	vor.u32 v54, v4;
	v1 =	vld.idx.msk [tilespmem:v1+s11+$0x0], $0xffff  }
0x560: {  	v9 =	vor.u32 v55, v9;
	v2 =	vor.u32 v54, v2;
	v34 =	vld.idx.msk [tilespmem:v38+s11+$0x0], $0xffff;
	[tilespmem:v39+s13+$0x0] =	vst.idx.msk $0xffff, v40  }
0x561: {  	v35 =	vor.u32 v55, v11;
	[tilespmem:v30+s13+$0x0] =	vst.idx.msk $0xffff, v20;
	v37 =	vor.u32 v54, v5;
	v18 =	vld.idx.msk [tilespmem:v41+s11+$0x0], $0xffff  }
0x562: {  	v3 =	vor.u32 v54, v3;
	v17 =	vld.idx.msk [tilespmem:v17+s11+$0x0], $0xffff;
	[tilespmem:v26+s13+$0x0] =	vst.idx.msk $0xffff, v19;
	v38 =	vor.u32 v13, v24  }
0x563: {  	v15 =	vld.idx.msk [tilespmem:v15+s11+$0x0], $0xffff;
	v39 =	vor.u32 v13, v36;
	[tilespmem:v25+s13+$0x0] =	vst.idx.msk $0xffff, v27  }
0x564: {  	[tilespmem:v28+s13+$0x0] =	vst.idx.msk $0xffff, v1;
	v1 =	vld.idx.msk [tilespmem:v29+s11+$0x0], $0xffff  }
0x565: {  	[tilespmem:v9+s13+$0x0] =	vst.idx.msk $0xffff, v34;
	v2 =	vld.idx.msk [tilespmem:v2+s11+$0x0], $0xffff  }
0x566: {  	v40 =	vor.u32 v6, v14;
	v5 =	vld.idx.msk [tilespmem:v37+s11+$0x0], $0xffff;
	[tilespmem:v35+s13+$0x0] =	vst.idx.msk $0xffff, v18  }
0x567: {  	v41 =	vor.u32 v6, v11;
	[tilespmem:v38+s13+$0x0] =	vst.idx.msk $0xffff, v17;
	v3 =	vld.idx.msk [tilespmem:v3+s11+$0x0], $0xffff  }
0x568: {  	[tilespmem:v39+s13+$0x0] =	vst.idx.msk $0xffff, v15  }
0x569: {  	[tilespmem:v7+s13+$0x0] =	vst.idx.msk $0xffff, v1  }
0x56a: {  	[tilespmem:v12+s13+$0x0] =	vst.idx.msk $0xffff, v2  }
0x56b: {  	s22 =	sshll.u32 s21, $0x10;
	[tilespmem:v40+s13+$0x0] =	vst.idx.msk $0xffff, v5  }
0x56c: {  	s31 =	sshll.u32 s21, $0x8;
	s22 =	sadd.s32 s22, s4;
	[tilespmem:v41+s13+$0x0] =	vst.idx.msk $0xffff, v3  }
0x56d: {  	[hbm4b:s22+s10] =	stream.strided.scatter [tilespmem:s13], [sflag:$0x3], $0x2000, s14, s10, $0x38;
	[tilespmem:$0xC500] =	vst v63  }
0x56e: {  	s22 =	sand.u32 $0x300, s31  }
0x56f: {  	v1 =	vld [tilespmem:s22+$0x80];
	_ =	sdelay $0x4  }
0x570: {  	v1 =	vshrl.u32 v1, $0x1  }
0x571: {  	[tilespmem:$0x480] =	vst v1  }
0x572: {  	v1 =	vld [tilespmem:s22+$0x90];
	_ =	sdelay $0x4  }
0x573: {  	v1 =	vshrl.u32 v1, $0x1  }
0x574: {  	[tilespmem:$0x490] =	vst v1  }
0x575: {  	v1 =	vld [tilespmem:s22+$0xA0];
	_ =	sdelay $0x4  }
0x576: {  	v1 =	vshrl.u32 v1, $0x1  }
0x577: {  	[tilespmem:$0x4A0] =	vst v1  }
0x578: {  	v1 =	vld [tilespmem:s22+$0xB0];
	_ =	sdelay $0x4  }
0x579: {  	v1 =	vshrl.u32 v1, $0x1  }
0x57a: {  	[tilespmem:$0x4B0] =	vst v1  }
0x57b: {  	v1 =	vld [tilespmem:s22+$0xC0];
	_ =	sdelay $0x4  }
0x57c: {  	v1 =	vshrl.u32 v1, $0x1  }
0x57d: {  	[tilespmem:$0x4C0] =	vst v1  }
0x57e: {  	v1 =	vld [tilespmem:s22+$0xD0];
	_ =	sdelay $0x4  }
0x57f: {  	v1 =	vshrl.u32 v1, $0x1  }
0x580: {  	[tilespmem:$0x4D0] =	vst v1  }
0x581: {  	v1 =	vld [tilespmem:s22+$0xE0];
	_ =	sdelay $0x4  }
0x582: {  	v1 =	vshrl.u32 v1, $0x1  }
0x583: {  	[tilespmem:$0x4E0] =	vst v1  }
0x584: {  	v1 =	vld [tilespmem:s22+$0xF0]  }
0x585: {  	s21 =	sadd.s32 $0x1, s21  }
0x586: {  	p0 =	sne.s32 s21, $0x64  }
.Ltmp18:
0x587: {  	_ = 	snop;
	(pc) =	sbr.rel @p0 .LBB2_2-.Ltmp18, $4  }
0x588: {  	_ = 	snop  }
0x589: {  	v1 =	vshrl.u32 v1, $0x1  }
0x58a: {  	[tilespmem:$0x4F0] =	vst v1  }
0x58b: {  	[tilespmem:s16], [sflag:$0x2] =	stream.indirect.gather [hbm4b:s3+s9], $0x80, s15, s9, $0xb8;
	[tilespmem:$0xC500] =	vst v63  }
0x58c: {  	_ =	swait.ge [sflag:s17], $0x4000  }
0x58d: {  	[sflag:s17] =	ssyncset.done $0x0  }
0x58e: {  	[sflag:s17] =	ssyncadd.s32 $0xFFFFC000  }
0x58f: {  	_ =	swait.ge [sflag:s18], $0x2000  }
0x590: {  	[sflag:s18] =	ssyncset.done $0x0  }
0x591: {  	[sflag:s18] =	ssyncadd.s32 $0xFFFFE000  }
0x592: {  	v1 =	vld [tilespmem:$0x380];
	_ =	sdelay $0x2  }
0x593: {  	v36 =	vld [tilespmem:$0x1FFD0]  }
0x594: {  	s21 =	simm.s32 $0x1  }
0x595: {  	v2 =	vadd.s32 s21, v0;
	v1 =	vshll.u32 v1, $0x6  }
0x596: {  	s26 =	simm.s32 $0x0;
	v26 =	vand.u32 $0x40, v1;
	v1 =	vand.u32 $0xF, v2  }
0x597: {  	s28 =	simm.s32 $0x3;
	v2 =	vadd.s32 s26, v0;
	v3 =	vor.u32 v26, v1  }
0x598: {  	v6 =	vadd.s32 s28, v0;
	v5 =	vand.u32 $0xF, v2;
	v4 =	vor.u32 v36, v3  }
0x599: {  	s22 =	simm.s32 $0x2;
	v6 =	vand.u32 $0xF, v6;
	v9 =	vor.u32 v26, v5  }
0x59a: {  	v7 =	vadd.s32 s22, v0;
	v37 =	vld [tilespmem:$0x1FE90];
	v12 =	vor.u32 v26, v6;
	v8 =	vor.u32 v36, v9  }
0x59b: {  	v7 =	vand.u32 $0xF, v7;
	v41 =	vld [tilespmem:$0x1FEE0];
	v10 =	vor.u32 v36, v12  }
0x59c: {  	v29 =	vld [tilespmem:$0x1FEA0];
	v16 =	vshll.u32 v1, $0x7;
	v1 =	vor.u32 v26, v7  }
0x59d: {  	v15 =	vshll.u32 v7, $0x7;
	v11 =	vor.u32 v0, v16;
	v7 =	vor.u32 v36, v1;
	v4 =	vld.idx.msk [tilespmem:v4+s16+$0x0], $0xffff  }
0x59e: {  	v17 =	vshll.u32 v5, $0x7  }
0x59f: {  	v20 =	vshll.u32 v6, $0x7;
	v13 =	vor.u32 v37, v3;
	v6 =	vld.idx.msk [tilespmem:v8+s16+$0x0], $0xffff;
	v8 =	vor.u32 v0, v17  }
0x5a0: {  	v14 =	vor.u32 v0, v20;
	v2 =	vshll.u32 v2, $0x7;
	v18 =	vor.u32 v37, v9;
	v10 =	vld.idx.msk [tilespmem:v10+s16+$0x0], $0xffff  }
0x5a1: {  	v40 =	vld [tilespmem:$0x1FEB0];
	v39 =	vor.u32 v41, v2;
	v19 =	vor.u32 v29, v2;
	v2 =	vor.u32 v37, v12  }
0x5a2: {  	v5 =	vor.u32 v0, v15;
	[tilespmem:v11+s19+$0x0] =	vst.idx.msk $0xffff, v4;
	v11 =	vld.idx.msk [tilespmem:v7+s16+$0x0], $0xffff  }
0x5a3: {  	v22 =	vor.u32 v29, v15;
	v25 =	vor.u32 v37, v1  }
0x5a4: {  	v28 =	vor.u32 v29, v20;
	[tilespmem:v8+s19+$0x0] =	vst.idx.msk $0xffff, v6;
	v8 =	vor.u32 v29, v16;
	v29 =	vld.idx.msk [tilespmem:v13+s16+$0x0], $0xffff  }
0x5a5: {  	[tilespmem:v14+s19+$0x0] =	vst.idx.msk $0xffff, v10;
	v10 =	vld.idx.msk [tilespmem:v18+s16+$0x0], $0xffff  }
0x5a6: {  	v32 =	vld.idx.msk [tilespmem:v2+s16+$0x0], $0xffff  }
0x5a7: {  	[tilespmem:v5+s19+$0x0] =	vst.idx.msk $0xffff, v11  }
0x5a8: {  	v25 =	vld.idx.msk [tilespmem:v25+s16+$0x0], $0xffff;
	[tilespmem:$0x1FD50] =	vst v26  }
0x5a9: {  	v21 =	vor.u32 v40, v1;
	[tilespmem:v8+s19+$0x0] =	vst.idx.msk $0xffff, v29  }
0x5aa: {  	s30 =	simm.s32 $0x5;
	s31 =	simm.s32 $0x6;
	v23 =	vor.u32 v40, v12;
	v24 =	vor.u32 v40, v3;
	[tilespmem:v19+s19+$0x0] =	vst.idx.msk $0xffff, v10  }
0x5ab: {  	s29 =	simm.s32 $0x4;
	s23 =	simm.s32 $0x7;
	v27 =	vor.u32 v40, v9;
	v4 =	vadd.s32 s30, v0;
	v7 =	vadd.s32 s31, v0;
	v10 =	vld [tilespmem:$0x1FEC0];
	[tilespmem:v28+s19+$0x0] =	vst.idx.msk $0xffff, v32  }
0x5ac: {  	v6 =	vadd.s32 s29, v0;
	v13 =	vadd.s32 s23, v0;
	v18 =	vand.u32 $0xF, v4;
	v28 =	vld [tilespmem:$0x1FED0]  }
0x5ad: {  	v4 =	vand.u32 $0xF, v7;
	v31 =	vand.u32 $0xF, v13;
	v33 =	vand.u32 $0xF, v6  }
0x5ae: {  	v14 =	vshll.u32 v6, $0x7;
	v2 =	vor.u32 v26, v18;
	v7 =	vor.u32 v26, v4  }
0x5af: {  	v4 =	vshll.u32 v4, $0x7;
	v30 =	vor.u32 v26, v33;
	v34 =	vor.u32 v36, v2  }
0x5b0: {  	v13 =	vor.u32 v36, v7;
	v35 =	vor.u32 v36, v30;
	v26 =	vor.u32 v26, v31  }
0x5b1: {  	v29 =	vor.u32 v36, v26;
	v24 =	vld.idx.msk [tilespmem:v24+s16+$0x0], $0xffff;
	v36 =	vor.u32 v28, v3;
	v3 =	vor.u32 v41, v15  }
0x5b2: {  	v6 =	vor.u32 v41, v14;
	v5 =	vshll.u32 v31, $0x7;
	v27 =	vld.idx.msk [tilespmem:v27+s16+$0x0], $0xffff;
	v31 =	vor.u32 v10, v16;
	[tilespmem:$0x1FD60] =	vst v3  }
0x5b3: {  	v11 =	vshll.u32 v18, $0x7;
	v8 =	vor.u32 v0, v4;
	v32 =	vor.u32 v10, v17;
	v3 =	vld.idx.msk [tilespmem:v23+s16+$0x0], $0xffff  }
0x5b4: {  	v38 =	vor.u32 v10, v20;
	v18 =	vor.u32 v10, v15;
	v19 =	vld.idx.msk [tilespmem:v34+s16+$0x0], $0xffff;
	v34 =	vor.u32 v28, v9  }
0x5b5: {  	v10 =	vshll.u32 v33, $0x7;
	[tilespmem:v22+s19+$0x0] =	vst.idx.msk $0xffff, v25;
	v9 =	vor.u32 v41, v20;
	v20 =	vld.idx.msk [tilespmem:v35+s16+$0x0], $0xffff  }
0x5b6: {  	v16 =	vor.u32 v41, v16;
	v15 =	vor.u32 v28, v1;
	v1 =	vor.u32 v28, v12;
	v17 =	vld.idx.msk [tilespmem:v21+s16+$0x0], $0xffff  }
0x5b7: {  	v22 =	vor.u32 v0, v11;
	v28 =	vor.u32 v0, v10;
	v21 =	vld.idx.msk [tilespmem:v29+s16+$0x0], $0xffff;
	[tilespmem:v31+s19+$0x0] =	vst.idx.msk $0xffff, v24  }
0x5b8: {  	v25 =	vor.u32 v37, v2;
	v23 =	vor.u32 v0, v5;
	[tilespmem:v32+s19+$0x0] =	vst.idx.msk $0xffff, v27;
	v24 =	vld.idx.msk [tilespmem:v36+s16+$0x0], $0xffff  }
0x5b9: {  	s21 =	simm.s32 $0x8;
	v41 =	vor.u32 v40, v7;
	v27 =	vor.u32 v37, v30;
	v36 =	vld.idx.msk [tilespmem:v34+s16+$0x0], $0xffff;
	[tilespmem:v38+s19+$0x0] =	vst.idx.msk $0xffff, v3  }
.LBB2_39:
0x5ba: {  	v37 =	vld [tilespmem:$0x1FEA0]  }
0x5bb: {  	v13 =	vld.idx.msk [tilespmem:v13+s16+$0x0], $0xffff  }
0x5bc: {  	v12 =	vld [tilespmem:$0x1FE90];
	_ =	sdelay $0x1  }
0x5bd: {  	v3 =	vld [tilespmem:$0x1FEB0]  }
0x5be: {  	s22 =	smov.u32 s21;
	v1 =	vld.idx.msk [tilespmem:v1+s16+$0x0], $0xffff;
	[tilespmem:v18+s19+$0x0] =	vst.idx.msk $0xffff, v17  }
0x5bf: {  	v31 =	vmov v7;
	v32 =	vmov v4;
	v34 =	vmov v26;
	s24 =	sadd.s32 $0x2, s22;
	[tilespmem:v22+s19+$0x0] =	vst.idx.msk $0xffff, v19;
	v15 =	vld.idx.msk [tilespmem:v15+s16+$0x0], $0xffff  }
0x5c0: {  	v7 =	vadd.s32 s24, v0;
	v22 =	vor.u32 v37, v4;
	v4 =	vor.u32 v12, v34;
	[tilespmem:v8+s19+$0x0] =	vst.idx.msk $0xffff, v13;
	v8 =	vld [tilespmem:$0x1FD50]  }
0x5c1: {  	v33 =	vmovc v30;
	v35 =	vmov v11;
	v26 =	vmov v6;
	[tilespmem:v28+s19+$0x0] =	vst.idx.msk $0xffff, v20;
	v6 =	vand.u32 $0xF, v7;
	v20 =	vld.idx.msk [tilespmem:v25+s16+$0x0], $0xffff  }
0x5c2: {  	s23 =	sadd.s32 $0x1, s22;
	[tilespmem:v23+s19+$0x0] =	vst.idx.msk $0xffff, v21;
	v23 =	vld.idx.msk [tilespmem:v27+s16+$0x0], $0xffff;
	v29 =	vor.u32 v37, v14;
	v11 =	vor.u32 v12, v31  }
0x5c3: {  	[tilespmem:v16+s19+$0x0] =	vst.idx.msk $0xffff, v24;
	v16 =	vmovc v5;
	v21 =	vor.u32 v37, v5;
	v14 =	vadd.s32 s22, v0;
	s22 =	sadd.s32 $0x3, s22;
	v5 =	vadd.s32 s23, v0  }
0x5c4: {  	v18 =	vor.u32 v3, v33;
	v24 =	vadd.s32 s22, v0;
	v5 =	vand.u32 $0xF, v5  }
0x5c5: {  	v24 =	vand.u32 $0xF, v24;
	v27 =	vld.idx.msk [tilespmem:v4+s16+$0x0], $0xffff;
	v28 =	vor.u32 v8, v5;
	[tilespmem:v9+s19+$0x0] =	vst.idx.msk $0xffff, v1;
	v1 =	vand.u32 $0xF, v14  }
0x5c6: {  	[tilespmem:$0x1FD40] =	vst v26;
	v7 =	vor.u32 v8, v6;
	v26 =	vor.u32 v8, v24;
	v30 =	vor.u32 v8, v1;
	v8 =	vld [tilespmem:$0x1FD60]  }
0x5c7: {  	[tilespmem:v39+s19+$0x0] =	vst.idx.msk $0xffff, v36;
	v4 =	vshll.u32 v6, $0x7;
	v6 =	vld [tilespmem:$0x1FFD0]  }
0x5c8: {  	v25 =	vor.u32 v37, v35;
	[tilespmem:v29+s19+$0x0] =	vst.idx.msk $0xffff, v23  }
0x5c9: {  	v29 =	vld.idx.msk [tilespmem:v18+s16+$0x0], $0xffff  }
0x5ca: {  	v17 =	vor.u32 v3, v2;
	v18 =	vld [tilespmem:$0x1FEC0]  }
0x5cb: {  	v19 =	vor.u32 v3, v34;
	v36 =	vld.idx.msk [tilespmem:v11+s16+$0x0], $0xffff  }
0x5cc: {  	v9 =	vor.u32 v6, v28;
	[tilespmem:v21+s19+$0x0] =	vst.idx.msk $0xffff, v27;
	v21 =	vld [tilespmem:$0x1FED0]  }
0x5cd: {  	v40 =	vld [tilespmem:$0x1FEE0];
	v14 =	vshll.u32 v14, $0x7;
	[tilespmem:v25+s19+$0x0] =	vst.idx.msk $0xffff, v20  }
0x5ce: {  	v11 =	vshll.u32 v5, $0x7;
	v5 =	vshll.u32 v24, $0x7;
	[tilespmem:v8+s19+$0x0] =	vst.idx.msk $0xffff, v15;
	v15 =	vor.u32 v6, v30  }
0x5cf: {  	v23 =	vld.idx.msk [tilespmem:v17+s16+$0x0], $0xffff;
	v13 =	vor.u32 v6, v7;
	v24 =	vor.u32 v6, v26;
	v25 =	vor.u32 v18, v35  }
0x5d0: {  	v27 =	vor.u32 v18, v10;
	v38 =	vld.idx.msk [tilespmem:v19+s16+$0x0], $0xffff;
	v39 =	vor.u32 v18, v16;
	v18 =	vor.u32 v18, v32  }
0x5d1: {  	v8 =	vor.u32 v0, v4;
	v37 =	vor.u32 v21, v2;
	v19 =	vld.idx.msk [tilespmem:v9+s16+$0x0], $0xffff;
	[tilespmem:v22+s19+$0x0] =	vst.idx.msk $0xffff, v36  }
0x5d2: {  	p0 =	slt.u32 s21, $0xC;
	v6 =	vor.u32 v40, v14;
	v2 =	vor.u32 v40, v32;
	v33 =	vor.u32 v21, v33;
	v17 =	vld.idx.msk [tilespmem:v41+s16+$0x0], $0xffff  }
.Ltmp19:
0x5d3: {  	v10 =	vshll.u32 v1, $0x7;
	v22 =	vor.u32 v0, v11;
	v9 =	vor.u32 v40, v16;
	[tilespmem:$0x1FD60] =	vst v2;
	v20 =	vld.idx.msk [tilespmem:v15+s16+$0x0], $0xffff;
	(pc) =	sbr.rel @p0 .LBB2_39-.Ltmp19, $4  }
0x5d4: {  	v1 =	vor.u32 v21, v34;
	[tilespmem:v25+s19+$0x0] =	vst.idx.msk $0xffff, v23;
	v15 =	vor.u32 v21, v31;
	v21 =	vld.idx.msk [tilespmem:v24+s16+$0x0], $0xffff  }
0x5d5: {  	v16 =	vor.u32 v40, v35;
	v23 =	vor.u32 v0, v5;
	[tilespmem:v39+s19+$0x0] =	vst.idx.msk $0xffff, v38;
	v39 =	vld [tilespmem:$0x1FD40]  }
0x5d6: {  	v41 =	vor.u32 v3, v7;
	v2 =	vmov v28;
	[tilespmem:v27+s19+$0x0] =	vst.idx.msk $0xffff, v29;
	v24 =	vld.idx.msk [tilespmem:v37+s16+$0x0], $0xffff  }
0x5d7: {  	s21 =	sadd.s32 $0x4, s21;
	v28 =	vor.u32 v0, v10;
	v25 =	vor.u32 v12, v2;
	v27 =	vor.u32 v12, v30;
	v36 =	vld.idx.msk [tilespmem:v33+s16+$0x0], $0xffff  }
0x5d8: {  	_ =	sdelay $0x3  }
0x5d9: {  	v3 =	vld [tilespmem:$0x1FE90];
	[tilespmem:v22+s19+$0x0] =	vst.idx.msk $0xffff, v19  }
0x5da: {  	[tilespmem:v28+s19+$0x0] =	vst.idx.msk $0xffff, v20  }
0x5db: {  	v28 =	vld [tilespmem:$0x1FEA0];
	_ =	sdelay $0x2  }
0x5dc: {  	v13 =	vld.idx.msk [tilespmem:v13+s16+$0x0], $0xffff  }
0x5dd: {  	v19 =	vld.idx.msk [tilespmem:v25+s16+$0x0], $0xffff  }
0x5de: {  	v29 =	vor.u32 v3, v26;
	v31 =	vor.u32 v3, v7;
	v3 =	vld [tilespmem:$0x1FEB0];
	v20 =	vor.u32 v28, v11  }
0x5df: {  	[tilespmem:v23+s19+$0x0] =	vst.idx.msk $0xffff, v21;
	v21 =	vld.idx.msk [tilespmem:v27+s16+$0x0], $0xffff;
	v14 =	vor.u32 v28, v14;
	_ =	sdelay $0x1  }
0x5e0: {  	[tilespmem:v8+s19+$0x0] =	vst.idx.msk $0xffff, v13  }
0x5e1: {  	[tilespmem:v18+s19+$0x0] =	vst.idx.msk $0xffff, v17  }
0x5e2: {  	[tilespmem:v20+s19+$0x0] =	vst.idx.msk $0xffff, v19  }
0x5e3: {  	v22 =	vor.u32 v3, v2;
	v8 =	vld.idx.msk [tilespmem:v29+s16+$0x0], $0xffff;
	[tilespmem:v14+s19+$0x0] =	vst.idx.msk $0xffff, v21  }
0x5e4: {  	v25 =	vor.u32 v28, v5;
	v23 =	vor.u32 v3, v30;
	v20 =	vld [tilespmem:$0x1FEC0];
	_ =	sdelay $0x1  }
0x5e5: {  	v13 =	vor.u32 v28, v4;
	v27 =	vor.u32 v3, v26;
	v28 =	vld.idx.msk [tilespmem:v31+s16+$0x0], $0xffff;
	_ =	sdelay $0x1  }
0x5e6: {  	v14 =	vld.idx.msk [tilespmem:v22+s16+$0x0], $0xffff  }
0x5e7: {  	v18 =	vld.idx.msk [tilespmem:v23+s16+$0x0], $0xffff;
	[tilespmem:v25+s19+$0x0] =	vst.idx.msk $0xffff, v8;
	v17 =	vor.u32 v20, v11  }
0x5e8: {  	v3 =	vld [tilespmem:$0x1FED0];
	v8 =	vor.u32 v20, v10  }
0x5e9: {  	[tilespmem:v13+s19+$0x0] =	vst.idx.msk $0xffff, v28;
	v10 =	vld.idx.msk [tilespmem:v27+s16+$0x0], $0xffff;
	v13 =	vor.u32 v20, v5  }
0x5ea: {  	[tilespmem:v16+s19+$0x0] =	vst.idx.msk $0xffff, v24;
	v12 =	vld.idx.msk [tilespmem:v41+s16+$0x0], $0xffff;
	v16 =	vor.u32 v20, v4  }
0x5eb: {  	v1 =	vld.idx.msk [tilespmem:v1+s16+$0x0], $0xffff;
	[tilespmem:v39+s19+$0x0] =	vst.idx.msk $0xffff, v36  }
0x5ec: {  	[tilespmem:v17+s19+$0x0] =	vst.idx.msk $0xffff, v14  }
0x5ed: {  	v14 =	vld [tilespmem:$0x1FEE0];
	[tilespmem:v8+s19+$0x0] =	vst.idx.msk $0xffff, v18  }
0x5ee: {  	v19 =	vor.u32 v3, v30;
	[tilespmem:v13+s19+$0x0] =	vst.idx.msk $0xffff, v10  }
0x5ef: {  	[tilespmem:v16+s19+$0x0] =	vst.idx.msk $0xffff, v12  }
0x5f0: {  	v2 =	vor.u32 v3, v2;
	[tilespmem:v9+s19+$0x0] =	vst.idx.msk $0xffff, v1  }
0x5f1: {  	v20 =	vor.u32 v3, v26;
	v7 =	vor.u32 v3, v7;
	v3 =	vld [tilespmem:$0x1FD60];
	_ =	sdelay $0x1  }
0x5f2: {  	v8 =	vld.idx.msk [tilespmem:v19+s16+$0x0], $0xffff  }
0x5f3: {  	v15 =	vld.idx.msk [tilespmem:v15+s16+$0x0], $0xffff  }
0x5f4: {  	v2 =	vld.idx.msk [tilespmem:v2+s16+$0x0], $0xffff;
	v11 =	vor.u32 v14, v11  }
0x5f5: {  	v10 =	vld.idx.msk [tilespmem:v20+s16+$0x0], $0xffff;
	v5 =	vor.u32 v14, v5  }
0x5f6: {  	v1 =	vor.u32 v14, v4;
	v4 =	vld.idx.msk [tilespmem:v7+s16+$0x0], $0xffff  }
0x5f7: {  	[tilespmem:v6+s19+$0x0] =	vst.idx.msk $0xffff, v8  }
0x5f8: {  	[tilespmem:v3+s19+$0x0] =	vst.idx.msk $0xffff, v15  }
0x5f9: {  	[tilespmem:v11+s19+$0x0] =	vst.idx.msk $0xffff, v2  }
0x5fa: {  	[tilespmem:v5+s19+$0x0] =	vst.idx.msk $0xffff, v10  }
0x5fb: {  	[tilespmem:v1+s19+$0x0] =	vst.idx.msk $0xffff, v4  }
0x5fc: {  	v1 =	vld [tilespmem:$0x390];
	_ =	sdelay $0x2  }
0x5fd: {  	v36 =	vld [tilespmem:$0x1FEF0]  }
0x5fe: {  	s21 =	simm.s32 $0x1  }
0x5ff: {  	v2 =	vadd.s32 s21, v0;
	v1 =	vshll.u32 v1, $0x6  }
0x600: {  	s26 =	simm.s32 $0x0;
	v26 =	vand.u32 $0x40, v1;
	v1 =	vand.u32 $0xF, v2  }
0x601: {  	v2 =	vadd.s32 s26, v0;
	v12 =	vor.u32 v26, v1  }
0x602: {  	s28 =	simm.s32 $0x3;
	v23 =	vld [tilespmem:$0x1FF00];
	v5 =	vand.u32 $0xF, v2;
	v4 =	vor.u32 v36, v12  }
0x603: {  	s22 =	simm.s32 $0x2;
	v6 =	vadd.s32 s28, v0;
	v9 =	vor.u32 v26, v5  }
0x604: {  	v7 =	vadd.s32 s22, v0;
	v6 =	vand.u32 $0xF, v6;
	v3 =	vld [tilespmem:$0x1FF10];
	v8 =	vor.u32 v36, v9  }
0x605: {  	v7 =	vand.u32 $0xF, v7;
	v27 =	vld [tilespmem:$0x1FF60];
	v16 =	vor.u32 v26, v6  }
0x606: {  	v29 =	vld [tilespmem:$0x1FF20];
	v24 =	vshll.u32 v1, $0x7;
	v1 =	vor.u32 v26, v7;
	v10 =	vor.u32 v36, v16  }
0x607: {  	v15 =	vshll.u32 v7, $0x7;
	v11 =	vor.u32 v23, v24;
	v7 =	vor.u32 v36, v1;
	v4 =	vld.idx.msk [tilespmem:v4+s16+$0x0], $0xffff  }
0x608: {  	v17 =	vshll.u32 v5, $0x7  }
0x609: {  	v20 =	vshll.u32 v6, $0x7;
	v13 =	vor.u32 v3, v12;
	v6 =	vld.idx.msk [tilespmem:v8+s16+$0x0], $0xffff;
	v8 =	vor.u32 v23, v17  }
0x60a: {  	v40 =	vld [tilespmem:$0x1FF30];
	v14 =	vor.u32 v23, v20;
	v2 =	vshll.u32 v2, $0x7  }
0x60b: {  	v5 =	vor.u32 v23, v15;
	v39 =	vor.u32 v27, v2;
	v18 =	vor.u32 v3, v9;
	v10 =	vld.idx.msk [tilespmem:v10+s16+$0x0], $0xffff  }
0x60c: {  	v21 =	vor.u32 v29, v2;
	v2 =	vor.u32 v3, v16;
	[tilespmem:v11+s19+$0x0] =	vst.idx.msk $0xffff, v4;
	v11 =	vld.idx.msk [tilespmem:v7+s16+$0x0], $0xffff  }
0x60d: {  	v22 =	vor.u32 v29, v15;
	v25 =	vor.u32 v3, v1  }
0x60e: {  	v28 =	vor.u32 v29, v20;
	[tilespmem:v8+s19+$0x0] =	vst.idx.msk $0xffff, v6;
	v8 =	vor.u32 v29, v24;
	v29 =	vld.idx.msk [tilespmem:v13+s16+$0x0], $0xffff  }
0x60f: {  	s30 =	simm.s32 $0x5;
	s31 =	simm.s32 $0x6  }
0x610: {  	v4 =	vadd.s32 s30, v0;
	v7 =	vadd.s32 s31, v0;
	[tilespmem:v14+s19+$0x0] =	vst.idx.msk $0xffff, v10;
	v10 =	vld.idx.msk [tilespmem:v18+s16+$0x0], $0xffff  }
0x611: {  	s29 =	simm.s32 $0x4;
	v38 =	vor.u32 v40, v9;
	v32 =	vld.idx.msk [tilespmem:v2+s16+$0x0], $0xffff;
	v18 =	vand.u32 $0xF, v4;
	v4 =	vand.u32 $0xF, v7;
	[tilespmem:v5+s19+$0x0] =	vst.idx.msk $0xffff, v11  }
0x612: {  	v6 =	vadd.s32 s29, v0;
	v7 =	vor.u32 v26, v4;
	v4 =	vshll.u32 v4, $0x7;
	v25 =	vld.idx.msk [tilespmem:v25+s16+$0x0], $0xffff;
	[tilespmem:$0x1FD00] =	vst v26  }
0x613: {  	v33 =	vand.u32 $0xF, v6;
	v14 =	vshll.u32 v6, $0x7;
	v6 =	vor.u32 v23, v4;
	[tilespmem:v8+s19+$0x0] =	vst.idx.msk $0xffff, v29  }
0x614: {  	[tilespmem:$0x1FD10] =	vst v6  }
0x615: {  	v19 =	vor.u32 v40, v12;
	[tilespmem:v21+s19+$0x0] =	vst.idx.msk $0xffff, v10  }
0x616: {  	v10 =	vld.idx.msk [tilespmem:v38+s16+$0x0], $0xffff;
	_ =	sdelay $0x3  }
0x617: {  	v8 =	vld.idx.msk [tilespmem:v19+s16+$0x0], $0xffff  }
0x618: {  	[tilespmem:$0x1FD30] =	vst v10;
	v10 =	vld [tilespmem:$0x1FF40]  }
0x619: {  	[tilespmem:v28+s19+$0x0] =	vst.idx.msk $0xffff, v32  }
0x61a: {  	s23 =	simm.s32 $0x7;
	v21 =	vld [tilespmem:$0x1FF50]  }
0x61b: {  	v37 =	vor.u32 v40, v16;
	v13 =	vadd.s32 s23, v0  }
0x61c: {  	v31 =	vand.u32 $0xF, v13;
	v2 =	vor.u32 v26, v18;
	v30 =	vor.u32 v26, v33  }
0x61d: {  	v5 =	vshll.u32 v31, $0x7;
	v26 =	vor.u32 v26, v31;
	v31 =	vor.u32 v10, v24  }
0x61e: {  	v34 =	vor.u32 v36, v2;
	v13 =	vor.u32 v36, v7;
	v35 =	vor.u32 v36, v30  }
0x61f: {  	v29 =	vor.u32 v36, v26;
	v36 =	vor.u32 v21, v12;
	v12 =	vor.u32 v27, v15  }
0x620: {  	[tilespmem:$0x1FD20] =	vst v12  }
0x621: {  	[tilespmem:v22+s19+$0x0] =	vst.idx.msk $0xffff, v25  }
0x622: {  	v41 =	vor.u32 v40, v1;
	v37 =	vld.idx.msk [tilespmem:v37+s16+$0x0], $0xffff;
	[tilespmem:v31+s19+$0x0] =	vst.idx.msk $0xffff, v8  }
0x623: {  	v32 =	vor.u32 v10, v17;
	v8 =	vld [tilespmem:$0x1FD30]  }
0x624: {  	v11 =	vshll.u32 v18, $0x7;
	v38 =	vor.u32 v10, v20;
	v19 =	vld.idx.msk [tilespmem:v34+s16+$0x0], $0xffff;
	v34 =	vor.u32 v21, v9  }
0x625: {  	v6 =	vor.u32 v27, v14;
	v18 =	vor.u32 v10, v15;
	v9 =	vor.u32 v27, v20;
	v20 =	vld.idx.msk [tilespmem:v35+s16+$0x0], $0xffff  }
0x626: {  	v10 =	vshll.u32 v33, $0x7;
	v15 =	vor.u32 v21, v1;
	v1 =	vor.u32 v21, v16;
	v21 =	vld.idx.msk [tilespmem:v29+s16+$0x0], $0xffff  }
0x627: {  	v28 =	vor.u32 v23, v10;
	v16 =	vor.u32 v27, v24;
	v12 =	vor.u32 v40, v7;
	v17 =	vld.idx.msk [tilespmem:v41+s16+$0x0], $0xffff  }
0x628: {  	v22 =	vor.u32 v23, v11;
	v25 =	vor.u32 v3, v2;
	v24 =	vld.idx.msk [tilespmem:v36+s16+$0x0], $0xffff;
	[tilespmem:v32+s19+$0x0] =	vst.idx.msk $0xffff, v8  }
0x629: {  	s21 =	simm.s32 $0x8;
	v23 =	vor.u32 v23, v5;
	v27 =	vor.u32 v3, v30;
	[tilespmem:v38+s19+$0x0] =	vst.idx.msk $0xffff, v37;
	v36 =	vld.idx.msk [tilespmem:v34+s16+$0x0], $0xffff  }
.LBB2_41:
0x62a: {  	v37 =	vld [tilespmem:$0x1FF20]  }
0x62b: {  	s22 =	smov.u32 s21;
	v41 =	vld [tilespmem:$0x1FF10]  }
0x62c: {  	v13 =	vld.idx.msk [tilespmem:v13+s16+$0x0], $0xffff;
	s24 =	sadd.s32 $0x2, s22  }
0x62d: {  	v31 =	vmov v7;
	v3 =	vld [tilespmem:$0x1FF30];
	v8 =	vmov v6;
	v7 =	vadd.s32 s24, v0  }
0x62e: {  	[tilespmem:$0x1FCF0] =	vst v8;
	v6 =	vand.u32 $0xF, v7;
	v7 =	vld [tilespmem:$0x1FD10]  }
0x62f: {  	v32 =	vmov v4;
	v34 =	vmov v26;
	v8 =	vld [tilespmem:$0x1FD00];
	[tilespmem:v22+s19+$0x0] =	vst.idx.msk $0xffff, v19  }
0x630: {  	v1 =	vld.idx.msk [tilespmem:v1+s16+$0x0], $0xffff;
	[tilespmem:v28+s19+$0x0] =	vst.idx.msk $0xffff, v20;
	v22 =	vor.u32 v37, v4;
	v4 =	vor.u32 v41, v34  }
0x631: {  	s23 =	sadd.s32 $0x1, s22;
	v20 =	vld.idx.msk [tilespmem:v25+s16+$0x0], $0xffff;
	[tilespmem:v23+s19+$0x0] =	vst.idx.msk $0xffff, v21;
	v29 =	vor.u32 v37, v14  }
0x632: {  	[tilespmem:v16+s19+$0x0] =	vst.idx.msk $0xffff, v24;
	v16 =	vmovc v5;
	v21 =	vor.u32 v37, v5;
	v14 =	vadd.s32 s22, v0;
	s22 =	sadd.s32 $0x3, s22;
	v5 =	vadd.s32 s23, v0  }
0x633: {  	v33 =	vmov v30;
	[tilespmem:v18+s19+$0x0] =	vst.idx.msk $0xffff, v17;
	v23 =	vld.idx.msk [tilespmem:v27+s16+$0x0], $0xffff;
	v24 =	vadd.s32 s22, v0;
	v5 =	vand.u32 $0xF, v5  }
0x634: {  	v15 =	vld.idx.msk [tilespmem:v15+s16+$0x0], $0xffff;
	v18 =	vor.u32 v3, v33;
	v24 =	vand.u32 $0xF, v24;
	v28 =	vor.u32 v8, v5  }
0x635: {  	v26 =	vor.u32 v8, v24;
	v27 =	vld.idx.msk [tilespmem:v4+s16+$0x0], $0xffff;
	[tilespmem:v9+s19+$0x0] =	vst.idx.msk $0xffff, v1;
	v1 =	vand.u32 $0xF, v14  }
0x636: {  	[tilespmem:v7+s19+$0x0] =	vst.idx.msk $0xffff, v13;
	v7 =	vor.u32 v8, v6;
	v30 =	vor.u32 v8, v1;
	v8 =	vld [tilespmem:$0x1FD20];
	_ =	sdelay $0x1  }
0x637: {  	v35 =	vmov v11;
	[tilespmem:v39+s19+$0x0] =	vst.idx.msk $0xffff, v36;
	v11 =	vor.u32 v41, v31;
	v4 =	vshll.u32 v6, $0x7;
	v6 =	vld [tilespmem:$0x1FEF0]  }
0x638: {  	v40 =	vld [tilespmem:$0x1FF60];
	[tilespmem:v29+s19+$0x0] =	vst.idx.msk $0xffff, v23  }
0x639: {  	v25 =	vor.u32 v37, v35;
	v29 =	vld.idx.msk [tilespmem:v18+s16+$0x0], $0xffff  }
0x63a: {  	v17 =	vor.u32 v3, v2;
	v18 =	vld [tilespmem:$0x1FF40]  }
0x63b: {  	v19 =	vor.u32 v3, v34;
	[tilespmem:v21+s19+$0x0] =	vst.idx.msk $0xffff, v27;
	v21 =	vld [tilespmem:$0x1FF50]  }
0x63c: {  	v36 =	vld.idx.msk [tilespmem:v11+s16+$0x0], $0xffff;
	v9 =	vor.u32 v6, v28  }
0x63d: {  	[tilespmem:v8+s19+$0x0] =	vst.idx.msk $0xffff, v15;
	v8 =	vld [tilespmem:$0x1FF00]  }
0x63e: {  	[tilespmem:v25+s19+$0x0] =	vst.idx.msk $0xffff, v20;
	v11 =	vshll.u32 v5, $0x7;
	v5 =	vshll.u32 v24, $0x7;
	v15 =	vor.u32 v6, v30  }
0x63f: {  	v23 =	vld.idx.msk [tilespmem:v17+s16+$0x0], $0xffff;
	v13 =	vor.u32 v6, v7;
	v24 =	vor.u32 v6, v26;
	v25 =	vor.u32 v18, v35  }
0x640: {  	v27 =	vor.u32 v18, v10;
	v38 =	vld.idx.msk [tilespmem:v19+s16+$0x0], $0xffff;
	v39 =	vor.u32 v18, v16;
	v37 =	vor.u32 v21, v2  }
0x641: {  	v18 =	vor.u32 v18, v32;
	v2 =	vor.u32 v40, v32;
	[tilespmem:v22+s19+$0x0] =	vst.idx.msk $0xffff, v36;
	v19 =	vld.idx.msk [tilespmem:v9+s16+$0x0], $0xffff  }
0x642: {  	p0 =	slt.u32 s21, $0xC;
	v14 =	vshll.u32 v14, $0x7;
	v33 =	vor.u32 v21, v33;
	[tilespmem:$0x1FD20] =	vst v2;
	v17 =	vld.idx.msk [tilespmem:v12+s16+$0x0], $0xffff;
	v20 =	vor.u32 v8, v4  }
.Ltmp20:
0x643: {  	v10 =	vshll.u32 v1, $0x7;
	v6 =	vor.u32 v40, v14;
	v1 =	vor.u32 v21, v34;
	[tilespmem:$0x1FD10] =	vst v20;
	v20 =	vld.idx.msk [tilespmem:v15+s16+$0x0], $0xffff;
	(pc) =	sbr.rel @p0 .LBB2_41-.Ltmp20, $4  }
0x644: {  	v9 =	vor.u32 v40, v16;
	[tilespmem:v25+s19+$0x0] =	vst.idx.msk $0xffff, v23;
	v15 =	vor.u32 v21, v31;
	v21 =	vld.idx.msk [tilespmem:v24+s16+$0x0], $0xffff  }
0x645: {  	v16 =	vor.u32 v40, v35;
	v12 =	vor.u32 v3, v7;
	[tilespmem:v27+s19+$0x0] =	vst.idx.msk $0xffff, v29;
	v24 =	vld.idx.msk [tilespmem:v37+s16+$0x0], $0xffff  }
0x646: {  	v2 =	vmov v28;
	v22 =	vor.u32 v8, v11;
	v28 =	vor.u32 v8, v10;
	[tilespmem:v39+s19+$0x0] =	vst.idx.msk $0xffff, v38;
	v39 =	vld [tilespmem:$0x1FCF0]  }
0x647: {  	s21 =	sadd.s32 $0x4, s21;
	v25 =	vor.u32 v41, v2;
	v23 =	vor.u32 v8, v5;
	v27 =	vor.u32 v41, v30;
	v36 =	vld.idx.msk [tilespmem:v33+s16+$0x0], $0xffff  }
0x648: {  	_ =	sdelay $0x3  }
0x649: {  	v3 =	vld [tilespmem:$0x1FF10];
	[tilespmem:v22+s19+$0x0] =	vst.idx.msk $0xffff, v19  }
0x64a: {  	[tilespmem:v28+s19+$0x0] =	vst.idx.msk $0xffff, v20  }
0x64b: {  	v28 =	vld [tilespmem:$0x1FF20];
	_ =	sdelay $0x2  }
0x64c: {  	v29 =	vor.u32 v3, v26;
	v31 =	vor.u32 v3, v7;
	v3 =	vld [tilespmem:$0x1FF30];
	[tilespmem:v23+s19+$0x0] =	vst.idx.msk $0xffff, v21  }
0x64d: {  	v8 =	vld [tilespmem:$0x1FD10]  }
0x64e: {  	v19 =	vld.idx.msk [tilespmem:v25+s16+$0x0], $0xffff;
	v20 =	vor.u32 v28, v11  }
0x64f: {  	v21 =	vld.idx.msk [tilespmem:v27+s16+$0x0], $0xffff;
	v14 =	vor.u32 v28, v14  }
0x650: {  	v13 =	vld.idx.msk [tilespmem:v13+s16+$0x0], $0xffff;
	_ =	sdelay $0x1  }
0x651: {  	[tilespmem:v18+s19+$0x0] =	vst.idx.msk $0xffff, v17  }
0x652: {  	[tilespmem:v20+s19+$0x0] =	vst.idx.msk $0xffff, v19  }
0x653: {  	[tilespmem:v14+s19+$0x0] =	vst.idx.msk $0xffff, v21  }
0x654: {  	v22 =	vor.u32 v3, v2;
	[tilespmem:v8+s19+$0x0] =	vst.idx.msk $0xffff, v13;
	v8 =	vld.idx.msk [tilespmem:v29+s16+$0x0], $0xffff  }
0x655: {  	v25 =	vor.u32 v28, v5;
	v23 =	vor.u32 v3, v30;
	v20 =	vld [tilespmem:$0x1FF40];
	_ =	sdelay $0x1  }
0x656: {  	v27 =	vor.u32 v3, v26;
	v13 =	vor.u32 v28, v4;
	v28 =	vld.idx.msk [tilespmem:v31+s16+$0x0], $0xffff;
	_ =	sdelay $0x1  }
0x657: {  	v14 =	vld.idx.msk [tilespmem:v22+s16+$0x0], $0xffff  }
0x658: {  	v18 =	vld.idx.msk [tilespmem:v23+s16+$0x0], $0xffff;
	[tilespmem:v25+s19+$0x0] =	vst.idx.msk $0xffff, v8;
	v17 =	vor.u32 v20, v11  }
0x659: {  	v8 =	vor.u32 v20, v10;
	v3 =	vld [tilespmem:$0x1FF50]  }
0x65a: {  	v10 =	vld.idx.msk [tilespmem:v27+s16+$0x0], $0xffff;
	[tilespmem:v13+s19+$0x0] =	vst.idx.msk $0xffff, v28;
	v13 =	vor.u32 v20, v5  }
0x65b: {  	[tilespmem:v16+s19+$0x0] =	vst.idx.msk $0xffff, v24;
	v16 =	vor.u32 v20, v4;
	v12 =	vld.idx.msk [tilespmem:v12+s16+$0x0], $0xffff  }
0x65c: {  	v1 =	vld.idx.msk [tilespmem:v1+s16+$0x0], $0xffff;
	[tilespmem:v39+s19+$0x0] =	vst.idx.msk $0xffff, v36  }
0x65d: {  	[tilespmem:v17+s19+$0x0] =	vst.idx.msk $0xffff, v14  }
0x65e: {  	v14 =	vld [tilespmem:$0x1FF60];
	[tilespmem:v8+s19+$0x0] =	vst.idx.msk $0xffff, v18  }
0x65f: {  	[tilespmem:v13+s19+$0x0] =	vst.idx.msk $0xffff, v10  }
0x660: {  	[tilespmem:v16+s19+$0x0] =	vst.idx.msk $0xffff, v12  }
0x661: {  	v19 =	vor.u32 v3, v30;
	[tilespmem:v9+s19+$0x0] =	vst.idx.msk $0xffff, v1  }
0x662: {  	v2 =	vor.u32 v3, v2;
	v20 =	vor.u32 v3, v26;
	v7 =	vor.u32 v3, v7;
	v3 =	vld [tilespmem:$0x1FD20];
	_ =	sdelay $0x2  }
0x663: {  	v15 =	vld.idx.msk [tilespmem:v15+s16+$0x0], $0xffff  }
0x664: {  	v8 =	vld.idx.msk [tilespmem:v19+s16+$0x0], $0xffff  }
0x665: {  	v2 =	vld.idx.msk [tilespmem:v2+s16+$0x0], $0xffff;
	v11 =	vor.u32 v14, v11  }
0x666: {  	v10 =	vld.idx.msk [tilespmem:v20+s16+$0x0], $0xffff;
	v5 =	vor.u32 v14, v5  }
0x667: {  	v1 =	vor.u32 v14, v4;
	v4 =	vld.idx.msk [tilespmem:v7+s16+$0x0], $0xffff  }
0x668: {  	[tilespmem:v3+s19+$0x0] =	vst.idx.msk $0xffff, v15  }
0x669: {  	[tilespmem:v6+s19+$0x0] =	vst.idx.msk $0xffff, v8  }
0x66a: {  	[tilespmem:v11+s19+$0x0] =	vst.idx.msk $0xffff, v2  }
0x66b: {  	[tilespmem:v5+s19+$0x0] =	vst.idx.msk $0xffff, v10  }
0x66c: {  	[tilespmem:v1+s19+$0x0] =	vst.idx.msk $0xffff, v4  }
0x66d: {  	v1 =	vld [tilespmem:$0x3A0];
	_ =	sdelay $0x2  }
0x66e: {  	v36 =	vld [tilespmem:$0x1FF70]  }
0x66f: {  	s21 =	simm.s32 $0x1  }
0x670: {  	v2 =	vadd.s32 s21, v0;
	v1 =	vshll.u32 v1, $0x6  }
0x671: {  	s26 =	simm.s32 $0x0;
	v26 =	vand.u32 $0x40, v1;
	v1 =	vand.u32 $0xF, v2  }
0x672: {  	v2 =	vadd.s32 s26, v0;
	v12 =	vor.u32 v26, v1  }
0x673: {  	s28 =	simm.s32 $0x3;
	v23 =	vld [tilespmem:$0x1FF80];
	v5 =	vand.u32 $0xF, v2;
	v4 =	vor.u32 v36, v12  }
0x674: {  	s22 =	simm.s32 $0x2;
	v6 =	vadd.s32 s28, v0;
	v9 =	vor.u32 v26, v5  }
0x675: {  	v7 =	vadd.s32 s22, v0;
	v6 =	vand.u32 $0xF, v6;
	v3 =	vld [tilespmem:$0x1FF90];
	v8 =	vor.u32 v36, v9  }
0x676: {  	v7 =	vand.u32 $0xF, v7;
	v27 =	vld [tilespmem:$0x1FFF0];
	v16 =	vor.u32 v26, v6  }
0x677: {  	v29 =	vld [tilespmem:$0x1FFA0];
	v24 =	vshll.u32 v1, $0x7;
	v1 =	vor.u32 v26, v7;
	v10 =	vor.u32 v36, v16  }
0x678: {  	v15 =	vshll.u32 v7, $0x7;
	v11 =	vor.u32 v23, v24;
	v7 =	vor.u32 v36, v1;
	v4 =	vld.idx.msk [tilespmem:v4+s16+$0x0], $0xffff  }
0x679: {  	v17 =	vshll.u32 v5, $0x7  }
0x67a: {  	v20 =	vshll.u32 v6, $0x7;
	v13 =	vor.u32 v3, v12;
	v6 =	vld.idx.msk [tilespmem:v8+s16+$0x0], $0xffff;
	v8 =	vor.u32 v23, v17  }
0x67b: {  	v40 =	vld [tilespmem:$0x1FFB0];
	v14 =	vor.u32 v23, v20;
	v2 =	vshll.u32 v2, $0x7  }
0x67c: {  	v5 =	vor.u32 v23, v15;
	v39 =	vor.u32 v27, v2;
	v18 =	vor.u32 v3, v9;
	v10 =	vld.idx.msk [tilespmem:v10+s16+$0x0], $0xffff  }
0x67d: {  	v21 =	vor.u32 v29, v2;
	v2 =	vor.u32 v3, v16;
	[tilespmem:v11+s19+$0x0] =	vst.idx.msk $0xffff, v4;
	v11 =	vld.idx.msk [tilespmem:v7+s16+$0x0], $0xffff  }
0x67e: {  	v22 =	vor.u32 v29, v15;
	v25 =	vor.u32 v3, v1  }
0x67f: {  	v28 =	vor.u32 v29, v20;
	[tilespmem:v8+s19+$0x0] =	vst.idx.msk $0xffff, v6;
	v8 =	vor.u32 v29, v24;
	v29 =	vld.idx.msk [tilespmem:v13+s16+$0x0], $0xffff  }
0x680: {  	s30 =	simm.s32 $0x5;
	s31 =	simm.s32 $0x6  }
0x681: {  	v4 =	vadd.s32 s30, v0;
	v7 =	vadd.s32 s31, v0;
	[tilespmem:v14+s19+$0x0] =	vst.idx.msk $0xffff, v10;
	v10 =	vld.idx.msk [tilespmem:v18+s16+$0x0], $0xffff  }
0x682: {  	s29 =	simm.s32 $0x4;
	v38 =	vor.u32 v40, v9;
	v32 =	vld.idx.msk [tilespmem:v2+s16+$0x0], $0xffff;
	v18 =	vand.u32 $0xF, v4;
	v4 =	vand.u32 $0xF, v7;
	[tilespmem:v5+s19+$0x0] =	vst.idx.msk $0xffff, v11  }
0x683: {  	v6 =	vadd.s32 s29, v0;
	v7 =	vor.u32 v26, v4;
	v4 =	vshll.u32 v4, $0x7;
	v25 =	vld.idx.msk [tilespmem:v25+s16+$0x0], $0xffff;
	[tilespmem:$0x1FCB0] =	vst v26  }
0x684: {  	v33 =	vand.u32 $0xF, v6;
	v14 =	vshll.u32 v6, $0x7;
	v6 =	vor.u32 v23, v4;
	[tilespmem:v8+s19+$0x0] =	vst.idx.msk $0xffff, v29  }
0x685: {  	[tilespmem:$0x1FCC0] =	vst v6  }
0x686: {  	v19 =	vor.u32 v40, v12;
	[tilespmem:v21+s19+$0x0] =	vst.idx.msk $0xffff, v10  }
0x687: {  	v10 =	vld.idx.msk [tilespmem:v38+s16+$0x0], $0xffff;
	_ =	sdelay $0x3  }
0x688: {  	v8 =	vld.idx.msk [tilespmem:v19+s16+$0x0], $0xffff  }
0x689: {  	[tilespmem:$0x1FCE0] =	vst v10;
	v10 =	vld [tilespmem:$0x1FFC0]  }
0x68a: {  	[tilespmem:v28+s19+$0x0] =	vst.idx.msk $0xffff, v32  }
0x68b: {  	s23 =	simm.s32 $0x7;
	v21 =	vld [tilespmem:$0x1FFE0]  }
0x68c: {  	v37 =	vor.u32 v40, v16;
	v13 =	vadd.s32 s23, v0  }
0x68d: {  	v31 =	vand.u32 $0xF, v13;
	v2 =	vor.u32 v26, v18;
	v30 =	vor.u32 v26, v33  }
0x68e: {  	v5 =	vshll.u32 v31, $0x7;
	v26 =	vor.u32 v26, v31;
	v31 =	vor.u32 v10, v24  }
0x68f: {  	v34 =	vor.u32 v36, v2;
	v13 =	vor.u32 v36, v7;
	v35 =	vor.u32 v36, v30  }
0x690: {  	v29 =	vor.u32 v36, v26;
	v36 =	vor.u32 v21, v12;
	v12 =	vor.u32 v27, v15  }
0x691: {  	[tilespmem:$0x1FCD0] =	vst v12  }
0x692: {  	[tilespmem:v22+s19+$0x0] =	vst.idx.msk $0xffff, v25  }
0x693: {  	v41 =	vor.u32 v40, v1;
	v37 =	vld.idx.msk [tilespmem:v37+s16+$0x0], $0xffff;
	[tilespmem:v31+s19+$0x0] =	vst.idx.msk $0xffff, v8  }
0x694: {  	v32 =	vor.u32 v10, v17;
	v8 =	vld [tilespmem:$0x1FCE0]  }
0x695: {  	v11 =	vshll.u32 v18, $0x7;
	v38 =	vor.u32 v10, v20;
	v19 =	vld.idx.msk [tilespmem:v34+s16+$0x0], $0xffff;
	v34 =	vor.u32 v21, v9  }
0x696: {  	v6 =	vor.u32 v27, v14;
	v18 =	vor.u32 v10, v15;
	v9 =	vor.u32 v27, v20;
	v20 =	vld.idx.msk [tilespmem:v35+s16+$0x0], $0xffff  }
0x697: {  	v10 =	vshll.u32 v33, $0x7;
	v15 =	vor.u32 v21, v1;
	v1 =	vor.u32 v21, v16;
	v21 =	vld.idx.msk [tilespmem:v29+s16+$0x0], $0xffff  }
0x698: {  	v28 =	vor.u32 v23, v10;
	v16 =	vor.u32 v27, v24;
	v12 =	vor.u32 v40, v7;
	v17 =	vld.idx.msk [tilespmem:v41+s16+$0x0], $0xffff  }
0x699: {  	v22 =	vor.u32 v23, v11;
	v25 =	vor.u32 v3, v2;
	v24 =	vld.idx.msk [tilespmem:v36+s16+$0x0], $0xffff;
	[tilespmem:v32+s19+$0x0] =	vst.idx.msk $0xffff, v8  }
0x69a: {  	s21 =	simm.s32 $0x8;
	v23 =	vor.u32 v23, v5;
	v27 =	vor.u32 v3, v30;
	[tilespmem:v38+s19+$0x0] =	vst.idx.msk $0xffff, v37;
	v36 =	vld.idx.msk [tilespmem:v34+s16+$0x0], $0xffff  }
.LBB2_43:
0x69b: {  	v37 =	vld [tilespmem:$0x1FFA0]  }
0x69c: {  	s22 =	smov.u32 s21;
	v41 =	vld [tilespmem:$0x1FF90]  }
0x69d: {  	v13 =	vld.idx.msk [tilespmem:v13+s16+$0x0], $0xffff;
	s24 =	sadd.s32 $0x2, s22  }
0x69e: {  	v31 =	vmov v7;
	v3 =	vld [tilespmem:$0x1FFB0];
	v8 =	vmov v6;
	v7 =	vadd.s32 s24, v0  }
0x69f: {  	[tilespmem:$0x1FCA0] =	vst v8;
	v6 =	vand.u32 $0xF, v7;
	v7 =	vld [tilespmem:$0x1FCC0]  }
0x6a0: {  	v32 =	vmov v4;
	v34 =	vmov v26;
	v8 =	vld [tilespmem:$0x1FCB0];
	[tilespmem:v22+s19+$0x0] =	vst.idx.msk $0xffff, v19  }
0x6a1: {  	v1 =	vld.idx.msk [tilespmem:v1+s16+$0x0], $0xffff;
	[tilespmem:v28+s19+$0x0] =	vst.idx.msk $0xffff, v20;
	v22 =	vor.u32 v37, v4;
	v4 =	vor.u32 v41, v34  }
0x6a2: {  	s23 =	sadd.s32 $0x1, s22;
	v20 =	vld.idx.msk [tilespmem:v25+s16+$0x0], $0xffff;
	[tilespmem:v23+s19+$0x0] =	vst.idx.msk $0xffff, v21;
	v29 =	vor.u32 v37, v14  }
0x6a3: {  	[tilespmem:v16+s19+$0x0] =	vst.idx.msk $0xffff, v24;
	v16 =	vmovc v5;
	v21 =	vor.u32 v37, v5;
	v14 =	vadd.s32 s22, v0;
	s22 =	sadd.s32 $0x3, s22;
	v5 =	vadd.s32 s23, v0  }
0x6a4: {  	v33 =	vmov v30;
	[tilespmem:v18+s19+$0x0] =	vst.idx.msk $0xffff, v17;
	v23 =	vld.idx.msk [tilespmem:v27+s16+$0x0], $0xffff;
	v24 =	vadd.s32 s22, v0;
	v5 =	vand.u32 $0xF, v5  }
0x6a5: {  	v15 =	vld.idx.msk [tilespmem:v15+s16+$0x0], $0xffff;
	v18 =	vor.u32 v3, v33;
	v24 =	vand.u32 $0xF, v24;
	v28 =	vor.u32 v8, v5  }
0x6a6: {  	v26 =	vor.u32 v8, v24;
	v27 =	vld.idx.msk [tilespmem:v4+s16+$0x0], $0xffff;
	[tilespmem:v9+s19+$0x0] =	vst.idx.msk $0xffff, v1;
	v1 =	vand.u32 $0xF, v14  }
0x6a7: {  	[tilespmem:v7+s19+$0x0] =	vst.idx.msk $0xffff, v13;
	v7 =	vor.u32 v8, v6;
	v30 =	vor.u32 v8, v1;
	v8 =	vld [tilespmem:$0x1FCD0];
	_ =	sdelay $0x1  }
0x6a8: {  	v35 =	vmov v11;
	[tilespmem:v39+s19+$0x0] =	vst.idx.msk $0xffff, v36;
	v11 =	vor.u32 v41, v31;
	v4 =	vshll.u32 v6, $0x7;
	v6 =	vld [tilespmem:$0x1FF70]  }
0x6a9: {  	v40 =	vld [tilespmem:$0x1FFF0];
	[tilespmem:v29+s19+$0x0] =	vst.idx.msk $0xffff, v23  }
0x6aa: {  	v25 =	vor.u32 v37, v35;
	v29 =	vld.idx.msk [tilespmem:v18+s16+$0x0], $0xffff  }
0x6ab: {  	v17 =	vor.u32 v3, v2;
	v18 =	vld [tilespmem:$0x1FFC0]  }
0x6ac: {  	v19 =	vor.u32 v3, v34;
	[tilespmem:v21+s19+$0x0] =	vst.idx.msk $0xffff, v27;
	v21 =	vld [tilespmem:$0x1FFE0]  }
0x6ad: {  	v36 =	vld.idx.msk [tilespmem:v11+s16+$0x0], $0xffff;
	v9 =	vor.u32 v6, v28  }
0x6ae: {  	[tilespmem:v8+s19+$0x0] =	vst.idx.msk $0xffff, v15;
	v8 =	vld [tilespmem:$0x1FF80]  }
0x6af: {  	[tilespmem:v25+s19+$0x0] =	vst.idx.msk $0xffff, v20;
	v11 =	vshll.u32 v5, $0x7;
	v5 =	vshll.u32 v24, $0x7;
	v15 =	vor.u32 v6, v30  }
0x6b0: {  	v23 =	vld.idx.msk [tilespmem:v17+s16+$0x0], $0xffff;
	v13 =	vor.u32 v6, v7;
	v24 =	vor.u32 v6, v26;
	v25 =	vor.u32 v18, v35  }
0x6b1: {  	v27 =	vor.u32 v18, v10;
	v38 =	vld.idx.msk [tilespmem:v19+s16+$0x0], $0xffff;
	v39 =	vor.u32 v18, v16;
	v37 =	vor.u32 v21, v2  }
0x6b2: {  	v18 =	vor.u32 v18, v32;
	v2 =	vor.u32 v40, v32;
	[tilespmem:v22+s19+$0x0] =	vst.idx.msk $0xffff, v36;
	v19 =	vld.idx.msk [tilespmem:v9+s16+$0x0], $0xffff  }
0x6b3: {  	p0 =	slt.u32 s21, $0xC;
	v14 =	vshll.u32 v14, $0x7;
	v33 =	vor.u32 v21, v33;
	[tilespmem:$0x1FCD0] =	vst v2;
	v17 =	vld.idx.msk [tilespmem:v12+s16+$0x0], $0xffff;
	v20 =	vor.u32 v8, v4  }
.Ltmp21:
0x6b4: {  	v10 =	vshll.u32 v1, $0x7;
	v6 =	vor.u32 v40, v14;
	v1 =	vor.u32 v21, v34;
	[tilespmem:$0x1FCC0] =	vst v20;
	v20 =	vld.idx.msk [tilespmem:v15+s16+$0x0], $0xffff;
	(pc) =	sbr.rel @p0 .LBB2_43-.Ltmp21, $4  }
0x6b5: {  	v9 =	vor.u32 v40, v16;
	[tilespmem:v25+s19+$0x0] =	vst.idx.msk $0xffff, v23;
	v15 =	vor.u32 v21, v31;
	v21 =	vld.idx.msk [tilespmem:v24+s16+$0x0], $0xffff  }
0x6b6: {  	v16 =	vor.u32 v40, v35;
	v12 =	vor.u32 v3, v7;
	[tilespmem:v27+s19+$0x0] =	vst.idx.msk $0xffff, v29;
	v24 =	vld.idx.msk [tilespmem:v37+s16+$0x0], $0xffff  }
0x6b7: {  	v2 =	vmov v28;
	v22 =	vor.u32 v8, v11;
	v28 =	vor.u32 v8, v10;
	[tilespmem:v39+s19+$0x0] =	vst.idx.msk $0xffff, v38;
	v39 =	vld [tilespmem:$0x1FCA0]  }
0x6b8: {  	s21 =	sadd.s32 $0x4, s21;
	v25 =	vor.u32 v41, v2;
	v23 =	vor.u32 v8, v5;
	v27 =	vor.u32 v41, v30;
	v36 =	vld.idx.msk [tilespmem:v33+s16+$0x0], $0xffff  }
0x6b9: {  	_ =	sdelay $0x3  }
0x6ba: {  	v3 =	vld [tilespmem:$0x1FF90];
	[tilespmem:v22+s19+$0x0] =	vst.idx.msk $0xffff, v19  }
0x6bb: {  	[tilespmem:v28+s19+$0x0] =	vst.idx.msk $0xffff, v20  }
0x6bc: {  	v28 =	vld [tilespmem:$0x1FFA0];
	_ =	sdelay $0x2  }
0x6bd: {  	v29 =	vor.u32 v3, v26;
	v31 =	vor.u32 v3, v7;
	v3 =	vld [tilespmem:$0x1FFB0];
	[tilespmem:v23+s19+$0x0] =	vst.idx.msk $0xffff, v21  }
0x6be: {  	v8 =	vld [tilespmem:$0x1FCC0]  }
0x6bf: {  	v19 =	vld.idx.msk [tilespmem:v25+s16+$0x0], $0xffff;
	v20 =	vor.u32 v28, v11  }
0x6c0: {  	v21 =	vld.idx.msk [tilespmem:v27+s16+$0x0], $0xffff;
	v14 =	vor.u32 v28, v14  }
0x6c1: {  	v13 =	vld.idx.msk [tilespmem:v13+s16+$0x0], $0xffff;
	_ =	sdelay $0x1  }
0x6c2: {  	[tilespmem:v18+s19+$0x0] =	vst.idx.msk $0xffff, v17  }
0x6c3: {  	[tilespmem:v20+s19+$0x0] =	vst.idx.msk $0xffff, v19  }
0x6c4: {  	[tilespmem:v14+s19+$0x0] =	vst.idx.msk $0xffff, v21  }
0x6c5: {  	v22 =	vor.u32 v3, v2;
	[tilespmem:v8+s19+$0x0] =	vst.idx.msk $0xffff, v13;
	v8 =	vld.idx.msk [tilespmem:v29+s16+$0x0], $0xffff  }
0x6c6: {  	v25 =	vor.u32 v28, v5;
	v23 =	vor.u32 v3, v30;
	v20 =	vld [tilespmem:$0x1FFC0];
	_ =	sdelay $0x1  }
0x6c7: {  	v27 =	vor.u32 v3, v26;
	v13 =	vor.u32 v28, v4;
	v28 =	vld.idx.msk [tilespmem:v31+s16+$0x0], $0xffff;
	_ =	sdelay $0x1  }
0x6c8: {  	v14 =	vld.idx.msk [tilespmem:v22+s16+$0x0], $0xffff  }
0x6c9: {  	v18 =	vld.idx.msk [tilespmem:v23+s16+$0x0], $0xffff;
	[tilespmem:v25+s19+$0x0] =	vst.idx.msk $0xffff, v8;
	v17 =	vor.u32 v20, v11  }
0x6ca: {  	v8 =	vor.u32 v20, v10;
	v3 =	vld [tilespmem:$0x1FFE0]  }
0x6cb: {  	v10 =	vld.idx.msk [tilespmem:v27+s16+$0x0], $0xffff;
	[tilespmem:v13+s19+$0x0] =	vst.idx.msk $0xffff, v28;
	v13 =	vor.u32 v20, v5  }
0x6cc: {  	[tilespmem:v16+s19+$0x0] =	vst.idx.msk $0xffff, v24;
	v16 =	vor.u32 v20, v4;
	v12 =	vld.idx.msk [tilespmem:v12+s16+$0x0], $0xffff  }
0x6cd: {  	v1 =	vld.idx.msk [tilespmem:v1+s16+$0x0], $0xffff;
	[tilespmem:v39+s19+$0x0] =	vst.idx.msk $0xffff, v36  }
0x6ce: {  	[tilespmem:v17+s19+$0x0] =	vst.idx.msk $0xffff, v14  }
0x6cf: {  	v14 =	vld [tilespmem:$0x1FFF0];
	[tilespmem:v8+s19+$0x0] =	vst.idx.msk $0xffff, v18  }
0x6d0: {  	[tilespmem:v13+s19+$0x0] =	vst.idx.msk $0xffff, v10  }
0x6d1: {  	[tilespmem:v16+s19+$0x0] =	vst.idx.msk $0xffff, v12  }
0x6d2: {  	v19 =	vor.u32 v3, v30;
	[tilespmem:v9+s19+$0x0] =	vst.idx.msk $0xffff, v1  }
0x6d3: {  	v2 =	vor.u32 v3, v2;
	v20 =	vor.u32 v3, v26;
	v7 =	vor.u32 v3, v7;
	v3 =	vld [tilespmem:$0x1FCD0];
	_ =	sdelay $0x2  }
0x6d4: {  	v15 =	vld.idx.msk [tilespmem:v15+s16+$0x0], $0xffff  }
0x6d5: {  	v8 =	vld.idx.msk [tilespmem:v19+s16+$0x0], $0xffff  }
0x6d6: {  	v2 =	vld.idx.msk [tilespmem:v2+s16+$0x0], $0xffff;
	v11 =	vor.u32 v14, v11  }
0x6d7: {  	v10 =	vld.idx.msk [tilespmem:v20+s16+$0x0], $0xffff;
	v5 =	vor.u32 v14, v5  }
0x6d8: {  	v1 =	vor.u32 v14, v4;
	v4 =	vld.idx.msk [tilespmem:v7+s16+$0x0], $0xffff  }
0x6d9: {  	[tilespmem:v3+s19+$0x0] =	vst.idx.msk $0xffff, v15  }
0x6da: {  	[tilespmem:v6+s19+$0x0] =	vst.idx.msk $0xffff, v8  }
0x6db: {  	[tilespmem:v11+s19+$0x0] =	vst.idx.msk $0xffff, v2  }
0x6dc: {  	[tilespmem:v5+s19+$0x0] =	vst.idx.msk $0xffff, v10  }
0x6dd: {  	[tilespmem:v1+s19+$0x0] =	vst.idx.msk $0xffff, v4  }
0x6de: {  	v1 =	vld [tilespmem:$0x3B0];
	_ =	sdelay $0x2  }
0x6df: {  	v36 =	vld [tilespmem:$0x1FE20]  }
0x6e0: {  	s21 =	simm.s32 $0x1  }
0x6e1: {  	v2 =	vadd.s32 s21, v0;
	v1 =	vshll.u32 v1, $0x6  }
0x6e2: {  	s26 =	simm.s32 $0x0;
	v26 =	vand.u32 $0x40, v1;
	v1 =	vand.u32 $0xF, v2  }
0x6e3: {  	v2 =	vadd.s32 s26, v0;
	v12 =	vor.u32 v26, v1  }
0x6e4: {  	s28 =	simm.s32 $0x3;
	v23 =	vld [tilespmem:$0x1FE10];
	v5 =	vand.u32 $0xF, v2;
	v4 =	vor.u32 v36, v12  }
0x6e5: {  	s22 =	simm.s32 $0x2;
	v6 =	vadd.s32 s28, v0;
	v9 =	vor.u32 v26, v5  }
0x6e6: {  	v7 =	vadd.s32 s22, v0;
	v6 =	vand.u32 $0xF, v6;
	v3 =	vld [tilespmem:$0x1FE40];
	v8 =	vor.u32 v36, v9  }
0x6e7: {  	v7 =	vand.u32 $0xF, v7;
	v39 =	vld [tilespmem:$0x1FE30];
	v16 =	vor.u32 v26, v6  }
0x6e8: {  	v29 =	vld [tilespmem:$0x1FE50];
	v24 =	vshll.u32 v1, $0x7;
	v1 =	vor.u32 v26, v7;
	v10 =	vor.u32 v36, v16  }
0x6e9: {  	v15 =	vshll.u32 v7, $0x7;
	v11 =	vor.u32 v23, v24;
	v7 =	vor.u32 v36, v1;
	v4 =	vld.idx.msk [tilespmem:v4+s16+$0x0], $0xffff  }
0x6ea: {  	v17 =	vshll.u32 v5, $0x7  }
0x6eb: {  	v20 =	vshll.u32 v6, $0x7;
	v13 =	vor.u32 v3, v12;
	v6 =	vld.idx.msk [tilespmem:v8+s16+$0x0], $0xffff;
	v8 =	vor.u32 v23, v17  }
0x6ec: {  	v37 =	vld [tilespmem:$0x1FE60];
	v14 =	vor.u32 v23, v20;
	v2 =	vshll.u32 v2, $0x7  }
0x6ed: {  	v5 =	vor.u32 v23, v15;
	v41 =	vor.u32 v39, v2;
	v18 =	vor.u32 v3, v9;
	v10 =	vld.idx.msk [tilespmem:v10+s16+$0x0], $0xffff  }
0x6ee: {  	v21 =	vor.u32 v29, v2;
	v2 =	vor.u32 v3, v16;
	[tilespmem:v11+s19+$0x0] =	vst.idx.msk $0xffff, v4;
	v11 =	vld.idx.msk [tilespmem:v7+s16+$0x0], $0xffff  }
0x6ef: {  	v22 =	vor.u32 v29, v15;
	v25 =	vor.u32 v3, v1  }
0x6f0: {  	v28 =	vor.u32 v29, v20;
	[tilespmem:v8+s19+$0x0] =	vst.idx.msk $0xffff, v6;
	v8 =	vor.u32 v29, v24;
	v29 =	vld.idx.msk [tilespmem:v13+s16+$0x0], $0xffff  }
0x6f1: {  	s30 =	simm.s32 $0x5;
	s31 =	simm.s32 $0x6  }
0x6f2: {  	v4 =	vadd.s32 s30, v0;
	v7 =	vadd.s32 s31, v0;
	[tilespmem:v14+s19+$0x0] =	vst.idx.msk $0xffff, v10;
	v10 =	vld.idx.msk [tilespmem:v18+s16+$0x0], $0xffff  }
0x6f3: {  	s29 =	simm.s32 $0x4;
	v32 =	vld.idx.msk [tilespmem:v2+s16+$0x0], $0xffff;
	v18 =	vand.u32 $0xF, v4;
	v4 =	vand.u32 $0xF, v7;
	[tilespmem:v5+s19+$0x0] =	vst.idx.msk $0xffff, v11  }
0x6f4: {  	v6 =	vadd.s32 s29, v0;
	v7 =	vor.u32 v26, v4;
	v4 =	vshll.u32 v4, $0x7;
	v25 =	vld.idx.msk [tilespmem:v25+s16+$0x0], $0xffff;
	[tilespmem:$0x1FC60] =	vst v26  }
0x6f5: {  	v33 =	vand.u32 $0xF, v6;
	v14 =	vshll.u32 v6, $0x7;
	v6 =	vor.u32 v23, v4;
	[tilespmem:v8+s19+$0x0] =	vst.idx.msk $0xffff, v29  }
0x6f6: {  	[tilespmem:$0x1FC70] =	vst v6  }
0x6f7: {  	[tilespmem:v21+s19+$0x0] =	vst.idx.msk $0xffff, v10  }
0x6f8: {  	v10 =	vld [tilespmem:$0x1FE70];
	[tilespmem:v28+s19+$0x0] =	vst.idx.msk $0xffff, v32  }
0x6f9: {  	v19 =	vor.u32 v37, v12;
	v21 =	vld [tilespmem:$0x1FE80]  }
0x6fa: {  	s23 =	simm.s32 $0x7;
	v27 =	vor.u32 v37, v9  }
0x6fb: {  	v38 =	vor.u32 v37, v16;
	v13 =	vadd.s32 s23, v0;
	v2 =	vor.u32 v26, v18  }
0x6fc: {  	v31 =	vand.u32 $0xF, v13;
	v30 =	vor.u32 v26, v33;
	v34 =	vor.u32 v36, v2  }
0x6fd: {  	v13 =	vor.u32 v36, v7;
	v35 =	vor.u32 v36, v30;
	v26 =	vor.u32 v26, v31  }
0x6fe: {  	v29 =	vor.u32 v36, v26;
	v8 =	vld.idx.msk [tilespmem:v19+s16+$0x0], $0xffff;
	v36 =	vor.u32 v21, v12;
	v12 =	vor.u32 v39, v15  }
0x6ff: {  	v27 =	vld.idx.msk [tilespmem:v27+s16+$0x0], $0xffff;
	[tilespmem:$0x1FC80] =	vst v12  }
0x700: {  	v12 =	vld.idx.msk [tilespmem:v38+s16+$0x0], $0xffff;
	_ =	sdelay $0x1  }
0x701: {  	v5 =	vshll.u32 v31, $0x7;
	v31 =	vor.u32 v10, v24  }
0x702: {  	v32 =	vor.u32 v10, v17;
	_ =	sdelay $0x1  }
0x703: {  	[tilespmem:$0x1FC90] =	vst v12  }
0x704: {  	[tilespmem:v22+s19+$0x0] =	vst.idx.msk $0xffff, v25  }
0x705: {  	v40 =	vor.u32 v37, v1;
	[tilespmem:v31+s19+$0x0] =	vst.idx.msk $0xffff, v8  }
0x706: {  	v38 =	vor.u32 v10, v20;
	v19 =	vld.idx.msk [tilespmem:v34+s16+$0x0], $0xffff;
	[tilespmem:v32+s19+$0x0] =	vst.idx.msk $0xffff, v27  }
0x707: {  	v34 =	vor.u32 v21, v9;
	v25 =	vor.u32 v3, v2;
	v27 =	vor.u32 v3, v30;
	v3 =	vld [tilespmem:$0x1FC90]  }
0x708: {  	v11 =	vshll.u32 v18, $0x7;
	v9 =	vor.u32 v39, v20;
	v20 =	vld.idx.msk [tilespmem:v35+s16+$0x0], $0xffff  }
0x709: {  	v18 =	vor.u32 v10, v15;
	v15 =	vor.u32 v21, v1;
	v1 =	vor.u32 v21, v16;
	v21 =	vld.idx.msk [tilespmem:v29+s16+$0x0], $0xffff  }
0x70a: {  	v6 =	vor.u32 v39, v14;
	v10 =	vshll.u32 v33, $0x7;
	v17 =	vld.idx.msk [tilespmem:v40+s16+$0x0], $0xffff  }
0x70b: {  	v16 =	vor.u32 v39, v24;
	v28 =	vor.u32 v23, v10;
	v12 =	vor.u32 v37, v7;
	v24 =	vld.idx.msk [tilespmem:v36+s16+$0x0], $0xffff  }
0x70c: {  	s21 =	simm.s32 $0x8;
	v22 =	vor.u32 v23, v11;
	v23 =	vor.u32 v23, v5;
	v36 =	vld.idx.msk [tilespmem:v34+s16+$0x0], $0xffff;
	[tilespmem:v38+s19+$0x0] =	vst.idx.msk $0xffff, v3  }
.LBB2_45:
0x70d: {  	v37 =	vld [tilespmem:$0x1FE50]  }
0x70e: {  	v13 =	vld.idx.msk [tilespmem:v13+s16+$0x0], $0xffff  }
0x70f: {  	s22 =	smov.u32 s21;
	v40 =	vld [tilespmem:$0x1FE40]  }
0x710: {  	v3 =	vld [tilespmem:$0x1FE60];
	v8 =	vmov v6;
	s24 =	sadd.s32 $0x2, s22  }
0x711: {  	v31 =	vmov v7;
	v1 =	vld.idx.msk [tilespmem:v1+s16+$0x0], $0xffff;
	[tilespmem:$0x1FC50] =	vst v8;
	v7 =	vadd.s32 s24, v0  }
0x712: {  	[tilespmem:v22+s19+$0x0] =	vst.idx.msk $0xffff, v19;
	v6 =	vand.u32 $0xF, v7;
	v7 =	vld [tilespmem:$0x1FC70]  }
0x713: {  	v32 =	vmovc v4;
	v33 =	vmov v30;
	v34 =	vmov v26;
	v35 =	vmov v11;
	v8 =	vld [tilespmem:$0x1FC60];
	[tilespmem:v28+s19+$0x0] =	vst.idx.msk $0xffff, v20  }
0x714: {  	[tilespmem:v18+s19+$0x0] =	vst.idx.msk $0xffff, v17;
	v20 =	vld.idx.msk [tilespmem:v25+s16+$0x0], $0xffff;
	v22 =	vor.u32 v37, v4;
	v4 =	vor.u32 v40, v34  }
0x715: {  	s23 =	sadd.s32 $0x1, s22;
	[tilespmem:v23+s19+$0x0] =	vst.idx.msk $0xffff, v21;
	v23 =	vld.idx.msk [tilespmem:v27+s16+$0x0], $0xffff;
	v29 =	vor.u32 v37, v14;
	v11 =	vor.u32 v40, v31  }
0x716: {  	[tilespmem:v16+s19+$0x0] =	vst.idx.msk $0xffff, v24;
	v16 =	vmovc v5;
	v21 =	vor.u32 v37, v5;
	v14 =	vadd.s32 s22, v0;
	s22 =	sadd.s32 $0x3, s22;
	v5 =	vadd.s32 s23, v0  }
0x717: {  	[tilespmem:v41+s19+$0x0] =	vst.idx.msk $0xffff, v36;
	v18 =	vor.u32 v3, v33;
	v24 =	vadd.s32 s22, v0;
	v5 =	vand.u32 $0xF, v5  }
0x718: {  	v15 =	vld.idx.msk [tilespmem:v15+s16+$0x0], $0xffff;
	v25 =	vor.u32 v37, v35;
	v24 =	vand.u32 $0xF, v24;
	v28 =	vor.u32 v8, v5  }
0x719: {  	v26 =	vor.u32 v8, v24;
	v27 =	vld.idx.msk [tilespmem:v4+s16+$0x0], $0xffff;
	[tilespmem:v9+s19+$0x0] =	vst.idx.msk $0xffff, v1;
	v1 =	vand.u32 $0xF, v14  }
0x71a: {  	[tilespmem:v7+s19+$0x0] =	vst.idx.msk $0xffff, v13;
	v7 =	vor.u32 v8, v6;
	v30 =	vor.u32 v8, v1;
	v8 =	vld [tilespmem:$0x1FC80]  }
0x71b: {  	v4 =	vshll.u32 v6, $0x7;
	[tilespmem:v29+s19+$0x0] =	vst.idx.msk $0xffff, v23;
	v6 =	vld [tilespmem:$0x1FE20]  }
0x71c: {  	v17 =	vor.u32 v3, v2;
	v29 =	vld.idx.msk [tilespmem:v18+s16+$0x0], $0xffff  }
0x71d: {  	v18 =	vld [tilespmem:$0x1FE70]  }
0x71e: {  	v41 =	vld [tilespmem:$0x1FE30]  }
0x71f: {  	v19 =	vor.u32 v3, v34;
	[tilespmem:v25+s19+$0x0] =	vst.idx.msk $0xffff, v20;
	v36 =	vld.idx.msk [tilespmem:v11+s16+$0x0], $0xffff  }
0x720: {  	[tilespmem:v21+s19+$0x0] =	vst.idx.msk $0xffff, v27;
	v21 =	vld [tilespmem:$0x1FE80];
	v9 =	vor.u32 v6, v28  }
0x721: {  	v14 =	vshll.u32 v14, $0x7;
	v23 =	vld.idx.msk [tilespmem:v17+s16+$0x0], $0xffff  }
0x722: {  	v11 =	vshll.u32 v5, $0x7;
	v5 =	vshll.u32 v24, $0x7;
	v25 =	vor.u32 v18, v35;
	[tilespmem:v8+s19+$0x0] =	vst.idx.msk $0xffff, v15;
	v8 =	vld [tilespmem:$0x1FE10]  }
0x723: {  	v13 =	vor.u32 v6, v7;
	v24 =	vor.u32 v6, v26;
	v15 =	vor.u32 v6, v30  }
0x724: {  	v27 =	vor.u32 v18, v10;
	v38 =	vld.idx.msk [tilespmem:v19+s16+$0x0], $0xffff;
	v39 =	vor.u32 v18, v16;
	v18 =	vor.u32 v18, v32  }
0x725: {  	v6 =	vor.u32 v41, v14;
	v37 =	vor.u32 v21, v2;
	[tilespmem:v22+s19+$0x0] =	vst.idx.msk $0xffff, v36;
	v19 =	vld.idx.msk [tilespmem:v9+s16+$0x0], $0xffff  }
0x726: {  	p0 =	slt.u32 s21, $0xC;
	v2 =	vor.u32 v41, v32;
	v33 =	vor.u32 v21, v33;
	v17 =	vld.idx.msk [tilespmem:v12+s16+$0x0], $0xffff;
	v9 =	vor.u32 v41, v16  }
.Ltmp22:
0x727: {  	[tilespmem:v25+s19+$0x0] =	vst.idx.msk $0xffff, v23;
	v16 =	vor.u32 v41, v35;
	v41 =	vld [tilespmem:$0x1FC50];
	v20 =	vor.u32 v8, v4;
	(pc) =	sbr.rel @p0 .LBB2_45-.Ltmp22, $4  }
0x728: {  	v10 =	vshll.u32 v1, $0x7;
	v1 =	vor.u32 v21, v34;
	v12 =	vor.u32 v3, v7;
	[tilespmem:$0x1FC70] =	vst v20;
	v20 =	vld.idx.msk [tilespmem:v15+s16+$0x0], $0xffff  }
0x729: {  	[tilespmem:$0x1FC80] =	vst v2;
	v2 =	vmov v28;
	v22 =	vor.u32 v8, v11;
	v15 =	vor.u32 v21, v31;
	v21 =	vld.idx.msk [tilespmem:v24+s16+$0x0], $0xffff  }
0x72a: {  	v28 =	vor.u32 v8, v10;
	v25 =	vor.u32 v40, v2;
	[tilespmem:v27+s19+$0x0] =	vst.idx.msk $0xffff, v29;
	v24 =	vld.idx.msk [tilespmem:v37+s16+$0x0], $0xffff  }
0x72b: {  	s21 =	sadd.s32 $0x4, s21;
	v23 =	vor.u32 v8, v5;
	v27 =	vor.u32 v40, v30;
	[tilespmem:v39+s19+$0x0] =	vst.idx.msk $0xffff, v38;
	v36 =	vld.idx.msk [tilespmem:v33+s16+$0x0], $0xffff  }
0x72c: {  	_ =	sdelay $0x3  }
0x72d: {  	v3 =	vld [tilespmem:$0x1FE40];
	[tilespmem:v22+s19+$0x0] =	vst.idx.msk $0xffff, v19  }
0x72e: {  	[tilespmem:v28+s19+$0x0] =	vst.idx.msk $0xffff, v20  }
0x72f: {  	v28 =	vld [tilespmem:$0x1FE50];
	_ =	sdelay $0x2  }
0x730: {  	v29 =	vor.u32 v3, v26;
	v31 =	vor.u32 v3, v7;
	v3 =	vld [tilespmem:$0x1FE60];
	[tilespmem:v23+s19+$0x0] =	vst.idx.msk $0xffff, v21  }
0x731: {  	v8 =	vld [tilespmem:$0x1FC70]  }
0x732: {  	v19 =	vld.idx.msk [tilespmem:v25+s16+$0x0], $0xffff;
	v20 =	vor.u32 v28, v11  }
0x733: {  	v21 =	vld.idx.msk [tilespmem:v27+s16+$0x0], $0xffff;
	v14 =	vor.u32 v28, v14  }
0x734: {  	v13 =	vld.idx.msk [tilespmem:v13+s16+$0x0], $0xffff;
	_ =	sdelay $0x1  }
0x735: {  	[tilespmem:v18+s19+$0x0] =	vst.idx.msk $0xffff, v17  }
0x736: {  	[tilespmem:v20+s19+$0x0] =	vst.idx.msk $0xffff, v19  }
0x737: {  	[tilespmem:v14+s19+$0x0] =	vst.idx.msk $0xffff, v21  }
0x738: {  	v22 =	vor.u32 v3, v2;
	[tilespmem:v8+s19+$0x0] =	vst.idx.msk $0xffff, v13;
	v8 =	vld.idx.msk [tilespmem:v29+s16+$0x0], $0xffff  }
0x739: {  	v25 =	vor.u32 v28, v5;
	v23 =	vor.u32 v3, v30;
	v20 =	vld [tilespmem:$0x1FE70];
	_ =	sdelay $0x1  }
0x73a: {  	v27 =	vor.u32 v3, v26;
	v13 =	vor.u32 v28, v4;
	v28 =	vld.idx.msk [tilespmem:v31+s16+$0x0], $0xffff;
	_ =	sdelay $0x1  }
0x73b: {  	v14 =	vld.idx.msk [tilespmem:v22+s16+$0x0], $0xffff  }
0x73c: {  	v18 =	vld.idx.msk [tilespmem:v23+s16+$0x0], $0xffff;
	[tilespmem:v25+s19+$0x0] =	vst.idx.msk $0xffff, v8;
	v17 =	vor.u32 v20, v11  }
0x73d: {  	v8 =	vor.u32 v20, v10;
	v3 =	vld [tilespmem:$0x1FE80]  }
0x73e: {  	v10 =	vld.idx.msk [tilespmem:v27+s16+$0x0], $0xffff;
	[tilespmem:v13+s19+$0x0] =	vst.idx.msk $0xffff, v28;
	v13 =	vor.u32 v20, v5  }
0x73f: {  	[tilespmem:v16+s19+$0x0] =	vst.idx.msk $0xffff, v24;
	v16 =	vor.u32 v20, v4;
	v12 =	vld.idx.msk [tilespmem:v12+s16+$0x0], $0xffff  }
0x740: {  	v1 =	vld.idx.msk [tilespmem:v1+s16+$0x0], $0xffff;
	[tilespmem:v41+s19+$0x0] =	vst.idx.msk $0xffff, v36  }
0x741: {  	[tilespmem:v17+s19+$0x0] =	vst.idx.msk $0xffff, v14  }
0x742: {  	v14 =	vld [tilespmem:$0x1FE30];
	[tilespmem:v8+s19+$0x0] =	vst.idx.msk $0xffff, v18  }
0x743: {  	[tilespmem:v13+s19+$0x0] =	vst.idx.msk $0xffff, v10  }
0x744: {  	[tilespmem:v16+s19+$0x0] =	vst.idx.msk $0xffff, v12  }
0x745: {  	v19 =	vor.u32 v3, v30;
	[tilespmem:v9+s19+$0x0] =	vst.idx.msk $0xffff, v1  }
0x746: {  	v2 =	vor.u32 v3, v2;
	v20 =	vor.u32 v3, v26;
	v7 =	vor.u32 v3, v7;
	v3 =	vld [tilespmem:$0x1FC80];
	_ =	sdelay $0x2  }
0x747: {  	v15 =	vld.idx.msk [tilespmem:v15+s16+$0x0], $0xffff  }
0x748: {  	v8 =	vld.idx.msk [tilespmem:v19+s16+$0x0], $0xffff  }
0x749: {  	v2 =	vld.idx.msk [tilespmem:v2+s16+$0x0], $0xffff;
	v11 =	vor.u32 v14, v11  }
0x74a: {  	v10 =	vld.idx.msk [tilespmem:v20+s16+$0x0], $0xffff;
	v5 =	vor.u32 v14, v5  }
0x74b: {  	v1 =	vor.u32 v14, v4;
	v4 =	vld.idx.msk [tilespmem:v7+s16+$0x0], $0xffff  }
0x74c: {  	[tilespmem:v3+s19+$0x0] =	vst.idx.msk $0xffff, v15  }
0x74d: {  	[tilespmem:v6+s19+$0x0] =	vst.idx.msk $0xffff, v8  }
0x74e: {  	[tilespmem:v11+s19+$0x0] =	vst.idx.msk $0xffff, v2  }
0x74f: {  	[tilespmem:v5+s19+$0x0] =	vst.idx.msk $0xffff, v10  }
0x750: {  	[tilespmem:v1+s19+$0x0] =	vst.idx.msk $0xffff, v4  }
0x751: {  	v1 =	vld [tilespmem:$0x3C0];
	_ =	sdelay $0x2  }
0x752: {  	v38 =	vld [tilespmem:$0x1FD90]  }
0x753: {  	s21 =	simm.s32 $0x1  }
0x754: {  	v2 =	vadd.s32 s21, v0;
	v1 =	vshll.u32 v1, $0x6  }
0x755: {  	s26 =	simm.s32 $0x0;
	v25 =	vand.u32 $0x40, v1;
	v1 =	vand.u32 $0xF, v2  }
0x756: {  	s28 =	simm.s32 $0x3;
	v2 =	vadd.s32 s26, v0;
	v3 =	vor.u32 v25, v1  }
0x757: {  	v6 =	vadd.s32 s28, v0;
	v5 =	vand.u32 $0xF, v2;
	v4 =	vor.u32 v38, v3  }
0x758: {  	s22 =	simm.s32 $0x2;
	v6 =	vand.u32 $0xF, v6;
	v9 =	vor.u32 v25, v5  }
0x759: {  	v7 =	vadd.s32 s22, v0;
	v39 =	vld [tilespmem:$0x1FE00];
	v12 =	vor.u32 v25, v6;
	v8 =	vor.u32 v38, v9  }
0x75a: {  	v7 =	vand.u32 $0xF, v7;
	v10 =	vor.u32 v38, v12  }
0x75b: {  	v24 =	vld [tilespmem:$0x1FDF0];
	v16 =	vshll.u32 v1, $0x7;
	v1 =	vor.u32 v25, v7  }
0x75c: {  	v15 =	vshll.u32 v7, $0x7;
	v11 =	vor.u32 v43, v16;
	v7 =	vor.u32 v38, v1;
	v4 =	vld.idx.msk [tilespmem:v4+s16+$0x0], $0xffff  }
0x75d: {  	v17 =	vshll.u32 v5, $0x7  }
0x75e: {  	v20 =	vshll.u32 v6, $0x7;
	v13 =	vor.u32 v39, v3;
	v6 =	vld.idx.msk [tilespmem:v8+s16+$0x0], $0xffff;
	v8 =	vor.u32 v43, v17  }
0x75f: {  	v14 =	vor.u32 v43, v20;
	v2 =	vshll.u32 v2, $0x7;
	v18 =	vor.u32 v39, v9;
	v10 =	vld.idx.msk [tilespmem:v10+s16+$0x0], $0xffff  }
0x760: {  	v41 =	vor.u32 v24, v2;
	v19 =	vor.u32 v44, v2;
	v2 =	vor.u32 v39, v12  }
0x761: {  	v5 =	vor.u32 v43, v15;
	[tilespmem:v11+s19+$0x0] =	vst.idx.msk $0xffff, v4;
	v11 =	vld.idx.msk [tilespmem:v7+s16+$0x0], $0xffff  }
0x762: {  	v26 =	vor.u32 v39, v1  }
0x763: {  	[tilespmem:v8+s19+$0x0] =	vst.idx.msk $0xffff, v6;
	v8 =	vor.u32 v44, v16;
	v31 =	vld.idx.msk [tilespmem:v13+s16+$0x0], $0xffff  }
0x764: {  	[tilespmem:v14+s19+$0x0] =	vst.idx.msk $0xffff, v10;
	v10 =	vld.idx.msk [tilespmem:v18+s16+$0x0], $0xffff  }
0x765: {  	v30 =	vor.u32 v44, v20;
	v33 =	vld.idx.msk [tilespmem:v2+s16+$0x0], $0xffff  }
0x766: {  	[tilespmem:v5+s19+$0x0] =	vst.idx.msk $0xffff, v11  }
0x767: {  	v36 =	vld.idx.msk [tilespmem:v26+s16+$0x0], $0xffff;
	[tilespmem:$0x1FC30] =	vst v25  }
0x768: {  	v22 =	vor.u32 v44, v15;
	v21 =	vor.u32 v46, v1;
	[tilespmem:v8+s19+$0x0] =	vst.idx.msk $0xffff, v31  }
0x769: {  	s30 =	simm.s32 $0x5;
	s31 =	simm.s32 $0x6;
	v23 =	vor.u32 v46, v12;
	v28 =	vor.u32 v46, v3;
	[tilespmem:v19+s19+$0x0] =	vst.idx.msk $0xffff, v10  }
0x76a: {  	s29 =	simm.s32 $0x4;
	s23 =	simm.s32 $0x7;
	v29 =	vor.u32 v46, v9;
	v4 =	vadd.s32 s30, v0;
	v7 =	vadd.s32 s31, v0;
	v10 =	vld [tilespmem:$0x1FDA0];
	[tilespmem:v30+s19+$0x0] =	vst.idx.msk $0xffff, v33  }
0x76b: {  	v6 =	vadd.s32 s29, v0;
	v13 =	vadd.s32 s23, v0;
	v18 =	vand.u32 $0xF, v4;
	v31 =	vld [tilespmem:$0x1FDB0]  }
0x76c: {  	v4 =	vand.u32 $0xF, v7;
	v32 =	vand.u32 $0xF, v13;
	v34 =	vand.u32 $0xF, v6  }
0x76d: {  	v14 =	vshll.u32 v6, $0x7;
	v2 =	vor.u32 v25, v18;
	v7 =	vor.u32 v25, v4  }
0x76e: {  	v4 =	vshll.u32 v4, $0x7;
	v27 =	vor.u32 v25, v34;
	v35 =	vor.u32 v38, v2  }
0x76f: {  	v6 =	vor.u32 v24, v14;
	v13 =	vor.u32 v38, v7;
	v37 =	vor.u32 v38, v27  }
0x770: {  	v26 =	vor.u32 v25, v32;
	v28 =	vld.idx.msk [tilespmem:v28+s16+$0x0], $0xffff;
	v33 =	vor.u32 v31, v3;
	v3 =	vor.u32 v24, v15  }
0x771: {  	v5 =	vshll.u32 v32, $0x7;
	v32 =	vor.u32 v38, v26;
	v29 =	vld.idx.msk [tilespmem:v29+s16+$0x0], $0xffff;
	v38 =	vor.u32 v10, v16;
	[tilespmem:$0x1FC40] =	vst v3  }
0x772: {  	v11 =	vshll.u32 v18, $0x7;
	v8 =	vor.u32 v43, v4;
	v30 =	vor.u32 v10, v17;
	v25 =	vld.idx.msk [tilespmem:v23+s16+$0x0], $0xffff  }
0x773: {  	v40 =	vor.u32 v31, v9;
	v19 =	vld.idx.msk [tilespmem:v35+s16+$0x0], $0xffff;
	[tilespmem:v22+s19+$0x0] =	vst.idx.msk $0xffff, v36;
	v36 =	vor.u32 v10, v20  }
0x774: {  	v18 =	vor.u32 v10, v15;
	v16 =	vor.u32 v24, v16;
	v9 =	vor.u32 v24, v20;
	v20 =	vld.idx.msk [tilespmem:v37+s16+$0x0], $0xffff  }
0x775: {  	v15 =	vor.u32 v31, v1;
	v1 =	vor.u32 v31, v12;
	v12 =	vor.u32 v46, v7;
	v17 =	vld.idx.msk [tilespmem:v21+s16+$0x0], $0xffff  }
0x776: {  	v22 =	vor.u32 v43, v11;
	v10 =	vshll.u32 v34, $0x7;
	v21 =	vld.idx.msk [tilespmem:v32+s16+$0x0], $0xffff;
	[tilespmem:v38+s19+$0x0] =	vst.idx.msk $0xffff, v28  }
0x777: {  	v35 =	vor.u32 v39, v2;
	v31 =	vor.u32 v43, v10;
	[tilespmem:v30+s19+$0x0] =	vst.idx.msk $0xffff, v29;
	v29 =	vld.idx.msk [tilespmem:v33+s16+$0x0], $0xffff  }
0x778: {  	s21 =	simm.s32 $0x8;
	v23 =	vor.u32 v43, v5;
	v30 =	vor.u32 v39, v27;
	v28 =	vld.idx.msk [tilespmem:v40+s16+$0x0], $0xffff;
	[tilespmem:v36+s19+$0x0] =	vst.idx.msk $0xffff, v25  }
.LBB2_47:
0x779: {  	_ = 	snop  }
0x77a: {  	v3 =	vld [tilespmem:$0x1FE00]  }
0x77b: {  	v13 =	vld.idx.msk [tilespmem:v13+s16+$0x0], $0xffff  }
0x77c: {  	[tilespmem:v31+s19+$0x0] =	vst.idx.msk $0xffff, v20  }
0x77d: {  	v1 =	vld.idx.msk [tilespmem:v1+s16+$0x0], $0xffff;
	[tilespmem:v18+s19+$0x0] =	vst.idx.msk $0xffff, v17  }
0x77e: {  	v32 =	vor.u32 v44, v14;
	v34 =	vmov v4;
	v37 =	vmov v26;
	[tilespmem:v23+s19+$0x0] =	vst.idx.msk $0xffff, v21;
	v23 =	vld.idx.msk [tilespmem:v30+s16+$0x0], $0xffff  }
0x77f: {  	s22 =	smov.u32 s21;
	[tilespmem:v22+s19+$0x0] =	vst.idx.msk $0xffff, v19;
	v22 =	vor.u32 v44, v4;
	v4 =	vor.u32 v3, v37;
	v15 =	vld.idx.msk [tilespmem:v15+s16+$0x0], $0xffff  }
0x780: {  	s24 =	sadd.s32 $0x2, s22;
	[tilespmem:v8+s19+$0x0] =	vst.idx.msk $0xffff, v13;
	v8 =	vld [tilespmem:$0x1FC30]  }
0x781: {  	v33 =	vmovc v7;
	v36 =	vmovc v27;
	v38 =	vmov v11;
	v14 =	vadd.s32 s22, v0;
	v7 =	vadd.s32 s24, v0  }
0x782: {  	s23 =	sadd.s32 $0x1, s22;
	s22 =	sadd.s32 $0x3, s22;
	v18 =	vor.u32 v46, v36;
	v20 =	vld.idx.msk [tilespmem:v35+s16+$0x0], $0xffff;
	v30 =	vor.u32 v44, v38;
	[tilespmem:v16+s19+$0x0] =	vst.idx.msk $0xffff, v29  }
0x783: {  	v26 =	vadd.s32 s22, v0;
	v21 =	vor.u32 v44, v5;
	v16 =	vmovc v5;
	v5 =	vadd.s32 s23, v0;
	[tilespmem:v41+s19+$0x0] =	vst.idx.msk $0xffff, v28  }
0x784: {  	v25 =	vmovc v6;
	v6 =	vand.u32 $0xF, v7;
	v28 =	vand.u32 $0xF, v26;
	v5 =	vand.u32 $0xF, v5;
	[tilespmem:v32+s19+$0x0] =	vst.idx.msk $0xffff, v23;
	v29 =	vld.idx.msk [tilespmem:v4+s16+$0x0], $0xffff  }
0x785: {  	v7 =	vor.u32 v8, v6;
	v4 =	vshll.u32 v6, $0x7;
	[tilespmem:v9+s19+$0x0] =	vst.idx.msk $0xffff, v1;
	v1 =	vand.u32 $0xF, v14;
	v6 =	vld [tilespmem:$0x1FD90]  }
0x786: {  	v31 =	vor.u32 v8, v5;
	v26 =	vor.u32 v8, v28;
	v27 =	vor.u32 v8, v1;
	v8 =	vld [tilespmem:$0x1FC40]  }
0x787: {  	v11 =	vor.u32 v3, v33;
	[tilespmem:v30+s19+$0x0] =	vst.idx.msk $0xffff, v20;
	v30 =	vld.idx.msk [tilespmem:v18+s16+$0x0], $0xffff  }
0x788: {  	v18 =	vld [tilespmem:$0x1FDA0]  }
0x789: {  	v17 =	vor.u32 v46, v2  }
0x78a: {  	v41 =	vld [tilespmem:$0x1FDF0]  }
0x78b: {  	v19 =	vor.u32 v46, v37;
	v14 =	vshll.u32 v14, $0x7;
	[tilespmem:v21+s19+$0x0] =	vst.idx.msk $0xffff, v29;
	v21 =	vld [tilespmem:$0x1FDB0]  }
0x78c: {  	v35 =	vld.idx.msk [tilespmem:v11+s16+$0x0], $0xffff;
	v11 =	vshll.u32 v5, $0x7;
	v5 =	vshll.u32 v28, $0x7;
	v9 =	vor.u32 v6, v31  }
0x78d: {  	v13 =	vor.u32 v6, v7;
	v28 =	vor.u32 v6, v26;
	v32 =	vor.u32 v18, v38  }
0x78e: {  	v23 =	vld.idx.msk [tilespmem:v17+s16+$0x0], $0xffff;
	v29 =	vor.u32 v18, v10;
	[tilespmem:v8+s19+$0x0] =	vst.idx.msk $0xffff, v15;
	v15 =	vor.u32 v6, v27  }
0x78f: {  	v24 =	vor.u32 v18, v16;
	v18 =	vor.u32 v18, v34;
	v10 =	vshll.u32 v1, $0x7  }
0x790: {  	v40 =	vld.idx.msk [tilespmem:v19+s16+$0x0], $0xffff;
	v8 =	vor.u32 v43, v4;
	v6 =	vor.u32 v41, v14;
	v39 =	vor.u32 v21, v2  }
0x791: {  	p0 =	slt.u32 s21, $0xC;
	v2 =	vor.u32 v41, v34;
	v19 =	vld.idx.msk [tilespmem:v9+s16+$0x0], $0xffff;
	v36 =	vor.u32 v21, v36;
	[tilespmem:v22+s19+$0x0] =	vst.idx.msk $0xffff, v35  }
.Ltmp23:
0x792: {  	v22 =	vor.u32 v43, v11;
	v9 =	vor.u32 v41, v16;
	v1 =	vor.u32 v21, v37;
	v17 =	vld.idx.msk [tilespmem:v12+s16+$0x0], $0xffff;
	(pc) =	sbr.rel @p0 .LBB2_47-.Ltmp23, $4  }
0x793: {  	[tilespmem:v32+s19+$0x0] =	vst.idx.msk $0xffff, v23;
	v16 =	vor.u32 v41, v38;
	v23 =	vor.u32 v43, v5;
	v20 =	vld.idx.msk [tilespmem:v15+s16+$0x0], $0xffff  }
0x794: {  	[tilespmem:$0x1FC40] =	vst v2;
	v12 =	vor.u32 v46, v7;
	v15 =	vor.u32 v21, v33;
	v21 =	vld.idx.msk [tilespmem:v28+s16+$0x0], $0xffff  }
0x795: {  	v41 =	vmov v25;
	v2 =	vmov v31;
	v31 =	vor.u32 v43, v10;
	[tilespmem:v29+s19+$0x0] =	vst.idx.msk $0xffff, v30;
	v29 =	vld.idx.msk [tilespmem:v39+s16+$0x0], $0xffff  }
0x796: {  	s21 =	sadd.s32 $0x4, s21;
	v35 =	vor.u32 v3, v2;
	v30 =	vor.u32 v3, v27;
	[tilespmem:v24+s19+$0x0] =	vst.idx.msk $0xffff, v40;
	v28 =	vld.idx.msk [tilespmem:v36+s16+$0x0], $0xffff  }
0x797: {  	_ =	sdelay $0x2  }
0x798: {  	v3 =	vld [tilespmem:$0x1FE00]  }
0x799: {  	v13 =	vld.idx.msk [tilespmem:v13+s16+$0x0], $0xffff;
	[tilespmem:v22+s19+$0x0] =	vst.idx.msk $0xffff, v19  }
0x79a: {  	[tilespmem:v31+s19+$0x0] =	vst.idx.msk $0xffff, v20;
	v19 =	vld.idx.msk [tilespmem:v35+s16+$0x0], $0xffff;
	v20 =	vor.u32 v44, v11  }
0x79b: {  	v14 =	vor.u32 v44, v14;
	[tilespmem:v23+s19+$0x0] =	vst.idx.msk $0xffff, v21;
	v21 =	vld.idx.msk [tilespmem:v30+s16+$0x0], $0xffff;
	_ =	sdelay $0x1  }
0x79c: {  	[tilespmem:v18+s19+$0x0] =	vst.idx.msk $0xffff, v17;
	v24 =	vor.u32 v3, v26  }
0x79d: {  	v32 =	vor.u32 v3, v7;
	[tilespmem:v8+s19+$0x0] =	vst.idx.msk $0xffff, v13  }
0x79e: {  	[tilespmem:v20+s19+$0x0] =	vst.idx.msk $0xffff, v19  }
0x79f: {  	[tilespmem:v14+s19+$0x0] =	vst.idx.msk $0xffff, v21  }
0x7a0: {  	v22 =	vor.u32 v46, v2;
	v20 =	vld [tilespmem:$0x1FDA0]  }
0x7a1: {  	v23 =	vor.u32 v46, v27;
	v30 =	vor.u32 v44, v5;
	v8 =	vld.idx.msk [tilespmem:v24+s16+$0x0], $0xffff  }
0x7a2: {  	v13 =	vor.u32 v44, v4;
	v31 =	vld.idx.msk [tilespmem:v32+s16+$0x0], $0xffff  }
0x7a3: {  	v24 =	vor.u32 v46, v26  }
0x7a4: {  	v1 =	vld.idx.msk [tilespmem:v1+s16+$0x0], $0xffff  }
0x7a5: {  	v14 =	vld.idx.msk [tilespmem:v22+s16+$0x0], $0xffff;
	v17 =	vor.u32 v20, v11  }
0x7a6: {  	v18 =	vld.idx.msk [tilespmem:v23+s16+$0x0], $0xffff;
	[tilespmem:v30+s19+$0x0] =	vst.idx.msk $0xffff, v8  }
0x7a7: {  	v8 =	vor.u32 v20, v10;
	v3 =	vld [tilespmem:$0x1FDB0];
	[tilespmem:v13+s19+$0x0] =	vst.idx.msk $0xffff, v31  }
0x7a8: {  	v10 =	vld.idx.msk [tilespmem:v24+s16+$0x0], $0xffff;
	v13 =	vor.u32 v20, v5;
	[tilespmem:v16+s19+$0x0] =	vst.idx.msk $0xffff, v29  }
0x7a9: {  	v16 =	vor.u32 v20, v4;
	[tilespmem:v41+s19+$0x0] =	vst.idx.msk $0xffff, v28;
	v12 =	vld.idx.msk [tilespmem:v12+s16+$0x0], $0xffff  }
0x7aa: {  	[tilespmem:v17+s19+$0x0] =	vst.idx.msk $0xffff, v14  }
0x7ab: {  	v14 =	vld [tilespmem:$0x1FDF0];
	[tilespmem:v9+s19+$0x0] =	vst.idx.msk $0xffff, v1  }
0x7ac: {  	[tilespmem:v8+s19+$0x0] =	vst.idx.msk $0xffff, v18  }
0x7ad: {  	[tilespmem:v13+s19+$0x0] =	vst.idx.msk $0xffff, v10  }
0x7ae: {  	v2 =	vor.u32 v3, v2;
	[tilespmem:v16+s19+$0x0] =	vst.idx.msk $0xffff, v12  }
0x7af: {  	v19 =	vor.u32 v3, v27;
	v20 =	vor.u32 v3, v26;
	v7 =	vor.u32 v3, v7;
	v3 =	vld [tilespmem:$0x1FC40];
	_ =	sdelay $0x2  }
0x7b0: {  	v15 =	vld.idx.msk [tilespmem:v15+s16+$0x0], $0xffff  }
0x7b1: {  	v11 =	vor.u32 v14, v11;
	v2 =	vld.idx.msk [tilespmem:v2+s16+$0x0], $0xffff  }
0x7b2: {  	v8 =	vld.idx.msk [tilespmem:v19+s16+$0x0], $0xffff  }
0x7b3: {  	v5 =	vor.u32 v14, v5;
	v10 =	vld.idx.msk [tilespmem:v20+s16+$0x0], $0xffff  }
0x7b4: {  	v1 =	vor.u32 v14, v4;
	v4 =	vld.idx.msk [tilespmem:v7+s16+$0x0], $0xffff  }
0x7b5: {  	[tilespmem:v3+s19+$0x0] =	vst.idx.msk $0xffff, v15  }
0x7b6: {  	[tilespmem:v11+s19+$0x0] =	vst.idx.msk $0xffff, v2  }
0x7b7: {  	[tilespmem:v6+s19+$0x0] =	vst.idx.msk $0xffff, v8  }
0x7b8: {  	[tilespmem:v5+s19+$0x0] =	vst.idx.msk $0xffff, v10  }
0x7b9: {  	[tilespmem:v1+s19+$0x0] =	vst.idx.msk $0xffff, v4  }
0x7ba: {  	v1 =	vld [tilespmem:$0x3D0];
	_ =	sdelay $0x3  }
0x7bb: {  	s21 =	simm.s32 $0x1  }
0x7bc: {  	s26 =	simm.s32 $0x0;
	v2 =	vadd.s32 s21, v0;
	v1 =	vshll.u32 v1, $0x6  }
0x7bd: {  	s28 =	simm.s32 $0x3;
	v25 =	vand.u32 $0x40, v1;
	v1 =	vand.u32 $0xF, v2;
	v2 =	vadd.s32 s26, v0  }
0x7be: {  	v6 =	vadd.s32 s28, v0;
	v3 =	vor.u32 v25, v1;
	v5 =	vand.u32 $0xF, v2  }
0x7bf: {  	v6 =	vand.u32 $0xF, v6;
	v4 =	vor.u32 v42, v3;
	v9 =	vor.u32 v25, v5  }
0x7c0: {  	s22 =	simm.s32 $0x2;
	v12 =	vor.u32 v25, v6;
	v8 =	vor.u32 v42, v9  }
0x7c1: {  	v7 =	vadd.s32 s22, v0;
	v10 =	vor.u32 v42, v12  }
0x7c2: {  	v7 =	vand.u32 $0xF, v7;
	v44 =	vld [tilespmem:$0x1FDC0]  }
0x7c3: {  	v15 =	vshll.u32 v7, $0x7;
	v16 =	vshll.u32 v1, $0x7;
	v1 =	vor.u32 v25, v7  }
0x7c4: {  	v11 =	vor.u32 v50, v16;
	v7 =	vor.u32 v42, v1;
	v17 =	vshll.u32 v5, $0x7;
	v4 =	vld.idx.msk [tilespmem:v4+s16+$0x0], $0xffff  }
0x7c5: {  	v20 =	vshll.u32 v6, $0x7;
	v13 =	vor.u32 v45, v3;
	v6 =	vld.idx.msk [tilespmem:v8+s16+$0x0], $0xffff;
	v8 =	vor.u32 v50, v17  }
0x7c6: {  	v14 =	vor.u32 v50, v20;
	v2 =	vshll.u32 v2, $0x7;
	v18 =	vor.u32 v45, v9;
	v10 =	vld.idx.msk [tilespmem:v10+s16+$0x0], $0xffff  }
0x7c7: {  	v24 =	vor.u32 v44, v2;
	v19 =	vor.u32 v51, v2;
	v2 =	vor.u32 v45, v12;
	_ =	sdelay $0x1  }
0x7c8: {  	v5 =	vor.u32 v50, v15;
	[tilespmem:v11+s19+$0x0] =	vst.idx.msk $0xffff, v4;
	v11 =	vld.idx.msk [tilespmem:v7+s16+$0x0], $0xffff  }
0x7c9: {  	[tilespmem:v8+s19+$0x0] =	vst.idx.msk $0xffff, v6;
	v8 =	vor.u32 v51, v16;
	v31 =	vld.idx.msk [tilespmem:v13+s16+$0x0], $0xffff  }
0x7ca: {  	v26 =	vor.u32 v45, v1;
	[tilespmem:v14+s19+$0x0] =	vst.idx.msk $0xffff, v10;
	v10 =	vld.idx.msk [tilespmem:v18+s16+$0x0], $0xffff  }
0x7cb: {  	v30 =	vor.u32 v51, v20;
	v33 =	vld.idx.msk [tilespmem:v2+s16+$0x0], $0xffff  }
0x7cc: {  	v22 =	vor.u32 v51, v15;
	v21 =	vor.u32 v53, v1  }
0x7cd: {  	s30 =	simm.s32 $0x5;
	s23 =	simm.s32 $0x7;
	v23 =	vor.u32 v53, v12;
	v28 =	vor.u32 v53, v3;
	[tilespmem:v5+s19+$0x0] =	vst.idx.msk $0xffff, v11  }
0x7ce: {  	s29 =	simm.s32 $0x4;
	s31 =	simm.s32 $0x6;
	v29 =	vor.u32 v53, v9;
	v4 =	vadd.s32 s30, v0;
	v13 =	vadd.s32 s23, v0;
	[tilespmem:v8+s19+$0x0] =	vst.idx.msk $0xffff, v31  }
0x7cf: {  	v7 =	vadd.s32 s31, v0;
	v6 =	vadd.s32 s29, v0;
	v46 =	vand.u32 $0xF, v13;
	v36 =	vld.idx.msk [tilespmem:v26+s16+$0x0], $0xffff;
	[tilespmem:v19+s19+$0x0] =	vst.idx.msk $0xffff, v10  }
0x7d0: {  	v18 =	vand.u32 $0xF, v4;
	v5 =	vshll.u32 v46, $0x7;
	v26 =	vor.u32 v25, v46;
	v46 =	vld [tilespmem:$0x1FDD0];
	[tilespmem:v30+s19+$0x0] =	vst.idx.msk $0xffff, v33  }
0x7d1: {  	v4 =	vand.u32 $0xF, v7;
	v34 =	vand.u32 $0xF, v6;
	v2 =	vor.u32 v25, v18;
	v41 =	vld [tilespmem:$0x1FDE0]  }
0x7d2: {  	v14 =	vshll.u32 v6, $0x7;
	v7 =	vor.u32 v25, v4;
	v35 =	vor.u32 v42, v2  }
0x7d3: {  	v4 =	vshll.u32 v4, $0x7;
	v27 =	vor.u32 v25, v34;
	v6 =	vor.u32 v44, v14  }
0x7d4: {  	v13 =	vor.u32 v42, v7;
	v37 =	vor.u32 v42, v27;
	v32 =	vor.u32 v42, v26;
	v28 =	vld.idx.msk [tilespmem:v28+s16+$0x0], $0xffff  }
0x7d5: {  	v11 =	vshll.u32 v18, $0x7;
	v8 =	vor.u32 v50, v4;
	v29 =	vld.idx.msk [tilespmem:v29+s16+$0x0], $0xffff;
	v38 =	vor.u32 v46, v16  }
0x7d6: {  	v10 =	vshll.u32 v34, $0x7;
	v39 =	vld.idx.msk [tilespmem:v23+s16+$0x0], $0xffff;
	v30 =	vor.u32 v46, v17;
	v33 =	vor.u32 v41, v3  }
0x7d7: {  	v19 =	vld.idx.msk [tilespmem:v35+s16+$0x0], $0xffff;
	[tilespmem:v22+s19+$0x0] =	vst.idx.msk $0xffff, v36;
	v43 =	vor.u32 v46, v20;
	v40 =	vor.u32 v41, v9  }
0x7d8: {  	v31 =	vor.u32 v50, v10;
	v23 =	vor.u32 v50, v5;
	v22 =	vor.u32 v50, v11;
	v17 =	vld.idx.msk [tilespmem:v21+s16+$0x0], $0xffff  }
0x7d9: {  	v18 =	vor.u32 v46, v15;
	v21 =	vld.idx.msk [tilespmem:v32+s16+$0x0], $0xffff;
	v3 =	vor.u32 v44, v15;
	v9 =	vor.u32 v44, v20  }
0x7da: {  	v20 =	vld.idx.msk [tilespmem:v37+s16+$0x0], $0xffff;
	v15 =	vor.u32 v41, v1;
	v1 =	vor.u32 v41, v12;
	[tilespmem:v38+s19+$0x0] =	vst.idx.msk $0xffff, v28  }
0x7db: {  	v16 =	vor.u32 v44, v16;
	v32 =	vor.u32 v45, v2;
	[tilespmem:v30+s19+$0x0] =	vst.idx.msk $0xffff, v29;
	v29 =	vld.idx.msk [tilespmem:v33+s16+$0x0], $0xffff  }
0x7dc: {  	s21 =	simm.s32 $0x8;
	v12 =	vor.u32 v53, v7;
	v30 =	vor.u32 v45, v27;
	[tilespmem:v43+s19+$0x0] =	vst.idx.msk $0xffff, v39;
	v28 =	vld.idx.msk [tilespmem:v40+s16+$0x0], $0xffff  }
.LBB2_49:
0x7dd: {  	v33 =	vor.u32 v51, v14;
	[tilespmem:v22+s19+$0x0] =	vst.idx.msk $0xffff, v19;
	v22 =	vor.u32 v51, v4  }
0x7de: {  	p0 =	slt.u32 s21, $0xC;
	v13 =	vld.idx.msk [tilespmem:v13+s16+$0x0], $0xffff;
	v34 =	vmovc v7;
	v35 =	vmovc v4;
	v36 =	vmov v27;
	v37 =	vmov v26;
	v38 =	vmov v11;
	s22 =	smov.u32 s21;
	s21 =	sadd.s32 $0x4, s21  }
0x7df: {  	v4 =	vor.u32 v45, v37;
	v19 =	vor.u32 v53, v37;
	[tilespmem:v18+s19+$0x0] =	vst.idx.msk $0xffff, v17;
	v1 =	vld.idx.msk [tilespmem:v1+s16+$0x0], $0xffff  }
0x7e0: {  	v17 =	vor.u32 v53, v2;
	v11 =	vor.u32 v45, v34;
	[tilespmem:v31+s19+$0x0] =	vst.idx.msk $0xffff, v20;
	v15 =	vld.idx.msk [tilespmem:v15+s16+$0x0], $0xffff  }
0x7e1: {  	v18 =	vor.u32 v53, v36;
	v20 =	vld.idx.msk [tilespmem:v32+s16+$0x0], $0xffff;
	[tilespmem:v23+s19+$0x0] =	vst.idx.msk $0xffff, v21;
	v21 =	vor.u32 v51, v5  }
0x7e2: {  	v14 =	vadd.s32 s22, v0;
	s23 =	sadd.s32 $0x1, s22;
	s24 =	sadd.s32 $0x2, s22;
	s22 =	sadd.s32 $0x3, s22;
	v23 =	vld.idx.msk [tilespmem:v30+s16+$0x0], $0xffff;
	v30 =	vor.u32 v51, v38;
	[tilespmem:v16+s19+$0x0] =	vst.idx.msk $0xffff, v29;
	v16 =	vmov v5  }
0x7e3: {  	v7 =	vadd.s32 s24, v0;
	v26 =	vadd.s32 s22, v0;
	v5 =	vadd.s32 s23, v0;
	[tilespmem:v24+s19+$0x0] =	vst.idx.msk $0xffff, v28;
	v24 =	vmovc v6  }
0x7e4: {  	v5 =	vand.u32 $0xF, v5;
	v6 =	vand.u32 $0xF, v7;
	v28 =	vand.u32 $0xF, v26;
	[tilespmem:v8+s19+$0x0] =	vst.idx.msk $0xffff, v13;
	v29 =	vld.idx.msk [tilespmem:v4+s16+$0x0], $0xffff  }
0x7e5: {  	v31 =	vor.u32 v25, v5;
	v7 =	vor.u32 v25, v6;
	v4 =	vshll.u32 v6, $0x7;
	[tilespmem:v9+s19+$0x0] =	vst.idx.msk $0xffff, v1  }
0x7e6: {  	v1 =	vand.u32 $0xF, v14;
	v9 =	vor.u32 v42, v31;
	v13 =	vor.u32 v42, v7;
	v32 =	vld.idx.msk [tilespmem:v11+s16+$0x0], $0xffff  }
0x7e7: {  	v26 =	vor.u32 v25, v28;
	v14 =	vshll.u32 v14, $0x7;
	v27 =	vor.u32 v25, v1;
	[tilespmem:v3+s19+$0x0] =	vst.idx.msk $0xffff, v15  }
0x7e8: {  	v11 =	vshll.u32 v5, $0x7;
	v5 =	vshll.u32 v28, $0x7;
	v15 =	vor.u32 v42, v27;
	[tilespmem:v30+s19+$0x0] =	vst.idx.msk $0xffff, v20  }
0x7e9: {  	v8 =	vor.u32 v50, v4;
	v28 =	vor.u32 v42, v26;
	[tilespmem:v33+s19+$0x0] =	vst.idx.msk $0xffff, v23;
	v23 =	vld.idx.msk [tilespmem:v17+s16+$0x0], $0xffff  }
0x7ea: {  	v6 =	vor.u32 v44, v14;
	v33 =	vor.u32 v46, v38;
	v30 =	vld.idx.msk [tilespmem:v18+s16+$0x0], $0xffff;
	[tilespmem:v21+s19+$0x0] =	vst.idx.msk $0xffff, v29  }
0x7eb: {  	v39 =	vor.u32 v41, v2;
	v3 =	vor.u32 v44, v35;
	v29 =	vor.u32 v46, v10;
	v40 =	vld.idx.msk [tilespmem:v19+s16+$0x0], $0xffff  }
0x7ec: {  	v36 =	vor.u32 v41, v36;
	v43 =	vor.u32 v46, v16;
	v19 =	vld.idx.msk [tilespmem:v9+s16+$0x0], $0xffff;
	[tilespmem:v22+s19+$0x0] =	vst.idx.msk $0xffff, v32  }
.Ltmp24:
0x7ed: {  	v18 =	vor.u32 v46, v35;
	v22 =	vor.u32 v50, v11;
	v9 =	vor.u32 v44, v16;
	v17 =	vld.idx.msk [tilespmem:v12+s16+$0x0], $0xffff;
	(pc) =	sbr.rel @p0 .LBB2_49-.Ltmp24, $4  }
0x7ee: {  	v2 =	vmovc v31;
	v10 =	vshll.u32 v1, $0x7;
	v1 =	vor.u32 v41, v37;
	v20 =	vld.idx.msk [tilespmem:v15+s16+$0x0], $0xffff;
	v15 =	vor.u32 v41, v34  }
0x7ef: {  	v31 =	vor.u32 v50, v10;
	v16 =	vor.u32 v44, v38;
	v21 =	vld.idx.msk [tilespmem:v28+s16+$0x0], $0xffff;
	[tilespmem:v33+s19+$0x0] =	vst.idx.msk $0xffff, v23  }
0x7f0: {  	v32 =	vor.u32 v45, v2;
	v23 =	vor.u32 v50, v5;
	[tilespmem:v29+s19+$0x0] =	vst.idx.msk $0xffff, v30;
	v29 =	vld.idx.msk [tilespmem:v39+s16+$0x0], $0xffff  }
0x7f1: {  	v12 =	vor.u32 v53, v7;
	v30 =	vor.u32 v45, v27;
	v28 =	vld.idx.msk [tilespmem:v36+s16+$0x0], $0xffff;
	[tilespmem:v43+s19+$0x0] =	vst.idx.msk $0xffff, v40  }
0x7f2: {  	_ =	sdelay $0x3  }
0x7f3: {  	v13 =	vld.idx.msk [tilespmem:v13+s16+$0x0], $0xffff;
	v25 =	vor.u32 v45, v26  }
0x7f4: {  	v33 =	vor.u32 v45, v7  }
0x7f5: {  	[tilespmem:v22+s19+$0x0] =	vst.idx.msk $0xffff, v19  }
0x7f6: {  	[tilespmem:v31+s19+$0x0] =	vst.idx.msk $0xffff, v20;
	v19 =	vld.idx.msk [tilespmem:v32+s16+$0x0], $0xffff;
	v20 =	vor.u32 v51, v11  }
0x7f7: {  	v14 =	vor.u32 v51, v14;
	v22 =	vor.u32 v53, v2;
	[tilespmem:v23+s19+$0x0] =	vst.idx.msk $0xffff, v21;
	v21 =	vld.idx.msk [tilespmem:v30+s16+$0x0], $0xffff  }
0x7f8: {  	v23 =	vor.u32 v53, v27;
	v30 =	vor.u32 v51, v5;
	[tilespmem:v8+s19+$0x0] =	vst.idx.msk $0xffff, v13;
	v8 =	vld.idx.msk [tilespmem:v25+s16+$0x0], $0xffff  }
0x7f9: {  	v13 =	vor.u32 v51, v4;
	v25 =	vor.u32 v53, v26;
	v31 =	vld.idx.msk [tilespmem:v33+s16+$0x0], $0xffff  }
0x7fa: {  	[tilespmem:v18+s19+$0x0] =	vst.idx.msk $0xffff, v17  }
0x7fb: {  	[tilespmem:v20+s19+$0x0] =	vst.idx.msk $0xffff, v19  }
0x7fc: {  	v17 =	vor.u32 v46, v11;
	[tilespmem:v14+s19+$0x0] =	vst.idx.msk $0xffff, v21;
	v14 =	vld.idx.msk [tilespmem:v22+s16+$0x0], $0xffff  }
0x7fd: {  	v2 =	vor.u32 v41, v2;
	v18 =	vld.idx.msk [tilespmem:v23+s16+$0x0], $0xffff;
	[tilespmem:v30+s19+$0x0] =	vst.idx.msk $0xffff, v8;
	v8 =	vor.u32 v46, v10  }
0x7fe: {  	v19 =	vor.u32 v41, v27;
	v10 =	vld.idx.msk [tilespmem:v25+s16+$0x0], $0xffff;
	[tilespmem:v13+s19+$0x0] =	vst.idx.msk $0xffff, v31;
	v13 =	vor.u32 v46, v5  }
0x7ff: {  	[tilespmem:v16+s19+$0x0] =	vst.idx.msk $0xffff, v29;
	v16 =	vor.u32 v46, v4;
	v20 =	vor.u32 v41, v26;
	v12 =	vld.idx.msk [tilespmem:v12+s16+$0x0], $0xffff  }
0x800: {  	v1 =	vld.idx.msk [tilespmem:v1+s16+$0x0], $0xffff;
	v7 =	vor.u32 v41, v7;
	[tilespmem:v24+s19+$0x0] =	vst.idx.msk $0xffff, v28  }
0x801: {  	v15 =	vld.idx.msk [tilespmem:v15+s16+$0x0], $0xffff;
	[tilespmem:v17+s19+$0x0] =	vst.idx.msk $0xffff, v14  }
0x802: {  	v11 =	vor.u32 v44, v11;
	v2 =	vld.idx.msk [tilespmem:v2+s16+$0x0], $0xffff;
	[tilespmem:v8+s19+$0x0] =	vst.idx.msk $0xffff, v18  }
0x803: {  	v8 =	vld.idx.msk [tilespmem:v19+s16+$0x0], $0xffff;
	[tilespmem:v13+s19+$0x0] =	vst.idx.msk $0xffff, v10  }
0x804: {  	v5 =	vor.u32 v44, v5;
	[tilespmem:v16+s19+$0x0] =	vst.idx.msk $0xffff, v12;
	v10 =	vld.idx.msk [tilespmem:v20+s16+$0x0], $0xffff  }
0x805: {  	[tilespmem:v9+s19+$0x0] =	vst.idx.msk $0xffff, v1;
	v1 =	vor.u32 v44, v4;
	v4 =	vld.idx.msk [tilespmem:v7+s16+$0x0], $0xffff  }
0x806: {  	[tilespmem:v3+s19+$0x0] =	vst.idx.msk $0xffff, v15  }
0x807: {  	[tilespmem:v11+s19+$0x0] =	vst.idx.msk $0xffff, v2  }
0x808: {  	[tilespmem:v6+s19+$0x0] =	vst.idx.msk $0xffff, v8  }
0x809: {  	[tilespmem:v5+s19+$0x0] =	vst.idx.msk $0xffff, v10  }
0x80a: {  	[tilespmem:v1+s19+$0x0] =	vst.idx.msk $0xffff, v4  }
0x80b: {  	v1 =	vld [tilespmem:$0x3E0];
	_ =	sdelay $0x3  }
0x80c: {  	s21 =	simm.s32 $0x1  }
0x80d: {  	s28 =	simm.s32 $0x3;
	v2 =	vadd.s32 s21, v0;
	v1 =	vshll.u32 v1, $0x6  }
0x80e: {  	s26 =	simm.s32 $0x0;
	v6 =	vadd.s32 s28, v0;
	v25 =	vand.u32 $0x40, v1;
	v1 =	vand.u32 $0xF, v2  }
0x80f: {  	v6 =	vand.u32 $0xF, v6;
	v2 =	vadd.s32 s26, v0;
	v3 =	vor.u32 v25, v1  }
0x810: {  	s22 =	simm.s32 $0x2;
	v5 =	vand.u32 $0xF, v2;
	v12 =	vor.u32 v25, v6;
	v4 =	vor.u32 v49, v3  }
0x811: {  	v7 =	vadd.s32 s22, v0;
	v9 =	vor.u32 v25, v5;
	v10 =	vor.u32 v49, v12  }
0x812: {  	v7 =	vand.u32 $0xF, v7;
	v8 =	vor.u32 v49, v9  }
0x813: {  	v15 =	vshll.u32 v7, $0x7;
	v20 =	vshll.u32 v6, $0x7;
	v40 =	vld [tilespmem:$0x1FD80]  }
0x814: {  	v22 =	vor.u32 v58, v15;
	v14 =	vor.u32 v57, v20;
	v16 =	vshll.u32 v1, $0x7  }
0x815: {  	v30 =	vor.u32 v58, v20;
	v1 =	vor.u32 v25, v7;
	v11 =	vor.u32 v57, v16;
	v4 =	vld.idx.msk [tilespmem:v4+s16+$0x0], $0xffff  }
0x816: {  	v53 =	vor.u32 v48, v20;
	v7 =	vor.u32 v49, v1;
	v17 =	vshll.u32 v5, $0x7;
	v10 =	vld.idx.msk [tilespmem:v10+s16+$0x0], $0xffff  }
0x817: {  	v2 =	vshll.u32 v2, $0x7;
	v13 =	vor.u32 v52, v3;
	v6 =	vld.idx.msk [tilespmem:v8+s16+$0x0], $0xffff;
	v8 =	vor.u32 v57, v17  }
0x818: {  	v24 =	vor.u32 v40, v2;
	v19 =	vor.u32 v58, v2;
	v2 =	vor.u32 v52, v12  }
0x819: {  	v5 =	vor.u32 v57, v15;
	v21 =	vor.u32 v60, v1;
	v18 =	vor.u32 v52, v9  }
0x81a: {  	v23 =	vor.u32 v60, v12;
	v28 =	vor.u32 v60, v3;
	[tilespmem:v11+s19+$0x0] =	vst.idx.msk $0xffff, v4  }
0x81b: {  	v26 =	vor.u32 v52, v1;
	v38 =	vor.u32 v48, v16;
	v11 =	vld.idx.msk [tilespmem:v7+s16+$0x0], $0xffff;
	[tilespmem:v14+s19+$0x0] =	vst.idx.msk $0xffff, v10  }
0x81c: {  	s30 =	simm.s32 $0x5;
	v50 =	vor.u32 v47, v3;
	[tilespmem:v8+s19+$0x0] =	vst.idx.msk $0xffff, v6;
	v8 =	vor.u32 v58, v16;
	v31 =	vld.idx.msk [tilespmem:v13+s16+$0x0], $0xffff  }
0x81d: {  	s29 =	simm.s32 $0x4;
	v3 =	vor.u32 v40, v15;
	v29 =	vor.u32 v60, v9;
	v4 =	vadd.s32 s30, v0;
	v45 =	vld.idx.msk [tilespmem:v2+s16+$0x0], $0xffff  }
0x81e: {  	v51 =	vor.u32 v47, v9;
	v6 =	vadd.s32 s29, v0;
	v10 =	vld.idx.msk [tilespmem:v18+s16+$0x0], $0xffff;
	v18 =	vand.u32 $0xF, v4  }
0x81f: {  	s23 =	simm.s32 $0x7;
	v9 =	vor.u32 v40, v20;
	v34 =	vand.u32 $0xF, v6;
	v2 =	vor.u32 v25, v18  }
0x820: {  	s31 =	simm.s32 $0x6;
	v13 =	vadd.s32 s23, v0;
	v27 =	vor.u32 v25, v34;
	v35 =	vor.u32 v49, v2;
	[tilespmem:v5+s19+$0x0] =	vst.idx.msk $0xffff, v11  }
0x821: {  	v7 =	vadd.s32 s31, v0;
	v44 =	vand.u32 $0xF, v13;
	v37 =	vor.u32 v49, v27;
	v36 =	vld.idx.msk [tilespmem:v26+s16+$0x0], $0xffff;
	[tilespmem:v8+s19+$0x0] =	vst.idx.msk $0xffff, v31  }
0x822: {  	v16 =	vor.u32 v40, v16;
	v26 =	vor.u32 v25, v44;
	[tilespmem:v30+s19+$0x0] =	vst.idx.msk $0xffff, v45;
	v28 =	vld.idx.msk [tilespmem:v28+s16+$0x0], $0xffff  }
0x823: {  	v4 =	vand.u32 $0xF, v7;
	v46 =	vor.u32 v49, v26;
	[tilespmem:v19+s19+$0x0] =	vst.idx.msk $0xffff, v10;
	v39 =	vld.idx.msk [tilespmem:v23+s16+$0x0], $0xffff  }
0x824: {  	v14 =	vshll.u32 v6, $0x7;
	v7 =	vor.u32 v25, v4;
	v30 =	vor.u32 v48, v17;
	v29 =	vld.idx.msk [tilespmem:v29+s16+$0x0], $0xffff  }
0x825: {  	v6 =	vor.u32 v40, v14;
	v13 =	vor.u32 v49, v7;
	v32 =	vor.u32 v52, v2;
	v19 =	vld.idx.msk [tilespmem:v35+s16+$0x0], $0xffff  }
0x826: {  	v4 =	vshll.u32 v4, $0x7;
	v11 =	vshll.u32 v18, $0x7;
	v18 =	vor.u32 v48, v15;
	v20 =	vld.idx.msk [tilespmem:v37+s16+$0x0], $0xffff;
	[tilespmem:v22+s19+$0x0] =	vst.idx.msk $0xffff, v36  }
0x827: {  	v15 =	vor.u32 v47, v1;
	v1 =	vor.u32 v47, v12;
	v12 =	vor.u32 v60, v7;
	v17 =	vld.idx.msk [tilespmem:v21+s16+$0x0], $0xffff  }
0x828: {  	v5 =	vshll.u32 v44, $0x7;
	v10 =	vshll.u32 v34, $0x7;
	v22 =	vor.u32 v57, v11;
	v21 =	vld.idx.msk [tilespmem:v46+s16+$0x0], $0xffff;
	[tilespmem:v38+s19+$0x0] =	vst.idx.msk $0xffff, v28  }
0x829: {  	v8 =	vor.u32 v57, v4;
	v31 =	vor.u32 v57, v10;
	[tilespmem:v30+s19+$0x0] =	vst.idx.msk $0xffff, v29;
	v29 =	vld.idx.msk [tilespmem:v50+s16+$0x0], $0xffff  }
0x82a: {  	s21 =	simm.s32 $0x8;
	v23 =	vor.u32 v57, v5;
	[tilespmem:v53+s19+$0x0] =	vst.idx.msk $0xffff, v39;
	v30 =	vor.u32 v52, v27;
	v28 =	vld.idx.msk [tilespmem:v51+s16+$0x0], $0xffff  }
.LBB2_51:
0x82b: {  	v33 =	vor.u32 v58, v14;
	v13 =	vld.idx.msk [tilespmem:v13+s16+$0x0], $0xffff;
	v34 =	vmov v7  }
0x82c: {  	v35 =	vmovc v4;
	v36 =	vmov v27;
	v38 =	vmov v11;
	[tilespmem:v18+s19+$0x0] =	vst.idx.msk $0xffff, v17;
	v17 =	vor.u32 v60, v2  }
0x82d: {  	s22 =	smov.u32 s21;
	v1 =	vld.idx.msk [tilespmem:v1+s16+$0x0], $0xffff;
	v39 =	vor.u32 v47, v2;
	v11 =	vor.u32 v52, v34;
	[tilespmem:v22+s19+$0x0] =	vst.idx.msk $0xffff, v19  }
0x82e: {  	v37 =	vmov v26;
	v15 =	vld.idx.msk [tilespmem:v15+s16+$0x0], $0xffff;
	v18 =	vor.u32 v60, v36;
	v14 =	vadd.s32 s22, v0;
	[tilespmem:v31+s19+$0x0] =	vst.idx.msk $0xffff, v20  }
0x82f: {  	s23 =	sadd.s32 $0x1, s22;
	s24 =	sadd.s32 $0x2, s22;
	s22 =	sadd.s32 $0x3, s22;
	v22 =	vor.u32 v58, v4;
	v4 =	vor.u32 v52, v37;
	v20 =	vld.idx.msk [tilespmem:v32+s16+$0x0], $0xffff;
	[tilespmem:v23+s19+$0x0] =	vst.idx.msk $0xffff, v21  }
0x830: {  	v7 =	vadd.s32 s24, v0;
	v26 =	vadd.s32 s22, v0;
	v23 =	vld.idx.msk [tilespmem:v30+s16+$0x0], $0xffff;
	v30 =	vor.u32 v58, v38;
	[tilespmem:v16+s19+$0x0] =	vst.idx.msk $0xffff, v29  }
0x831: {  	v19 =	vor.u32 v60, v37;
	v21 =	vor.u32 v58, v5;
	v16 =	vmov v5;
	[tilespmem:v8+s19+$0x0] =	vst.idx.msk $0xffff, v13  }
0x832: {  	v5 =	vadd.s32 s23, v0;
	[tilespmem:v24+s19+$0x0] =	vst.idx.msk $0xffff, v28;
	v24 =	vmovc v6;
	v6 =	vand.u32 $0xF, v7;
	v28 =	vand.u32 $0xF, v26;
	v50 =	vld.idx.msk [tilespmem:v11+s16+$0x0], $0xffff  }
0x833: {  	v2 =	vld [tilespmem:$0x1FD80];
	v5 =	vand.u32 $0xF, v5;
	v7 =	vor.u32 v25, v6;
	v26 =	vor.u32 v25, v28;
	[tilespmem:v3+s19+$0x0] =	vst.idx.msk $0xffff, v15  }
0x834: {  	v31 =	vor.u32 v25, v5;
	v29 =	vld.idx.msk [tilespmem:v4+s16+$0x0], $0xffff;
	[tilespmem:v9+s19+$0x0] =	vst.idx.msk $0xffff, v1;
	v1 =	vand.u32 $0xF, v14;
	v14 =	vshll.u32 v14, $0x7  }
0x835: {  	v3 =	vor.u32 v40, v35;
	v4 =	vshll.u32 v6, $0x7;
	[tilespmem:v30+s19+$0x0] =	vst.idx.msk $0xffff, v20;
	v6 =	vor.u32 v40, v14;
	v40 =	vld [tilespmem:$0x1FD80]  }
0x836: {  	v11 =	vshll.u32 v5, $0x7;
	v5 =	vshll.u32 v28, $0x7;
	v9 =	vor.u32 v49, v31;
	[tilespmem:v33+s19+$0x0] =	vst.idx.msk $0xffff, v23;
	v23 =	vld.idx.msk [tilespmem:v17+s16+$0x0], $0xffff  }
0x837: {  	v28 =	vor.u32 v49, v26;
	v27 =	vor.u32 v25, v1;
	v30 =	vld.idx.msk [tilespmem:v18+s16+$0x0], $0xffff;
	[tilespmem:v22+s19+$0x0] =	vst.idx.msk $0xffff, v50  }
0x838: {  	v51 =	vor.u32 v48, v38;
	v36 =	vor.u32 v47, v36;
	v15 =	vor.u32 v49, v27;
	v17 =	vld.idx.msk [tilespmem:v12+s16+$0x0], $0xffff  }
0x839: {  	v41 =	vor.u32 v48, v16;
	v12 =	vld [tilespmem:$0x1FD80];
	[tilespmem:v21+s19+$0x0] =	vst.idx.msk $0xffff, v29;
	v29 =	vor.u32 v48, v10  }
0x83a: {  	p0 =	slt.u32 s21, $0xC;
	v13 =	vor.u32 v49, v7;
	v8 =	vor.u32 v57, v4;
	v18 =	vor.u32 v48, v35;
	v53 =	vld.idx.msk [tilespmem:v19+s16+$0x0], $0xffff  }
.Ltmp25:
0x83b: {  	v22 =	vor.u32 v57, v11;
	v10 =	vshll.u32 v1, $0x7;
	v1 =	vor.u32 v47, v37;
	v19 =	vld.idx.msk [tilespmem:v9+s16+$0x0], $0xffff;
	(pc) =	sbr.rel @p0 .LBB2_51-.Ltmp25, $4  }
0x83c: {  	v9 =	vor.u32 v2, v16;
	v2 =	vmov v31;
	v31 =	vor.u32 v57, v10;
	v21 =	vld.idx.msk [tilespmem:v28+s16+$0x0], $0xffff  }
0x83d: {  	v20 =	vld.idx.msk [tilespmem:v15+s16+$0x0], $0xffff;
	v15 =	vor.u32 v47, v34;
	[tilespmem:v51+s19+$0x0] =	vst.idx.msk $0xffff, v23;
	v32 =	vor.u32 v52, v2  }
0x83e: {  	v23 =	vor.u32 v57, v5;
	v16 =	vor.u32 v12, v38;
	[tilespmem:v29+s19+$0x0] =	vst.idx.msk $0xffff, v30;
	v29 =	vld.idx.msk [tilespmem:v39+s16+$0x0], $0xffff  }
0x83f: {  	s21 =	sadd.s32 $0x4, s21;
	v12 =	vor.u32 v60, v7;
	v30 =	vor.u32 v52, v27;
	v28 =	vld.idx.msk [tilespmem:v36+s16+$0x0], $0xffff;
	[tilespmem:v41+s19+$0x0] =	vst.idx.msk $0xffff, v53  }
0x840: {  	_ =	sdelay $0x3  }
0x841: {  	v13 =	vld.idx.msk [tilespmem:v13+s16+$0x0], $0xffff;
	v25 =	vor.u32 v52, v26  }
0x842: {  	v33 =	vor.u32 v52, v7  }
0x843: {  	[tilespmem:v22+s19+$0x0] =	vst.idx.msk $0xffff, v19  }
0x844: {  	v19 =	vld.idx.msk [tilespmem:v32+s16+$0x0], $0xffff;
	[tilespmem:v31+s19+$0x0] =	vst.idx.msk $0xffff, v20;
	v20 =	vor.u32 v58, v11  }
0x845: {  	v14 =	vor.u32 v58, v14;
	v22 =	vor.u32 v60, v2;
	[tilespmem:v23+s19+$0x0] =	vst.idx.msk $0xffff, v21;
	v21 =	vld.idx.msk [tilespmem:v30+s16+$0x0], $0xffff  }
0x846: {  	v23 =	vor.u32 v60, v27;
	v30 =	vor.u32 v58, v5;
	[tilespmem:v8+s19+$0x0] =	vst.idx.msk $0xffff, v13;
	v8 =	vld.idx.msk [tilespmem:v25+s16+$0x0], $0xffff  }
0x847: {  	v13 =	vor.u32 v58, v4;
	v25 =	vor.u32 v60, v26;
	v31 =	vld.idx.msk [tilespmem:v33+s16+$0x0], $0xffff  }
0x848: {  	[tilespmem:v18+s19+$0x0] =	vst.idx.msk $0xffff, v17  }
0x849: {  	[tilespmem:v20+s19+$0x0] =	vst.idx.msk $0xffff, v19  }
0x84a: {  	v17 =	vor.u32 v48, v11;
	[tilespmem:v14+s19+$0x0] =	vst.idx.msk $0xffff, v21;
	v14 =	vld.idx.msk [tilespmem:v22+s16+$0x0], $0xffff  }
0x84b: {  	v2 =	vor.u32 v47, v2;
	v18 =	vld.idx.msk [tilespmem:v23+s16+$0x0], $0xffff;
	[tilespmem:v30+s19+$0x0] =	vst.idx.msk $0xffff, v8;
	v8 =	vor.u32 v48, v10  }
0x84c: {  	v19 =	vor.u32 v47, v27;
	v10 =	vld.idx.msk [tilespmem:v25+s16+$0x0], $0xffff;
	[tilespmem:v13+s19+$0x0] =	vst.idx.msk $0xffff, v31;
	v13 =	vor.u32 v48, v5  }
0x84d: {  	[tilespmem:v16+s19+$0x0] =	vst.idx.msk $0xffff, v29;
	v16 =	vor.u32 v48, v4;
	v20 =	vor.u32 v47, v26;
	v12 =	vld.idx.msk [tilespmem:v12+s16+$0x0], $0xffff  }
0x84e: {  	v1 =	vld.idx.msk [tilespmem:v1+s16+$0x0], $0xffff;
	v7 =	vor.u32 v47, v7;
	[tilespmem:v24+s19+$0x0] =	vst.idx.msk $0xffff, v28  }
0x84f: {  	v15 =	vld.idx.msk [tilespmem:v15+s16+$0x0], $0xffff;
	[tilespmem:v17+s19+$0x0] =	vst.idx.msk $0xffff, v14  }
0x850: {  	v11 =	vor.u32 v40, v11;
	v2 =	vld.idx.msk [tilespmem:v2+s16+$0x0], $0xffff;
	[tilespmem:v8+s19+$0x0] =	vst.idx.msk $0xffff, v18  }
0x851: {  	v8 =	vld.idx.msk [tilespmem:v19+s16+$0x0], $0xffff;
	[tilespmem:v13+s19+$0x0] =	vst.idx.msk $0xffff, v10  }
0x852: {  	v5 =	vor.u32 v40, v5;
	[tilespmem:v16+s19+$0x0] =	vst.idx.msk $0xffff, v12;
	v10 =	vld.idx.msk [tilespmem:v20+s16+$0x0], $0xffff  }
0x853: {  	[tilespmem:v9+s19+$0x0] =	vst.idx.msk $0xffff, v1;
	v1 =	vor.u32 v40, v4;
	v4 =	vld.idx.msk [tilespmem:v7+s16+$0x0], $0xffff  }
0x854: {  	[tilespmem:v3+s19+$0x0] =	vst.idx.msk $0xffff, v15  }
0x855: {  	[tilespmem:v11+s19+$0x0] =	vst.idx.msk $0xffff, v2  }
0x856: {  	[tilespmem:v6+s19+$0x0] =	vst.idx.msk $0xffff, v8  }
0x857: {  	[tilespmem:v5+s19+$0x0] =	vst.idx.msk $0xffff, v10  }
0x858: {  	[tilespmem:v1+s19+$0x0] =	vst.idx.msk $0xffff, v4  }
0x859: {  	v1 =	vld [tilespmem:$0x3F0];
	_ =	sdelay $0x3  }
0x85a: {  	s21 =	simm.s32 $0x1  }
0x85b: {  	s28 =	simm.s32 $0x3;
	v2 =	vadd.s32 s21, v0;
	v1 =	vshll.u32 v1, $0x6  }
0x85c: {  	s26 =	simm.s32 $0x0;
	v6 =	vadd.s32 s28, v0;
	v25 =	vand.u32 $0x40, v1;
	v1 =	vand.u32 $0xF, v2  }
0x85d: {  	v6 =	vand.u32 $0xF, v6;
	v2 =	vadd.s32 s26, v0;
	v3 =	vor.u32 v25, v1  }
0x85e: {  	s22 =	simm.s32 $0x2;
	v5 =	vand.u32 $0xF, v2;
	v12 =	vor.u32 v25, v6;
	v4 =	vor.u32 v56, v3  }
0x85f: {  	v7 =	vadd.s32 s22, v0;
	v9 =	vor.u32 v25, v5;
	v10 =	vor.u32 v56, v12  }
0x860: {  	v7 =	vand.u32 $0xF, v7;
	v8 =	vor.u32 v56, v9  }
0x861: {  	v15 =	vshll.u32 v7, $0x7;
	v20 =	vshll.u32 v6, $0x7;
	v43 =	vld [tilespmem:$0x1FD70]  }
0x862: {  	v22 =	vor.u32 v62, v15;
	v14 =	vor.u32 v61, v20;
	v16 =	vshll.u32 v1, $0x7  }
0x863: {  	v30 =	vor.u32 v62, v20;
	v1 =	vor.u32 v25, v7;
	v11 =	vor.u32 v61, v16;
	v4 =	vld.idx.msk [tilespmem:v4+s16+$0x0], $0xffff  }
0x864: {  	v60 =	vor.u32 v55, v20;
	v7 =	vor.u32 v56, v1;
	v17 =	vshll.u32 v5, $0x7;
	v10 =	vld.idx.msk [tilespmem:v10+s16+$0x0], $0xffff  }
0x865: {  	v2 =	vshll.u32 v2, $0x7;
	v13 =	vor.u32 v59, v3;
	v6 =	vld.idx.msk [tilespmem:v8+s16+$0x0], $0xffff;
	v8 =	vor.u32 v61, v17  }
0x866: {  	v24 =	vor.u32 v43, v2;
	v19 =	vor.u32 v62, v2;
	v2 =	vor.u32 v59, v12  }
0x867: {  	v5 =	vor.u32 v61, v15;
	v21 =	vor.u32 v63, v1;
	v18 =	vor.u32 v59, v9  }
0x868: {  	v23 =	vor.u32 v63, v12;
	v28 =	vor.u32 v63, v3;
	[tilespmem:v11+s19+$0x0] =	vst.idx.msk $0xffff, v4  }
0x869: {  	v26 =	vor.u32 v59, v1;
	v38 =	vor.u32 v55, v16;
	v11 =	vld.idx.msk [tilespmem:v7+s16+$0x0], $0xffff;
	[tilespmem:v14+s19+$0x0] =	vst.idx.msk $0xffff, v10  }
0x86a: {  	s30 =	simm.s32 $0x5;
	v57 =	vor.u32 v54, v3;
	[tilespmem:v8+s19+$0x0] =	vst.idx.msk $0xffff, v6;
	v8 =	vor.u32 v62, v16;
	v31 =	vld.idx.msk [tilespmem:v13+s16+$0x0], $0xffff  }
0x86b: {  	s29 =	simm.s32 $0x4;
	v3 =	vor.u32 v43, v15;
	v29 =	vor.u32 v63, v9;
	v4 =	vadd.s32 s30, v0;
	v52 =	vld.idx.msk [tilespmem:v2+s16+$0x0], $0xffff  }
0x86c: {  	v58 =	vor.u32 v54, v9;
	v6 =	vadd.s32 s29, v0;
	v10 =	vld.idx.msk [tilespmem:v18+s16+$0x0], $0xffff;
	v18 =	vand.u32 $0xF, v4  }
0x86d: {  	s23 =	simm.s32 $0x7;
	v9 =	vor.u32 v43, v20;
	v34 =	vand.u32 $0xF, v6;
	v2 =	vor.u32 v25, v18  }
0x86e: {  	s31 =	simm.s32 $0x6;
	v13 =	vadd.s32 s23, v0;
	v27 =	vor.u32 v25, v34;
	v35 =	vor.u32 v56, v2;
	[tilespmem:v5+s19+$0x0] =	vst.idx.msk $0xffff, v11  }
0x86f: {  	v7 =	vadd.s32 s31, v0;
	v51 =	vand.u32 $0xF, v13;
	v37 =	vor.u32 v56, v27;
	v36 =	vld.idx.msk [tilespmem:v26+s16+$0x0], $0xffff;
	[tilespmem:v8+s19+$0x0] =	vst.idx.msk $0xffff, v31  }
0x870: {  	v16 =	vor.u32 v43, v16;
	v26 =	vor.u32 v25, v51;
	[tilespmem:v30+s19+$0x0] =	vst.idx.msk $0xffff, v52;
	v28 =	vld.idx.msk [tilespmem:v28+s16+$0x0], $0xffff  }
0x871: {  	v4 =	vand.u32 $0xF, v7;
	v14 =	vshll.u32 v6, $0x7;
	v53 =	vor.u32 v56, v26;
	[tilespmem:v19+s19+$0x0] =	vst.idx.msk $0xffff, v10;
	v39 =	vld.idx.msk [tilespmem:v23+s16+$0x0], $0xffff  }
0x872: {  	v7 =	vor.u32 v25, v4;
	v4 =	vshll.u32 v4, $0x7;
	v30 =	vor.u32 v55, v17;
	v29 =	vld.idx.msk [tilespmem:v29+s16+$0x0], $0xffff  }
0x873: {  	v6 =	vor.u32 v43, v14;
	v13 =	vor.u32 v56, v7;
	v11 =	vshll.u32 v18, $0x7;
	v19 =	vld.idx.msk [tilespmem:v35+s16+$0x0], $0xffff  }
0x874: {  	v32 =	vor.u32 v59, v2;
	v20 =	vld.idx.msk [tilespmem:v37+s16+$0x0], $0xffff;
	[tilespmem:v22+s19+$0x0] =	vst.idx.msk $0xffff, v36;
	v22 =	vor.u32 v61, v11  }
0x875: {  	v18 =	vor.u32 v55, v15;
	v15 =	vor.u32 v54, v1;
	v1 =	vor.u32 v54, v12;
	v17 =	vld.idx.msk [tilespmem:v21+s16+$0x0], $0xffff  }
0x876: {  	v5 =	vshll.u32 v51, $0x7;
	v12 =	vor.u32 v63, v7;
	v10 =	vshll.u32 v34, $0x7;
	v21 =	vld.idx.msk [tilespmem:v53+s16+$0x0], $0xffff;
	[tilespmem:v38+s19+$0x0] =	vst.idx.msk $0xffff, v28  }
0x877: {  	v8 =	vor.u32 v61, v4;
	v31 =	vor.u32 v61, v10;
	[tilespmem:v30+s19+$0x0] =	vst.idx.msk $0xffff, v29;
	v29 =	vld.idx.msk [tilespmem:v57+s16+$0x0], $0xffff  }
0x878: {  	s21 =	simm.s32 $0x8;
	v23 =	vor.u32 v61, v5;
	[tilespmem:v60+s19+$0x0] =	vst.idx.msk $0xffff, v39;
	v30 =	vor.u32 v59, v27;
	v28 =	vld.idx.msk [tilespmem:v58+s16+$0x0], $0xffff  }
.LBB2_53:
0x879: {  	v33 =	vor.u32 v62, v14;
	[tilespmem:v22+s19+$0x0] =	vst.idx.msk $0xffff, v19;
	v22 =	vor.u32 v62, v4  }
0x87a: {  	p0 =	slt.u32 s21, $0xC;
	v13 =	vld.idx.msk [tilespmem:v13+s16+$0x0], $0xffff;
	v34 =	vmovc v7;
	v35 =	vmovc v4;
	v36 =	vmov v27;
	v37 =	vmov v26;
	v38 =	vmov v11;
	s22 =	smov.u32 s21;
	s21 =	sadd.s32 $0x4, s21  }
0x87b: {  	v4 =	vor.u32 v59, v37;
	v19 =	vor.u32 v63, v37;
	[tilespmem:v18+s19+$0x0] =	vst.idx.msk $0xffff, v17;
	v1 =	vld.idx.msk [tilespmem:v1+s16+$0x0], $0xffff  }
0x87c: {  	v17 =	vor.u32 v63, v2;
	v11 =	vor.u32 v59, v34;
	[tilespmem:v31+s19+$0x0] =	vst.idx.msk $0xffff, v20;
	v15 =	vld.idx.msk [tilespmem:v15+s16+$0x0], $0xffff  }
0x87d: {  	v18 =	vor.u32 v63, v36;
	v20 =	vld.idx.msk [tilespmem:v32+s16+$0x0], $0xffff;
	[tilespmem:v23+s19+$0x0] =	vst.idx.msk $0xffff, v21;
	v21 =	vor.u32 v62, v5  }
0x87e: {  	v14 =	vadd.s32 s22, v0;
	s23 =	sadd.s32 $0x1, s22;
	s24 =	sadd.s32 $0x2, s22;
	s22 =	sadd.s32 $0x3, s22;
	v23 =	vld.idx.msk [tilespmem:v30+s16+$0x0], $0xffff;
	v30 =	vor.u32 v62, v38;
	[tilespmem:v16+s19+$0x0] =	vst.idx.msk $0xffff, v29;
	v16 =	vmov v5  }
0x87f: {  	v7 =	vadd.s32 s24, v0;
	v26 =	vadd.s32 s22, v0;
	v5 =	vadd.s32 s23, v0;
	[tilespmem:v24+s19+$0x0] =	vst.idx.msk $0xffff, v28;
	v24 =	vmovc v6  }
0x880: {  	v5 =	vand.u32 $0xF, v5;
	v6 =	vand.u32 $0xF, v7;
	v28 =	vand.u32 $0xF, v26;
	[tilespmem:v8+s19+$0x0] =	vst.idx.msk $0xffff, v13;
	v29 =	vld.idx.msk [tilespmem:v4+s16+$0x0], $0xffff  }
0x881: {  	v31 =	vor.u32 v25, v5;
	v7 =	vor.u32 v25, v6;
	v4 =	vshll.u32 v6, $0x7;
	[tilespmem:v9+s19+$0x0] =	vst.idx.msk $0xffff, v1  }
0x882: {  	v1 =	vand.u32 $0xF, v14;
	v9 =	vor.u32 v56, v31;
	v13 =	vor.u32 v56, v7;
	v32 =	vld.idx.msk [tilespmem:v11+s16+$0x0], $0xffff  }
0x883: {  	v26 =	vor.u32 v25, v28;
	v14 =	vshll.u32 v14, $0x7;
	v27 =	vor.u32 v25, v1;
	[tilespmem:v3+s19+$0x0] =	vst.idx.msk $0xffff, v15  }
0x884: {  	v11 =	vshll.u32 v5, $0x7;
	v5 =	vshll.u32 v28, $0x7;
	v15 =	vor.u32 v56, v27;
	[tilespmem:v30+s19+$0x0] =	vst.idx.msk $0xffff, v20  }
0x885: {  	v8 =	vor.u32 v61, v4;
	v28 =	vor.u32 v56, v26;
	[tilespmem:v33+s19+$0x0] =	vst.idx.msk $0xffff, v23;
	v23 =	vld.idx.msk [tilespmem:v17+s16+$0x0], $0xffff  }
0x886: {  	v6 =	vor.u32 v43, v14;
	v33 =	vor.u32 v55, v38;
	v30 =	vld.idx.msk [tilespmem:v18+s16+$0x0], $0xffff;
	[tilespmem:v21+s19+$0x0] =	vst.idx.msk $0xffff, v29  }
0x887: {  	v39 =	vor.u32 v54, v2;
	v3 =	vor.u32 v43, v35;
	v29 =	vor.u32 v55, v10;
	v40 =	vld.idx.msk [tilespmem:v19+s16+$0x0], $0xffff  }
0x888: {  	v36 =	vor.u32 v54, v36;
	v41 =	vor.u32 v55, v16;
	v19 =	vld.idx.msk [tilespmem:v9+s16+$0x0], $0xffff;
	[tilespmem:v22+s19+$0x0] =	vst.idx.msk $0xffff, v32  }
.Ltmp26:
0x889: {  	v18 =	vor.u32 v55, v35;
	v22 =	vor.u32 v61, v11;
	v9 =	vor.u32 v43, v16;
	v17 =	vld.idx.msk [tilespmem:v12+s16+$0x0], $0xffff;
	(pc) =	sbr.rel @p0 .LBB2_53-.Ltmp26, $4  }
0x88a: {  	v2 =	vmovc v31;
	v10 =	vshll.u32 v1, $0x7;
	v1 =	vor.u32 v54, v37;
	v20 =	vld.idx.msk [tilespmem:v15+s16+$0x0], $0xffff;
	v15 =	vor.u32 v54, v34  }
0x88b: {  	v31 =	vor.u32 v61, v10;
	v16 =	vor.u32 v43, v38;
	v21 =	vld.idx.msk [tilespmem:v28+s16+$0x0], $0xffff;
	[tilespmem:v33+s19+$0x0] =	vst.idx.msk $0xffff, v23  }
0x88c: {  	v32 =	vor.u32 v59, v2;
	v23 =	vor.u32 v61, v5;
	[tilespmem:v29+s19+$0x0] =	vst.idx.msk $0xffff, v30;
	v29 =	vld.idx.msk [tilespmem:v39+s16+$0x0], $0xffff  }
0x88d: {  	v12 =	vor.u32 v63, v7;
	v30 =	vor.u32 v59, v27;
	v28 =	vld.idx.msk [tilespmem:v36+s16+$0x0], $0xffff;
	[tilespmem:v41+s19+$0x0] =	vst.idx.msk $0xffff, v40  }
0x88e: {  	_ =	sdelay $0x3  }
0x88f: {  	v13 =	vld.idx.msk [tilespmem:v13+s16+$0x0], $0xffff;
	v25 =	vor.u32 v59, v26  }
0x890: {  	v33 =	vor.u32 v59, v7  }
0x891: {  	[tilespmem:v22+s19+$0x0] =	vst.idx.msk $0xffff, v19  }
0x892: {  	v39 =	vor.u32 v62, v11;
	[tilespmem:v31+s19+$0x0] =	vst.idx.msk $0xffff, v20;
	v19 =	vld.idx.msk [tilespmem:v32+s16+$0x0], $0xffff  }
0x893: {  	v14 =	vor.u32 v62, v14;
	v40 =	vor.u32 v63, v2;
	[tilespmem:v23+s19+$0x0] =	vst.idx.msk $0xffff, v21;
	v41 =	vld.idx.msk [tilespmem:v30+s16+$0x0], $0xffff  }
0x894: {  	v42 =	vor.u32 v63, v27;
	v44 =	vor.u32 v62, v5;
	[tilespmem:v8+s19+$0x0] =	vst.idx.msk $0xffff, v13;
	v45 =	vld.idx.msk [tilespmem:v25+s16+$0x0], $0xffff  }
0x895: {  	v46 =	vor.u32 v62, v4;
	v47 =	vor.u32 v63, v26;
	v48 =	vld.idx.msk [tilespmem:v33+s16+$0x0], $0xffff  }
0x896: {  	[tilespmem:v18+s19+$0x0] =	vst.idx.msk $0xffff, v17  }
0x897: {  	[tilespmem:v39+s19+$0x0] =	vst.idx.msk $0xffff, v19  }
0x898: {  	v50 =	vor.u32 v55, v11;
	[tilespmem:v14+s19+$0x0] =	vst.idx.msk $0xffff, v41;
	v49 =	vld.idx.msk [tilespmem:v40+s16+$0x0], $0xffff  }
0x899: {  	v52 =	vor.u32 v55, v10;
	v2 =	vor.u32 v54, v2;
	v51 =	vld.idx.msk [tilespmem:v42+s16+$0x0], $0xffff;
	[tilespmem:v44+s19+$0x0] =	vst.idx.msk $0xffff, v45  }
0x89a: {  	v56 =	vor.u32 v54, v27;
	v57 =	vor.u32 v55, v5;
	v53 =	vld.idx.msk [tilespmem:v47+s16+$0x0], $0xffff;
	[tilespmem:v46+s19+$0x0] =	vst.idx.msk $0xffff, v48  }
0x89b: {  	v58 =	vor.u32 v55, v4;
	v59 =	vor.u32 v54, v26;
	[tilespmem:v16+s19+$0x0] =	vst.idx.msk $0xffff, v29;
	v12 =	vld.idx.msk [tilespmem:v12+s16+$0x0], $0xffff  }
0x89c: {  	v1 =	vld.idx.msk [tilespmem:v1+s16+$0x0], $0xffff;
	v60 =	vor.u32 v54, v7;
	[tilespmem:v24+s19+$0x0] =	vst.idx.msk $0xffff, v28  }
0x89d: {  	v15 =	vld.idx.msk [tilespmem:v15+s16+$0x0], $0xffff;
	[tilespmem:v50+s19+$0x0] =	vst.idx.msk $0xffff, v49  }
0x89e: {  	v61 =	vor.u32 v43, v11;
	[tilespmem:v52+s19+$0x0] =	vst.idx.msk $0xffff, v51;
	v2 =	vld.idx.msk [tilespmem:v2+s16+$0x0], $0xffff  }
0x89f: {  	v8 =	vld.idx.msk [tilespmem:v56+s16+$0x0], $0xffff;
	[tilespmem:v57+s19+$0x0] =	vst.idx.msk $0xffff, v53  }
0x8a0: {  	v62 =	vor.u32 v43, v5;
	[tilespmem:v58+s19+$0x0] =	vst.idx.msk $0xffff, v12;
	v10 =	vld.idx.msk [tilespmem:v59+s16+$0x0], $0xffff  }
0x8a1: {  	[tilespmem:v9+s19+$0x0] =	vst.idx.msk $0xffff, v1;
	v1 =	vor.u32 v43, v4;
	v63 =	vld.idx.msk [tilespmem:v60+s16+$0x0], $0xffff  }
0x8a2: {  	[tilespmem:v3+s19+$0x0] =	vst.idx.msk $0xffff, v15  }
0x8a3: {  	[tilespmem:v61+s19+$0x0] =	vst.idx.msk $0xffff, v2  }
0x8a4: {  	[tilespmem:v6+s19+$0x0] =	vst.idx.msk $0xffff, v8  }
0x8a5: {  	[tilespmem:v62+s19+$0x0] =	vst.idx.msk $0xffff, v10  }
0x8a6: {  	s1 =	sadd.s32 $0x1, s1;
	[tilespmem:v1+s19+$0x0] =	vst.idx.msk $0xffff, v63  }
0x8a7: {  	[hbm4b:s6+s10] =	stream.strided.scatter [tilespmem:s19], [sflag:$0x4], $0x2000, s14, s10, $0x38;
	[tilespmem:$0xC500] =	vst v63  }
0x8a8: {  	p0 =	sne.s32 s1, s7;
	_ =	swait.ge [sflag:s20], $0x2000  }
.Ltmp27:
0x8a9: {  	[sflag:s20] =	ssyncset.done $0x0;
	(pc) =	sbr.rel @p0 .LBB2_1-.Ltmp27, $4  }
0x8aa: {  	[sflag:s20] =	ssyncadd.s32 $0xFFFFE000  }
0x8ab: {  	_ =	swait.ge [sflag:s18], $0x2000  }
0x8ac: {  	[sflag:s18] =	ssyncset.done $0x0  }
0x8ad: {  	[sflag:s18] =	ssyncadd.s32 $0xFFFFE000  }
0x8ae: {  	_ =	sfence.sel $0x180000  }
0x8af: {  	[bflag:$0x0] =	sbarrier.arrive $0xFFFF  }
0x8b0: {  	p0 =	sne.s32 s2, $0x0;
	_ =	strace $0x90000047  }
0x8b1: {  	s0 =	sadd.s32 @!p0 $0x100000, s0;
	[bflag:$0x2] =	sbarrier.arrive $0xFFFF  }
0x8b2: {  	[sflag:s0] =	ssyncadd.tile.s32 @!p0 $0x1;
	_ =	shalt  }
.Lfunc_end2:
_tile_overlayer_lowered:
.L_overlay_start_2:
0x8b3: {  	(tag) =	ssettag $0x2  }
0x8b4: {  	s0 =	rddreg [dreg:$0x0];
	s2 =	stileid.u32  }
0x8b5: {  	s1 =	rddreg [dreg:$0x1];
	p0 =	sne.s32 s2, $0x0  }
0x8b6: {  	s3 =	rddreg [dreg:$0x2];
	[bflag:$0x3] =	sbarrier.arrive $0xFFFF;
	s2 =	simm.s32 @!p0 $0x1C05  }
0x8b7: {  	[timem:s3], [sflag:s2] =	dma.local @!p0 [hbm:s0], s1  }
0x8b8: {  	s0 =	simm.s32 @!p0 $0x5  }
0x8b9: {  	_ =	swait.ge @!p0 [sflag:s0], s1  }
0x8ba: {  	s1 =	ssub.s32 @!p0 $0x0, s1;
	[sflag:s0] =	ssyncset.done @!p0 $0x0  }
0x8bb: {  	[sflag:s0] =	ssyncadd.s32 @!p0 s1  }
0x8bc: {  	[bflag:$0x3] =	sbarrier.arrive $0xFFFF  }
0x8bd: {  	_ =	shalt  }

</sc_bundles>
